<compile_context>
chip_gen: v7x
topology: tpu7x:2x2x1
jax: 0.10.2.dev20260603
libtpu: 0.0.44.dev20260713+nightly
codegen_flags: <defaults>
</compile_context>

<pallas_src>
import math

import jax
import jax.numpy as jnp
from jax import lax
from jax.experimental import pallas as pl
from jax.experimental.pallas import tpu as pltpu
from jax.experimental.pallas import tpu_sc as plsc

_VOCAB = 1000000
_D = 64
_BATCH = 4096
_HIST = 200
_SCALE = math.sqrt(_D)

_NC = 2
_NS = 16
_NW = _NC * _NS
_BPW = _BATCH // _NW
_C = _HIST
_LANES = 16
_VPR = _D // _LANES


def _sc_body(table_hbm, idx_hbm, out_hbm,
             idx_all, a0, a1, b0, b1, gs0, gs1, os0, os1):
    wid = lax.axis_index("s") * _NC + lax.axis_index("c")
    base = wid * _BPW

    A = (a0, a1)
    Bb = (b0, b1)
    gsem = (gs0, gs1)
    osem = (os0, os1)

    pltpu.sync_copy(idx_hbm.at[pl.ds(base, _BPW)], idx_all)

    def start_gather(b, g):
        pltpu.async_copy(table_hbm.at[idx_all.at[g]], A[b], gsem[b])

    def wait_gather(b):
        pltpu.make_async_copy(
            table_hbm.at[pl.ds(0, _C)], A[b], gsem[b]
        ).wait()

    def scale(b):
        src = A[b]
        dst = Bb[b]

        @pl.loop(0, _C, step=8)
        def _rows(r0):
            for dr in range(8):
                r = r0 + dr
                for j in range(_VPR):
                    sl = pl.ds(j * _LANES, _LANES)
                    dst[r, sl] = src[r, sl] * _SCALE

    def start_write(b, g):
        pltpu.async_copy(Bb[b], out_hbm.at[base + g], osem[b])

    def wait_write(b):
        pltpu.make_async_copy(Bb[b], out_hbm.at[base], osem[b]).wait()

    for b in range(2):
        start_gather(b, b)
    for b in range(2):
        wait_gather(b)
        scale(b)
        start_write(b, b)
        start_gather(b, b + 2)

    @pl.loop(2, _BPW - 2, step=2)
    def _main(g0):
        for b in range(2):
            g = g0 + b
            wait_gather(b)
            wait_write(b)
            scale(b)
            start_write(b, g)
            start_gather(b, g + 2)

    for b in range(2):
        g = _BPW - 2 + b
        wait_gather(b)
        wait_write(b)
        scale(b)
        start_write(b, g)
    for b in range(2):
        wait_write(b)


def _embed_gather(table, idx):
    mesh = plsc.VectorSubcoreMesh(core_axis_name="c", subcore_axis_name="s")
    f = pl.kernel(
        _sc_body,
        out_type=jax.ShapeDtypeStruct((_BATCH, _HIST, _D), jnp.float32),
        mesh=mesh,
        scratch_types=[
            pltpu.VMEM((_BPW, _C), jnp.int32),
            pltpu.VMEM((_C, _D), jnp.float32),
            pltpu.VMEM((_C, _D), jnp.float32),
            pltpu.VMEM((_C, _D), jnp.float32),
            pltpu.VMEM((_C, _D), jnp.float32),
            pltpu.SemaphoreType.DMA,
            pltpu.SemaphoreType.DMA,
            pltpu.SemaphoreType.DMA,
            pltpu.SemaphoreType.DMA,
        ],
        compiler_params=pltpu.CompilerParams(use_tc_tiling_on_sc=False),
    )
    return f(table, idx)


def kernel(x, table):
    return _embed_gather(table, x.astype(jnp.int32))

# --- scband reference (transcript-rebuilt; emitter-appended) ---
"""Pipeline reference for scband-embedding-19121194402204 (READ-ONLY COPY).

The authoritative reference and input builder live on the scoring server;
editing this copy changes nothing except your own understanding.
"""

import math
import jax, jax.numpy as jnp
import numpy as np

VOCAB_SIZE = 1000000
HIDDEN_DIM = 64
BATCH = 4096
HIST_LEN = 200


def setup_inputs(seed: int = 0) -> dict:
    key = jax.random.key(seed)
    k_idx, k_tab = jax.random.split(key)
    x = jax.random.randint(k_idx, (BATCH, HIST_LEN), 0, VOCAB_SIZE, dtype=jnp.int64 if jax.config.jax_enable_x64 else jnp.int32)
    # nn.Embedding default init: N(0, 1)
    table = jax.random.normal(k_tab, (VOCAB_SIZE, HIDDEN_DIM), dtype=jnp.float32)
    return {"x": x, "table": table}


def reference(x, table):
    out = jnp.take(table, x, axis=0)
    out = out * math.sqrt(HIDDEN_DIM)
    return out

if __name__ == "__main__":
    import jax
    _d = setup_inputs()
    print(jax.jit(kernel)(*tuple(_d.values())))

</pallas_src>

<mosaic_0001>
#map = affine_map<(d0, d1) -> (0, 0)>
#map1 = affine_map<(d0, d1) -> (0, 0, 0)>
module attributes {stable_mosaic.version = 14 : i64} {
  func.func @_sc_body(%arg0: i32, %arg1: i32, %arg2: memref<1000000x64xf32, #tpu.memory_space<hbm>>, %arg3: memref<4096x200xi32, #tpu.memory_space<hbm>>, %arg4: memref<4096x200x64xf32, #tpu.memory_space<hbm>>, %arg5: memref<128x200xi32, #tpu.memory_space<vmem>>, %arg6: memref<200x64xf32, #tpu.memory_space<vmem>>, %arg7: memref<200x64xf32, #tpu.memory_space<vmem>>, %arg8: memref<200x64xf32, #tpu.memory_space<vmem>>, %arg9: memref<200x64xf32, #tpu.memory_space<vmem>>, %arg10: memref<!tpu.dma_semaphore, #tpu.memory_space<semaphore_mem>>, %arg11: memref<!tpu.dma_semaphore, #tpu.memory_space<semaphore_mem>>, %arg12: memref<!tpu.dma_semaphore, #tpu.memory_space<semaphore_mem>>, %arg13: memref<!tpu.dma_semaphore, #tpu.memory_space<semaphore_mem>>) attributes {dimension_semantics = [#tpu.dimension_semantics<core_parallel>, #tpu.dimension_semantics<subcore_parallel>], iteration_bounds = array<i64: 2, 16>, scalar_prefetch = 0 : i64, scratch_operands = 9 : i64, tpu.core_type = #tpu.core_type<sc_vector_subcore>, window_params = [{transform_indices = #map}, {transform_indices = #map}, {transform_indices = #map1}]} {
    %mul3A = arith.constant 2 : i32
    %mul3A_0 = arith.muli %arg1, %mul3A : i32
    %add3A = arith.addi %mul3A_0, %arg0 : i32
    %mul3A_1 = arith.constant 128 : i32
    %mul3A_2 = arith.muli %add3A, %mul3A_1 : i32
    "tpu.region"() ({
      %run_scoped3A = tpu.sem_alloc : memref<!tpu.dma_semaphore, #tpu.memory_space<semaphore_mem>>
      %dma_start3A_149 = arith.constant 0 : i32
      %dma_start3A_150 = tpu.memref_slice %arg3[%mul3A_2, %dma_start3A_149] : memref<4096x200xi32, #tpu.memory_space<hbm>> -> memref<128x200xi32, #tpu.memory_space<hbm>>
      %dma_start3A_151 = arith.constant 0 : i32
      %dma_start3A_152 = tpu.memref_slice %arg3[%mul3A_2, %dma_start3A_151] : memref<4096x200xi32, #tpu.memory_space<hbm>> -> memref<128x200xi32, #tpu.memory_space<hbm>>
      tpu.enqueue_dma source(%dma_start3A_152 : memref<128x200xi32, #tpu.memory_space<hbm>>) target(%arg5 : memref<128x200xi32, #tpu.memory_space<vmem>>) target_semaphore(%run_scoped3A : memref<!tpu.dma_semaphore, #tpu.memory_space<semaphore_mem>>)
      %dma_wait3A_153 = arith.constant 0 : i32
      %dma_wait3A_154 = tpu.memref_slice %arg3[%mul3A_2, %dma_wait3A_153] : memref<4096x200xi32, #tpu.memory_space<hbm>> -> memref<128x200xi32, #tpu.memory_space<hbm>>
      %dma_wait3A_155 = arith.constant 0 : i32
      %dma_wait3A_156 = tpu.memref_slice %arg3[%mul3A_2, %dma_wait3A_155] : memref<4096x200xi32, #tpu.memory_space<hbm>> -> memref<128x200xi32, #tpu.memory_space<hbm>>
      tpu.wait_dma2 semaphore(%run_scoped3A : memref<!tpu.dma_semaphore, #tpu.memory_space<semaphore_mem>>) src(%dma_wait3A_156 : memref<128x200xi32, #tpu.memory_space<hbm>>) dst(%arg5 : memref<128x200xi32, #tpu.memory_space<vmem>>)
      tpu.yield
    }) : () -> ()
    %dma_start3A = arith.constant 0 : i32
    %dma_start3A_3 = arith.constant 0 : i32
    %dma_start3A_4 = tpu.memref_slice %arg5[%dma_start3A, %dma_start3A_3] : memref<128x200xi32, #tpu.memory_space<vmem>> -> memref<1x200xi32, #tpu.memory_space<vmem>>
    %dma_start3A_5 = tpu.memref_squeeze %dma_start3A_4 : memref<1x200xi32, #tpu.memory_space<vmem>> -> memref<200xi32, #tpu.memory_space<vmem>>
    %dma_start3A_6 = arith.constant 0 : i32
    %dma_start3A_7 = arith.constant 0 : i32
    %dma_start3A_8 = tpu.memref_slice %arg2[%dma_start3A_6, %dma_start3A_7] : memref<1000000x64xf32, #tpu.memory_space<hbm>> -> memref<1000000x64xf32, #tpu.memory_space<hbm>>
    tpu.enqueue_indirect_dma source(%dma_start3A_8 : memref<1000000x64xf32, #tpu.memory_space<hbm>>) target(%arg6 : memref<200x64xf32, #tpu.memory_space<vmem>>) offsets(%dma_start3A_5 : memref<200xi32, #tpu.memory_space<vmem>>) semaphore(%arg10 : memref<!tpu.dma_semaphore, #tpu.memory_space<semaphore_mem>>)
    %dma_start3A_9 = arith.constant 1 : i32
    %dma_start3A_10 = arith.constant 0 : i32
    %dma_start3A_11 = tpu.memref_slice %arg5[%dma_start3A_9, %dma_start3A_10] : memref<128x200xi32, #tpu.memory_space<vmem>> -> memref<1x200xi32, #tpu.memory_space<vmem>>
    %dma_start3A_12 = tpu.memref_squeeze %dma_start3A_11 : memref<1x200xi32, #tpu.memory_space<vmem>> -> memref<200xi32, #tpu.memory_space<vmem>>
    %dma_start3A_13 = arith.constant 0 : i32
    %dma_start3A_14 = arith.constant 0 : i32
    %dma_start3A_15 = tpu.memref_slice %arg2[%dma_start3A_13, %dma_start3A_14] : memref<1000000x64xf32, #tpu.memory_space<hbm>> -> memref<1000000x64xf32, #tpu.memory_space<hbm>>
    tpu.enqueue_indirect_dma source(%dma_start3A_15 : memref<1000000x64xf32, #tpu.memory_space<hbm>>) target(%arg7 : memref<200x64xf32, #tpu.memory_space<vmem>>) offsets(%dma_start3A_12 : memref<200xi32, #tpu.memory_space<vmem>>) semaphore(%arg11 : memref<!tpu.dma_semaphore, #tpu.memory_space<semaphore_mem>>)
    %dma_wait3A = arith.constant 0 : i32
    %dma_wait3A_16 = arith.constant 0 : i32
    %dma_wait3A_17 = tpu.memref_slice %arg2[%dma_wait3A, %dma_wait3A_16] : memref<1000000x64xf32, #tpu.memory_space<hbm>> -> memref<200x64xf32, #tpu.memory_space<hbm>>
    %dma_wait3A_18 = arith.constant 0 : i32
    %dma_wait3A_19 = arith.constant 0 : i32
    %dma_wait3A_20 = tpu.memref_slice %arg2[%dma_wait3A_18, %dma_wait3A_19] : memref<1000000x64xf32, #tpu.memory_space<hbm>> -> memref<200x64xf32, #tpu.memory_space<hbm>>
    tpu.wait_dma2 semaphore(%arg10 : memref<!tpu.dma_semaphore, #tpu.memory_space<semaphore_mem>>) src(%dma_wait3A_20 : memref<200x64xf32, #tpu.memory_space<hbm>>) dst(%arg6 : memref<200x64xf32, #tpu.memory_space<vmem>>)
    %scan3A = arith.constant 0 : i32
    %scan3A_21 = arith.constant 25 : i32
    %scan3A_22 = arith.addi %scan3A, %scan3A_21 : i32
    %scan3A_23 = arith.constant 1 : i32
    scf.for %scan3A_149 = %scan3A to %scan3A_22 step %scan3A_23  : i32 {
      %mul3A_150 = arith.constant 8 : i32
      %mul3A_151 = arith.muli %scan3A_149, %mul3A_150 : i32
      %add3A_152 = arith.constant 0 : i32
      %add3A_153 = arith.addi %add3A_152, %mul3A_151 : i32
      %add3A_154 = arith.constant 0 : i32
      %add3A_155 = arith.addi %add3A_153, %add3A_154 : i32
      %get3A = arith.index_cast %add3A_155 : i32 to index
      %get3A_156 = arith.constant 0 : index
      %get3A_157 = tpu.vector_load %arg6[%get3A, %get3A_156] {strides = array<i32>} : memref<200x64xf32, #tpu.memory_space<vmem>>, vector<1x16xf32>,
      %get3A_158 = vector.shape_cast %get3A_157 : vector<1x16xf32> to vector<16xf32>
      %mul3A_159 = arith.constant 8.000000e+00 : f32
      %mul3A_160 = vector.broadcast %mul3A_159 : f32 to vector<16xf32>
      %mul3A_161 = arith.mulf %get3A_158, %mul3A_160 : vector<16xf32>
      %swap3A = arith.index_cast %add3A_155 : i32 to index
      %swap3A_162 = arith.constant 0 : index
      %swap3A_163 = tpu.vector_load %arg8[%swap3A, %swap3A_162] {strides = array<i32>} : memref<200x64xf32, #tpu.memory_space<vmem>>, vector<1x16xf32>,
      %swap3A_164 = vector.shape_cast %swap3A_163 : vector<1x16xf32> to vector<16xf32>
      %swap3A_165 = vector.shape_cast %mul3A_161 : vector<16xf32> to vector<1x16xf32>
      tpu.vector_store %arg8[%swap3A, %swap3A_162], %swap3A_165 {strides = array<i32>} : memref<200x64xf32, #tpu.memory_space<vmem>>, vector<1x16xf32>,
      %get3A_166 = arith.index_cast %add3A_155 : i32 to index
      %get3A_167 = arith.constant 16 : index
      %get3A_168 = tpu.vector_load %arg6[%get3A_166, %get3A_167] {strides = array<i32>} : memref<200x64xf32, #tpu.memory_space<vmem>>, vector<1x16xf32>,
      %get3A_169 = vector.shape_cast %get3A_168 : vector<1x16xf32> to vector<16xf32>
      %mul3A_170 = arith.constant 8.000000e+00 : f32
      %mul3A_171 = vector.broadcast %mul3A_170 : f32 to vector<16xf32>
      %mul3A_172 = arith.mulf %get3A_169, %mul3A_171 : vector<16xf32>
      %swap3A_173 = arith.index_cast %add3A_155 : i32 to index
      %swap3A_174 = arith.constant 16 : index
      %swap3A_175 = tpu.vector_load %arg8[%swap3A_173, %swap3A_174] {strides = array<i32>} : memref<200x64xf32, #tpu.memory_space<vmem>>, vector<1x16xf32>,
      %swap3A_176 = vector.shape_cast %swap3A_175 : vector<1x16xf32> to vector<16xf32>
      %swap3A_177 = vector.shape_cast %mul3A_172 : vector<16xf32> to vector<1x16xf32>
      tpu.vector_store %arg8[%swap3A_173, %swap3A_174], %swap3A_177 {strides = array<i32>} : memref<200x64xf32, #tpu.memory_space<vmem>>, vector<1x16xf32>,
      %get3A_178 = arith.index_cast %add3A_155 : i32 to index
      %get3A_179 = arith.constant 32 : index
      %get3A_180 = tpu.vector_load %arg6[%get3A_178, %get3A_179] {strides = array<i32>} : memref<200x64xf32, #tpu.memory_space<vmem>>, vector<1x16xf32>,
      %get3A_181 = vector.shape_cast %get3A_180 : vector<1x16xf32> to vector<16xf32>
      %mul3A_182 = arith.constant 8.000000e+00 : f32
      %mul3A_183 = vector.broadcast %mul3A_182 : f32 to vector<16xf32>
      %mul3A_184 = arith.mulf %get3A_181, %mul3A_183 : vector<16xf32>
      %swap3A_185 = arith.index_cast %add3A_155 : i32 to index
      %swap3A_186 = arith.constant 32 : index
      %swap3A_187 = tpu.vector_load %arg8[%swap3A_185, %swap3A_186] {strides = array<i32>} : memref<200x64xf32, #tpu.memory_space<vmem>>, vector<1x16xf32>,
      %swap3A_188 = vector.shape_cast %swap3A_187 : vector<1x16xf32> to vector<16xf32>
      %swap3A_189 = vector.shape_cast %mul3A_184 : vector<16xf32> to vector<1x16xf32>
      tpu.vector_store %arg8[%swap3A_185, %swap3A_186], %swap3A_189 {strides = array<i32>} : memref<200x64xf32, #tpu.memory_space<vmem>>, vector<1x16xf32>,
      %get3A_190 = arith.index_cast %add3A_155 : i32 to index
      %get3A_191 = arith.constant 48 : index
      %get3A_192 = tpu.vector_load %arg6[%get3A_190, %get3A_191] {strides = array<i32>} : memref<200x64xf32, #tpu.memory_space<vmem>>, vector<1x16xf32>,
      %get3A_193 = vector.shape_cast %get3A_192 : vector<1x16xf32> to vector<16xf32>
      %mul3A_194 = arith.constant 8.000000e+00 : f32
      %mul3A_195 = vector.broadcast %mul3A_194 : f32 to vector<16xf32>
      %mul3A_196 = arith.mulf %get3A_193, %mul3A_195 : vector<16xf32>
      %swap3A_197 = arith.index_cast %add3A_155 : i32 to index
      %swap3A_198 = arith.constant 48 : index
      %swap3A_199 = tpu.vector_load %arg8[%swap3A_197, %swap3A_198] {strides = array<i32>} : memref<200x64xf32, #tpu.memory_space<vmem>>, vector<1x16xf32>,
      %swap3A_200 = vector.shape_cast %swap3A_199 : vector<1x16xf32> to vector<16xf32>
      %swap3A_201 = vector.shape_cast %mul3A_196 : vector<16xf32> to vector<1x16xf32>
      tpu.vector_store %arg8[%swap3A_197, %swap3A_198], %swap3A_201 {strides = array<i32>} : memref<200x64xf32, #tpu.memory_space<vmem>>, vector<1x16xf32>,
      %add3A_202 = arith.constant 1 : i32
      %add3A_203 = arith.addi %add3A_153, %add3A_202 : i32
      %get3A_204 = arith.index_cast %add3A_203 : i32 to index
      %get3A_205 = arith.constant 0 : index
      %get3A_206 = tpu.vector_load %arg6[%get3A_204, %get3A_205] {strides = array<i32>} : memref<200x64xf32, #tpu.memory_space<vmem>>, vector<1x16xf32>,
      %get3A_207 = vector.shape_cast %get3A_206 : vector<1x16xf32> to vector<16xf32>
      %mul3A_208 = arith.constant 8.000000e+00 : f32
      %mul3A_209 = vector.broadcast %mul3A_208 : f32 to vector<16xf32>
      %mul3A_210 = arith.mulf %get3A_207, %mul3A_209 : vector<16xf32>
      %swap3A_211 = arith.index_cast %add3A_203 : i32 to index
      %swap3A_212 = arith.constant 0 : index
      %swap3A_213 = tpu.vector_load %arg8[%swap3A_211, %swap3A_212] {strides = array<i32>} : memref<200x64xf32, #tpu.memory_space<vmem>>, vector<1x16xf32>,
      %swap3A_214 = vector.shape_cast %swap3A_213 : vector<1x16xf32> to vector<16xf32>
      %swap3A_215 = vector.shape_cast %mul3A_210 : vector<16xf32> to vector<1x16xf32>
      tpu.vector_store %arg8[%swap3A_211, %swap3A_212], %swap3A_215 {strides = array<i32>} : memref<200x64xf32, #tpu.memory_space<vmem>>, vector<1x16xf32>,
      %get3A_216 = arith.index_cast %add3A_203 : i32 to index
      %get3A_217 = arith.constant 16 : index
      %get3A_218 = tpu.vector_load %arg6[%get3A_216, %get3A_217] {strides = array<i32>} : memref<200x64xf32, #tpu.memory_space<vmem>>, vector<1x16xf32>,
      %get3A_219 = vector.shape_cast %get3A_218 : vector<1x16xf32> to vector<16xf32>
      %mul3A_220 = arith.constant 8.000000e+00 : f32
      %mul3A_221 = vector.broadcast %mul3A_220 : f32 to vector<16xf32>
      %mul3A_222 = arith.mulf %get3A_219, %mul3A_221 : vector<16xf32>
      %swap3A_223 = arith.index_cast %add3A_203 : i32 to index
      %swap3A_224 = arith.constant 16 : index
      %swap3A_225 = tpu.vector_load %arg8[%swap3A_223, %swap3A_224] {strides = array<i32>} : memref<200x64xf32, #tpu.memory_space<vmem>>, vector<1x16xf32>,
      %swap3A_226 = vector.shape_cast %swap3A_225 : vector<1x16xf32> to vector<16xf32>
      %swap3A_227 = vector.shape_cast %mul3A_222 : vector<16xf32> to vector<1x16xf32>
      tpu.vector_store %arg8[%swap3A_223, %swap3A_224], %swap3A_227 {strides = array<i32>} : memref<200x64xf32, #tpu.memory_space<vmem>>, vector<1x16xf32>,
      %get3A_228 = arith.index_cast %add3A_203 : i32 to index
      %get3A_229 = arith.constant 32 : index
      %get3A_230 = tpu.vector_load %arg6[%get3A_228, %get3A_229] {strides = array<i32>} : memref<200x64xf32, #tpu.memory_space<vmem>>, vector<1x16xf32>,
      %get3A_231 = vector.shape_cast %get3A_230 : vector<1x16xf32> to vector<16xf32>
      %mul3A_232 = arith.constant 8.000000e+00 : f32
      %mul3A_233 = vector.broadcast %mul3A_232 : f32 to vector<16xf32>
      %mul3A_234 = arith.mulf %get3A_231, %mul3A_233 : vector<16xf32>
      %swap3A_235 = arith.index_cast %add3A_203 : i32 to index
      %swap3A_236 = arith.constant 32 : index
      %swap3A_237 = tpu.vector_load %arg8[%swap3A_235, %swap3A_236] {strides = array<i32>} : memref<200x64xf32, #tpu.memory_space<vmem>>, vector<1x16xf32>,
      %swap3A_238 = vector.shape_cast %swap3A_237 : vector<1x16xf32> to vector<16xf32>
      %swap3A_239 = vector.shape_cast %mul3A_234 : vector<16xf32> to vector<1x16xf32>
      tpu.vector_store %arg8[%swap3A_235, %swap3A_236], %swap3A_239 {strides = array<i32>} : memref<200x64xf32, #tpu.memory_space<vmem>>, vector<1x16xf32>,
      %get3A_240 = arith.index_cast %add3A_203 : i32 to index
      %get3A_241 = arith.constant 48 : index
      %get3A_242 = tpu.vector_load %arg6[%get3A_240, %get3A_241] {strides = array<i32>} : memref<200x64xf32, #tpu.memory_space<vmem>>, vector<1x16xf32>,
      %get3A_243 = vector.shape_cast %get3A_242 : vector<1x16xf32> to vector<16xf32>
      %mul3A_244 = arith.constant 8.000000e+00 : f32
      %mul3A_245 = vector.broadcast %mul3A_244 : f32 to vector<16xf32>
      %mul3A_246 = arith.mulf %get3A_243, %mul3A_245 : vector<16xf32>
      %swap3A_247 = arith.index_cast %add3A_203 : i32 to index
      %swap3A_248 = arith.constant 48 : index
      %swap3A_249 = tpu.vector_load %arg8[%swap3A_247, %swap3A_248] {strides = array<i32>} : memref<200x64xf32, #tpu.memory_space<vmem>>, vector<1x16xf32>,
      %swap3A_250 = vector.shape_cast %swap3A_249 : vector<1x16xf32> to vector<16xf32>
      %swap3A_251 = vector.shape_cast %mul3A_246 : vector<16xf32> to vector<1x16xf32>
      tpu.vector_store %arg8[%swap3A_247, %swap3A_248], %swap3A_251 {strides = array<i32>} : memref<200x64xf32, #tpu.memory_space<vmem>>, vector<1x16xf32>,
      %add3A_252 = arith.constant 2 : i32
      %add3A_253 = arith.addi %add3A_153, %add3A_252 : i32
      %get3A_254 = arith.index_cast %add3A_253 : i32 to index
      %get3A_255 = arith.constant 0 : index
      %get3A_256 = tpu.vector_load %arg6[%get3A_254, %get3A_255] {strides = array<i32>} : memref<200x64xf32, #tpu.memory_space<vmem>>, vector<1x16xf32>,
      %get3A_257 = vector.shape_cast %get3A_256 : vector<1x16xf32> to vector<16xf32>
      %mul3A_258 = arith.constant 8.000000e+00 : f32
      %mul3A_259 = vector.broadcast %mul3A_258 : f32 to vector<16xf32>
      %mul3A_260 = arith.mulf %get3A_257, %mul3A_259 : vector<16xf32>
      %swap3A_261 = arith.index_cast %add3A_253 : i32 to index
      %swap3A_262 = arith.constant 0 : index
      %swap3A_263 = tpu.vector_load %arg8[%swap3A_261, %swap3A_262] {strides = array<i32>} : memref<200x64xf32, #tpu.memory_space<vmem>>, vector<1x16xf32>,
      %swap3A_264 = vector.shape_cast %swap3A_263 : vector<1x16xf32> to vector<16xf32>
      %swap3A_265 = vector.shape_cast %mul3A_260 : vector<16xf32> to vector<1x16xf32>
      tpu.vector_store %arg8[%swap3A_261, %swap3A_262], %swap3A_265 {strides = array<i32>} : memref<200x64xf32, #tpu.memory_space<vmem>>, vector<1x16xf32>,
      %get3A_266 = arith.index_cast %add3A_253 : i32 to index
      %get3A_267 = arith.constant 16 : index
      %get3A_268 = tpu.vector_load %arg6[%get3A_266, %get3A_267] {strides = array<i32>} : memref<200x64xf32, #tpu.memory_space<vmem>>, vector<1x16xf32>,
      %get3A_269 = vector.shape_cast %get3A_268 : vector<1x16xf32> to vector<16xf32>
      %mul3A_270 = arith.constant 8.000000e+00 : f32
      %mul3A_271 = vector.broadcast %mul3A_270 : f32 to vector<16xf32>
      %mul3A_272 = arith.mulf %get3A_269, %mul3A_271 : vector<16xf32>
      %swap3A_273 = arith.index_cast %add3A_253 : i32 to index
      %swap3A_274 = arith.constant 16 : index
      %swap3A_275 = tpu.vector_load %arg8[%swap3A_273, %swap3A_274] {strides = array<i32>} : memref<200x64xf32, #tpu.memory_space<vmem>>, vector<1x16xf32>,
      %swap3A_276 = vector.shape_cast %swap3A_275 : vector<1x16xf32> to vector<16xf32>
      %swap3A_277 = vector.shape_cast %mul3A_272 : vector<16xf32> to vector<1x16xf32>
      tpu.vector_store %arg8[%swap3A_273, %swap3A_274], %swap3A_277 {strides = array<i32>} : memref<200x64xf32, #tpu.memory_space<vmem>>, vector<1x16xf32>,
      %get3A_278 = arith.index_cast %add3A_253 : i32 to index
      %get3A_279 = arith.constant 32 : index
      %get3A_280 = tpu.vector_load %arg6[%get3A_278, %get3A_279] {strides = array<i32>} : memref<200x64xf32, #tpu.memory_space<vmem>>, vector<1x16xf32>,
      %get3A_281 = vector.shape_cast %get3A_280 : vector<1x16xf32> to vector<16xf32>
      %mul3A_282 = arith.constant 8.000000e+00 : f32
      %mul3A_283 = vector.broadcast %mul3A_282 : f32 to vector<16xf32>
      %mul3A_284 = arith.mulf %get3A_281, %mul3A_283 : vector<16xf32>
      %swap3A_285 = arith.index_cast %add3A_253 : i32 to index
      %swap3A_286 = arith.constant 32 : index
      %swap3A_287 = tpu.vector_load %arg8[%swap3A_285, %swap3A_286] {strides = array<i32>} : memref<200x64xf32, #tpu.memory_space<vmem>>, vector<1x16xf32>,
      %swap3A_288 = vector.shape_cast %swap3A_287 : vector<1x16xf32> to vector<16xf32>
      %swap3A_289 = vector.shape_cast %mul3A_284 : vector<16xf32> to vector<1x16xf32>
      tpu.vector_store %arg8[%swap3A_285, %swap3A_286], %swap3A_289 {strides = array<i32>} : memref<200x64xf32, #tpu.memory_space<vmem>>, vector<1x16xf32>,
      %get3A_290 = arith.index_cast %add3A_253 : i32 to index
      %get3A_291 = arith.constant 48 : index
      %get3A_292 = tpu.vector_load %arg6[%get3A_290, %get3A_291] {strides = array<i32>} : memref<200x64xf32, #tpu.memory_space<vmem>>, vector<1x16xf32>,
      %get3A_293 = vector.shape_cast %get3A_292 : vector<1x16xf32> to vector<16xf32>
      %mul3A_294 = arith.constant 8.000000e+00 : f32
      %mul3A_295 = vector.broadcast %mul3A_294 : f32 to vector<16xf32>
      %mul3A_296 = arith.mulf %get3A_293, %mul3A_295 : vector<16xf32>
      %swap3A_297 = arith.index_cast %add3A_253 : i32 to index
      %swap3A_298 = arith.constant 48 : index
      %swap3A_299 = tpu.vector_load %arg8[%swap3A_297, %swap3A_298] {strides = array<i32>} : memref<200x64xf32, #tpu.memory_space<vmem>>, vector<1x16xf32>,
      %swap3A_300 = vector.shape_cast %swap3A_299 : vector<1x16xf32> to vector<16xf32>
      %swap3A_301 = vector.shape_cast %mul3A_296 : vector<16xf32> to vector<1x16xf32>
      tpu.vector_store %arg8[%swap3A_297, %swap3A_298], %swap3A_301 {strides = array<i32>} : memref<200x64xf32, #tpu.memory_space<vmem>>, vector<1x16xf32>,
      %add3A_302 = arith.constant 3 : i32
      %add3A_303 = arith.addi %add3A_153, %add3A_302 : i32
      %get3A_304 = arith.index_cast %add3A_303 : i32 to index
      %get3A_305 = arith.constant 0 : index
      %get3A_306 = tpu.vector_load %arg6[%get3A_304, %get3A_305] {strides = array<i32>} : memref<200x64xf32, #tpu.memory_space<vmem>>, vector<1x16xf32>,
      %get3A_307 = vector.shape_cast %get3A_306 : vector<1x16xf32> to vector<16xf32>
      %mul3A_308 = arith.constant 8.000000e+00 : f32
      %mul3A_309 = vector.broadcast %mul3A_308 : f32 to vector<16xf32>
      %mul3A_310 = arith.mulf %get3A_307, %mul3A_309 : vector<16xf32>
      %swap3A_311 = arith.index_cast %add3A_303 : i32 to index
      %swap3A_312 = arith.constant 0 : index
      %swap3A_313 = tpu.vector_load %arg8[%swap3A_311, %swap3A_312] {strides = array<i32>} : memref<200x64xf32, #tpu.memory_space<vmem>>, vector<1x16xf32>,
      %swap3A_314 = vector.shape_cast %swap3A_313 : vector<1x16xf32> to vector<16xf32>
      %swap3A_315 = vector.shape_cast %mul3A_310 : vector<16xf32> to vector<1x16xf32>
      tpu.vector_store %arg8[%swap3A_311, %swap3A_312], %swap3A_315 {strides = array<i32>} : memref<200x64xf32, #tpu.memory_space<vmem>>, vector<1x16xf32>,
      %get3A_316 = arith.index_cast %add3A_303 : i32 to index
      %get3A_317 = arith.constant 16 : index
      %get3A_318 = tpu.vector_load %arg6[%get3A_316, %get3A_317] {strides = array<i32>} : memref<200x64xf32, #tpu.memory_space<vmem>>, vector<1x16xf32>,
      %get3A_319 = vector.shape_cast %get3A_318 : vector<1x16xf32> to vector<16xf32>
      %mul3A_320 = arith.constant 8.000000e+00 : f32
      %mul3A_321 = vector.broadcast %mul3A_320 : f32 to vector<16xf32>
      %mul3A_322 = arith.mulf %get3A_319, %mul3A_321 : vector<16xf32>
      %swap3A_323 = arith.index_cast %add3A_303 : i32 to index
      %swap3A_324 = arith.constant 16 : index
      %swap3A_325 = tpu.vector_load %arg8[%swap3A_323, %swap3A_324] {strides = array<i32>} : memref<200x64xf32, #tpu.memory_space<vmem>>, vector<1x16xf32>,
      %swap3A_326 = vector.shape_cast %swap3A_325 : vector<1x16xf32> to vector<16xf32>
      %swap3A_327 = vector.shape_cast %mul3A_322 : vector<16xf32> to vector<1x16xf32>
      tpu.vector_store %arg8[%swap3A_323, %swap3A_324], %swap3A_327 {strides = array<i32>} : memref<200x64xf32, #tpu.memory_space<vmem>>, vector<1x16xf32>,
      %get3A_328 = arith.index_cast %add3A_303 : i32 to index
      %get3A_329 = arith.constant 32 : index
      %get3A_330 = tpu.vector_load %arg6[%get3A_328, %get3A_329] {strides = array<i32>} : memref<200x64xf32, #tpu.memory_space<vmem>>, vector<1x16xf32>,
      %get3A_331 = vector.shape_cast %get3A_330 : vector<1x16xf32> to vector<16xf32>
      %mul3A_332 = arith.constant 8.000000e+00 : f32
      %mul3A_333 = vector.broadcast %mul3A_332 : f32 to vector<16xf32>
      %mul3A_334 = arith.mulf %get3A_331, %mul3A_333 : vector<16xf32>
      %swap3A_335 = arith.index_cast %add3A_303 : i32 to index
      %swap3A_336 = arith.constant 32 : index
      %swap3A_337 = tpu.vector_load %arg8[%swap3A_335, %swap3A_336] {strides = array<i32>} : memref<200x64xf32, #tpu.memory_space<vmem>>, vector<1x16xf32>,
      %swap3A_338 = vector.shape_cast %swap3A_337 : vector<1x16xf32> to vector<16xf32>
      %swap3A_339 = vector.shape_cast %mul3A_334 : vector<16xf32> to vector<1x16xf32>
      tpu.vector_store %arg8[%swap3A_335, %swap3A_336], %swap3A_339 {strides = array<i32>} : memref<200x64xf32, #tpu.memory_space<vmem>>, vector<1x16xf32>,
      %get3A_340 = arith.index_cast %add3A_303 : i32 to index
      %get3A_341 = arith.constant 48 : index
      %get3A_342 = tpu.vector_load %arg6[%get3A_340, %get3A_341] {strides = array<i32>} : memref<200x64xf32, #tpu.memory_space<vmem>>, vector<1x16xf32>,
      %get3A_343 = vector.shape_cast %get3A_342 : vector<1x16xf32> to vector<16xf32>
      %mul3A_344 = arith.constant 8.000000e+00 : f32
      %mul3A_345 = vector.broadcast %mul3A_344 : f32 to vector<16xf32>
      %mul3A_346 = arith.mulf %get3A_343, %mul3A_345 : vector<16xf32>
      %swap3A_347 = arith.index_cast %add3A_303 : i32 to index
      %swap3A_348 = arith.constant 48 : index
      %swap3A_349 = tpu.vector_load %arg8[%swap3A_347, %swap3A_348] {strides = array<i32>} : memref<200x64xf32, #tpu.memory_space<vmem>>, vector<1x16xf32>,
      %swap3A_350 = vector.shape_cast %swap3A_349 : vector<1x16xf32> to vector<16xf32>
      %swap3A_351 = vector.shape_cast %mul3A_346 : vector<16xf32> to vector<1x16xf32>
      tpu.vector_store %arg8[%swap3A_347, %swap3A_348], %swap3A_351 {strides = array<i32>} : memref<200x64xf32, #tpu.memory_space<vmem>>, vector<1x16xf32>,
      %add3A_352 = arith.constant 4 : i32
      %add3A_353 = arith.addi %add3A_153, %add3A_352 : i32
      %get3A_354 = arith.index_cast %add3A_353 : i32 to index
      %get3A_355 = arith.constant 0 : index
      %get3A_356 = tpu.vector_load %arg6[%get3A_354, %get3A_355] {strides = array<i32>} : memref<200x64xf32, #tpu.memory_space<vmem>>, vector<1x16xf32>,
      %get3A_357 = vector.shape_cast %get3A_356 : vector<1x16xf32> to vector<16xf32>
      %mul3A_358 = arith.constant 8.000000e+00 : f32
      %mul3A_359 = vector.broadcast %mul3A_358 : f32 to vector<16xf32>
      %mul3A_360 = arith.mulf %get3A_357, %mul3A_359 : vector<16xf32>
      %swap3A_361 = arith.index_cast %add3A_353 : i32 to index
      %swap3A_362 = arith.constant 0 : index
      %swap3A_363 = tpu.vector_load %arg8[%swap3A_361, %swap3A_362] {strides = array<i32>} : memref<200x64xf32, #tpu.memory_space<vmem>>, vector<1x16xf32>,
      %swap3A_364 = vector.shape_cast %swap3A_363 : vector<1x16xf32> to vector<16xf32>
      %swap3A_365 = vector.shape_cast %mul3A_360 : vector<16xf32> to vector<1x16xf32>
      tpu.vector_store %arg8[%swap3A_361, %swap3A_362], %swap3A_365 {strides = array<i32>} : memref<200x64xf32, #tpu.memory_space<vmem>>, vector<1x16xf32>,
      %get3A_366 = arith.index_cast %add3A_353 : i32 to index
      %get3A_367 = arith.constant 16 : index
      %get3A_368 = tpu.vector_load %arg6[%get3A_366, %get3A_367] {strides = array<i32>} : memref<200x64xf32, #tpu.memory_space<vmem>>, vector<1x16xf32>,
      %get3A_369 = vector.shape_cast %get3A_368 : vector<1x16xf32> to vector<16xf32>
      %mul3A_370 = arith.constant 8.000000e+00 : f32
      %mul3A_371 = vector.broadcast %mul3A_370 : f32 to vector<16xf32>
      %mul3A_372 = arith.mulf %get3A_369, %mul3A_371 : vector<16xf32>
      %swap3A_373 = arith.index_cast %add3A_353 : i32 to index
      %swap3A_374 = arith.constant 16 : index
      %swap3A_375 = tpu.vector_load %arg8[%swap3A_373, %swap3A_374] {strides = array<i32>} : memref<200x64xf32, #tpu.memory_space<vmem>>, vector<1x16xf32>,
      %swap3A_376 = vector.shape_cast %swap3A_375 : vector<1x16xf32> to vector<16xf32>
      %swap3A_377 = vector.shape_cast %mul3A_372 : vector<16xf32> to vector<1x16xf32>
      tpu.vector_store %arg8[%swap3A_373, %swap3A_374], %swap3A_377 {strides = array<i32>} : memref<200x64xf32, #tpu.memory_space<vmem>>, vector<1x16xf32>,
      %get3A_378 = arith.index_cast %add3A_353 : i32 to index
      %get3A_379 = arith.constant 32 : index
      %get3A_380 = tpu.vector_load %arg6[%get3A_378, %get3A_379] {strides = array<i32>} : memref<200x64xf32, #tpu.memory_space<vmem>>, vector<1x16xf32>,
      %get3A_381 = vector.shape_cast %get3A_380 : vector<1x16xf32> to vector<16xf32>
      %mul3A_382 = arith.constant 8.000000e+00 : f32
      %mul3A_383 = vector.broadcast %mul3A_382 : f32 to vector<16xf32>
      %mul3A_384 = arith.mulf %get3A_381, %mul3A_383 : vector<16xf32>
      %swap3A_385 = arith.index_cast %add3A_353 : i32 to index
      %swap3A_386 = arith.constant 32 : index
      %swap3A_387 = tpu.vector_load %arg8[%swap3A_385, %swap3A_386] {strides = array<i32>} : memref<200x64xf32, #tpu.memory_space<vmem>>, vector<1x16xf32>,
      %swap3A_388 = vector.shape_cast %swap3A_387 : vector<1x16xf32> to vector<16xf32>
      %swap3A_389 = vector.shape_cast %mul3A_384 : vector<16xf32> to vector<1x16xf32>
      tpu.vector_store %arg8[%swap3A_385, %swap3A_386], %swap3A_389 {strides = array<i32>} : memref<200x64xf32, #tpu.memory_space<vmem>>, vector<1x16xf32>,
      %get3A_390 = arith.index_cast %add3A_353 : i32 to index
      %get3A_391 = arith.constant 48 : index
      %get3A_392 = tpu.vector_load %arg6[%get3A_390, %get3A_391] {strides = array<i32>} : memref<200x64xf32, #tpu.memory_space<vmem>>, vector<1x16xf32>,
      %get3A_393 = vector.shape_cast %get3A_392 : vector<1x16xf32> to vector<16xf32>
      %mul3A_394 = arith.constant 8.000000e+00 : f32
      %mul3A_395 = vector.broadcast %mul3A_394 : f32 to vector<16xf32>
      %mul3A_396 = arith.mulf %get3A_393, %mul3A_395 : vector<16xf32>
      %swap3A_397 = arith.index_cast %add3A_353 : i32 to index
      %swap3A_398 = arith.constant 48 : index
      %swap3A_399 = tpu.vector_load %arg8[%swap3A_397, %swap3A_398] {strides = array<i32>} : memref<200x64xf32, #tpu.memory_space<vmem>>, vector<1x16xf32>,
      %swap3A_400 = vector.shape_cast %swap3A_399 : vector<1x16xf32> to vector<16xf32>
      %swap3A_401 = vector.shape_cast %mul3A_396 : vector<16xf32> to vector<1x16xf32>
      tpu.vector_store %arg8[%swap3A_397, %swap3A_398], %swap3A_401 {strides = array<i32>} : memref<200x64xf32, #tpu.memory_space<vmem>>, vector<1x16xf32>,
      %add3A_402 = arith.constant 5 : i32
      %add3A_403 = arith.addi %add3A_153, %add3A_402 : i32
      %get3A_404 = arith.index_cast %add3A_403 : i32 to index
      %get3A_405 = arith.constant 0 : index
      %get3A_406 = tpu.vector_load %arg6[%get3A_404, %get3A_405] {strides = array<i32>} : memref<200x64xf32, #tpu.memory_space<vmem>>, vector<1x16xf32>,
      %get3A_407 = vector.shape_cast %get3A_406 : vector<1x16xf32> to vector<16xf32>
      %mul3A_408 = arith.constant 8.000000e+00 : f32
      %mul3A_409 = vector.broadcast %mul3A_408 : f32 to vector<16xf32>
      %mul3A_410 = arith.mulf %get3A_407, %mul3A_409 : vector<16xf32>
      %swap3A_411 = arith.index_cast %add3A_403 : i32 to index
      %swap3A_412 = arith.constant 0 : index
      %swap3A_413 = tpu.vector_load %arg8[%swap3A_411, %swap3A_412] {strides = array<i32>} : memref<200x64xf32, #tpu.memory_space<vmem>>, vector<1x16xf32>,
      %swap3A_414 = vector.shape_cast %swap3A_413 : vector<1x16xf32> to vector<16xf32>
      %swap3A_415 = vector.shape_cast %mul3A_410 : vector<16xf32> to vector<1x16xf32>
      tpu.vector_store %arg8[%swap3A_411, %swap3A_412], %swap3A_415 {strides = array<i32>} : memref<200x64xf32, #tpu.memory_space<vmem>>, vector<1x16xf32>,
      %get3A_416 = arith.index_cast %add3A_403 : i32 to index
      %get3A_417 = arith.constant 16 : index
      %get3A_418 = tpu.vector_load %arg6[%get3A_416, %get3A_417] {strides = array<i32>} : memref<200x64xf32, #tpu.memory_space<vmem>>, vector<1x16xf32>,
      %get3A_419 = vector.shape_cast %get3A_418 : vector<1x16xf32> to vector<16xf32>
      %mul3A_420 = arith.constant 8.000000e+00 : f32
      %mul3A_421 = vector.broadcast %mul3A_420 : f32 to vector<16xf32>
      %mul3A_422 = arith.mulf %get3A_419, %mul3A_421 : vector<16xf32>
      %swap3A_423 = arith.index_cast %add3A_403 : i32 to index
      %swap3A_424 = arith.constant 16 : index
      %swap3A_425 = tpu.vector_load %arg8[%swap3A_423, %swap3A_424] {strides = array<i32>} : memref<200x64xf32, #tpu.memory_space<vmem>>, vector<1x16xf32>,
      %swap3A_426 = vector.shape_cast %swap3A_425 : vector<1x16xf32> to vector<16xf32>
      %swap3A_427 = vector.shape_cast %mul3A_422 : vector<16xf32> to vector<1x16xf32>
      tpu.vector_store %arg8[%swap3A_423, %swap3A_424], %swap3A_427 {strides = array<i32>} : memref<200x64xf32, #tpu.memory_space<vmem>>, vector<1x16xf32>,
      %get3A_428 = arith.index_cast %add3A_403 : i32 to index
      %get3A_429 = arith.constant 32 : index
      %get3A_430 = tpu.vector_load %arg6[%get3A_428, %get3A_429] {strides = array<i32>} : memref<200x64xf32, #tpu.memory_space<vmem>>, vector<1x16xf32>,
      %get3A_431 = vector.shape_cast %get3A_430 : vector<1x16xf32> to vector<16xf32>
      %mul3A_432 = arith.constant 8.000000e+00 : f32
      %mul3A_433 = vector.broadcast %mul3A_432 : f32 to vector<16xf32>
      %mul3A_434 = arith.mulf %get3A_431, %mul3A_433 : vector<16xf32>
      %swap3A_435 = arith.index_cast %add3A_403 : i32 to index
      %swap3A_436 = arith.constant 32 : index
      %swap3A_437 = tpu.vector_load %arg8[%swap3A_435, %swap3A_436] {strides = array<i32>} : memref<200x64xf32, #tpu.memory_space<vmem>>, vector<1x16xf32>,
      %swap3A_438 = vector.shape_cast %swap3A_437 : vector<1x16xf32> to vector<16xf32>
      %swap3A_439 = vector.shape_cast %mul3A_434 : vector<16xf32> to vector<1x16xf32>
      tpu.vector_store %arg8[%swap3A_435, %swap3A_436], %swap3A_439 {strides = array<i32>} : memref<200x64xf32, #tpu.memory_space<vmem>>, vector<1x16xf32>,
      %get3A_440 = arith.index_cast %add3A_403 : i32 to index
      %get3A_441 = arith.constant 48 : index
      %get3A_442 = tpu.vector_load %arg6[%get3A_440, %get3A_441] {strides = array<i32>} : memref<200x64xf32, #tpu.memory_space<vmem>>, vector<1x16xf32>,
      %get3A_443 = vector.shape_cast %get3A_442 : vector<1x16xf32> to vector<16xf32>
      %mul3A_444 = arith.constant 8.000000e+00 : f32
      %mul3A_445 = vector.broadcast %mul3A_444 : f32 to vector<16xf32>
      %mul3A_446 = arith.mulf %get3A_443, %mul3A_445 : vector<16xf32>
      %swap3A_447 = arith.index_cast %add3A_403 : i32 to index
      %swap3A_448 = arith.constant 48 : index
      %swap3A_449 = tpu.vector_load %arg8[%swap3A_447, %swap3A_448] {strides = array<i32>} : memref<200x64xf32, #tpu.memory_space<vmem>>, vector<1x16xf32>,
      %swap3A_450 = vector.shape_cast %swap3A_449 : vector<1x16xf32> to vector<16xf32>
      %swap3A_451 = vector.shape_cast %mul3A_446 : vector<16xf32> to vector<1x16xf32>
      tpu.vector_store %arg8[%swap3A_447, %swap3A_448], %swap3A_451 {strides = array<i32>} : memref<200x64xf32, #tpu.memory_space<vmem>>, vector<1x16xf32>,
      %add3A_452 = arith.constant 6 : i32
      %add3A_453 = arith.addi %add3A_153, %add3A_452 : i32
      %get3A_454 = arith.index_cast %add3A_453 : i32 to index
      %get3A_455 = arith.constant 0 : index
      %get3A_456 = tpu.vector_load %arg6[%get3A_454, %get3A_455] {strides = array<i32>} : memref<200x64xf32, #tpu.memory_space<vmem>>, vector<1x16xf32>,
      %get3A_457 = vector.shape_cast %get3A_456 : vector<1x16xf32> to vector<16xf32>
      %mul3A_458 = arith.constant 8.000000e+00 : f32
      %mul3A_459 = vector.broadcast %mul3A_458 : f32 to vector<16xf32>
      %mul3A_460 = arith.mulf %get3A_457, %mul3A_459 : vector<16xf32>
      %swap3A_461 = arith.index_cast %add3A_453 : i32 to index
      %swap3A_462 = arith.constant 0 : index
      %swap3A_463 = tpu.vector_load %arg8[%swap3A_461, %swap3A_462] {strides = array<i32>} : memref<200x64xf32, #tpu.memory_space<vmem>>, vector<1x16xf32>,
      %swap3A_464 = vector.shape_cast %swap3A_463 : vector<1x16xf32> to vector<16xf32>
      %swap3A_465 = vector.shape_cast %mul3A_460 : vector<16xf32> to vector<1x16xf32>
      tpu.vector_store %arg8[%swap3A_461, %swap3A_462], %swap3A_465 {strides = array<i32>} : memref<200x64xf32, #tpu.memory_space<vmem>>, vector<1x16xf32>,
      %get3A_466 = arith.index_cast %add3A_453 : i32 to index
      %get3A_467 = arith.constant 16 : index
      %get3A_468 = tpu.vector_load %arg6[%get3A_466, %get3A_467] {strides = array<i32>} : memref<200x64xf32, #tpu.memory_space<vmem>>, vector<1x16xf32>,
      %get3A_469 = vector.shape_cast %get3A_468 : vector<1x16xf32> to vector<16xf32>
      %mul3A_470 = arith.constant 8.000000e+00 : f32
      %mul3A_471 = vector.broadcast %mul3A_470 : f32 to vector<16xf32>
      %mul3A_472 = arith.mulf %get3A_469, %mul3A_471 : vector<16xf32>
      %swap3A_473 = arith.index_cast %add3A_453 : i32 to index
      %swap3A_474 = arith.constant 16 : index
      %swap3A_475 = tpu.vector_load %arg8[%swap3A_473, %swap3A_474] {strides = array<i32>} : memref<200x64xf32, #tpu.memory_space<vmem>>, vector<1x16xf32>,
      %swap3A_476 = vector.shape_cast %swap3A_475 : vector<1x16xf32> to vector<16xf32>
      %swap3A_477 = vector.shape_cast %mul3A_472 : vector<16xf32> to vector<1x16xf32>
      tpu.vector_store %arg8[%swap3A_473, %swap3A_474], %swap3A_477 {strides = array<i32>} : memref<200x64xf32, #tpu.memory_space<vmem>>, vector<1x16xf32>,
      %get3A_478 = arith.index_cast %add3A_453 : i32 to index
      %get3A_479 = arith.constant 32 : index
      %get3A_480 = tpu.vector_load %arg6[%get3A_478, %get3A_479] {strides = array<i32>} : memref<200x64xf32, #tpu.memory_space<vmem>>, vector<1x16xf32>,
      %get3A_481 = vector.shape_cast %get3A_480 : vector<1x16xf32> to vector<16xf32>
      %mul3A_482 = arith.constant 8.000000e+00 : f32
      %mul3A_483 = vector.broadcast %mul3A_482 : f32 to vector<16xf32>
      %mul3A_484 = arith.mulf %get3A_481, %mul3A_483 : vector<16xf32>
      %swap3A_485 = arith.index_cast %add3A_453 : i32 to index
      %swap3A_486 = arith.constant 32 : index
      %swap3A_487 = tpu.vector_load %arg8[%swap3A_485, %swap3A_486] {strides = array<i32>} : memref<200x64xf32, #tpu.memory_space<vmem>>, vector<1x16xf32>,
      %swap3A_488 = vector.shape_cast %swap3A_487 : vector<1x16xf32> to vector<16xf32>
      %swap3A_489 = vector.shape_cast %mul3A_484 : vector<16xf32> to vector<1x16xf32>
      tpu.vector_store %arg8[%swap3A_485, %swap3A_486], %swap3A_489 {strides = array<i32>} : memref<200x64xf32, #tpu.memory_space<vmem>>, vector<1x16xf32>,
      %get3A_490 = arith.index_cast %add3A_453 : i32 to index
      %get3A_491 = arith.constant 48 : index
      %get3A_492 = tpu.vector_load %arg6[%get3A_490, %get3A_491] {strides = array<i32>} : memref<200x64xf32, #tpu.memory_space<vmem>>, vector<1x16xf32>,
      %get3A_493 = vector.shape_cast %get3A_492 : vector<1x16xf32> to vector<16xf32>
      %mul3A_494 = arith.constant 8.000000e+00 : f32
      %mul3A_495 = vector.broadcast %mul3A_494 : f32 to vector<16xf32>
      %mul3A_496 = arith.mulf %get3A_493, %mul3A_495 : vector<16xf32>
      %swap3A_497 = arith.index_cast %add3A_453 : i32 to index
      %swap3A_498 = arith.constant 48 : index
      %swap3A_499 = tpu.vector_load %arg8[%swap3A_497, %swap3A_498] {strides = array<i32>} : memref<200x64xf32, #tpu.memory_space<vmem>>, vector<1x16xf32>,
      %swap3A_500 = vector.shape_cast %swap3A_499 : vector<1x16xf32> to vector<16xf32>
      %swap3A_501 = vector.shape_cast %mul3A_496 : vector<16xf32> to vector<1x16xf32>
      tpu.vector_store %arg8[%swap3A_497, %swap3A_498], %swap3A_501 {strides = array<i32>} : memref<200x64xf32, #tpu.memory_space<vmem>>, vector<1x16xf32>,
      %add3A_502 = arith.constant 7 : i32
      %add3A_503 = arith.addi %add3A_153, %add3A_502 : i32
      %get3A_504 = arith.index_cast %add3A_503 : i32 to index
      %get3A_505 = arith.constant 0 : index
      %get3A_506 = tpu.vector_load %arg6[%get3A_504, %get3A_505] {strides = array<i32>} : memref<200x64xf32, #tpu.memory_space<vmem>>, vector<1x16xf32>,
      %get3A_507 = vector.shape_cast %get3A_506 : vector<1x16xf32> to vector<16xf32>
      %mul3A_508 = arith.constant 8.000000e+00 : f32
      %mul3A_509 = vector.broadcast %mul3A_508 : f32 to vector<16xf32>
      %mul3A_510 = arith.mulf %get3A_507, %mul3A_509 : vector<16xf32>
      %swap3A_511 = arith.index_cast %add3A_503 : i32 to index
      %swap3A_512 = arith.constant 0 : index
      %swap3A_513 = tpu.vector_load %arg8[%swap3A_511, %swap3A_512] {strides = array<i32>} : memref<200x64xf32, #tpu.memory_space<vmem>>, vector<1x16xf32>,
      %swap3A_514 = vector.shape_cast %swap3A_513 : vector<1x16xf32> to vector<16xf32>
      %swap3A_515 = vector.shape_cast %mul3A_510 : vector<16xf32> to vector<1x16xf32>
      tpu.vector_store %arg8[%swap3A_511, %swap3A_512], %swap3A_515 {strides = array<i32>} : memref<200x64xf32, #tpu.memory_space<vmem>>, vector<1x16xf32>,
      %get3A_516 = arith.index_cast %add3A_503 : i32 to index
      %get3A_517 = arith.constant 16 : index
      %get3A_518 = tpu.vector_load %arg6[%get3A_516, %get3A_517] {strides = array<i32>} : memref<200x64xf32, #tpu.memory_space<vmem>>, vector<1x16xf32>,
      %get3A_519 = vector.shape_cast %get3A_518 : vector<1x16xf32> to vector<16xf32>
      %mul3A_520 = arith.constant 8.000000e+00 : f32
      %mul3A_521 = vector.broadcast %mul3A_520 : f32 to vector<16xf32>
      %mul3A_522 = arith.mulf %get3A_519, %mul3A_521 : vector<16xf32>
      %swap3A_523 = arith.index_cast %add3A_503 : i32 to index
      %swap3A_524 = arith.constant 16 : index
      %swap3A_525 = tpu.vector_load %arg8[%swap3A_523, %swap3A_524] {strides = array<i32>} : memref<200x64xf32, #tpu.memory_space<vmem>>, vector<1x16xf32>,
      %swap3A_526 = vector.shape_cast %swap3A_525 : vector<1x16xf32> to vector<16xf32>
      %swap3A_527 = vector.shape_cast %mul3A_522 : vector<16xf32> to vector<1x16xf32>
      tpu.vector_store %arg8[%swap3A_523, %swap3A_524], %swap3A_527 {strides = array<i32>} : memref<200x64xf32, #tpu.memory_space<vmem>>, vector<1x16xf32>,
      %get3A_528 = arith.index_cast %add3A_503 : i32 to index
      %get3A_529 = arith.constant 32 : index
      %get3A_530 = tpu.vector_load %arg6[%get3A_528, %get3A_529] {strides = array<i32>} : memref<200x64xf32, #tpu.memory_space<vmem>>, vector<1x16xf32>,
      %get3A_531 = vector.shape_cast %get3A_530 : vector<1x16xf32> to vector<16xf32>
      %mul3A_532 = arith.constant 8.000000e+00 : f32
      %mul3A_533 = vector.broadcast %mul3A_532 : f32 to vector<16xf32>
      %mul3A_534 = arith.mulf %get3A_531, %mul3A_533 : vector<16xf32>
      %swap3A_535 = arith.index_cast %add3A_503 : i32 to index
      %swap3A_536 = arith.constant 32 : index
      %swap3A_537 = tpu.vector_load %arg8[%swap3A_535, %swap3A_536] {strides = array<i32>} : memref<200x64xf32, #tpu.memory_space<vmem>>, vector<1x16xf32>,
      %swap3A_538 = vector.shape_cast %swap3A_537 : vector<1x16xf32> to vector<16xf32>
      %swap3A_539 = vector.shape_cast %mul3A_534 : vector<16xf32> to vector<1x16xf32>
      tpu.vector_store %arg8[%swap3A_535, %swap3A_536], %swap3A_539 {strides = array<i32>} : memref<200x64xf32, #tpu.memory_space<vmem>>, vector<1x16xf32>,
      %get3A_540 = arith.index_cast %add3A_503 : i32 to index
      %get3A_541 = arith.constant 48 : index
      %get3A_542 = tpu.vector_load %arg6[%get3A_540, %get3A_541] {strides = array<i32>} : memref<200x64xf32, #tpu.memory_space<vmem>>, vector<1x16xf32>,
      %get3A_543 = vector.shape_cast %get3A_542 : vector<1x16xf32> to vector<16xf32>
      %mul3A_544 = arith.constant 8.000000e+00 : f32
      %mul3A_545 = vector.broadcast %mul3A_544 : f32 to vector<16xf32>
      %mul3A_546 = arith.mulf %get3A_543, %mul3A_545 : vector<16xf32>
      %swap3A_547 = arith.index_cast %add3A_503 : i32 to index
      %swap3A_548 = arith.constant 48 : index
      %swap3A_549 = tpu.vector_load %arg8[%swap3A_547, %swap3A_548] {strides = array<i32>} : memref<200x64xf32, #tpu.memory_space<vmem>>, vector<1x16xf32>,
      %swap3A_550 = vector.shape_cast %swap3A_549 : vector<1x16xf32> to vector<16xf32>
      %swap3A_551 = vector.shape_cast %mul3A_546 : vector<16xf32> to vector<1x16xf32>
      tpu.vector_store %arg8[%swap3A_547, %swap3A_548], %swap3A_551 {strides = array<i32>} : memref<200x64xf32, #tpu.memory_space<vmem>>, vector<1x16xf32>,
    }
    %scan3A_24 = arith.constant 25 : i32
    %add3A_25 = arith.constant 0 : i32
    %add3A_26 = arith.addi %mul3A_2, %add3A_25 : i32
    %dma_start3A_27 = arith.constant 0 : i32
    %dma_start3A_28 = arith.constant 0 : i32
    %dma_start3A_29 = tpu.memref_slice %arg4[%add3A_26, %dma_start3A_27, %dma_start3A_28] : memref<4096x200x64xf32, #tpu.memory_space<hbm>> -> memref<1x200x64xf32, #tpu.memory_space<hbm>>
    %dma_start3A_30 = tpu.memref_squeeze %dma_start3A_29 : memref<1x200x64xf32, #tpu.memory_space<hbm>> -> memref<200x64xf32, #tpu.memory_space<hbm>>
    %dma_start3A_31 = arith.constant 0 : i32
    %dma_start3A_32 = arith.constant 0 : i32
    %dma_start3A_33 = tpu.memref_slice %arg4[%add3A_26, %dma_start3A_31, %dma_start3A_32] : memref<4096x200x64xf32, #tpu.memory_space<hbm>> -> memref<1x200x64xf32, #tpu.memory_space<hbm>>
    %dma_start3A_34 = tpu.memref_squeeze %dma_start3A_33 : memref<1x200x64xf32, #tpu.memory_space<hbm>> -> memref<200x64xf32, #tpu.memory_space<hbm>>
    tpu.enqueue_dma source(%arg8 : memref<200x64xf32, #tpu.memory_space<vmem>>) target(%dma_start3A_34 : memref<200x64xf32, #tpu.memory_space<hbm>>) target_semaphore(%arg12 : memref<!tpu.dma_semaphore, #tpu.memory_space<semaphore_mem>>)
    %dma_start3A_35 = arith.constant 2 : i32
    %dma_start3A_36 = arith.constant 0 : i32
    %dma_start3A_37 = tpu.memref_slice %arg5[%dma_start3A_35, %dma_start3A_36] : memref<128x200xi32, #tpu.memory_space<vmem>> -> memref<1x200xi32, #tpu.memory_space<vmem>>
    %dma_start3A_38 = tpu.memref_squeeze %dma_start3A_37 : memref<1x200xi32, #tpu.memory_space<vmem>> -> memref<200xi32, #tpu.memory_space<vmem>>
    %dma_start3A_39 = arith.constant 0 : i32
    %dma_start3A_40 = arith.constant 0 : i32
    %dma_start3A_41 = tpu.memref_slice %arg2[%dma_start3A_39, %dma_start3A_40] : memref<1000000x64xf32, #tpu.memory_space<hbm>> -> memref<1000000x64xf32, #tpu.memory_space<hbm>>
    tpu.enqueue_indirect_dma source(%dma_start3A_41 : memref<1000000x64xf32, #tpu.memory_space<hbm>>) target(%arg6 : memref<200x64xf32, #tpu.memory_space<vmem>>) offsets(%dma_start3A_38 : memref<200xi32, #tpu.memory_space<vmem>>) semaphore(%arg10 : memref<!tpu.dma_semaphore, #tpu.memory_space<semaphore_mem>>)
    %dma_wait3A_42 = arith.constant 0 : i32
    %dma_wait3A_43 = arith.constant 0 : i32
    %dma_wait3A_44 = tpu.memref_slice %arg2[%dma_wait3A_42, %dma_wait3A_43] : memref<1000000x64xf32, #tpu.memory_space<hbm>> -> memref<200x64xf32, #tpu.memory_space<hbm>>
    %dma_wait3A_45 = arith.constant 0 : i32
    %dma_wait3A_46 = arith.constant 0 : i32
    %dma_wait3A_47 = tpu.memref_slice %arg2[%dma_wait3A_45, %dma_wait3A_46] : memref<1000000x64xf32, #tpu.memory_space<hbm>> -> memref<200x64xf32, #tpu.memory_space<hbm>>
    tpu.wait_dma2 semaphore(%arg11 : memref<!tpu.dma_semaphore, #tpu.memory_space<semaphore_mem>>) src(%dma_wait3A_47 : memref<200x64xf32, #tpu.memory_space<hbm>>) dst(%arg7 : memref<200x64xf32, #tpu.memory_space<vmem>>)
    %scan3A_48 = arith.constant 0 : i32
    %scan3A_49 = arith.constant 25 : i32
    %scan3A_50 = arith.addi %scan3A_48, %scan3A_49 : i32
    %scan3A_51 = arith.constant 1 : i32
    scf.for %scan3A_149 = %scan3A_48 to %scan3A_50 step %scan3A_51  : i32 {
      %mul3A_150 = arith.constant 8 : i32
      %mul3A_151 = arith.muli %scan3A_149, %mul3A_150 : i32
      %add3A_152 = arith.constant 0 : i32
      %add3A_153 = arith.addi %add3A_152, %mul3A_151 : i32
      %add3A_154 = arith.constant 0 : i32
      %add3A_155 = arith.addi %add3A_153, %add3A_154 : i32
      %get3A = arith.index_cast %add3A_155 : i32 to index
      %get3A_156 = arith.constant 0 : index
      %get3A_157 = tpu.vector_load %arg7[%get3A, %get3A_156] {strides = array<i32>} : memref<200x64xf32, #tpu.memory_space<vmem>>, vector<1x16xf32>,
      %get3A_158 = vector.shape_cast %get3A_157 : vector<1x16xf32> to vector<16xf32>
      %mul3A_159 = arith.constant 8.000000e+00 : f32
      %mul3A_160 = vector.broadcast %mul3A_159 : f32 to vector<16xf32>
      %mul3A_161 = arith.mulf %get3A_158, %mul3A_160 : vector<16xf32>
      %swap3A = arith.index_cast %add3A_155 : i32 to index
      %swap3A_162 = arith.constant 0 : index
      %swap3A_163 = tpu.vector_load %arg9[%swap3A, %swap3A_162] {strides = array<i32>} : memref<200x64xf32, #tpu.memory_space<vmem>>, vector<1x16xf32>,
      %swap3A_164 = vector.shape_cast %swap3A_163 : vector<1x16xf32> to vector<16xf32>
      %swap3A_165 = vector.shape_cast %mul3A_161 : vector<16xf32> to vector<1x16xf32>
      tpu.vector_store %arg9[%swap3A, %swap3A_162], %swap3A_165 {strides = array<i32>} : memref<200x64xf32, #tpu.memory_space<vmem>>, vector<1x16xf32>,
      %get3A_166 = arith.index_cast %add3A_155 : i32 to index
      %get3A_167 = arith.constant 16 : index
      %get3A_168 = tpu.vector_load %arg7[%get3A_166, %get3A_167] {strides = array<i32>} : memref<200x64xf32, #tpu.memory_space<vmem>>, vector<1x16xf32>,
      %get3A_169 = vector.shape_cast %get3A_168 : vector<1x16xf32> to vector<16xf32>
      %mul3A_170 = arith.constant 8.000000e+00 : f32
      %mul3A_171 = vector.broadcast %mul3A_170 : f32 to vector<16xf32>
      %mul3A_172 = arith.mulf %get3A_169, %mul3A_171 : vector<16xf32>
      %swap3A_173 = arith.index_cast %add3A_155 : i32 to index
      %swap3A_174 = arith.constant 16 : index
      %swap3A_175 = tpu.vector_load %arg9[%swap3A_173, %swap3A_174] {strides = array<i32>} : memref<200x64xf32, #tpu.memory_space<vmem>>, vector<1x16xf32>,
      %swap3A_176 = vector.shape_cast %swap3A_175 : vector<1x16xf32> to vector<16xf32>
      %swap3A_177 = vector.shape_cast %mul3A_172 : vector<16xf32> to vector<1x16xf32>
      tpu.vector_store %arg9[%swap3A_173, %swap3A_174], %swap3A_177 {strides = array<i32>} : memref<200x64xf32, #tpu.memory_space<vmem>>, vector<1x16xf32>,
      %get3A_178 = arith.index_cast %add3A_155 : i32 to index
      %get3A_179 = arith.constant 32 : index
      %get3A_180 = tpu.vector_load %arg7[%get3A_178, %get3A_179] {strides = array<i32>} : memref<200x64xf32, #tpu.memory_space<vmem>>, vector<1x16xf32>,
      %get3A_181 = vector.shape_cast %get3A_180 : vector<1x16xf32> to vector<16xf32>
      %mul3A_182 = arith.constant 8.000000e+00 : f32
      %mul3A_183 = vector.broadcast %mul3A_182 : f32 to vector<16xf32>
      %mul3A_184 = arith.mulf %get3A_181, %mul3A_183 : vector<16xf32>
      %swap3A_185 = arith.index_cast %add3A_155 : i32 to index
      %swap3A_186 = arith.constant 32 : index
      %swap3A_187 = tpu.vector_load %arg9[%swap3A_185, %swap3A_186] {strides = array<i32>} : memref<200x64xf32, #tpu.memory_space<vmem>>, vector<1x16xf32>,
      %swap3A_188 = vector.shape_cast %swap3A_187 : vector<1x16xf32> to vector<16xf32>
      %swap3A_189 = vector.shape_cast %mul3A_184 : vector<16xf32> to vector<1x16xf32>
      tpu.vector_store %arg9[%swap3A_185, %swap3A_186], %swap3A_189 {strides = array<i32>} : memref<200x64xf32, #tpu.memory_space<vmem>>, vector<1x16xf32>,
      %get3A_190 = arith.index_cast %add3A_155 : i32 to index
      %get3A_191 = arith.constant 48 : index
      %get3A_192 = tpu.vector_load %arg7[%get3A_190, %get3A_191] {strides = array<i32>} : memref<200x64xf32, #tpu.memory_space<vmem>>, vector<1x16xf32>,
      %get3A_193 = vector.shape_cast %get3A_192 : vector<1x16xf32> to vector<16xf32>
      %mul3A_194 = arith.constant 8.000000e+00 : f32
      %mul3A_195 = vector.broadcast %mul3A_194 : f32 to vector<16xf32>
      %mul3A_196 = arith.mulf %get3A_193, %mul3A_195 : vector<16xf32>
      %swap3A_197 = arith.index_cast %add3A_155 : i32 to index
      %swap3A_198 = arith.constant 48 : index
      %swap3A_199 = tpu.vector_load %arg9[%swap3A_197, %swap3A_198] {strides = array<i32>} : memref<200x64xf32, #tpu.memory_space<vmem>>, vector<1x16xf32>,
      %swap3A_200 = vector.shape_cast %swap3A_199 : vector<1x16xf32> to vector<16xf32>
      %swap3A_201 = vector.shape_cast %mul3A_196 : vector<16xf32> to vector<1x16xf32>
      tpu.vector_store %arg9[%swap3A_197, %swap3A_198], %swap3A_201 {strides = array<i32>} : memref<200x64xf32, #tpu.memory_space<vmem>>, vector<1x16xf32>,
      %add3A_202 = arith.constant 1 : i32
      %add3A_203 = arith.addi %add3A_153, %add3A_202 : i32
      %get3A_204 = arith.index_cast %add3A_203 : i32 to index
      %get3A_205 = arith.constant 0 : index
      %get3A_206 = tpu.vector_load %arg7[%get3A_204, %get3A_205] {strides = array<i32>} : memref<200x64xf32, #tpu.memory_space<vmem>>, vector<1x16xf32>,
      %get3A_207 = vector.shape_cast %get3A_206 : vector<1x16xf32> to vector<16xf32>
      %mul3A_208 = arith.constant 8.000000e+00 : f32
      %mul3A_209 = vector.broadcast %mul3A_208 : f32 to vector<16xf32>
      %mul3A_210 = arith.mulf %get3A_207, %mul3A_209 : vector<16xf32>
      %swap3A_211 = arith.index_cast %add3A_203 : i32 to index
      %swap3A_212 = arith.constant 0 : index
      %swap3A_213 = tpu.vector_load %arg9[%swap3A_211, %swap3A_212] {strides = array<i32>} : memref<200x64xf32, #tpu.memory_space<vmem>>, vector<1x16xf32>,
      %swap3A_214 = vector.shape_cast %swap3A_213 : vector<1x16xf32> to vector<16xf32>
      %swap3A_215 = vector.shape_cast %mul3A_210 : vector<16xf32> to vector<1x16xf32>
      tpu.vector_store %arg9[%swap3A_211, %swap3A_212], %swap3A_215 {strides = array<i32>} : memref<200x64xf32, #tpu.memory_space<vmem>>, vector<1x16xf32>,
      %get3A_216 = arith.index_cast %add3A_203 : i32 to index
      %get3A_217 = arith.constant 16 : index
      %get3A_218 = tpu.vector_load %arg7[%get3A_216, %get3A_217] {strides = array<i32>} : memref<200x64xf32, #tpu.memory_space<vmem>>, vector<1x16xf32>,
      %get3A_219 = vector.shape_cast %get3A_218 : vector<1x16xf32> to vector<16xf32>
      %mul3A_220 = arith.constant 8.000000e+00 : f32
      %mul3A_221 = vector.broadcast %mul3A_220 : f32 to vector<16xf32>
      %mul3A_222 = arith.mulf %get3A_219, %mul3A_221 : vector<16xf32>
      %swap3A_223 = arith.index_cast %add3A_203 : i32 to index
      %swap3A_224 = arith.constant 16 : index
      %swap3A_225 = tpu.vector_load %arg9[%swap3A_223, %swap3A_224] {strides = array<i32>} : memref<200x64xf32, #tpu.memory_space<vmem>>, vector<1x16xf32>,
      %swap3A_226 = vector.shape_cast %swap3A_225 : vector<1x16xf32> to vector<16xf32>
      %swap3A_227 = vector.shape_cast %mul3A_222 : vector<16xf32> to vector<1x16xf32>
      tpu.vector_store %arg9[%swap3A_223, %swap3A_224], %swap3A_227 {strides = array<i32>} : memref<200x64xf32, #tpu.memory_space<vmem>>, vector<1x16xf32>,
      %get3A_228 = arith.index_cast %add3A_203 : i32 to index
      %get3A_229 = arith.constant 32 : index
      %get3A_230 = tpu.vector_load %arg7[%get3A_228, %get3A_229] {strides = array<i32>} : memref<200x64xf32, #tpu.memory_space<vmem>>, vector<1x16xf32>,
      %get3A_231 = vector.shape_cast %get3A_230 : vector<1x16xf32> to vector<16xf32>
      %mul3A_232 = arith.constant 8.000000e+00 : f32
      %mul3A_233 = vector.broadcast %mul3A_232 : f32 to vector<16xf32>
      %mul3A_234 = arith.mulf %get3A_231, %mul3A_233 : vector<16xf32>
      %swap3A_235 = arith.index_cast %add3A_203 : i32 to index
      %swap3A_236 = arith.constant 32 : index
      %swap3A_237 = tpu.vector_load %arg9[%swap3A_235, %swap3A_236] {strides = array<i32>} : memref<200x64xf32, #tpu.memory_space<vmem>>, vector<1x16xf32>,
      %swap3A_238 = vector.shape_cast %swap3A_237 : vector<1x16xf32> to vector<16xf32>
      %swap3A_239 = vector.shape_cast %mul3A_234 : vector<16xf32> to vector<1x16xf32>
      tpu.vector_store %arg9[%swap3A_235, %swap3A_236], %swap3A_239 {strides = array<i32>} : memref<200x64xf32, #tpu.memory_space<vmem>>, vector<1x16xf32>,
      %get3A_240 = arith.index_cast %add3A_203 : i32 to index
      %get3A_241 = arith.constant 48 : index
      %get3A_242 = tpu.vector_load %arg7[%get3A_240, %get3A_241] {strides = array<i32>} : memref<200x64xf32, #tpu.memory_space<vmem>>, vector<1x16xf32>,
      %get3A_243 = vector.shape_cast %get3A_242 : vector<1x16xf32> to vector<16xf32>
      %mul3A_244 = arith.constant 8.000000e+00 : f32
      %mul3A_245 = vector.broadcast %mul3A_244 : f32 to vector<16xf32>
      %mul3A_246 = arith.mulf %get3A_243, %mul3A_245 : vector<16xf32>
      %swap3A_247 = arith.index_cast %add3A_203 : i32 to index
      %swap3A_248 = arith.constant 48 : index
      %swap3A_249 = tpu.vector_load %arg9[%swap3A_247, %swap3A_248] {strides = array<i32>} : memref<200x64xf32, #tpu.memory_space<vmem>>, vector<1x16xf32>,
      %swap3A_250 = vector.shape_cast %swap3A_249 : vector<1x16xf32> to vector<16xf32>
      %swap3A_251 = vector.shape_cast %mul3A_246 : vector<16xf32> to vector<1x16xf32>
      tpu.vector_store %arg9[%swap3A_247, %swap3A_248], %swap3A_251 {strides = array<i32>} : memref<200x64xf32, #tpu.memory_space<vmem>>, vector<1x16xf32>,
      %add3A_252 = arith.constant 2 : i32
      %add3A_253 = arith.addi %add3A_153, %add3A_252 : i32
      %get3A_254 = arith.index_cast %add3A_253 : i32 to index
      %get3A_255 = arith.constant 0 : index
      %get3A_256 = tpu.vector_load %arg7[%get3A_254, %get3A_255] {strides = array<i32>} : memref<200x64xf32, #tpu.memory_space<vmem>>, vector<1x16xf32>,
      %get3A_257 = vector.shape_cast %get3A_256 : vector<1x16xf32> to vector<16xf32>
      %mul3A_258 = arith.constant 8.000000e+00 : f32
      %mul3A_259 = vector.broadcast %mul3A_258 : f32 to vector<16xf32>
      %mul3A_260 = arith.mulf %get3A_257, %mul3A_259 : vector<16xf32>
      %swap3A_261 = arith.index_cast %add3A_253 : i32 to index
      %swap3A_262 = arith.constant 0 : index
      %swap3A_263 = tpu.vector_load %arg9[%swap3A_261, %swap3A_262] {strides = array<i32>} : memref<200x64xf32, #tpu.memory_space<vmem>>, vector<1x16xf32>,
      %swap3A_264 = vector.shape_cast %swap3A_263 : vector<1x16xf32> to vector<16xf32>
      %swap3A_265 = vector.shape_cast %mul3A_260 : vector<16xf32> to vector<1x16xf32>
      tpu.vector_store %arg9[%swap3A_261, %swap3A_262], %swap3A_265 {strides = array<i32>} : memref<200x64xf32, #tpu.memory_space<vmem>>, vector<1x16xf32>,
      %get3A_266 = arith.index_cast %add3A_253 : i32 to index
      %get3A_267 = arith.constant 16 : index
      %get3A_268 = tpu.vector_load %arg7[%get3A_266, %get3A_267] {strides = array<i32>} : memref<200x64xf32, #tpu.memory_space<vmem>>, vector<1x16xf32>,
      %get3A_269 = vector.shape_cast %get3A_268 : vector<1x16xf32> to vector<16xf32>
      %mul3A_270 = arith.constant 8.000000e+00 : f32
      %mul3A_271 = vector.broadcast %mul3A_270 : f32 to vector<16xf32>
      %mul3A_272 = arith.mulf %get3A_269, %mul3A_271 : vector<16xf32>
      %swap3A_273 = arith.index_cast %add3A_253 : i32 to index
      %swap3A_274 = arith.constant 16 : index
      %swap3A_275 = tpu.vector_load %arg9[%swap3A_273, %swap3A_274] {strides = array<i32>} : memref<200x64xf32, #tpu.memory_space<vmem>>, vector<1x16xf32>,
      %swap3A_276 = vector.shape_cast %swap3A_275 : vector<1x16xf32> to vector<16xf32>
      %swap3A_277 = vector.shape_cast %mul3A_272 : vector<16xf32> to vector<1x16xf32>
      tpu.vector_store %arg9[%swap3A_273, %swap3A_274], %swap3A_277 {strides = array<i32>} : memref<200x64xf32, #tpu.memory_space<vmem>>, vector<1x16xf32>,
      %get3A_278 = arith.index_cast %add3A_253 : i32 to index
      %get3A_279 = arith.constant 32 : index
      %get3A_280 = tpu.vector_load %arg7[%get3A_278, %get3A_279] {strides = array<i32>} : memref<200x64xf32, #tpu.memory_space<vmem>>, vector<1x16xf32>,
      %get3A_281 = vector.shape_cast %get3A_280 : vector<1x16xf32> to vector<16xf32>
      %mul3A_282 = arith.constant 8.000000e+00 : f32
      %mul3A_283 = vector.broadcast %mul3A_282 : f32 to vector<16xf32>
      %mul3A_284 = arith.mulf %get3A_281, %mul3A_283 : vector<16xf32>
      %swap3A_285 = arith.index_cast %add3A_253 : i32 to index
      %swap3A_286 = arith.constant 32 : index
      %swap3A_287 = tpu.vector_load %arg9[%swap3A_285, %swap3A_286] {strides = array<i32>} : memref<200x64xf32, #tpu.memory_space<vmem>>, vector<1x16xf32>,
      %swap3A_288 = vector.shape_cast %swap3A_287 : vector<1x16xf32> to vector<16xf32>
      %swap3A_289 = vector.shape_cast %mul3A_284 : vector<16xf32> to vector<1x16xf32>
      tpu.vector_store %arg9[%swap3A_285, %swap3A_286], %swap3A_289 {strides = array<i32>} : memref<200x64xf32, #tpu.memory_space<vmem>>, vector<1x16xf32>,
      %get3A_290 = arith.index_cast %add3A_253 : i32 to index
      %get3A_291 = arith.constant 48 : index
      %get3A_292 = tpu.vector_load %arg7[%get3A_290, %get3A_291] {strides = array<i32>} : memref<200x64xf32, #tpu.memory_space<vmem>>, vector<1x16xf32>,
      %get3A_293 = vector.shape_cast %get3A_292 : vector<1x16xf32> to vector<16xf32>
      %mul3A_294 = arith.constant 8.000000e+00 : f32
      %mul3A_295 = vector.broadcast %mul3A_294 : f32 to vector<16xf32>
      %mul3A_296 = arith.mulf %get3A_293, %mul3A_295 : vector<16xf32>
      %swap3A_297 = arith.index_cast %add3A_253 : i32 to index
      %swap3A_298 = arith.constant 48 : index
      %swap3A_299 = tpu.vector_load %arg9[%swap3A_297, %swap3A_298] {strides = array<i32>} : memref<200x64xf32, #tpu.memory_space<vmem>>, vector<1x16xf32>,
      %swap3A_300 = vector.shape_cast %swap3A_299 : vector<1x16xf32> to vector<16xf32>
      %swap3A_301 = vector.shape_cast %mul3A_296 : vector<16xf32> to vector<1x16xf32>
      tpu.vector_store %arg9[%swap3A_297, %swap3A_298], %swap3A_301 {strides = array<i32>} : memref<200x64xf32, #tpu.memory_space<vmem>>, vector<1x16xf32>,
      %add3A_302 = arith.constant 3 : i32
      %add3A_303 = arith.addi %add3A_153, %add3A_302 : i32
      %get3A_304 = arith.index_cast %add3A_303 : i32 to index
      %get3A_305 = arith.constant 0 : index
      %get3A_306 = tpu.vector_load %arg7[%get3A_304, %get3A_305] {strides = array<i32>} : memref<200x64xf32, #tpu.memory_space<vmem>>, vector<1x16xf32>,
      %get3A_307 = vector.shape_cast %get3A_306 : vector<1x16xf32> to vector<16xf32>
      %mul3A_308 = arith.constant 8.000000e+00 : f32
      %mul3A_309 = vector.broadcast %mul3A_308 : f32 to vector<16xf32>
      %mul3A_310 = arith.mulf %get3A_307, %mul3A_309 : vector<16xf32>
      %swap3A_311 = arith.index_cast %add3A_303 : i32 to index
      %swap3A_312 = arith.constant 0 : index
      %swap3A_313 = tpu.vector_load %arg9[%swap3A_311, %swap3A_312] {strides = array<i32>} : memref<200x64xf32, #tpu.memory_space<vmem>>, vector<1x16xf32>,
      %swap3A_314 = vector.shape_cast %swap3A_313 : vector<1x16xf32> to vector<16xf32>
      %swap3A_315 = vector.shape_cast %mul3A_310 : vector<16xf32> to vector<1x16xf32>
      tpu.vector_store %arg9[%swap3A_311, %swap3A_312], %swap3A_315 {strides = array<i32>} : memref<200x64xf32, #tpu.memory_space<vmem>>, vector<1x16xf32>,
      %get3A_316 = arith.index_cast %add3A_303 : i32 to index
      %get3A_317 = arith.constant 16 : index
      %get3A_318 = tpu.vector_load %arg7[%get3A_316, %get3A_317] {strides = array<i32>} : memref<200x64xf32, #tpu.memory_space<vmem>>, vector<1x16xf32>,
      %get3A_319 = vector.shape_cast %get3A_318 : vector<1x16xf32> to vector<16xf32>
      %mul3A_320 = arith.constant 8.000000e+00 : f32
      %mul3A_321 = vector.broadcast %mul3A_320 : f32 to vector<16xf32>
      %mul3A_322 = arith.mulf %get3A_319, %mul3A_321 : vector<16xf32>
      %swap3A_323 = arith.index_cast %add3A_303 : i32 to index
      %swap3A_324 = arith.constant 16 : index
      %swap3A_325 = tpu.vector_load %arg9[%swap3A_323, %swap3A_324] {strides = array<i32>} : memref<200x64xf32, #tpu.memory_space<vmem>>, vector<1x16xf32>,
      %swap3A_326 = vector.shape_cast %swap3A_325 : vector<1x16xf32> to vector<16xf32>
      %swap3A_327 = vector.shape_cast %mul3A_322 : vector<16xf32> to vector<1x16xf32>
      tpu.vector_store %arg9[%swap3A_323, %swap3A_324], %swap3A_327 {strides = array<i32>} : memref<200x64xf32, #tpu.memory_space<vmem>>, vector<1x16xf32>,
      %get3A_328 = arith.index_cast %add3A_303 : i32 to index
      %get3A_329 = arith.constant 32 : index
      %get3A_330 = tpu.vector_load %arg7[%get3A_328, %get3A_329] {strides = array<i32>} : memref<200x64xf32, #tpu.memory_space<vmem>>, vector<1x16xf32>,
      %get3A_331 = vector.shape_cast %get3A_330 : vector<1x16xf32> to vector<16xf32>
      %mul3A_332 = arith.constant 8.000000e+00 : f32
      %mul3A_333 = vector.broadcast %mul3A_332 : f32 to vector<16xf32>
      %mul3A_334 = arith.mulf %get3A_331, %mul3A_333 : vector<16xf32>
      %swap3A_335 = arith.index_cast %add3A_303 : i32 to index
      %swap3A_336 = arith.constant 32 : index
      %swap3A_337 = tpu.vector_load %arg9[%swap3A_335, %swap3A_336] {strides = array<i32>} : memref<200x64xf32, #tpu.memory_space<vmem>>, vector<1x16xf32>,
      %swap3A_338 = vector.shape_cast %swap3A_337 : vector<1x16xf32> to vector<16xf32>
      %swap3A_339 = vector.shape_cast %mul3A_334 : vector<16xf32> to vector<1x16xf32>
      tpu.vector_store %arg9[%swap3A_335, %swap3A_336], %swap3A_339 {strides = array<i32>} : memref<200x64xf32, #tpu.memory_space<vmem>>, vector<1x16xf32>,
      %get3A_340 = arith.index_cast %add3A_303 : i32 to index
      %get3A_341 = arith.constant 48 : index
      %get3A_342 = tpu.vector_load %arg7[%get3A_340, %get3A_341] {strides = array<i32>} : memref<200x64xf32, #tpu.memory_space<vmem>>, vector<1x16xf32>,
      %get3A_343 = vector.shape_cast %get3A_342 : vector<1x16xf32> to vector<16xf32>
      %mul3A_344 = arith.constant 8.000000e+00 : f32
      %mul3A_345 = vector.broadcast %mul3A_344 : f32 to vector<16xf32>
      %mul3A_346 = arith.mulf %get3A_343, %mul3A_345 : vector<16xf32>
      %swap3A_347 = arith.index_cast %add3A_303 : i32 to index
      %swap3A_348 = arith.constant 48 : index
      %swap3A_349 = tpu.vector_load %arg9[%swap3A_347, %swap3A_348] {strides = array<i32>} : memref<200x64xf32, #tpu.memory_space<vmem>>, vector<1x16xf32>,
      %swap3A_350 = vector.shape_cast %swap3A_349 : vector<1x16xf32> to vector<16xf32>
      %swap3A_351 = vector.shape_cast %mul3A_346 : vector<16xf32> to vector<1x16xf32>
      tpu.vector_store %arg9[%swap3A_347, %swap3A_348], %swap3A_351 {strides = array<i32>} : memref<200x64xf32, #tpu.memory_space<vmem>>, vector<1x16xf32>,
      %add3A_352 = arith.constant 4 : i32
      %add3A_353 = arith.addi %add3A_153, %add3A_352 : i32
      %get3A_354 = arith.index_cast %add3A_353 : i32 to index
      %get3A_355 = arith.constant 0 : index
      %get3A_356 = tpu.vector_load %arg7[%get3A_354, %get3A_355] {strides = array<i32>} : memref<200x64xf32, #tpu.memory_space<vmem>>, vector<1x16xf32>,
      %get3A_357 = vector.shape_cast %get3A_356 : vector<1x16xf32> to vector<16xf32>
      %mul3A_358 = arith.constant 8.000000e+00 : f32
      %mul3A_359 = vector.broadcast %mul3A_358 : f32 to vector<16xf32>
      %mul3A_360 = arith.mulf %get3A_357, %mul3A_359 : vector<16xf32>
      %swap3A_361 = arith.index_cast %add3A_353 : i32 to index
      %swap3A_362 = arith.constant 0 : index
      %swap3A_363 = tpu.vector_load %arg9[%swap3A_361, %swap3A_362] {strides = array<i32>} : memref<200x64xf32, #tpu.memory_space<vmem>>, vector<1x16xf32>,
      %swap3A_364 = vector.shape_cast %swap3A_363 : vector<1x16xf32> to vector<16xf32>
      %swap3A_365 = vector.shape_cast %mul3A_360 : vector<16xf32> to vector<1x16xf32>
      tpu.vector_store %arg9[%swap3A_361, %swap3A_362], %swap3A_365 {strides = array<i32>} : memref<200x64xf32, #tpu.memory_space<vmem>>, vector<1x16xf32>,
      %get3A_366 = arith.index_cast %add3A_353 : i32 to index
      %get3A_367 = arith.constant 16 : index
      %get3A_368 = tpu.vector_load %arg7[%get3A_366, %get3A_367] {strides = array<i32>} : memref<200x64xf32, #tpu.memory_space<vmem>>, vector<1x16xf32>,
      %get3A_369 = vector.shape_cast %get3A_368 : vector<1x16xf32> to vector<16xf32>
      %mul3A_370 = arith.constant 8.000000e+00 : f32
      %mul3A_371 = vector.broadcast %mul3A_370 : f32 to vector<16xf32>
      %mul3A_372 = arith.mulf %get3A_369, %mul3A_371 : vector<16xf32>
      %swap3A_373 = arith.index_cast %add3A_353 : i32 to index
      %swap3A_374 = arith.constant 16 : index
      %swap3A_375 = tpu.vector_load %arg9[%swap3A_373, %swap3A_374] {strides = array<i32>} : memref<200x64xf32, #tpu.memory_space<vmem>>, vector<1x16xf32>,
      %swap3A_376 = vector.shape_cast %swap3A_375 : vector<1x16xf32> to vector<16xf32>
      %swap3A_377 = vector.shape_cast %mul3A_372 : vector<16xf32> to vector<1x16xf32>
      tpu.vector_store %arg9[%swap3A_373, %swap3A_374], %swap3A_377 {strides = array<i32>} : memref<200x64xf32, #tpu.memory_space<vmem>>, vector<1x16xf32>,
      %get3A_378 = arith.index_cast %add3A_353 : i32 to index
      %get3A_379 = arith.constant 32 : index
      %get3A_380 = tpu.vector_load %arg7[%get3A_378, %get3A_379] {strides = array<i32>} : memref<200x64xf32, #tpu.memory_space<vmem>>, vector<1x16xf32>,
      %get3A_381 = vector.shape_cast %get3A_380 : vector<1x16xf32> to vector<16xf32>
      %mul3A_382 = arith.constant 8.000000e+00 : f32
      %mul3A_383 = vector.broadcast %mul3A_382 : f32 to vector<16xf32>
      %mul3A_384 = arith.mulf %get3A_381, %mul3A_383 : vector<16xf32>
      %swap3A_385 = arith.index_cast %add3A_353 : i32 to index
      %swap3A_386 = arith.constant 32 : index
      %swap3A_387 = tpu.vector_load %arg9[%swap3A_385, %swap3A_386] {strides = array<i32>} : memref<200x64xf32, #tpu.memory_space<vmem>>, vector<1x16xf32>,
      %swap3A_388 = vector.shape_cast %swap3A_387 : vector<1x16xf32> to vector<16xf32>
      %swap3A_389 = vector.shape_cast %mul3A_384 : vector<16xf32> to vector<1x16xf32>
      tpu.vector_store %arg9[%swap3A_385, %swap3A_386], %swap3A_389 {strides = array<i32>} : memref<200x64xf32, #tpu.memory_space<vmem>>, vector<1x16xf32>,
      %get3A_390 = arith.index_cast %add3A_353 : i32 to index
      %get3A_391 = arith.constant 48 : index
      %get3A_392 = tpu.vector_load %arg7[%get3A_390, %get3A_391] {strides = array<i32>} : memref<200x64xf32, #tpu.memory_space<vmem>>, vector<1x16xf32>,
      %get3A_393 = vector.shape_cast %get3A_392 : vector<1x16xf32> to vector<16xf32>
      %mul3A_394 = arith.constant 8.000000e+00 : f32
      %mul3A_395 = vector.broadcast %mul3A_394 : f32 to vector<16xf32>
      %mul3A_396 = arith.mulf %get3A_393, %mul3A_395 : vector<16xf32>
      %swap3A_397 = arith.index_cast %add3A_353 : i32 to index
      %swap3A_398 = arith.constant 48 : index
      %swap3A_399 = tpu.vector_load %arg9[%swap3A_397, %swap3A_398] {strides = array<i32>} : memref<200x64xf32, #tpu.memory_space<vmem>>, vector<1x16xf32>,
      %swap3A_400 = vector.shape_cast %swap3A_399 : vector<1x16xf32> to vector<16xf32>
      %swap3A_401 = vector.shape_cast %mul3A_396 : vector<16xf32> to vector<1x16xf32>
      tpu.vector_store %arg9[%swap3A_397, %swap3A_398], %swap3A_401 {strides = array<i32>} : memref<200x64xf32, #tpu.memory_space<vmem>>, vector<1x16xf32>,
      %add3A_402 = arith.constant 5 : i32
      %add3A_403 = arith.addi %add3A_153, %add3A_402 : i32
      %get3A_404 = arith.index_cast %add3A_403 : i32 to index
      %get3A_405 = arith.constant 0 : index
      %get3A_406 = tpu.vector_load %arg7[%get3A_404, %get3A_405] {strides = array<i32>} : memref<200x64xf32, #tpu.memory_space<vmem>>, vector<1x16xf32>,
      %get3A_407 = vector.shape_cast %get3A_406 : vector<1x16xf32> to vector<16xf32>
      %mul3A_408 = arith.constant 8.000000e+00 : f32
      %mul3A_409 = vector.broadcast %mul3A_408 : f32 to vector<16xf32>
      %mul3A_410 = arith.mulf %get3A_407, %mul3A_409 : vector<16xf32>
      %swap3A_411 = arith.index_cast %add3A_403 : i32 to index
      %swap3A_412 = arith.constant 0 : index
      %swap3A_413 = tpu.vector_load %arg9[%swap3A_411, %swap3A_412] {strides = array<i32>} : memref<200x64xf32, #tpu.memory_space<vmem>>, vector<1x16xf32>,
      %swap3A_414 = vector.shape_cast %swap3A_413 : vector<1x16xf32> to vector<16xf32>
      %swap3A_415 = vector.shape_cast %mul3A_410 : vector<16xf32> to vector<1x16xf32>
      tpu.vector_store %arg9[%swap3A_411, %swap3A_412], %swap3A_415 {strides = array<i32>} : memref<200x64xf32, #tpu.memory_space<vmem>>, vector<1x16xf32>,
      %get3A_416 = arith.index_cast %add3A_403 : i32 to index
      %get3A_417 = arith.constant 16 : index
      %get3A_418 = tpu.vector_load %arg7[%get3A_416, %get3A_417] {strides = array<i32>} : memref<200x64xf32, #tpu.memory_space<vmem>>, vector<1x16xf32>,
      %get3A_419 = vector.shape_cast %get3A_418 : vector<1x16xf32> to vector<16xf32>
      %mul3A_420 = arith.constant 8.000000e+00 : f32
      %mul3A_421 = vector.broadcast %mul3A_420 : f32 to vector<16xf32>
      %mul3A_422 = arith.mulf %get3A_419, %mul3A_421 : vector<16xf32>
      %swap3A_423 = arith.index_cast %add3A_403 : i32 to index
      %swap3A_424 = arith.constant 16 : index
      %swap3A_425 = tpu.vector_load %arg9[%swap3A_423, %swap3A_424] {strides = array<i32>} : memref<200x64xf32, #tpu.memory_space<vmem>>, vector<1x16xf32>,
      %swap3A_426 = vector.shape_cast %swap3A_425 : vector<1x16xf32> to vector<16xf32>
      %swap3A_427 = vector.shape_cast %mul3A_422 : vector<16xf32> to vector<1x16xf32>
      tpu.vector_store %arg9[%swap3A_423, %swap3A_424], %swap3A_427 {strides = array<i32>} : memref<200x64xf32, #tpu.memory_space<vmem>>, vector<1x16xf32>,
      %get3A_428 = arith.index_cast %add3A_403 : i32 to index
      %get3A_429 = arith.constant 32 : index
      %get3A_430 = tpu.vector_load %arg7[%get3A_428, %get3A_429] {strides = array<i32>} : memref<200x64xf32, #tpu.memory_space<vmem>>, vector<1x16xf32>,
      %get3A_431 = vector.shape_cast %get3A_430 : vector<1x16xf32> to vector<16xf32>
      %mul3A_432 = arith.constant 8.000000e+00 : f32
      %mul3A_433 = vector.broadcast %mul3A_432 : f32 to vector<16xf32>
      %mul3A_434 = arith.mulf %get3A_431, %mul3A_433 : vector<16xf32>
      %swap3A_435 = arith.index_cast %add3A_403 : i32 to index
      %swap3A_436 = arith.constant 32 : index
      %swap3A_437 = tpu.vector_load %arg9[%swap3A_435, %swap3A_436] {strides = array<i32>} : memref<200x64xf32, #tpu.memory_space<vmem>>, vector<1x16xf32>,
      %swap3A_438 = vector.shape_cast %swap3A_437 : vector<1x16xf32> to vector<16xf32>
      %swap3A_439 = vector.shape_cast %mul3A_434 : vector<16xf32> to vector<1x16xf32>
      tpu.vector_store %arg9[%swap3A_435, %swap3A_436], %swap3A_439 {strides = array<i32>} : memref<200x64xf32, #tpu.memory_space<vmem>>, vector<1x16xf32>,
      %get3A_440 = arith.index_cast %add3A_403 : i32 to index
      %get3A_441 = arith.constant 48 : index
      %get3A_442 = tpu.vector_load %arg7[%get3A_440, %get3A_441] {strides = array<i32>} : memref<200x64xf32, #tpu.memory_space<vmem>>, vector<1x16xf32>,
      %get3A_443 = vector.shape_cast %get3A_442 : vector<1x16xf32> to vector<16xf32>
      %mul3A_444 = arith.constant 8.000000e+00 : f32
      %mul3A_445 = vector.broadcast %mul3A_444 : f32 to vector<16xf32>
      %mul3A_446 = arith.mulf %get3A_443, %mul3A_445 : vector<16xf32>
      %swap3A_447 = arith.index_cast %add3A_403 : i32 to index
      %swap3A_448 = arith.constant 48 : index
      %swap3A_449 = tpu.vector_load %arg9[%swap3A_447, %swap3A_448] {strides = array<i32>} : memref<200x64xf32, #tpu.memory_space<vmem>>, vector<1x16xf32>,
      %swap3A_450 = vector.shape_cast %swap3A_449 : vector<1x16xf32> to vector<16xf32>
      %swap3A_451 = vector.shape_cast %mul3A_446 : vector<16xf32> to vector<1x16xf32>
      tpu.vector_store %arg9[%swap3A_447, %swap3A_448], %swap3A_451 {strides = array<i32>} : memref<200x64xf32, #tpu.memory_space<vmem>>, vector<1x16xf32>,
      %add3A_452 = arith.constant 6 : i32
      %add3A_453 = arith.addi %add3A_153, %add3A_452 : i32
      %get3A_454 = arith.index_cast %add3A_453 : i32 to index
      %get3A_455 = arith.constant 0 : index
      %get3A_456 = tpu.vector_load %arg7[%get3A_454, %get3A_455] {strides = array<i32>} : memref<200x64xf32, #tpu.memory_space<vmem>>, vector<1x16xf32>,
      %get3A_457 = vector.shape_cast %get3A_456 : vector<1x16xf32> to vector<16xf32>
      %mul3A_458 = arith.constant 8.000000e+00 : f32
      %mul3A_459 = vector.broadcast %mul3A_458 : f32 to vector<16xf32>
      %mul3A_460 = arith.mulf %get3A_457, %mul3A_459 : vector<16xf32>
      %swap3A_461 = arith.index_cast %add3A_453 : i32 to index
      %swap3A_462 = arith.constant 0 : index
      %swap3A_463 = tpu.vector_load %arg9[%swap3A_461, %swap3A_462] {strides = array<i32>} : memref<200x64xf32, #tpu.memory_space<vmem>>, vector<1x16xf32>,
      %swap3A_464 = vector.shape_cast %swap3A_463 : vector<1x16xf32> to vector<16xf32>
      %swap3A_465 = vector.shape_cast %mul3A_460 : vector<16xf32> to vector<1x16xf32>
      tpu.vector_store %arg9[%swap3A_461, %swap3A_462], %swap3A_465 {strides = array<i32>} : memref<200x64xf32, #tpu.memory_space<vmem>>, vector<1x16xf32>,
      %get3A_466 = arith.index_cast %add3A_453 : i32 to index
      %get3A_467 = arith.constant 16 : index
      %get3A_468 = tpu.vector_load %arg7[%get3A_466, %get3A_467] {strides = array<i32>} : memref<200x64xf32, #tpu.memory_space<vmem>>, vector<1x16xf32>,
      %get3A_469 = vector.shape_cast %get3A_468 : vector<1x16xf32> to vector<16xf32>
      %mul3A_470 = arith.constant 8.000000e+00 : f32
      %mul3A_471 = vector.broadcast %mul3A_470 : f32 to vector<16xf32>
      %mul3A_472 = arith.mulf %get3A_469, %mul3A_471 : vector<16xf32>
      %swap3A_473 = arith.index_cast %add3A_453 : i32 to index
      %swap3A_474 = arith.constant 16 : index
      %swap3A_475 = tpu.vector_load %arg9[%swap3A_473, %swap3A_474] {strides = array<i32>} : memref<200x64xf32, #tpu.memory_space<vmem>>, vector<1x16xf32>,
      %swap3A_476 = vector.shape_cast %swap3A_475 : vector<1x16xf32> to vector<16xf32>
      %swap3A_477 = vector.shape_cast %mul3A_472 : vector<16xf32> to vector<1x16xf32>
      tpu.vector_store %arg9[%swap3A_473, %swap3A_474], %swap3A_477 {strides = array<i32>} : memref<200x64xf32, #tpu.memory_space<vmem>>, vector<1x16xf32>,
      %get3A_478 = arith.index_cast %add3A_453 : i32 to index
      %get3A_479 = arith.constant 32 : index
      %get3A_480 = tpu.vector_load %arg7[%get3A_478, %get3A_479] {strides = array<i32>} : memref<200x64xf32, #tpu.memory_space<vmem>>, vector<1x16xf32>,
      %get3A_481 = vector.shape_cast %get3A_480 : vector<1x16xf32> to vector<16xf32>
      %mul3A_482 = arith.constant 8.000000e+00 : f32
      %mul3A_483 = vector.broadcast %mul3A_482 : f32 to vector<16xf32>
      %mul3A_484 = arith.mulf %get3A_481, %mul3A_483 : vector<16xf32>
      %swap3A_485 = arith.index_cast %add3A_453 : i32 to index
      %swap3A_486 = arith.constant 32 : index
      %swap3A_487 = tpu.vector_load %arg9[%swap3A_485, %swap3A_486] {strides = array<i32>} : memref<200x64xf32, #tpu.memory_space<vmem>>, vector<1x16xf32>,
      %swap3A_488 = vector.shape_cast %swap3A_487 : vector<1x16xf32> to vector<16xf32>
      %swap3A_489 = vector.shape_cast %mul3A_484 : vector<16xf32> to vector<1x16xf32>
      tpu.vector_store %arg9[%swap3A_485, %swap3A_486], %swap3A_489 {strides = array<i32>} : memref<200x64xf32, #tpu.memory_space<vmem>>, vector<1x16xf32>,
      %get3A_490 = arith.index_cast %add3A_453 : i32 to index
      %get3A_491 = arith.constant 48 : index
      %get3A_492 = tpu.vector_load %arg7[%get3A_490, %get3A_491] {strides = array<i32>} : memref<200x64xf32, #tpu.memory_space<vmem>>, vector<1x16xf32>,
      %get3A_493 = vector.shape_cast %get3A_492 : vector<1x16xf32> to vector<16xf32>
      %mul3A_494 = arith.constant 8.000000e+00 : f32
      %mul3A_495 = vector.broadcast %mul3A_494 : f32 to vector<16xf32>
      %mul3A_496 = arith.mulf %get3A_493, %mul3A_495 : vector<16xf32>
      %swap3A_497 = arith.index_cast %add3A_453 : i32 to index
      %swap3A_498 = arith.constant 48 : index
      %swap3A_499 = tpu.vector_load %arg9[%swap3A_497, %swap3A_498] {strides = array<i32>} : memref<200x64xf32, #tpu.memory_space<vmem>>, vector<1x16xf32>,
      %swap3A_500 = vector.shape_cast %swap3A_499 : vector<1x16xf32> to vector<16xf32>
      %swap3A_501 = vector.shape_cast %mul3A_496 : vector<16xf32> to vector<1x16xf32>
      tpu.vector_store %arg9[%swap3A_497, %swap3A_498], %swap3A_501 {strides = array<i32>} : memref<200x64xf32, #tpu.memory_space<vmem>>, vector<1x16xf32>,
      %add3A_502 = arith.constant 7 : i32
      %add3A_503 = arith.addi %add3A_153, %add3A_502 : i32
      %get3A_504 = arith.index_cast %add3A_503 : i32 to index
      %get3A_505 = arith.constant 0 : index
      %get3A_506 = tpu.vector_load %arg7[%get3A_504, %get3A_505] {strides = array<i32>} : memref<200x64xf32, #tpu.memory_space<vmem>>, vector<1x16xf32>,
      %get3A_507 = vector.shape_cast %get3A_506 : vector<1x16xf32> to vector<16xf32>
      %mul3A_508 = arith.constant 8.000000e+00 : f32
      %mul3A_509 = vector.broadcast %mul3A_508 : f32 to vector<16xf32>
      %mul3A_510 = arith.mulf %get3A_507, %mul3A_509 : vector<16xf32>
      %swap3A_511 = arith.index_cast %add3A_503 : i32 to index
      %swap3A_512 = arith.constant 0 : index
      %swap3A_513 = tpu.vector_load %arg9[%swap3A_511, %swap3A_512] {strides = array<i32>} : memref<200x64xf32, #tpu.memory_space<vmem>>, vector<1x16xf32>,
      %swap3A_514 = vector.shape_cast %swap3A_513 : vector<1x16xf32> to vector<16xf32>
      %swap3A_515 = vector.shape_cast %mul3A_510 : vector<16xf32> to vector<1x16xf32>
      tpu.vector_store %arg9[%swap3A_511, %swap3A_512], %swap3A_515 {strides = array<i32>} : memref<200x64xf32, #tpu.memory_space<vmem>>, vector<1x16xf32>,
      %get3A_516 = arith.index_cast %add3A_503 : i32 to index
      %get3A_517 = arith.constant 16 : index
      %get3A_518 = tpu.vector_load %arg7[%get3A_516, %get3A_517] {strides = array<i32>} : memref<200x64xf32, #tpu.memory_space<vmem>>, vector<1x16xf32>,
      %get3A_519 = vector.shape_cast %get3A_518 : vector<1x16xf32> to vector<16xf32>
      %mul3A_520 = arith.constant 8.000000e+00 : f32
      %mul3A_521 = vector.broadcast %mul3A_520 : f32 to vector<16xf32>
      %mul3A_522 = arith.mulf %get3A_519, %mul3A_521 : vector<16xf32>
      %swap3A_523 = arith.index_cast %add3A_503 : i32 to index
      %swap3A_524 = arith.constant 16 : index
      %swap3A_525 = tpu.vector_load %arg9[%swap3A_523, %swap3A_524] {strides = array<i32>} : memref<200x64xf32, #tpu.memory_space<vmem>>, vector<1x16xf32>,
      %swap3A_526 = vector.shape_cast %swap3A_525 : vector<1x16xf32> to vector<16xf32>
      %swap3A_527 = vector.shape_cast %mul3A_522 : vector<16xf32> to vector<1x16xf32>
      tpu.vector_store %arg9[%swap3A_523, %swap3A_524], %swap3A_527 {strides = array<i32>} : memref<200x64xf32, #tpu.memory_space<vmem>>, vector<1x16xf32>,
      %get3A_528 = arith.index_cast %add3A_503 : i32 to index
      %get3A_529 = arith.constant 32 : index
      %get3A_530 = tpu.vector_load %arg7[%get3A_528, %get3A_529] {strides = array<i32>} : memref<200x64xf32, #tpu.memory_space<vmem>>, vector<1x16xf32>,
      %get3A_531 = vector.shape_cast %get3A_530 : vector<1x16xf32> to vector<16xf32>
      %mul3A_532 = arith.constant 8.000000e+00 : f32
      %mul3A_533 = vector.broadcast %mul3A_532 : f32 to vector<16xf32>
      %mul3A_534 = arith.mulf %get3A_531, %mul3A_533 : vector<16xf32>
      %swap3A_535 = arith.index_cast %add3A_503 : i32 to index
      %swap3A_536 = arith.constant 32 : index
      %swap3A_537 = tpu.vector_load %arg9[%swap3A_535, %swap3A_536] {strides = array<i32>} : memref<200x64xf32, #tpu.memory_space<vmem>>, vector<1x16xf32>,
      %swap3A_538 = vector.shape_cast %swap3A_537 : vector<1x16xf32> to vector<16xf32>
      %swap3A_539 = vector.shape_cast %mul3A_534 : vector<16xf32> to vector<1x16xf32>
      tpu.vector_store %arg9[%swap3A_535, %swap3A_536], %swap3A_539 {strides = array<i32>} : memref<200x64xf32, #tpu.memory_space<vmem>>, vector<1x16xf32>,
      %get3A_540 = arith.index_cast %add3A_503 : i32 to index
      %get3A_541 = arith.constant 48 : index
      %get3A_542 = tpu.vector_load %arg7[%get3A_540, %get3A_541] {strides = array<i32>} : memref<200x64xf32, #tpu.memory_space<vmem>>, vector<1x16xf32>,
      %get3A_543 = vector.shape_cast %get3A_542 : vector<1x16xf32> to vector<16xf32>
      %mul3A_544 = arith.constant 8.000000e+00 : f32
      %mul3A_545 = vector.broadcast %mul3A_544 : f32 to vector<16xf32>
      %mul3A_546 = arith.mulf %get3A_543, %mul3A_545 : vector<16xf32>
      %swap3A_547 = arith.index_cast %add3A_503 : i32 to index
      %swap3A_548 = arith.constant 48 : index
      %swap3A_549 = tpu.vector_load %arg9[%swap3A_547, %swap3A_548] {strides = array<i32>} : memref<200x64xf32, #tpu.memory_space<vmem>>, vector<1x16xf32>,
      %swap3A_550 = vector.shape_cast %swap3A_549 : vector<1x16xf32> to vector<16xf32>
      %swap3A_551 = vector.shape_cast %mul3A_546 : vector<16xf32> to vector<1x16xf32>
      tpu.vector_store %arg9[%swap3A_547, %swap3A_548], %swap3A_551 {strides = array<i32>} : memref<200x64xf32, #tpu.memory_space<vmem>>, vector<1x16xf32>,
    }
    %scan3A_52 = arith.constant 25 : i32
    %add3A_53 = arith.constant 1 : i32
    %add3A_54 = arith.addi %mul3A_2, %add3A_53 : i32
    %dma_start3A_55 = arith.constant 0 : i32
    %dma_start3A_56 = arith.constant 0 : i32
    %dma_start3A_57 = tpu.memref_slice %arg4[%add3A_54, %dma_start3A_55, %dma_start3A_56] : memref<4096x200x64xf32, #tpu.memory_space<hbm>> -> memref<1x200x64xf32, #tpu.memory_space<hbm>>
    %dma_start3A_58 = tpu.memref_squeeze %dma_start3A_57 : memref<1x200x64xf32, #tpu.memory_space<hbm>> -> memref<200x64xf32, #tpu.memory_space<hbm>>
    %dma_start3A_59 = arith.constant 0 : i32
    %dma_start3A_60 = arith.constant 0 : i32
    %dma_start3A_61 = tpu.memref_slice %arg4[%add3A_54, %dma_start3A_59, %dma_start3A_60] : memref<4096x200x64xf32, #tpu.memory_space<hbm>> -> memref<1x200x64xf32, #tpu.memory_space<hbm>>
    %dma_start3A_62 = tpu.memref_squeeze %dma_start3A_61 : memref<1x200x64xf32, #tpu.memory_space<hbm>> -> memref<200x64xf32, #tpu.memory_space<hbm>>
    tpu.enqueue_dma source(%arg9 : memref<200x64xf32, #tpu.memory_space<vmem>>) target(%dma_start3A_62 : memref<200x64xf32, #tpu.memory_space<hbm>>) target_semaphore(%arg13 : memref<!tpu.dma_semaphore, #tpu.memory_space<semaphore_mem>>)
    %dma_start3A_63 = arith.constant 3 : i32
    %dma_start3A_64 = arith.constant 0 : i32
    %dma_start3A_65 = tpu.memref_slice %arg5[%dma_start3A_63, %dma_start3A_64] : memref<128x200xi32, #tpu.memory_space<vmem>> -> memref<1x200xi32, #tpu.memory_space<vmem>>
    %dma_start3A_66 = tpu.memref_squeeze %dma_start3A_65 : memref<1x200xi32, #tpu.memory_space<vmem>> -> memref<200xi32, #tpu.memory_space<vmem>>
    %dma_start3A_67 = arith.constant 0 : i32
    %dma_start3A_68 = arith.constant 0 : i32
    %dma_start3A_69 = tpu.memref_slice %arg2[%dma_start3A_67, %dma_start3A_68] : memref<1000000x64xf32, #tpu.memory_space<hbm>> -> memref<1000000x64xf32, #tpu.memory_space<hbm>>
    tpu.enqueue_indirect_dma source(%dma_start3A_69 : memref<1000000x64xf32, #tpu.memory_space<hbm>>) target(%arg7 : memref<200x64xf32, #tpu.memory_space<vmem>>) offsets(%dma_start3A_66 : memref<200xi32, #tpu.memory_space<vmem>>) semaphore(%arg11 : memref<!tpu.dma_semaphore, #tpu.memory_space<semaphore_mem>>)
    %scan3A_70 = arith.constant 0 : i32
    %scan3A_71 = arith.constant 62 : i32
    %scan3A_72 = arith.addi %scan3A_70, %scan3A_71 : i32
    %scan3A_73 = arith.constant 1 : i32
    scf.for %scan3A_149 = %scan3A_70 to %scan3A_72 step %scan3A_73  : i32 {
      %mul3A_150 = arith.constant 2 : i32
      %mul3A_151 = arith.muli %scan3A_149, %mul3A_150 : i32
      %add3A_152 = arith.constant 2 : i32
      %add3A_153 = arith.addi %add3A_152, %mul3A_151 : i32
      %add3A_154 = arith.constant 0 : i32
      %add3A_155 = arith.addi %add3A_153, %add3A_154 : i32
      %dma_wait3A_156 = arith.constant 0 : i32
      %dma_wait3A_157 = arith.constant 0 : i32
      %dma_wait3A_158 = tpu.memref_slice %arg2[%dma_wait3A_156, %dma_wait3A_157] : memref<1000000x64xf32, #tpu.memory_space<hbm>> -> memref<200x64xf32, #tpu.memory_space<hbm>>
      %dma_wait3A_159 = arith.constant 0 : i32
      %dma_wait3A_160 = arith.constant 0 : i32
      %dma_wait3A_161 = tpu.memref_slice %arg2[%dma_wait3A_159, %dma_wait3A_160] : memref<1000000x64xf32, #tpu.memory_space<hbm>> -> memref<200x64xf32, #tpu.memory_space<hbm>>
      tpu.wait_dma2 semaphore(%arg10 : memref<!tpu.dma_semaphore, #tpu.memory_space<semaphore_mem>>) src(%dma_wait3A_161 : memref<200x64xf32, #tpu.memory_space<hbm>>) dst(%arg6 : memref<200x64xf32, #tpu.memory_space<vmem>>)
      %dma_wait3A_162 = arith.constant 0 : i32
      %dma_wait3A_163 = arith.constant 0 : i32
      %dma_wait3A_164 = tpu.memref_slice %arg4[%mul3A_2, %dma_wait3A_162, %dma_wait3A_163] : memref<4096x200x64xf32, #tpu.memory_space<hbm>> -> memref<1x200x64xf32, #tpu.memory_space<hbm>>
      %dma_wait3A_165 = tpu.memref_squeeze %dma_wait3A_164 : memref<1x200x64xf32, #tpu.memory_space<hbm>> -> memref<200x64xf32, #tpu.memory_space<hbm>>
      %dma_wait3A_166 = arith.constant 0 : i32
      %dma_wait3A_167 = arith.constant 0 : i32
      %dma_wait3A_168 = tpu.memref_slice %arg4[%mul3A_2, %dma_wait3A_166, %dma_wait3A_167] : memref<4096x200x64xf32, #tpu.memory_space<hbm>> -> memref<1x200x64xf32, #tpu.memory_space<hbm>>
      %dma_wait3A_169 = tpu.memref_squeeze %dma_wait3A_168 : memref<1x200x64xf32, #tpu.memory_space<hbm>> -> memref<200x64xf32, #tpu.memory_space<hbm>>
      tpu.wait_dma2 semaphore(%arg12 : memref<!tpu.dma_semaphore, #tpu.memory_space<semaphore_mem>>) src(%arg8 : memref<200x64xf32, #tpu.memory_space<vmem>>) dst(%dma_wait3A_169 : memref<200x64xf32, #tpu.memory_space<hbm>>)
      %scan3A_170 = arith.constant 0 : i32
      %scan3A_171 = arith.constant 25 : i32
      %scan3A_172 = arith.addi %scan3A_170, %scan3A_171 : i32
      %scan3A_173 = arith.constant 1 : i32
      scf.for %scan3A_230 = %scan3A_170 to %scan3A_172 step %scan3A_173  : i32 {
        %mul3A_231 = arith.constant 8 : i32
        %mul3A_232 = arith.muli %scan3A_230, %mul3A_231 : i32
        %add3A_233 = arith.constant 0 : i32
        %add3A_234 = arith.addi %add3A_233, %mul3A_232 : i32
        %add3A_235 = arith.constant 0 : i32
        %add3A_236 = arith.addi %add3A_234, %add3A_235 : i32
        %get3A = arith.index_cast %add3A_236 : i32 to index
        %get3A_237 = arith.constant 0 : index
        %get3A_238 = tpu.vector_load %arg6[%get3A, %get3A_237] {strides = array<i32>} : memref<200x64xf32, #tpu.memory_space<vmem>>, vector<1x16xf32>,
        %get3A_239 = vector.shape_cast %get3A_238 : vector<1x16xf32> to vector<16xf32>
        %mul3A_240 = arith.constant 8.000000e+00 : f32
        %mul3A_241 = vector.broadcast %mul3A_240 : f32 to vector<16xf32>
        %mul3A_242 = arith.mulf %get3A_239, %mul3A_241 : vector<16xf32>
        %swap3A = arith.index_cast %add3A_236 : i32 to index
        %swap3A_243 = arith.constant 0 : index
        %swap3A_244 = tpu.vector_load %arg8[%swap3A, %swap3A_243] {strides = array<i32>} : memref<200x64xf32, #tpu.memory_space<vmem>>, vector<1x16xf32>,
        %swap3A_245 = vector.shape_cast %swap3A_244 : vector<1x16xf32> to vector<16xf32>
        %swap3A_246 = vector.shape_cast %mul3A_242 : vector<16xf32> to vector<1x16xf32>
        tpu.vector_store %arg8[%swap3A, %swap3A_243], %swap3A_246 {strides = array<i32>} : memref<200x64xf32, #tpu.memory_space<vmem>>, vector<1x16xf32>,
        %get3A_247 = arith.index_cast %add3A_236 : i32 to index
        %get3A_248 = arith.constant 16 : index
        %get3A_249 = tpu.vector_load %arg6[%get3A_247, %get3A_248] {strides = array<i32>} : memref<200x64xf32, #tpu.memory_space<vmem>>, vector<1x16xf32>,
        %get3A_250 = vector.shape_cast %get3A_249 : vector<1x16xf32> to vector<16xf32>
        %mul3A_251 = arith.constant 8.000000e+00 : f32
        %mul3A_252 = vector.broadcast %mul3A_251 : f32 to vector<16xf32>
        %mul3A_253 = arith.mulf %get3A_250, %mul3A_252 : vector<16xf32>
        %swap3A_254 = arith.index_cast %add3A_236 : i32 to index
        %swap3A_255 = arith.constant 16 : index
        %swap3A_256 = tpu.vector_load %arg8[%swap3A_254, %swap3A_255] {strides = array<i32>} : memref<200x64xf32, #tpu.memory_space<vmem>>, vector<1x16xf32>,
        %swap3A_257 = vector.shape_cast %swap3A_256 : vector<1x16xf32> to vector<16xf32>
        %swap3A_258 = vector.shape_cast %mul3A_253 : vector<16xf32> to vector<1x16xf32>
        tpu.vector_store %arg8[%swap3A_254, %swap3A_255], %swap3A_258 {strides = array<i32>} : memref<200x64xf32, #tpu.memory_space<vmem>>, vector<1x16xf32>,
        %get3A_259 = arith.index_cast %add3A_236 : i32 to index
        %get3A_260 = arith.constant 32 : index
        %get3A_261 = tpu.vector_load %arg6[%get3A_259, %get3A_260] {strides = array<i32>} : memref<200x64xf32, #tpu.memory_space<vmem>>, vector<1x16xf32>,
        %get3A_262 = vector.shape_cast %get3A_261 : vector<1x16xf32> to vector<16xf32>
        %mul3A_263 = arith.constant 8.000000e+00 : f32
        %mul3A_264 = vector.broadcast %mul3A_263 : f32 to vector<16xf32>
        %mul3A_265 = arith.mulf %get3A_262, %mul3A_264 : vector<16xf32>
        %swap3A_266 = arith.index_cast %add3A_236 : i32 to index
        %swap3A_267 = arith.constant 32 : index
        %swap3A_268 = tpu.vector_load %arg8[%swap3A_266, %swap3A_267] {strides = array<i32>} : memref<200x64xf32, #tpu.memory_space<vmem>>, vector<1x16xf32>,
        %swap3A_269 = vector.shape_cast %swap3A_268 : vector<1x16xf32> to vector<16xf32>
        %swap3A_270 = vector.shape_cast %mul3A_265 : vector<16xf32> to vector<1x16xf32>
        tpu.vector_store %arg8[%swap3A_266, %swap3A_267], %swap3A_270 {strides = array<i32>} : memref<200x64xf32, #tpu.memory_space<vmem>>, vector<1x16xf32>,
        %get3A_271 = arith.index_cast %add3A_236 : i32 to index
        %get3A_272 = arith.constant 48 : index
        %get3A_273 = tpu.vector_load %arg6[%get3A_271, %get3A_272] {strides = array<i32>} : memref<200x64xf32, #tpu.memory_space<vmem>>, vector<1x16xf32>,
        %get3A_274 = vector.shape_cast %get3A_273 : vector<1x16xf32> to vector<16xf32>
        %mul3A_275 = arith.constant 8.000000e+00 : f32
        %mul3A_276 = vector.broadcast %mul3A_275 : f32 to vector<16xf32>
        %mul3A_277 = arith.mulf %get3A_274, %mul3A_276 : vector<16xf32>
        %swap3A_278 = arith.index_cast %add3A_236 : i32 to index
        %swap3A_279 = arith.constant 48 : index
        %swap3A_280 = tpu.vector_load %arg8[%swap3A_278, %swap3A_279] {strides = array<i32>} : memref<200x64xf32, #tpu.memory_space<vmem>>, vector<1x16xf32>,
        %swap3A_281 = vector.shape_cast %swap3A_280 : vector<1x16xf32> to vector<16xf32>
        %swap3A_282 = vector.shape_cast %mul3A_277 : vector<16xf32> to vector<1x16xf32>
        tpu.vector_store %arg8[%swap3A_278, %swap3A_279], %swap3A_282 {strides = array<i32>} : memref<200x64xf32, #tpu.memory_space<vmem>>, vector<1x16xf32>,
        %add3A_283 = arith.constant 1 : i32
        %add3A_284 = arith.addi %add3A_234, %add3A_283 : i32
        %get3A_285 = arith.index_cast %add3A_284 : i32 to index
        %get3A_286 = arith.constant 0 : index
        %get3A_287 = tpu.vector_load %arg6[%get3A_285, %get3A_286] {strides = array<i32>} : memref<200x64xf32, #tpu.memory_space<vmem>>, vector<1x16xf32>,
        %get3A_288 = vector.shape_cast %get3A_287 : vector<1x16xf32> to vector<16xf32>
        %mul3A_289 = arith.constant 8.000000e+00 : f32
        %mul3A_290 = vector.broadcast %mul3A_289 : f32 to vector<16xf32>
        %mul3A_291 = arith.mulf %get3A_288, %mul3A_290 : vector<16xf32>
        %swap3A_292 = arith.index_cast %add3A_284 : i32 to index
        %swap3A_293 = arith.constant 0 : index
        %swap3A_294 = tpu.vector_load %arg8[%swap3A_292, %swap3A_293] {strides = array<i32>} : memref<200x64xf32, #tpu.memory_space<vmem>>, vector<1x16xf32>,
        %swap3A_295 = vector.shape_cast %swap3A_294 : vector<1x16xf32> to vector<16xf32>
        %swap3A_296 = vector.shape_cast %mul3A_291 : vector<16xf32> to vector<1x16xf32>
        tpu.vector_store %arg8[%swap3A_292, %swap3A_293], %swap3A_296 {strides = array<i32>} : memref<200x64xf32, #tpu.memory_space<vmem>>, vector<1x16xf32>,
        %get3A_297 = arith.index_cast %add3A_284 : i32 to index
        %get3A_298 = arith.constant 16 : index
        %get3A_299 = tpu.vector_load %arg6[%get3A_297, %get3A_298] {strides = array<i32>} : memref<200x64xf32, #tpu.memory_space<vmem>>, vector<1x16xf32>,
        %get3A_300 = vector.shape_cast %get3A_299 : vector<1x16xf32> to vector<16xf32>
        %mul3A_301 = arith.constant 8.000000e+00 : f32
        %mul3A_302 = vector.broadcast %mul3A_301 : f32 to vector<16xf32>
        %mul3A_303 = arith.mulf %get3A_300, %mul3A_302 : vector<16xf32>
        %swap3A_304 = arith.index_cast %add3A_284 : i32 to index
        %swap3A_305 = arith.constant 16 : index
        %swap3A_306 = tpu.vector_load %arg8[%swap3A_304, %swap3A_305] {strides = array<i32>} : memref<200x64xf32, #tpu.memory_space<vmem>>, vector<1x16xf32>,
        %swap3A_307 = vector.shape_cast %swap3A_306 : vector<1x16xf32> to vector<16xf32>
        %swap3A_308 = vector.shape_cast %mul3A_303 : vector<16xf32> to vector<1x16xf32>
        tpu.vector_store %arg8[%swap3A_304, %swap3A_305], %swap3A_308 {strides = array<i32>} : memref<200x64xf32, #tpu.memory_space<vmem>>, vector<1x16xf32>,
        %get3A_309 = arith.index_cast %add3A_284 : i32 to index
        %get3A_310 = arith.constant 32 : index
        %get3A_311 = tpu.vector_load %arg6[%get3A_309, %get3A_310] {strides = array<i32>} : memref<200x64xf32, #tpu.memory_space<vmem>>, vector<1x16xf32>,
        %get3A_312 = vector.shape_cast %get3A_311 : vector<1x16xf32> to vector<16xf32>
        %mul3A_313 = arith.constant 8.000000e+00 : f32
        %mul3A_314 = vector.broadcast %mul3A_313 : f32 to vector<16xf32>
        %mul3A_315 = arith.mulf %get3A_312, %mul3A_314 : vector<16xf32>
        %swap3A_316 = arith.index_cast %add3A_284 : i32 to index
        %swap3A_317 = arith.constant 32 : index
        %swap3A_318 = tpu.vector_load %arg8[%swap3A_316, %swap3A_317] {strides = array<i32>} : memref<200x64xf32, #tpu.memory_space<vmem>>, vector<1x16xf32>,
        %swap3A_319 = vector.shape_cast %swap3A_318 : vector<1x16xf32> to vector<16xf32>
        %swap3A_320 = vector.shape_cast %mul3A_315 : vector<16xf32> to vector<1x16xf32>
        tpu.vector_store %arg8[%swap3A_316, %swap3A_317], %swap3A_320 {strides = array<i32>} : memref<200x64xf32, #tpu.memory_space<vmem>>, vector<1x16xf32>,
        %get3A_321 = arith.index_cast %add3A_284 : i32 to index
        %get3A_322 = arith.constant 48 : index
        %get3A_323 = tpu.vector_load %arg6[%get3A_321, %get3A_322] {strides = array<i32>} : memref<200x64xf32, #tpu.memory_space<vmem>>, vector<1x16xf32>,
        %get3A_324 = vector.shape_cast %get3A_323 : vector<1x16xf32> to vector<16xf32>
        %mul3A_325 = arith.constant 8.000000e+00 : f32
        %mul3A_326 = vector.broadcast %mul3A_325 : f32 to vector<16xf32>
        %mul3A_327 = arith.mulf %get3A_324, %mul3A_326 : vector<16xf32>
        %swap3A_328 = arith.index_cast %add3A_284 : i32 to index
        %swap3A_329 = arith.constant 48 : index
        %swap3A_330 = tpu.vector_load %arg8[%swap3A_328, %swap3A_329] {strides = array<i32>} : memref<200x64xf32, #tpu.memory_space<vmem>>, vector<1x16xf32>,
        %swap3A_331 = vector.shape_cast %swap3A_330 : vector<1x16xf32> to vector<16xf32>
        %swap3A_332 = vector.shape_cast %mul3A_327 : vector<16xf32> to vector<1x16xf32>
        tpu.vector_store %arg8[%swap3A_328, %swap3A_329], %swap3A_332 {strides = array<i32>} : memref<200x64xf32, #tpu.memory_space<vmem>>, vector<1x16xf32>,
        %add3A_333 = arith.constant 2 : i32
        %add3A_334 = arith.addi %add3A_234, %add3A_333 : i32
        %get3A_335 = arith.index_cast %add3A_334 : i32 to index
        %get3A_336 = arith.constant 0 : index
        %get3A_337 = tpu.vector_load %arg6[%get3A_335, %get3A_336] {strides = array<i32>} : memref<200x64xf32, #tpu.memory_space<vmem>>, vector<1x16xf32>,
        %get3A_338 = vector.shape_cast %get3A_337 : vector<1x16xf32> to vector<16xf32>
        %mul3A_339 = arith.constant 8.000000e+00 : f32
        %mul3A_340 = vector.broadcast %mul3A_339 : f32 to vector<16xf32>
        %mul3A_341 = arith.mulf %get3A_338, %mul3A_340 : vector<16xf32>
        %swap3A_342 = arith.index_cast %add3A_334 : i32 to index
        %swap3A_343 = arith.constant 0 : index
        %swap3A_344 = tpu.vector_load %arg8[%swap3A_342, %swap3A_343] {strides = array<i32>} : memref<200x64xf32, #tpu.memory_space<vmem>>, vector<1x16xf32>,
        %swap3A_345 = vector.shape_cast %swap3A_344 : vector<1x16xf32> to vector<16xf32>
        %swap3A_346 = vector.shape_cast %mul3A_341 : vector<16xf32> to vector<1x16xf32>
        tpu.vector_store %arg8[%swap3A_342, %swap3A_343], %swap3A_346 {strides = array<i32>} : memref<200x64xf32, #tpu.memory_space<vmem>>, vector<1x16xf32>,
        %get3A_347 = arith.index_cast %add3A_334 : i32 to index
        %get3A_348 = arith.constant 16 : index
        %get3A_349 = tpu.vector_load %arg6[%get3A_347, %get3A_348] {strides = array<i32>} : memref<200x64xf32, #tpu.memory_space<vmem>>, vector<1x16xf32>,
        %get3A_350 = vector.shape_cast %get3A_349 : vector<1x16xf32> to vector<16xf32>
        %mul3A_351 = arith.constant 8.000000e+00 : f32
        %mul3A_352 = vector.broadcast %mul3A_351 : f32 to vector<16xf32>
        %mul3A_353 = arith.mulf %get3A_350, %mul3A_352 : vector<16xf32>
        %swap3A_354 = arith.index_cast %add3A_334 : i32 to index
        %swap3A_355 = arith.constant 16 : index
        %swap3A_356 = tpu.vector_load %arg8[%swap3A_354, %swap3A_355] {strides = array<i32>} : memref<200x64xf32, #tpu.memory_space<vmem>>, vector<1x16xf32>,
        %swap3A_357 = vector.shape_cast %swap3A_356 : vector<1x16xf32> to vector<16xf32>
        %swap3A_358 = vector.shape_cast %mul3A_353 : vector<16xf32> to vector<1x16xf32>
        tpu.vector_store %arg8[%swap3A_354, %swap3A_355], %swap3A_358 {strides = array<i32>} : memref<200x64xf32, #tpu.memory_space<vmem>>, vector<1x16xf32>,
        %get3A_359 = arith.index_cast %add3A_334 : i32 to index
        %get3A_360 = arith.constant 32 : index
        %get3A_361 = tpu.vector_load %arg6[%get3A_359, %get3A_360] {strides = array<i32>} : memref<200x64xf32, #tpu.memory_space<vmem>>, vector<1x16xf32>,
        %get3A_362 = vector.shape_cast %get3A_361 : vector<1x16xf32> to vector<16xf32>
        %mul3A_363 = arith.constant 8.000000e+00 : f32
        %mul3A_364 = vector.broadcast %mul3A_363 : f32 to vector<16xf32>
        %mul3A_365 = arith.mulf %get3A_362, %mul3A_364 : vector<16xf32>
        %swap3A_366 = arith.index_cast %add3A_334 : i32 to index
        %swap3A_367 = arith.constant 32 : index
        %swap3A_368 = tpu.vector_load %arg8[%swap3A_366, %swap3A_367] {strides = array<i32>} : memref<200x64xf32, #tpu.memory_space<vmem>>, vector<1x16xf32>,
        %swap3A_369 = vector.shape_cast %swap3A_368 : vector<1x16xf32> to vector<16xf32>
        %swap3A_370 = vector.shape_cast %mul3A_365 : vector<16xf32> to vector<1x16xf32>
        tpu.vector_store %arg8[%swap3A_366, %swap3A_367], %swap3A_370 {strides = array<i32>} : memref<200x64xf32, #tpu.memory_space<vmem>>, vector<1x16xf32>,
        %get3A_371 = arith.index_cast %add3A_334 : i32 to index
        %get3A_372 = arith.constant 48 : index
        %get3A_373 = tpu.vector_load %arg6[%get3A_371, %get3A_372] {strides = array<i32>} : memref<200x64xf32, #tpu.memory_space<vmem>>, vector<1x16xf32>,
        %get3A_374 = vector.shape_cast %get3A_373 : vector<1x16xf32> to vector<16xf32>
        %mul3A_375 = arith.constant 8.000000e+00 : f32
        %mul3A_376 = vector.broadcast %mul3A_375 : f32 to vector<16xf32>
        %mul3A_377 = arith.mulf %get3A_374, %mul3A_376 : vector<16xf32>
        %swap3A_378 = arith.index_cast %add3A_334 : i32 to index
        %swap3A_379 = arith.constant 48 : index
        %swap3A_380 = tpu.vector_load %arg8[%swap3A_378, %swap3A_379] {strides = array<i32>} : memref<200x64xf32, #tpu.memory_space<vmem>>, vector<1x16xf32>,
        %swap3A_381 = vector.shape_cast %swap3A_380 : vector<1x16xf32> to vector<16xf32>
        %swap3A_382 = vector.shape_cast %mul3A_377 : vector<16xf32> to vector<1x16xf32>
        tpu.vector_store %arg8[%swap3A_378, %swap3A_379], %swap3A_382 {strides = array<i32>} : memref<200x64xf32, #tpu.memory_space<vmem>>, vector<1x16xf32>,
        %add3A_383 = arith.constant 3 : i32
        %add3A_384 = arith.addi %add3A_234, %add3A_383 : i32
        %get3A_385 = arith.index_cast %add3A_384 : i32 to index
        %get3A_386 = arith.constant 0 : index
        %get3A_387 = tpu.vector_load %arg6[%get3A_385, %get3A_386] {strides = array<i32>} : memref<200x64xf32, #tpu.memory_space<vmem>>, vector<1x16xf32>,
        %get3A_388 = vector.shape_cast %get3A_387 : vector<1x16xf32> to vector<16xf32>
        %mul3A_389 = arith.constant 8.000000e+00 : f32
        %mul3A_390 = vector.broadcast %mul3A_389 : f32 to vector<16xf32>
        %mul3A_391 = arith.mulf %get3A_388, %mul3A_390 : vector<16xf32>
        %swap3A_392 = arith.index_cast %add3A_384 : i32 to index
        %swap3A_393 = arith.constant 0 : index
        %swap3A_394 = tpu.vector_load %arg8[%swap3A_392, %swap3A_393] {strides = array<i32>} : memref<200x64xf32, #tpu.memory_space<vmem>>, vector<1x16xf32>,
        %swap3A_395 = vector.shape_cast %swap3A_394 : vector<1x16xf32> to vector<16xf32>
        %swap3A_396 = vector.shape_cast %mul3A_391 : vector<16xf32> to vector<1x16xf32>
        tpu.vector_store %arg8[%swap3A_392, %swap3A_393], %swap3A_396 {strides = array<i32>} : memref<200x64xf32, #tpu.memory_space<vmem>>, vector<1x16xf32>,
        %get3A_397 = arith.index_cast %add3A_384 : i32 to index
        %get3A_398 = arith.constant 16 : index
        %get3A_399 = tpu.vector_load %arg6[%get3A_397, %get3A_398] {strides = array<i32>} : memref<200x64xf32, #tpu.memory_space<vmem>>, vector<1x16xf32>,
        %get3A_400 = vector.shape_cast %get3A_399 : vector<1x16xf32> to vector<16xf32>
        %mul3A_401 = arith.constant 8.000000e+00 : f32
        %mul3A_402 = vector.broadcast %mul3A_401 : f32 to vector<16xf32>
        %mul3A_403 = arith.mulf %get3A_400, %mul3A_402 : vector<16xf32>
        %swap3A_404 = arith.index_cast %add3A_384 : i32 to index
        %swap3A_405 = arith.constant 16 : index
        %swap3A_406 = tpu.vector_load %arg8[%swap3A_404, %swap3A_405] {strides = array<i32>} : memref<200x64xf32, #tpu.memory_space<vmem>>, vector<1x16xf32>,
        %swap3A_407 = vector.shape_cast %swap3A_406 : vector<1x16xf32> to vector<16xf32>
        %swap3A_408 = vector.shape_cast %mul3A_403 : vector<16xf32> to vector<1x16xf32>
        tpu.vector_store %arg8[%swap3A_404, %swap3A_405], %swap3A_408 {strides = array<i32>} : memref<200x64xf32, #tpu.memory_space<vmem>>, vector<1x16xf32>,
        %get3A_409 = arith.index_cast %add3A_384 : i32 to index
        %get3A_410 = arith.constant 32 : index
        %get3A_411 = tpu.vector_load %arg6[%get3A_409, %get3A_410] {strides = array<i32>} : memref<200x64xf32, #tpu.memory_space<vmem>>, vector<1x16xf32>,
        %get3A_412 = vector.shape_cast %get3A_411 : vector<1x16xf32> to vector<16xf32>
        %mul3A_413 = arith.constant 8.000000e+00 : f32
        %mul3A_414 = vector.broadcast %mul3A_413 : f32 to vector<16xf32>
        %mul3A_415 = arith.mulf %get3A_412, %mul3A_414 : vector<16xf32>
        %swap3A_416 = arith.index_cast %add3A_384 : i32 to index
        %swap3A_417 = arith.constant 32 : index
        %swap3A_418 = tpu.vector_load %arg8[%swap3A_416, %swap3A_417] {strides = array<i32>} : memref<200x64xf32, #tpu.memory_space<vmem>>, vector<1x16xf32>,
        %swap3A_419 = vector.shape_cast %swap3A_418 : vector<1x16xf32> to vector<16xf32>
        %swap3A_420 = vector.shape_cast %mul3A_415 : vector<16xf32> to vector<1x16xf32>
        tpu.vector_store %arg8[%swap3A_416, %swap3A_417], %swap3A_420 {strides = array<i32>} : memref<200x64xf32, #tpu.memory_space<vmem>>, vector<1x16xf32>,
        %get3A_421 = arith.index_cast %add3A_384 : i32 to index
        %get3A_422 = arith.constant 48 : index
        %get3A_423 = tpu.vector_load %arg6[%get3A_421, %get3A_422] {strides = array<i32>} : memref<200x64xf32, #tpu.memory_space<vmem>>, vector<1x16xf32>,
        %get3A_424 = vector.shape_cast %get3A_423 : vector<1x16xf32> to vector<16xf32>
        %mul3A_425 = arith.constant 8.000000e+00 : f32
        %mul3A_426 = vector.broadcast %mul3A_425 : f32 to vector<16xf32>
        %mul3A_427 = arith.mulf %get3A_424, %mul3A_426 : vector<16xf32>
        %swap3A_428 = arith.index_cast %add3A_384 : i32 to index
        %swap3A_429 = arith.constant 48 : index
        %swap3A_430 = tpu.vector_load %arg8[%swap3A_428, %swap3A_429] {strides = array<i32>} : memref<200x64xf32, #tpu.memory_space<vmem>>, vector<1x16xf32>,
        %swap3A_431 = vector.shape_cast %swap3A_430 : vector<1x16xf32> to vector<16xf32>
        %swap3A_432 = vector.shape_cast %mul3A_427 : vector<16xf32> to vector<1x16xf32>
        tpu.vector_store %arg8[%swap3A_428, %swap3A_429], %swap3A_432 {strides = array<i32>} : memref<200x64xf32, #tpu.memory_space<vmem>>, vector<1x16xf32>,
        %add3A_433 = arith.constant 4 : i32
        %add3A_434 = arith.addi %add3A_234, %add3A_433 : i32
        %get3A_435 = arith.index_cast %add3A_434 : i32 to index
        %get3A_436 = arith.constant 0 : index
        %get3A_437 = tpu.vector_load %arg6[%get3A_435, %get3A_436] {strides = array<i32>} : memref<200x64xf32, #tpu.memory_space<vmem>>, vector<1x16xf32>,
        %get3A_438 = vector.shape_cast %get3A_437 : vector<1x16xf32> to vector<16xf32>
        %mul3A_439 = arith.constant 8.000000e+00 : f32
        %mul3A_440 = vector.broadcast %mul3A_439 : f32 to vector<16xf32>
        %mul3A_441 = arith.mulf %get3A_438, %mul3A_440 : vector<16xf32>
        %swap3A_442 = arith.index_cast %add3A_434 : i32 to index
        %swap3A_443 = arith.constant 0 : index
        %swap3A_444 = tpu.vector_load %arg8[%swap3A_442, %swap3A_443] {strides = array<i32>} : memref<200x64xf32, #tpu.memory_space<vmem>>, vector<1x16xf32>,
        %swap3A_445 = vector.shape_cast %swap3A_444 : vector<1x16xf32> to vector<16xf32>
        %swap3A_446 = vector.shape_cast %mul3A_441 : vector<16xf32> to vector<1x16xf32>
        tpu.vector_store %arg8[%swap3A_442, %swap3A_443], %swap3A_446 {strides = array<i32>} : memref<200x64xf32, #tpu.memory_space<vmem>>, vector<1x16xf32>,
        %get3A_447 = arith.index_cast %add3A_434 : i32 to index
        %get3A_448 = arith.constant 16 : index
        %get3A_449 = tpu.vector_load %arg6[%get3A_447, %get3A_448] {strides = array<i32>} : memref<200x64xf32, #tpu.memory_space<vmem>>, vector<1x16xf32>,
        %get3A_450 = vector.shape_cast %get3A_449 : vector<1x16xf32> to vector<16xf32>
        %mul3A_451 = arith.constant 8.000000e+00 : f32
        %mul3A_452 = vector.broadcast %mul3A_451 : f32 to vector<16xf32>
        %mul3A_453 = arith.mulf %get3A_450, %mul3A_452 : vector<16xf32>
        %swap3A_454 = arith.index_cast %add3A_434 : i32 to index
        %swap3A_455 = arith.constant 16 : index
        %swap3A_456 = tpu.vector_load %arg8[%swap3A_454, %swap3A_455] {strides = array<i32>} : memref<200x64xf32, #tpu.memory_space<vmem>>, vector<1x16xf32>,
        %swap3A_457 = vector.shape_cast %swap3A_456 : vector<1x16xf32> to vector<16xf32>
        %swap3A_458 = vector.shape_cast %mul3A_453 : vector<16xf32> to vector<1x16xf32>
        tpu.vector_store %arg8[%swap3A_454, %swap3A_455], %swap3A_458 {strides = array<i32>} : memref<200x64xf32, #tpu.memory_space<vmem>>, vector<1x16xf32>,
        %get3A_459 = arith.index_cast %add3A_434 : i32 to index
        %get3A_460 = arith.constant 32 : index
        %get3A_461 = tpu.vector_load %arg6[%get3A_459, %get3A_460] {strides = array<i32>} : memref<200x64xf32, #tpu.memory_space<vmem>>, vector<1x16xf32>,
        %get3A_462 = vector.shape_cast %get3A_461 : vector<1x16xf32> to vector<16xf32>
        %mul3A_463 = arith.constant 8.000000e+00 : f32
        %mul3A_464 = vector.broadcast %mul3A_463 : f32 to vector<16xf32>
        %mul3A_465 = arith.mulf %get3A_462, %mul3A_464 : vector<16xf32>
        %swap3A_466 = arith.index_cast %add3A_434 : i32 to index
        %swap3A_467 = arith.constant 32 : index
        %swap3A_468 = tpu.vector_load %arg8[%swap3A_466, %swap3A_467] {strides = array<i32>} : memref<200x64xf32, #tpu.memory_space<vmem>>, vector<1x16xf32>,
        %swap3A_469 = vector.shape_cast %swap3A_468 : vector<1x16xf32> to vector<16xf32>
        %swap3A_470 = vector.shape_cast %mul3A_465 : vector<16xf32> to vector<1x16xf32>
        tpu.vector_store %arg8[%swap3A_466, %swap3A_467], %swap3A_470 {strides = array<i32>} : memref<200x64xf32, #tpu.memory_space<vmem>>, vector<1x16xf32>,
        %get3A_471 = arith.index_cast %add3A_434 : i32 to index
        %get3A_472 = arith.constant 48 : index
        %get3A_473 = tpu.vector_load %arg6[%get3A_471, %get3A_472] {strides = array<i32>} : memref<200x64xf32, #tpu.memory_space<vmem>>, vector<1x16xf32>,
        %get3A_474 = vector.shape_cast %get3A_473 : vector<1x16xf32> to vector<16xf32>
        %mul3A_475 = arith.constant 8.000000e+00 : f32
        %mul3A_476 = vector.broadcast %mul3A_475 : f32 to vector<16xf32>
        %mul3A_477 = arith.mulf %get3A_474, %mul3A_476 : vector<16xf32>
        %swap3A_478 = arith.index_cast %add3A_434 : i32 to index
        %swap3A_479 = arith.constant 48 : index
        %swap3A_480 = tpu.vector_load %arg8[%swap3A_478, %swap3A_479] {strides = array<i32>} : memref<200x64xf32, #tpu.memory_space<vmem>>, vector<1x16xf32>,
        %swap3A_481 = vector.shape_cast %swap3A_480 : vector<1x16xf32> to vector<16xf32>
        %swap3A_482 = vector.shape_cast %mul3A_477 : vector<16xf32> to vector<1x16xf32>
        tpu.vector_store %arg8[%swap3A_478, %swap3A_479], %swap3A_482 {strides = array<i32>} : memref<200x64xf32, #tpu.memory_space<vmem>>, vector<1x16xf32>,
        %add3A_483 = arith.constant 5 : i32
        %add3A_484 = arith.addi %add3A_234, %add3A_483 : i32
        %get3A_485 = arith.index_cast %add3A_484 : i32 to index
        %get3A_486 = arith.constant 0 : index
        %get3A_487 = tpu.vector_load %arg6[%get3A_485, %get3A_486] {strides = array<i32>} : memref<200x64xf32, #tpu.memory_space<vmem>>, vector<1x16xf32>,
        %get3A_488 = vector.shape_cast %get3A_487 : vector<1x16xf32> to vector<16xf32>
        %mul3A_489 = arith.constant 8.000000e+00 : f32
        %mul3A_490 = vector.broadcast %mul3A_489 : f32 to vector<16xf32>
        %mul3A_491 = arith.mulf %get3A_488, %mul3A_490 : vector<16xf32>
        %swap3A_492 = arith.index_cast %add3A_484 : i32 to index
        %swap3A_493 = arith.constant 0 : index
        %swap3A_494 = tpu.vector_load %arg8[%swap3A_492, %swap3A_493] {strides = array<i32>} : memref<200x64xf32, #tpu.memory_space<vmem>>, vector<1x16xf32>,
        %swap3A_495 = vector.shape_cast %swap3A_494 : vector<1x16xf32> to vector<16xf32>
        %swap3A_496 = vector.shape_cast %mul3A_491 : vector<16xf32> to vector<1x16xf32>
        tpu.vector_store %arg8[%swap3A_492, %swap3A_493], %swap3A_496 {strides = array<i32>} : memref<200x64xf32, #tpu.memory_space<vmem>>, vector<1x16xf32>,
        %get3A_497 = arith.index_cast %add3A_484 : i32 to index
        %get3A_498 = arith.constant 16 : index
        %get3A_499 = tpu.vector_load %arg6[%get3A_497, %get3A_498] {strides = array<i32>} : memref<200x64xf32, #tpu.memory_space<vmem>>, vector<1x16xf32>,
        %get3A_500 = vector.shape_cast %get3A_499 : vector<1x16xf32> to vector<16xf32>
        %mul3A_501 = arith.constant 8.000000e+00 : f32
        %mul3A_502 = vector.broadcast %mul3A_501 : f32 to vector<16xf32>
        %mul3A_503 = arith.mulf %get3A_500, %mul3A_502 : vector<16xf32>
        %swap3A_504 = arith.index_cast %add3A_484 : i32 to index
        %swap3A_505 = arith.constant 16 : index
        %swap3A_506 = tpu.vector_load %arg8[%swap3A_504, %swap3A_505] {strides = array<i32>} : memref<200x64xf32, #tpu.memory_space<vmem>>, vector<1x16xf32>,
        %swap3A_507 = vector.shape_cast %swap3A_506 : vector<1x16xf32> to vector<16xf32>
        %swap3A_508 = vector.shape_cast %mul3A_503 : vector<16xf32> to vector<1x16xf32>
        tpu.vector_store %arg8[%swap3A_504, %swap3A_505], %swap3A_508 {strides = array<i32>} : memref<200x64xf32, #tpu.memory_space<vmem>>, vector<1x16xf32>,
        %get3A_509 = arith.index_cast %add3A_484 : i32 to index
        %get3A_510 = arith.constant 32 : index
        %get3A_511 = tpu.vector_load %arg6[%get3A_509, %get3A_510] {strides = array<i32>} : memref<200x64xf32, #tpu.memory_space<vmem>>, vector<1x16xf32>,
        %get3A_512 = vector.shape_cast %get3A_511 : vector<1x16xf32> to vector<16xf32>
        %mul3A_513 = arith.constant 8.000000e+00 : f32
        %mul3A_514 = vector.broadcast %mul3A_513 : f32 to vector<16xf32>
        %mul3A_515 = arith.mulf %get3A_512, %mul3A_514 : vector<16xf32>
        %swap3A_516 = arith.index_cast %add3A_484 : i32 to index
        %swap3A_517 = arith.constant 32 : index
        %swap3A_518 = tpu.vector_load %arg8[%swap3A_516, %swap3A_517] {strides = array<i32>} : memref<200x64xf32, #tpu.memory_space<vmem>>, vector<1x16xf32>,
        %swap3A_519 = vector.shape_cast %swap3A_518 : vector<1x16xf32> to vector<16xf32>
        %swap3A_520 = vector.shape_cast %mul3A_515 : vector<16xf32> to vector<1x16xf32>
        tpu.vector_store %arg8[%swap3A_516, %swap3A_517], %swap3A_520 {strides = array<i32>} : memref<200x64xf32, #tpu.memory_space<vmem>>, vector<1x16xf32>,
        %get3A_521 = arith.index_cast %add3A_484 : i32 to index
        %get3A_522 = arith.constant 48 : index
        %get3A_523 = tpu.vector_load %arg6[%get3A_521, %get3A_522] {strides = array<i32>} : memref<200x64xf32, #tpu.memory_space<vmem>>, vector<1x16xf32>,
        %get3A_524 = vector.shape_cast %get3A_523 : vector<1x16xf32> to vector<16xf32>
        %mul3A_525 = arith.constant 8.000000e+00 : f32
        %mul3A_526 = vector.broadcast %mul3A_525 : f32 to vector<16xf32>
        %mul3A_527 = arith.mulf %get3A_524, %mul3A_526 : vector<16xf32>
        %swap3A_528 = arith.index_cast %add3A_484 : i32 to index
        %swap3A_529 = arith.constant 48 : index
        %swap3A_530 = tpu.vector_load %arg8[%swap3A_528, %swap3A_529] {strides = array<i32>} : memref<200x64xf32, #tpu.memory_space<vmem>>, vector<1x16xf32>,
        %swap3A_531 = vector.shape_cast %swap3A_530 : vector<1x16xf32> to vector<16xf32>
        %swap3A_532 = vector.shape_cast %mul3A_527 : vector<16xf32> to vector<1x16xf32>
        tpu.vector_store %arg8[%swap3A_528, %swap3A_529], %swap3A_532 {strides = array<i32>} : memref<200x64xf32, #tpu.memory_space<vmem>>, vector<1x16xf32>,
        %add3A_533 = arith.constant 6 : i32
        %add3A_534 = arith.addi %add3A_234, %add3A_533 : i32
        %get3A_535 = arith.index_cast %add3A_534 : i32 to index
        %get3A_536 = arith.constant 0 : index
        %get3A_537 = tpu.vector_load %arg6[%get3A_535, %get3A_536] {strides = array<i32>} : memref<200x64xf32, #tpu.memory_space<vmem>>, vector<1x16xf32>,
        %get3A_538 = vector.shape_cast %get3A_537 : vector<1x16xf32> to vector<16xf32>
        %mul3A_539 = arith.constant 8.000000e+00 : f32
        %mul3A_540 = vector.broadcast %mul3A_539 : f32 to vector<16xf32>
        %mul3A_541 = arith.mulf %get3A_538, %mul3A_540 : vector<16xf32>
        %swap3A_542 = arith.index_cast %add3A_534 : i32 to index
        %swap3A_543 = arith.constant 0 : index
        %swap3A_544 = tpu.vector_load %arg8[%swap3A_542, %swap3A_543] {strides = array<i32>} : memref<200x64xf32, #tpu.memory_space<vmem>>, vector<1x16xf32>,
        %swap3A_545 = vector.shape_cast %swap3A_544 : vector<1x16xf32> to vector<16xf32>
        %swap3A_546 = vector.shape_cast %mul3A_541 : vector<16xf32> to vector<1x16xf32>
        tpu.vector_store %arg8[%swap3A_542, %swap3A_543], %swap3A_546 {strides = array<i32>} : memref<200x64xf32, #tpu.memory_space<vmem>>, vector<1x16xf32>,
        %get3A_547 = arith.index_cast %add3A_534 : i32 to index
        %get3A_548 = arith.constant 16 : index
        %get3A_549 = tpu.vector_load %arg6[%get3A_547, %get3A_548] {strides = array<i32>} : memref<200x64xf32, #tpu.memory_space<vmem>>, vector<1x16xf32>,
        %get3A_550 = vector.shape_cast %get3A_549 : vector<1x16xf32> to vector<16xf32>
        %mul3A_551 = arith.constant 8.000000e+00 : f32
        %mul3A_552 = vector.broadcast %mul3A_551 : f32 to vector<16xf32>
        %mul3A_553 = arith.mulf %get3A_550, %mul3A_552 : vector<16xf32>
        %swap3A_554 = arith.index_cast %add3A_534 : i32 to index
        %swap3A_555 = arith.constant 16 : index
        %swap3A_556 = tpu.vector_load %arg8[%swap3A_554, %swap3A_555] {strides = array<i32>} : memref<200x64xf32, #tpu.memory_space<vmem>>, vector<1x16xf32>,
        %swap3A_557 = vector.shape_cast %swap3A_556 : vector<1x16xf32> to vector<16xf32>
        %swap3A_558 = vector.shape_cast %mul3A_553 : vector<16xf32> to vector<1x16xf32>
        tpu.vector_store %arg8[%swap3A_554, %swap3A_555], %swap3A_558 {strides = array<i32>} : memref<200x64xf32, #tpu.memory_space<vmem>>, vector<1x16xf32>,
        %get3A_559 = arith.index_cast %add3A_534 : i32 to index
        %get3A_560 = arith.constant 32 : index
        %get3A_561 = tpu.vector_load %arg6[%get3A_559, %get3A_560] {strides = array<i32>} : memref<200x64xf32, #tpu.memory_space<vmem>>, vector<1x16xf32>,
        %get3A_562 = vector.shape_cast %get3A_561 : vector<1x16xf32> to vector<16xf32>
        %mul3A_563 = arith.constant 8.000000e+00 : f32
        %mul3A_564 = vector.broadcast %mul3A_563 : f32 to vector<16xf32>
        %mul3A_565 = arith.mulf %get3A_562, %mul3A_564 : vector<16xf32>
        %swap3A_566 = arith.index_cast %add3A_534 : i32 to index
        %swap3A_567 = arith.constant 32 : index
        %swap3A_568 = tpu.vector_load %arg8[%swap3A_566, %swap3A_567] {strides = array<i32>} : memref<200x64xf32, #tpu.memory_space<vmem>>, vector<1x16xf32>,
        %swap3A_569 = vector.shape_cast %swap3A_568 : vector<1x16xf32> to vector<16xf32>
        %swap3A_570 = vector.shape_cast %mul3A_565 : vector<16xf32> to vector<1x16xf32>
        tpu.vector_store %arg8[%swap3A_566, %swap3A_567], %swap3A_570 {strides = array<i32>} : memref<200x64xf32, #tpu.memory_space<vmem>>, vector<1x16xf32>,
        %get3A_571 = arith.index_cast %add3A_534 : i32 to index
        %get3A_572 = arith.constant 48 : index
        %get3A_573 = tpu.vector_load %arg6[%get3A_571, %get3A_572] {strides = array<i32>} : memref<200x64xf32, #tpu.memory_space<vmem>>, vector<1x16xf32>,
        %get3A_574 = vector.shape_cast %get3A_573 : vector<1x16xf32> to vector<16xf32>
        %mul3A_575 = arith.constant 8.000000e+00 : f32
        %mul3A_576 = vector.broadcast %mul3A_575 : f32 to vector<16xf32>
        %mul3A_577 = arith.mulf %get3A_574, %mul3A_576 : vector<16xf32>
        %swap3A_578 = arith.index_cast %add3A_534 : i32 to index
        %swap3A_579 = arith.constant 48 : index
        %swap3A_580 = tpu.vector_load %arg8[%swap3A_578, %swap3A_579] {strides = array<i32>} : memref<200x64xf32, #tpu.memory_space<vmem>>, vector<1x16xf32>,
        %swap3A_581 = vector.shape_cast %swap3A_580 : vector<1x16xf32> to vector<16xf32>
        %swap3A_582 = vector.shape_cast %mul3A_577 : vector<16xf32> to vector<1x16xf32>
        tpu.vector_store %arg8[%swap3A_578, %swap3A_579], %swap3A_582 {strides = array<i32>} : memref<200x64xf32, #tpu.memory_space<vmem>>, vector<1x16xf32>,
        %add3A_583 = arith.constant 7 : i32
        %add3A_584 = arith.addi %add3A_234, %add3A_583 : i32
        %get3A_585 = arith.index_cast %add3A_584 : i32 to index
        %get3A_586 = arith.constant 0 : index
        %get3A_587 = tpu.vector_load %arg6[%get3A_585, %get3A_586] {strides = array<i32>} : memref<200x64xf32, #tpu.memory_space<vmem>>, vector<1x16xf32>,
        %get3A_588 = vector.shape_cast %get3A_587 : vector<1x16xf32> to vector<16xf32>
        %mul3A_589 = arith.constant 8.000000e+00 : f32
        %mul3A_590 = vector.broadcast %mul3A_589 : f32 to vector<16xf32>
        %mul3A_591 = arith.mulf %get3A_588, %mul3A_590 : vector<16xf32>
        %swap3A_592 = arith.index_cast %add3A_584 : i32 to index
        %swap3A_593 = arith.constant 0 : index
        %swap3A_594 = tpu.vector_load %arg8[%swap3A_592, %swap3A_593] {strides = array<i32>} : memref<200x64xf32, #tpu.memory_space<vmem>>, vector<1x16xf32>,
        %swap3A_595 = vector.shape_cast %swap3A_594 : vector<1x16xf32> to vector<16xf32>
        %swap3A_596 = vector.shape_cast %mul3A_591 : vector<16xf32> to vector<1x16xf32>
        tpu.vector_store %arg8[%swap3A_592, %swap3A_593], %swap3A_596 {strides = array<i32>} : memref<200x64xf32, #tpu.memory_space<vmem>>, vector<1x16xf32>,
        %get3A_597 = arith.index_cast %add3A_584 : i32 to index
        %get3A_598 = arith.constant 16 : index
        %get3A_599 = tpu.vector_load %arg6[%get3A_597, %get3A_598] {strides = array<i32>} : memref<200x64xf32, #tpu.memory_space<vmem>>, vector<1x16xf32>,
        %get3A_600 = vector.shape_cast %get3A_599 : vector<1x16xf32> to vector<16xf32>
        %mul3A_601 = arith.constant 8.000000e+00 : f32
        %mul3A_602 = vector.broadcast %mul3A_601 : f32 to vector<16xf32>
        %mul3A_603 = arith.mulf %get3A_600, %mul3A_602 : vector<16xf32>
        %swap3A_604 = arith.index_cast %add3A_584 : i32 to index
        %swap3A_605 = arith.constant 16 : index
        %swap3A_606 = tpu.vector_load %arg8[%swap3A_604, %swap3A_605] {strides = array<i32>} : memref<200x64xf32, #tpu.memory_space<vmem>>, vector<1x16xf32>,
        %swap3A_607 = vector.shape_cast %swap3A_606 : vector<1x16xf32> to vector<16xf32>
        %swap3A_608 = vector.shape_cast %mul3A_603 : vector<16xf32> to vector<1x16xf32>
        tpu.vector_store %arg8[%swap3A_604, %swap3A_605], %swap3A_608 {strides = array<i32>} : memref<200x64xf32, #tpu.memory_space<vmem>>, vector<1x16xf32>,
        %get3A_609 = arith.index_cast %add3A_584 : i32 to index
        %get3A_610 = arith.constant 32 : index
        %get3A_611 = tpu.vector_load %arg6[%get3A_609, %get3A_610] {strides = array<i32>} : memref<200x64xf32, #tpu.memory_space<vmem>>, vector<1x16xf32>,
        %get3A_612 = vector.shape_cast %get3A_611 : vector<1x16xf32> to vector<16xf32>
        %mul3A_613 = arith.constant 8.000000e+00 : f32
        %mul3A_614 = vector.broadcast %mul3A_613 : f32 to vector<16xf32>
        %mul3A_615 = arith.mulf %get3A_612, %mul3A_614 : vector<16xf32>
        %swap3A_616 = arith.index_cast %add3A_584 : i32 to index
        %swap3A_617 = arith.constant 32 : index
        %swap3A_618 = tpu.vector_load %arg8[%swap3A_616, %swap3A_617] {strides = array<i32>} : memref<200x64xf32, #tpu.memory_space<vmem>>, vector<1x16xf32>,
        %swap3A_619 = vector.shape_cast %swap3A_618 : vector<1x16xf32> to vector<16xf32>
        %swap3A_620 = vector.shape_cast %mul3A_615 : vector<16xf32> to vector<1x16xf32>
        tpu.vector_store %arg8[%swap3A_616, %swap3A_617], %swap3A_620 {strides = array<i32>} : memref<200x64xf32, #tpu.memory_space<vmem>>, vector<1x16xf32>,
        %get3A_621 = arith.index_cast %add3A_584 : i32 to index
        %get3A_622 = arith.constant 48 : index
        %get3A_623 = tpu.vector_load %arg6[%get3A_621, %get3A_622] {strides = array<i32>} : memref<200x64xf32, #tpu.memory_space<vmem>>, vector<1x16xf32>,
        %get3A_624 = vector.shape_cast %get3A_623 : vector<1x16xf32> to vector<16xf32>
        %mul3A_625 = arith.constant 8.000000e+00 : f32
        %mul3A_626 = vector.broadcast %mul3A_625 : f32 to vector<16xf32>
        %mul3A_627 = arith.mulf %get3A_624, %mul3A_626 : vector<16xf32>
        %swap3A_628 = arith.index_cast %add3A_584 : i32 to index
        %swap3A_629 = arith.constant 48 : index
        %swap3A_630 = tpu.vector_load %arg8[%swap3A_628, %swap3A_629] {strides = array<i32>} : memref<200x64xf32, #tpu.memory_space<vmem>>, vector<1x16xf32>,
        %swap3A_631 = vector.shape_cast %swap3A_630 : vector<1x16xf32> to vector<16xf32>
        %swap3A_632 = vector.shape_cast %mul3A_627 : vector<16xf32> to vector<1x16xf32>
        tpu.vector_store %arg8[%swap3A_628, %swap3A_629], %swap3A_632 {strides = array<i32>} : memref<200x64xf32, #tpu.memory_space<vmem>>, vector<1x16xf32>,
      }
      %scan3A_174 = arith.constant 25 : i32
      %add3A_175 = arith.addi %mul3A_2, %add3A_155 : i32
      %dma_start3A_176 = arith.constant 0 : i32
      %dma_start3A_177 = arith.constant 0 : i32
      %dma_start3A_178 = tpu.memref_slice %arg4[%add3A_175, %dma_start3A_176, %dma_start3A_177] : memref<4096x200x64xf32, #tpu.memory_space<hbm>> -> memref<1x200x64xf32, #tpu.memory_space<hbm>>
      %dma_start3A_179 = tpu.memref_squeeze %dma_start3A_178 : memref<1x200x64xf32, #tpu.memory_space<hbm>> -> memref<200x64xf32, #tpu.memory_space<hbm>>
      %dma_start3A_180 = arith.constant 0 : i32
      %dma_start3A_181 = arith.constant 0 : i32
      %dma_start3A_182 = tpu.memref_slice %arg4[%add3A_175, %dma_start3A_180, %dma_start3A_181] : memref<4096x200x64xf32, #tpu.memory_space<hbm>> -> memref<1x200x64xf32, #tpu.memory_space<hbm>>
      %dma_start3A_183 = tpu.memref_squeeze %dma_start3A_182 : memref<1x200x64xf32, #tpu.memory_space<hbm>> -> memref<200x64xf32, #tpu.memory_space<hbm>>
      tpu.enqueue_dma source(%arg8 : memref<200x64xf32, #tpu.memory_space<vmem>>) target(%dma_start3A_183 : memref<200x64xf32, #tpu.memory_space<hbm>>) target_semaphore(%arg12 : memref<!tpu.dma_semaphore, #tpu.memory_space<semaphore_mem>>)
      %add3A_184 = arith.constant 2 : i32
      %add3A_185 = arith.addi %add3A_155, %add3A_184 : i32
      %dma_start3A_186 = arith.constant 0 : i32
      %dma_start3A_187 = tpu.memref_slice %arg5[%add3A_185, %dma_start3A_186] : memref<128x200xi32, #tpu.memory_space<vmem>> -> memref<1x200xi32, #tpu.memory_space<vmem>>
      %dma_start3A_188 = tpu.memref_squeeze %dma_start3A_187 : memref<1x200xi32, #tpu.memory_space<vmem>> -> memref<200xi32, #tpu.memory_space<vmem>>
      %dma_start3A_189 = arith.constant 0 : i32
      %dma_start3A_190 = arith.constant 0 : i32
      %dma_start3A_191 = tpu.memref_slice %arg2[%dma_start3A_189, %dma_start3A_190] : memref<1000000x64xf32, #tpu.memory_space<hbm>> -> memref<1000000x64xf32, #tpu.memory_space<hbm>>
      tpu.enqueue_indirect_dma source(%dma_start3A_191 : memref<1000000x64xf32, #tpu.memory_space<hbm>>) target(%arg6 : memref<200x64xf32, #tpu.memory_space<vmem>>) offsets(%dma_start3A_188 : memref<200xi32, #tpu.memory_space<vmem>>) semaphore(%arg10 : memref<!tpu.dma_semaphore, #tpu.memory_space<semaphore_mem>>)
      %add3A_192 = arith.constant 1 : i32
      %add3A_193 = arith.addi %add3A_153, %add3A_192 : i32
      %dma_wait3A_194 = arith.constant 0 : i32
      %dma_wait3A_195 = arith.constant 0 : i32
      %dma_wait3A_196 = tpu.memref_slice %arg2[%dma_wait3A_194, %dma_wait3A_195] : memref<1000000x64xf32, #tpu.memory_space<hbm>> -> memref<200x64xf32, #tpu.memory_space<hbm>>
      %dma_wait3A_197 = arith.constant 0 : i32
      %dma_wait3A_198 = arith.constant 0 : i32
      %dma_wait3A_199 = tpu.memref_slice %arg2[%dma_wait3A_197, %dma_wait3A_198] : memref<1000000x64xf32, #tpu.memory_space<hbm>> -> memref<200x64xf32, #tpu.memory_space<hbm>>
      tpu.wait_dma2 semaphore(%arg11 : memref<!tpu.dma_semaphore, #tpu.memory_space<semaphore_mem>>) src(%dma_wait3A_199 : memref<200x64xf32, #tpu.memory_space<hbm>>) dst(%arg7 : memref<200x64xf32, #tpu.memory_space<vmem>>)
      %dma_wait3A_200 = arith.constant 0 : i32
      %dma_wait3A_201 = arith.constant 0 : i32
      %dma_wait3A_202 = tpu.memref_slice %arg4[%mul3A_2, %dma_wait3A_200, %dma_wait3A_201] : memref<4096x200x64xf32, #tpu.memory_space<hbm>> -> memref<1x200x64xf32, #tpu.memory_space<hbm>>
      %dma_wait3A_203 = tpu.memref_squeeze %dma_wait3A_202 : memref<1x200x64xf32, #tpu.memory_space<hbm>> -> memref<200x64xf32, #tpu.memory_space<hbm>>
      %dma_wait3A_204 = arith.constant 0 : i32
      %dma_wait3A_205 = arith.constant 0 : i32
      %dma_wait3A_206 = tpu.memref_slice %arg4[%mul3A_2, %dma_wait3A_204, %dma_wait3A_205] : memref<4096x200x64xf32, #tpu.memory_space<hbm>> -> memref<1x200x64xf32, #tpu.memory_space<hbm>>
      %dma_wait3A_207 = tpu.memref_squeeze %dma_wait3A_206 : memref<1x200x64xf32, #tpu.memory_space<hbm>> -> memref<200x64xf32, #tpu.memory_space<hbm>>
      tpu.wait_dma2 semaphore(%arg13 : memref<!tpu.dma_semaphore, #tpu.memory_space<semaphore_mem>>) src(%arg9 : memref<200x64xf32, #tpu.memory_space<vmem>>) dst(%dma_wait3A_207 : memref<200x64xf32, #tpu.memory_space<hbm>>)
      %scan3A_208 = arith.constant 0 : i32
      %scan3A_209 = arith.constant 25 : i32
      %scan3A_210 = arith.addi %scan3A_208, %scan3A_209 : i32
      %scan3A_211 = arith.constant 1 : i32
      scf.for %scan3A_230 = %scan3A_208 to %scan3A_210 step %scan3A_211  : i32 {
        %mul3A_231 = arith.constant 8 : i32
        %mul3A_232 = arith.muli %scan3A_230, %mul3A_231 : i32
        %add3A_233 = arith.constant 0 : i32
        %add3A_234 = arith.addi %add3A_233, %mul3A_232 : i32
        %add3A_235 = arith.constant 0 : i32
        %add3A_236 = arith.addi %add3A_234, %add3A_235 : i32
        %get3A = arith.index_cast %add3A_236 : i32 to index
        %get3A_237 = arith.constant 0 : index
        %get3A_238 = tpu.vector_load %arg7[%get3A, %get3A_237] {strides = array<i32>} : memref<200x64xf32, #tpu.memory_space<vmem>>, vector<1x16xf32>,
        %get3A_239 = vector.shape_cast %get3A_238 : vector<1x16xf32> to vector<16xf32>
        %mul3A_240 = arith.constant 8.000000e+00 : f32
        %mul3A_241 = vector.broadcast %mul3A_240 : f32 to vector<16xf32>
        %mul3A_242 = arith.mulf %get3A_239, %mul3A_241 : vector<16xf32>
        %swap3A = arith.index_cast %add3A_236 : i32 to index
        %swap3A_243 = arith.constant 0 : index
        %swap3A_244 = tpu.vector_load %arg9[%swap3A, %swap3A_243] {strides = array<i32>} : memref<200x64xf32, #tpu.memory_space<vmem>>, vector<1x16xf32>,
        %swap3A_245 = vector.shape_cast %swap3A_244 : vector<1x16xf32> to vector<16xf32>
        %swap3A_246 = vector.shape_cast %mul3A_242 : vector<16xf32> to vector<1x16xf32>
        tpu.vector_store %arg9[%swap3A, %swap3A_243], %swap3A_246 {strides = array<i32>} : memref<200x64xf32, #tpu.memory_space<vmem>>, vector<1x16xf32>,
        %get3A_247 = arith.index_cast %add3A_236 : i32 to index
        %get3A_248 = arith.constant 16 : index
        %get3A_249 = tpu.vector_load %arg7[%get3A_247, %get3A_248] {strides = array<i32>} : memref<200x64xf32, #tpu.memory_space<vmem>>, vector<1x16xf32>,
        %get3A_250 = vector.shape_cast %get3A_249 : vector<1x16xf32> to vector<16xf32>
        %mul3A_251 = arith.constant 8.000000e+00 : f32
        %mul3A_252 = vector.broadcast %mul3A_251 : f32 to vector<16xf32>
        %mul3A_253 = arith.mulf %get3A_250, %mul3A_252 : vector<16xf32>
        %swap3A_254 = arith.index_cast %add3A_236 : i32 to index
        %swap3A_255 = arith.constant 16 : index
        %swap3A_256 = tpu.vector_load %arg9[%swap3A_254, %swap3A_255] {strides = array<i32>} : memref<200x64xf32, #tpu.memory_space<vmem>>, vector<1x16xf32>,
        %swap3A_257 = vector.shape_cast %swap3A_256 : vector<1x16xf32> to vector<16xf32>
        %swap3A_258 = vector.shape_cast %mul3A_253 : vector<16xf32> to vector<1x16xf32>
        tpu.vector_store %arg9[%swap3A_254, %swap3A_255], %swap3A_258 {strides = array<i32>} : memref<200x64xf32, #tpu.memory_space<vmem>>, vector<1x16xf32>,
        %get3A_259 = arith.index_cast %add3A_236 : i32 to index
        %get3A_260 = arith.constant 32 : index
        %get3A_261 = tpu.vector_load %arg7[%get3A_259, %get3A_260] {strides = array<i32>} : memref<200x64xf32, #tpu.memory_space<vmem>>, vector<1x16xf32>,
        %get3A_262 = vector.shape_cast %get3A_261 : vector<1x16xf32> to vector<16xf32>
        %mul3A_263 = arith.constant 8.000000e+00 : f32
        %mul3A_264 = vector.broadcast %mul3A_263 : f32 to vector<16xf32>
        %mul3A_265 = arith.mulf %get3A_262, %mul3A_264 : vector<16xf32>
        %swap3A_266 = arith.index_cast %add3A_236 : i32 to index
        %swap3A_267 = arith.constant 32 : index
        %swap3A_268 = tpu.vector_load %arg9[%swap3A_266, %swap3A_267] {strides = array<i32>} : memref<200x64xf32, #tpu.memory_space<vmem>>, vector<1x16xf32>,
        %swap3A_269 = vector.shape_cast %swap3A_268 : vector<1x16xf32> to vector<16xf32>
        %swap3A_270 = vector.shape_cast %mul3A_265 : vector<16xf32> to vector<1x16xf32>
        tpu.vector_store %arg9[%swap3A_266, %swap3A_267], %swap3A_270 {strides = array<i32>} : memref<200x64xf32, #tpu.memory_space<vmem>>, vector<1x16xf32>,
        %get3A_271 = arith.index_cast %add3A_236 : i32 to index
        %get3A_272 = arith.constant 48 : index
        %get3A_273 = tpu.vector_load %arg7[%get3A_271, %get3A_272] {strides = array<i32>} : memref<200x64xf32, #tpu.memory_space<vmem>>, vector<1x16xf32>,
        %get3A_274 = vector.shape_cast %get3A_273 : vector<1x16xf32> to vector<16xf32>
        %mul3A_275 = arith.constant 8.000000e+00 : f32
        %mul3A_276 = vector.broadcast %mul3A_275 : f32 to vector<16xf32>
        %mul3A_277 = arith.mulf %get3A_274, %mul3A_276 : vector<16xf32>
        %swap3A_278 = arith.index_cast %add3A_236 : i32 to index
        %swap3A_279 = arith.constant 48 : index
        %swap3A_280 = tpu.vector_load %arg9[%swap3A_278, %swap3A_279] {strides = array<i32>} : memref<200x64xf32, #tpu.memory_space<vmem>>, vector<1x16xf32>,
        %swap3A_281 = vector.shape_cast %swap3A_280 : vector<1x16xf32> to vector<16xf32>
        %swap3A_282 = vector.shape_cast %mul3A_277 : vector<16xf32> to vector<1x16xf32>
        tpu.vector_store %arg9[%swap3A_278, %swap3A_279], %swap3A_282 {strides = array<i32>} : memref<200x64xf32, #tpu.memory_space<vmem>>, vector<1x16xf32>,
        %add3A_283 = arith.constant 1 : i32
        %add3A_284 = arith.addi %add3A_234, %add3A_283 : i32
        %get3A_285 = arith.index_cast %add3A_284 : i32 to index
        %get3A_286 = arith.constant 0 : index
        %get3A_287 = tpu.vector_load %arg7[%get3A_285, %get3A_286] {strides = array<i32>} : memref<200x64xf32, #tpu.memory_space<vmem>>, vector<1x16xf32>,
        %get3A_288 = vector.shape_cast %get3A_287 : vector<1x16xf32> to vector<16xf32>
        %mul3A_289 = arith.constant 8.000000e+00 : f32
        %mul3A_290 = vector.broadcast %mul3A_289 : f32 to vector<16xf32>
        %mul3A_291 = arith.mulf %get3A_288, %mul3A_290 : vector<16xf32>
        %swap3A_292 = arith.index_cast %add3A_284 : i32 to index
        %swap3A_293 = arith.constant 0 : index
        %swap3A_294 = tpu.vector_load %arg9[%swap3A_292, %swap3A_293] {strides = array<i32>} : memref<200x64xf32, #tpu.memory_space<vmem>>, vector<1x16xf32>,
        %swap3A_295 = vector.shape_cast %swap3A_294 : vector<1x16xf32> to vector<16xf32>
        %swap3A_296 = vector.shape_cast %mul3A_291 : vector<16xf32> to vector<1x16xf32>
        tpu.vector_store %arg9[%swap3A_292, %swap3A_293], %swap3A_296 {strides = array<i32>} : memref<200x64xf32, #tpu.memory_space<vmem>>, vector<1x16xf32>,
        %get3A_297 = arith.index_cast %add3A_284 : i32 to index
        %get3A_298 = arith.constant 16 : index
        %get3A_299 = tpu.vector_load %arg7[%get3A_297, %get3A_298] {strides = array<i32>} : memref<200x64xf32, #tpu.memory_space<vmem>>, vector<1x16xf32>,
        %get3A_300 = vector.shape_cast %get3A_299 : vector<1x16xf32> to vector<16xf32>
        %mul3A_301 = arith.constant 8.000000e+00 : f32
        %mul3A_302 = vector.broadcast %mul3A_301 : f32 to vector<16xf32>
        %mul3A_303 = arith.mulf %get3A_300, %mul3A_302 : vector<16xf32>
        %swap3A_304 = arith.index_cast %add3A_284 : i32 to index
        %swap3A_305 = arith.constant 16 : index
        %swap3A_306 = tpu.vector_load %arg9[%swap3A_304, %swap3A_305] {strides = array<i32>} : memref<200x64xf32, #tpu.memory_space<vmem>>, vector<1x16xf32>,
        %swap3A_307 = vector.shape_cast %swap3A_306 : vector<1x16xf32> to vector<16xf32>
        %swap3A_308 = vector.shape_cast %mul3A_303 : vector<16xf32> to vector<1x16xf32>
        tpu.vector_store %arg9[%swap3A_304, %swap3A_305], %swap3A_308 {strides = array<i32>} : memref<200x64xf32, #tpu.memory_space<vmem>>, vector<1x16xf32>,
        %get3A_309 = arith.index_cast %add3A_284 : i32 to index
        %get3A_310 = arith.constant 32 : index
        %get3A_311 = tpu.vector_load %arg7[%get3A_309, %get3A_310] {strides = array<i32>} : memref<200x64xf32, #tpu.memory_space<vmem>>, vector<1x16xf32>,
        %get3A_312 = vector.shape_cast %get3A_311 : vector<1x16xf32> to vector<16xf32>
        %mul3A_313 = arith.constant 8.000000e+00 : f32
        %mul3A_314 = vector.broadcast %mul3A_313 : f32 to vector<16xf32>
        %mul3A_315 = arith.mulf %get3A_312, %mul3A_314 : vector<16xf32>
        %swap3A_316 = arith.index_cast %add3A_284 : i32 to index
        %swap3A_317 = arith.constant 32 : index
        %swap3A_318 = tpu.vector_load %arg9[%swap3A_316, %swap3A_317] {strides = array<i32>} : memref<200x64xf32, #tpu.memory_space<vmem>>, vector<1x16xf32>,
        %swap3A_319 = vector.shape_cast %swap3A_318 : vector<1x16xf32> to vector<16xf32>
        %swap3A_320 = vector.shape_cast %mul3A_315 : vector<16xf32> to vector<1x16xf32>
        tpu.vector_store %arg9[%swap3A_316, %swap3A_317], %swap3A_320 {strides = array<i32>} : memref<200x64xf32, #tpu.memory_space<vmem>>, vector<1x16xf32>,
        %get3A_321 = arith.index_cast %add3A_284 : i32 to index
        %get3A_322 = arith.constant 48 : index
        %get3A_323 = tpu.vector_load %arg7[%get3A_321, %get3A_322] {strides = array<i32>} : memref<200x64xf32, #tpu.memory_space<vmem>>, vector<1x16xf32>,
        %get3A_324 = vector.shape_cast %get3A_323 : vector<1x16xf32> to vector<16xf32>
        %mul3A_325 = arith.constant 8.000000e+00 : f32
        %mul3A_326 = vector.broadcast %mul3A_325 : f32 to vector<16xf32>
        %mul3A_327 = arith.mulf %get3A_324, %mul3A_326 : vector<16xf32>
        %swap3A_328 = arith.index_cast %add3A_284 : i32 to index
        %swap3A_329 = arith.constant 48 : index
        %swap3A_330 = tpu.vector_load %arg9[%swap3A_328, %swap3A_329] {strides = array<i32>} : memref<200x64xf32, #tpu.memory_space<vmem>>, vector<1x16xf32>,
        %swap3A_331 = vector.shape_cast %swap3A_330 : vector<1x16xf32> to vector<16xf32>
        %swap3A_332 = vector.shape_cast %mul3A_327 : vector<16xf32> to vector<1x16xf32>
        tpu.vector_store %arg9[%swap3A_328, %swap3A_329], %swap3A_332 {strides = array<i32>} : memref<200x64xf32, #tpu.memory_space<vmem>>, vector<1x16xf32>,
        %add3A_333 = arith.constant 2 : i32
        %add3A_334 = arith.addi %add3A_234, %add3A_333 : i32
        %get3A_335 = arith.index_cast %add3A_334 : i32 to index
        %get3A_336 = arith.constant 0 : index
        %get3A_337 = tpu.vector_load %arg7[%get3A_335, %get3A_336] {strides = array<i32>} : memref<200x64xf32, #tpu.memory_space<vmem>>, vector<1x16xf32>,
        %get3A_338 = vector.shape_cast %get3A_337 : vector<1x16xf32> to vector<16xf32>
        %mul3A_339 = arith.constant 8.000000e+00 : f32
        %mul3A_340 = vector.broadcast %mul3A_339 : f32 to vector<16xf32>
        %mul3A_341 = arith.mulf %get3A_338, %mul3A_340 : vector<16xf32>
        %swap3A_342 = arith.index_cast %add3A_334 : i32 to index
        %swap3A_343 = arith.constant 0 : index
        %swap3A_344 = tpu.vector_load %arg9[%swap3A_342, %swap3A_343] {strides = array<i32>} : memref<200x64xf32, #tpu.memory_space<vmem>>, vector<1x16xf32>,
        %swap3A_345 = vector.shape_cast %swap3A_344 : vector<1x16xf32> to vector<16xf32>
        %swap3A_346 = vector.shape_cast %mul3A_341 : vector<16xf32> to vector<1x16xf32>
        tpu.vector_store %arg9[%swap3A_342, %swap3A_343], %swap3A_346 {strides = array<i32>} : memref<200x64xf32, #tpu.memory_space<vmem>>, vector<1x16xf32>,
        %get3A_347 = arith.index_cast %add3A_334 : i32 to index
        %get3A_348 = arith.constant 16 : index
        %get3A_349 = tpu.vector_load %arg7[%get3A_347, %get3A_348] {strides = array<i32>} : memref<200x64xf32, #tpu.memory_space<vmem>>, vector<1x16xf32>,
        %get3A_350 = vector.shape_cast %get3A_349 : vector<1x16xf32> to vector<16xf32>
        %mul3A_351 = arith.constant 8.000000e+00 : f32
        %mul3A_352 = vector.broadcast %mul3A_351 : f32 to vector<16xf32>
        %mul3A_353 = arith.mulf %get3A_350, %mul3A_352 : vector<16xf32>
        %swap3A_354 = arith.index_cast %add3A_334 : i32 to index
        %swap3A_355 = arith.constant 16 : index
        %swap3A_356 = tpu.vector_load %arg9[%swap3A_354, %swap3A_355] {strides = array<i32>} : memref<200x64xf32, #tpu.memory_space<vmem>>, vector<1x16xf32>,
        %swap3A_357 = vector.shape_cast %swap3A_356 : vector<1x16xf32> to vector<16xf32>
        %swap3A_358 = vector.shape_cast %mul3A_353 : vector<16xf32> to vector<1x16xf32>
        tpu.vector_store %arg9[%swap3A_354, %swap3A_355], %swap3A_358 {strides = array<i32>} : memref<200x64xf32, #tpu.memory_space<vmem>>, vector<1x16xf32>,
        %get3A_359 = arith.index_cast %add3A_334 : i32 to index
        %get3A_360 = arith.constant 32 : index
        %get3A_361 = tpu.vector_load %arg7[%get3A_359, %get3A_360] {strides = array<i32>} : memref<200x64xf32, #tpu.memory_space<vmem>>, vector<1x16xf32>,
        %get3A_362 = vector.shape_cast %get3A_361 : vector<1x16xf32> to vector<16xf32>
        %mul3A_363 = arith.constant 8.000000e+00 : f32
        %mul3A_364 = vector.broadcast %mul3A_363 : f32 to vector<16xf32>
        %mul3A_365 = arith.mulf %get3A_362, %mul3A_364 : vector<16xf32>
        %swap3A_366 = arith.index_cast %add3A_334 : i32 to index
        %swap3A_367 = arith.constant 32 : index
        %swap3A_368 = tpu.vector_load %arg9[%swap3A_366, %swap3A_367] {strides = array<i32>} : memref<200x64xf32, #tpu.memory_space<vmem>>, vector<1x16xf32>,
        %swap3A_369 = vector.shape_cast %swap3A_368 : vector<1x16xf32> to vector<16xf32>
        %swap3A_370 = vector.shape_cast %mul3A_365 : vector<16xf32> to vector<1x16xf32>
        tpu.vector_store %arg9[%swap3A_366, %swap3A_367], %swap3A_370 {strides = array<i32>} : memref<200x64xf32, #tpu.memory_space<vmem>>, vector<1x16xf32>,
        %get3A_371 = arith.index_cast %add3A_334 : i32 to index
        %get3A_372 = arith.constant 48 : index
        %get3A_373 = tpu.vector_load %arg7[%get3A_371, %get3A_372] {strides = array<i32>} : memref<200x64xf32, #tpu.memory_space<vmem>>, vector<1x16xf32>,
        %get3A_374 = vector.shape_cast %get3A_373 : vector<1x16xf32> to vector<16xf32>
        %mul3A_375 = arith.constant 8.000000e+00 : f32
        %mul3A_376 = vector.broadcast %mul3A_375 : f32 to vector<16xf32>
        %mul3A_377 = arith.mulf %get3A_374, %mul3A_376 : vector<16xf32>
        %swap3A_378 = arith.index_cast %add3A_334 : i32 to index
        %swap3A_379 = arith.constant 48 : index
        %swap3A_380 = tpu.vector_load %arg9[%swap3A_378, %swap3A_379] {strides = array<i32>} : memref<200x64xf32, #tpu.memory_space<vmem>>, vector<1x16xf32>,
        %swap3A_381 = vector.shape_cast %swap3A_380 : vector<1x16xf32> to vector<16xf32>
        %swap3A_382 = vector.shape_cast %mul3A_377 : vector<16xf32> to vector<1x16xf32>
        tpu.vector_store %arg9[%swap3A_378, %swap3A_379], %swap3A_382 {strides = array<i32>} : memref<200x64xf32, #tpu.memory_space<vmem>>, vector<1x16xf32>,
        %add3A_383 = arith.constant 3 : i32
        %add3A_384 = arith.addi %add3A_234, %add3A_383 : i32
        %get3A_385 = arith.index_cast %add3A_384 : i32 to index
        %get3A_386 = arith.constant 0 : index
        %get3A_387 = tpu.vector_load %arg7[%get3A_385, %get3A_386] {strides = array<i32>} : memref<200x64xf32, #tpu.memory_space<vmem>>, vector<1x16xf32>,
        %get3A_388 = vector.shape_cast %get3A_387 : vector<1x16xf32> to vector<16xf32>
        %mul3A_389 = arith.constant 8.000000e+00 : f32
        %mul3A_390 = vector.broadcast %mul3A_389 : f32 to vector<16xf32>
        %mul3A_391 = arith.mulf %get3A_388, %mul3A_390 : vector<16xf32>
        %swap3A_392 = arith.index_cast %add3A_384 : i32 to index
        %swap3A_393 = arith.constant 0 : index
        %swap3A_394 = tpu.vector_load %arg9[%swap3A_392, %swap3A_393] {strides = array<i32>} : memref<200x64xf32, #tpu.memory_space<vmem>>, vector<1x16xf32>,
        %swap3A_395 = vector.shape_cast %swap3A_394 : vector<1x16xf32> to vector<16xf32>
        %swap3A_396 = vector.shape_cast %mul3A_391 : vector<16xf32> to vector<1x16xf32>
        tpu.vector_store %arg9[%swap3A_392, %swap3A_393], %swap3A_396 {strides = array<i32>} : memref<200x64xf32, #tpu.memory_space<vmem>>, vector<1x16xf32>,
        %get3A_397 = arith.index_cast %add3A_384 : i32 to index
        %get3A_398 = arith.constant 16 : index
        %get3A_399 = tpu.vector_load %arg7[%get3A_397, %get3A_398] {strides = array<i32>} : memref<200x64xf32, #tpu.memory_space<vmem>>, vector<1x16xf32>,
        %get3A_400 = vector.shape_cast %get3A_399 : vector<1x16xf32> to vector<16xf32>
        %mul3A_401 = arith.constant 8.000000e+00 : f32
        %mul3A_402 = vector.broadcast %mul3A_401 : f32 to vector<16xf32>
        %mul3A_403 = arith.mulf %get3A_400, %mul3A_402 : vector<16xf32>
        %swap3A_404 = arith.index_cast %add3A_384 : i32 to index
        %swap3A_405 = arith.constant 16 : index
        %swap3A_406 = tpu.vector_load %arg9[%swap3A_404, %swap3A_405] {strides = array<i32>} : memref<200x64xf32, #tpu.memory_space<vmem>>, vector<1x16xf32>,
        %swap3A_407 = vector.shape_cast %swap3A_406 : vector<1x16xf32> to vector<16xf32>
        %swap3A_408 = vector.shape_cast %mul3A_403 : vector<16xf32> to vector<1x16xf32>
        tpu.vector_store %arg9[%swap3A_404, %swap3A_405], %swap3A_408 {strides = array<i32>} : memref<200x64xf32, #tpu.memory_space<vmem>>, vector<1x16xf32>,
        %get3A_409 = arith.index_cast %add3A_384 : i32 to index
        %get3A_410 = arith.constant 32 : index
        %get3A_411 = tpu.vector_load %arg7[%get3A_409, %get3A_410] {strides = array<i32>} : memref<200x64xf32, #tpu.memory_space<vmem>>, vector<1x16xf32>,
        %get3A_412 = vector.shape_cast %get3A_411 : vector<1x16xf32> to vector<16xf32>
        %mul3A_413 = arith.constant 8.000000e+00 : f32
        %mul3A_414 = vector.broadcast %mul3A_413 : f32 to vector<16xf32>
        %mul3A_415 = arith.mulf %get3A_412, %mul3A_414 : vector<16xf32>
        %swap3A_416 = arith.index_cast %add3A_384 : i32 to index
        %swap3A_417 = arith.constant 32 : index
        %swap3A_418 = tpu.vector_load %arg9[%swap3A_416, %swap3A_417] {strides = array<i32>} : memref<200x64xf32, #tpu.memory_space<vmem>>, vector<1x16xf32>,
        %swap3A_419 = vector.shape_cast %swap3A_418 : vector<1x16xf32> to vector<16xf32>
        %swap3A_420 = vector.shape_cast %mul3A_415 : vector<16xf32> to vector<1x16xf32>
        tpu.vector_store %arg9[%swap3A_416, %swap3A_417], %swap3A_420 {strides = array<i32>} : memref<200x64xf32, #tpu.memory_space<vmem>>, vector<1x16xf32>,
        %get3A_421 = arith.index_cast %add3A_384 : i32 to index
        %get3A_422 = arith.constant 48 : index
        %get3A_423 = tpu.vector_load %arg7[%get3A_421, %get3A_422] {strides = array<i32>} : memref<200x64xf32, #tpu.memory_space<vmem>>, vector<1x16xf32>,
        %get3A_424 = vector.shape_cast %get3A_423 : vector<1x16xf32> to vector<16xf32>
        %mul3A_425 = arith.constant 8.000000e+00 : f32
        %mul3A_426 = vector.broadcast %mul3A_425 : f32 to vector<16xf32>
        %mul3A_427 = arith.mulf %get3A_424, %mul3A_426 : vector<16xf32>
        %swap3A_428 = arith.index_cast %add3A_384 : i32 to index
        %swap3A_429 = arith.constant 48 : index
        %swap3A_430 = tpu.vector_load %arg9[%swap3A_428, %swap3A_429] {strides = array<i32>} : memref<200x64xf32, #tpu.memory_space<vmem>>, vector<1x16xf32>,
        %swap3A_431 = vector.shape_cast %swap3A_430 : vector<1x16xf32> to vector<16xf32>
        %swap3A_432 = vector.shape_cast %mul3A_427 : vector<16xf32> to vector<1x16xf32>
        tpu.vector_store %arg9[%swap3A_428, %swap3A_429], %swap3A_432 {strides = array<i32>} : memref<200x64xf32, #tpu.memory_space<vmem>>, vector<1x16xf32>,
        %add3A_433 = arith.constant 4 : i32
        %add3A_434 = arith.addi %add3A_234, %add3A_433 : i32
        %get3A_435 = arith.index_cast %add3A_434 : i32 to index
        %get3A_436 = arith.constant 0 : index
        %get3A_437 = tpu.vector_load %arg7[%get3A_435, %get3A_436] {strides = array<i32>} : memref<200x64xf32, #tpu.memory_space<vmem>>, vector<1x16xf32>,
        %get3A_438 = vector.shape_cast %get3A_437 : vector<1x16xf32> to vector<16xf32>
        %mul3A_439 = arith.constant 8.000000e+00 : f32
        %mul3A_440 = vector.broadcast %mul3A_439 : f32 to vector<16xf32>
        %mul3A_441 = arith.mulf %get3A_438, %mul3A_440 : vector<16xf32>
        %swap3A_442 = arith.index_cast %add3A_434 : i32 to index
        %swap3A_443 = arith.constant 0 : index
        %swap3A_444 = tpu.vector_load %arg9[%swap3A_442, %swap3A_443] {strides = array<i32>} : memref<200x64xf32, #tpu.memory_space<vmem>>, vector<1x16xf32>,
        %swap3A_445 = vector.shape_cast %swap3A_444 : vector<1x16xf32> to vector<16xf32>
        %swap3A_446 = vector.shape_cast %mul3A_441 : vector<16xf32> to vector<1x16xf32>
        tpu.vector_store %arg9[%swap3A_442, %swap3A_443], %swap3A_446 {strides = array<i32>} : memref<200x64xf32, #tpu.memory_space<vmem>>, vector<1x16xf32>,
        %get3A_447 = arith.index_cast %add3A_434 : i32 to index
        %get3A_448 = arith.constant 16 : index
        %get3A_449 = tpu.vector_load %arg7[%get3A_447, %get3A_448] {strides = array<i32>} : memref<200x64xf32, #tpu.memory_space<vmem>>, vector<1x16xf32>,
        %get3A_450 = vector.shape_cast %get3A_449 : vector<1x16xf32> to vector<16xf32>
        %mul3A_451 = arith.constant 8.000000e+00 : f32
        %mul3A_452 = vector.broadcast %mul3A_451 : f32 to vector<16xf32>
        %mul3A_453 = arith.mulf %get3A_450, %mul3A_452 : vector<16xf32>
        %swap3A_454 = arith.index_cast %add3A_434 : i32 to index
        %swap3A_455 = arith.constant 16 : index
        %swap3A_456 = tpu.vector_load %arg9[%swap3A_454, %swap3A_455] {strides = array<i32>} : memref<200x64xf32, #tpu.memory_space<vmem>>, vector<1x16xf32>,
        %swap3A_457 = vector.shape_cast %swap3A_456 : vector<1x16xf32> to vector<16xf32>
        %swap3A_458 = vector.shape_cast %mul3A_453 : vector<16xf32> to vector<1x16xf32>
        tpu.vector_store %arg9[%swap3A_454, %swap3A_455], %swap3A_458 {strides = array<i32>} : memref<200x64xf32, #tpu.memory_space<vmem>>, vector<1x16xf32>,
        %get3A_459 = arith.index_cast %add3A_434 : i32 to index
        %get3A_460 = arith.constant 32 : index
        %get3A_461 = tpu.vector_load %arg7[%get3A_459, %get3A_460] {strides = array<i32>} : memref<200x64xf32, #tpu.memory_space<vmem>>, vector<1x16xf32>,
        %get3A_462 = vector.shape_cast %get3A_461 : vector<1x16xf32> to vector<16xf32>
        %mul3A_463 = arith.constant 8.000000e+00 : f32
        %mul3A_464 = vector.broadcast %mul3A_463 : f32 to vector<16xf32>
        %mul3A_465 = arith.mulf %get3A_462, %mul3A_464 : vector<16xf32>
        %swap3A_466 = arith.index_cast %add3A_434 : i32 to index
        %swap3A_467 = arith.constant 32 : index
        %swap3A_468 = tpu.vector_load %arg9[%swap3A_466, %swap3A_467] {strides = array<i32>} : memref<200x64xf32, #tpu.memory_space<vmem>>, vector<1x16xf32>,
        %swap3A_469 = vector.shape_cast %swap3A_468 : vector<1x16xf32> to vector<16xf32>
        %swap3A_470 = vector.shape_cast %mul3A_465 : vector<16xf32> to vector<1x16xf32>
        tpu.vector_store %arg9[%swap3A_466, %swap3A_467], %swap3A_470 {strides = array<i32>} : memref<200x64xf32, #tpu.memory_space<vmem>>, vector<1x16xf32>,
        %get3A_471 = arith.index_cast %add3A_434 : i32 to index
        %get3A_472 = arith.constant 48 : index
        %get3A_473 = tpu.vector_load %arg7[%get3A_471, %get3A_472] {strides = array<i32>} : memref<200x64xf32, #tpu.memory_space<vmem>>, vector<1x16xf32>,
        %get3A_474 = vector.shape_cast %get3A_473 : vector<1x16xf32> to vector<16xf32>
        %mul3A_475 = arith.constant 8.000000e+00 : f32
        %mul3A_476 = vector.broadcast %mul3A_475 : f32 to vector<16xf32>
        %mul3A_477 = arith.mulf %get3A_474, %mul3A_476 : vector<16xf32>
        %swap3A_478 = arith.index_cast %add3A_434 : i32 to index
        %swap3A_479 = arith.constant 48 : index
        %swap3A_480 = tpu.vector_load %arg9[%swap3A_478, %swap3A_479] {strides = array<i32>} : memref<200x64xf32, #tpu.memory_space<vmem>>, vector<1x16xf32>,
        %swap3A_481 = vector.shape_cast %swap3A_480 : vector<1x16xf32> to vector<16xf32>
        %swap3A_482 = vector.shape_cast %mul3A_477 : vector<16xf32> to vector<1x16xf32>
        tpu.vector_store %arg9[%swap3A_478, %swap3A_479], %swap3A_482 {strides = array<i32>} : memref<200x64xf32, #tpu.memory_space<vmem>>, vector<1x16xf32>,
        %add3A_483 = arith.constant 5 : i32
        %add3A_484 = arith.addi %add3A_234, %add3A_483 : i32
        %get3A_485 = arith.index_cast %add3A_484 : i32 to index
        %get3A_486 = arith.constant 0 : index
        %get3A_487 = tpu.vector_load %arg7[%get3A_485, %get3A_486] {strides = array<i32>} : memref<200x64xf32, #tpu.memory_space<vmem>>, vector<1x16xf32>,
        %get3A_488 = vector.shape_cast %get3A_487 : vector<1x16xf32> to vector<16xf32>
        %mul3A_489 = arith.constant 8.000000e+00 : f32
        %mul3A_490 = vector.broadcast %mul3A_489 : f32 to vector<16xf32>
        %mul3A_491 = arith.mulf %get3A_488, %mul3A_490 : vector<16xf32>
        %swap3A_492 = arith.index_cast %add3A_484 : i32 to index
        %swap3A_493 = arith.constant 0 : index
        %swap3A_494 = tpu.vector_load %arg9[%swap3A_492, %swap3A_493] {strides = array<i32>} : memref<200x64xf32, #tpu.memory_space<vmem>>, vector<1x16xf32>,
        %swap3A_495 = vector.shape_cast %swap3A_494 : vector<1x16xf32> to vector<16xf32>
        %swap3A_496 = vector.shape_cast %mul3A_491 : vector<16xf32> to vector<1x16xf32>
        tpu.vector_store %arg9[%swap3A_492, %swap3A_493], %swap3A_496 {strides = array<i32>} : memref<200x64xf32, #tpu.memory_space<vmem>>, vector<1x16xf32>,
        %get3A_497 = arith.index_cast %add3A_484 : i32 to index
        %get3A_498 = arith.constant 16 : index
        %get3A_499 = tpu.vector_load %arg7[%get3A_497, %get3A_498] {strides = array<i32>} : memref<200x64xf32, #tpu.memory_space<vmem>>, vector<1x16xf32>,
        %get3A_500 = vector.shape_cast %get3A_499 : vector<1x16xf32> to vector<16xf32>
        %mul3A_501 = arith.constant 8.000000e+00 : f32
        %mul3A_502 = vector.broadcast %mul3A_501 : f32 to vector<16xf32>
        %mul3A_503 = arith.mulf %get3A_500, %mul3A_502 : vector<16xf32>
        %swap3A_504 = arith.index_cast %add3A_484 : i32 to index
        %swap3A_505 = arith.constant 16 : index
        %swap3A_506 = tpu.vector_load %arg9[%swap3A_504, %swap3A_505] {strides = array<i32>} : memref<200x64xf32, #tpu.memory_space<vmem>>, vector<1x16xf32>,
        %swap3A_507 = vector.shape_cast %swap3A_506 : vector<1x16xf32> to vector<16xf32>
        %swap3A_508 = vector.shape_cast %mul3A_503 : vector<16xf32> to vector<1x16xf32>
        tpu.vector_store %arg9[%swap3A_504, %swap3A_505], %swap3A_508 {strides = array<i32>} : memref<200x64xf32, #tpu.memory_space<vmem>>, vector<1x16xf32>,
        %get3A_509 = arith.index_cast %add3A_484 : i32 to index
        %get3A_510 = arith.constant 32 : index
        %get3A_511 = tpu.vector_load %arg7[%get3A_509, %get3A_510] {strides = array<i32>} : memref<200x64xf32, #tpu.memory_space<vmem>>, vector<1x16xf32>,
        %get3A_512 = vector.shape_cast %get3A_511 : vector<1x16xf32> to vector<16xf32>
        %mul3A_513 = arith.constant 8.000000e+00 : f32
        %mul3A_514 = vector.broadcast %mul3A_513 : f32 to vector<16xf32>
        %mul3A_515 = arith.mulf %get3A_512, %mul3A_514 : vector<16xf32>
        %swap3A_516 = arith.index_cast %add3A_484 : i32 to index
        %swap3A_517 = arith.constant 32 : index
        %swap3A_518 = tpu.vector_load %arg9[%swap3A_516, %swap3A_517] {strides = array<i32>} : memref<200x64xf32, #tpu.memory_space<vmem>>, vector<1x16xf32>,
        %swap3A_519 = vector.shape_cast %swap3A_518 : vector<1x16xf32> to vector<16xf32>
        %swap3A_520 = vector.shape_cast %mul3A_515 : vector<16xf32> to vector<1x16xf32>
        tpu.vector_store %arg9[%swap3A_516, %swap3A_517], %swap3A_520 {strides = array<i32>} : memref<200x64xf32, #tpu.memory_space<vmem>>, vector<1x16xf32>,
        %get3A_521 = arith.index_cast %add3A_484 : i32 to index
        %get3A_522 = arith.constant 48 : index
        %get3A_523 = tpu.vector_load %arg7[%get3A_521, %get3A_522] {strides = array<i32>} : memref<200x64xf32, #tpu.memory_space<vmem>>, vector<1x16xf32>,
        %get3A_524 = vector.shape_cast %get3A_523 : vector<1x16xf32> to vector<16xf32>
        %mul3A_525 = arith.constant 8.000000e+00 : f32
        %mul3A_526 = vector.broadcast %mul3A_525 : f32 to vector<16xf32>
        %mul3A_527 = arith.mulf %get3A_524, %mul3A_526 : vector<16xf32>
        %swap3A_528 = arith.index_cast %add3A_484 : i32 to index
        %swap3A_529 = arith.constant 48 : index
        %swap3A_530 = tpu.vector_load %arg9[%swap3A_528, %swap3A_529] {strides = array<i32>} : memref<200x64xf32, #tpu.memory_space<vmem>>, vector<1x16xf32>,
        %swap3A_531 = vector.shape_cast %swap3A_530 : vector<1x16xf32> to vector<16xf32>
        %swap3A_532 = vector.shape_cast %mul3A_527 : vector<16xf32> to vector<1x16xf32>
        tpu.vector_store %arg9[%swap3A_528, %swap3A_529], %swap3A_532 {strides = array<i32>} : memref<200x64xf32, #tpu.memory_space<vmem>>, vector<1x16xf32>,
        %add3A_533 = arith.constant 6 : i32
        %add3A_534 = arith.addi %add3A_234, %add3A_533 : i32
        %get3A_535 = arith.index_cast %add3A_534 : i32 to index
        %get3A_536 = arith.constant 0 : index
        %get3A_537 = tpu.vector_load %arg7[%get3A_535, %get3A_536] {strides = array<i32>} : memref<200x64xf32, #tpu.memory_space<vmem>>, vector<1x16xf32>,
        %get3A_538 = vector.shape_cast %get3A_537 : vector<1x16xf32> to vector<16xf32>
        %mul3A_539 = arith.constant 8.000000e+00 : f32
        %mul3A_540 = vector.broadcast %mul3A_539 : f32 to vector<16xf32>
        %mul3A_541 = arith.mulf %get3A_538, %mul3A_540 : vector<16xf32>
        %swap3A_542 = arith.index_cast %add3A_534 : i32 to index
        %swap3A_543 = arith.constant 0 : index
        %swap3A_544 = tpu.vector_load %arg9[%swap3A_542, %swap3A_543] {strides = array<i32>} : memref<200x64xf32, #tpu.memory_space<vmem>>, vector<1x16xf32>,
        %swap3A_545 = vector.shape_cast %swap3A_544 : vector<1x16xf32> to vector<16xf32>
        %swap3A_546 = vector.shape_cast %mul3A_541 : vector<16xf32> to vector<1x16xf32>
        tpu.vector_store %arg9[%swap3A_542, %swap3A_543], %swap3A_546 {strides = array<i32>} : memref<200x64xf32, #tpu.memory_space<vmem>>, vector<1x16xf32>,
        %get3A_547 = arith.index_cast %add3A_534 : i32 to index
        %get3A_548 = arith.constant 16 : index
        %get3A_549 = tpu.vector_load %arg7[%get3A_547, %get3A_548] {strides = array<i32>} : memref<200x64xf32, #tpu.memory_space<vmem>>, vector<1x16xf32>,
        %get3A_550 = vector.shape_cast %get3A_549 : vector<1x16xf32> to vector<16xf32>
        %mul3A_551 = arith.constant 8.000000e+00 : f32
        %mul3A_552 = vector.broadcast %mul3A_551 : f32 to vector<16xf32>
        %mul3A_553 = arith.mulf %get3A_550, %mul3A_552 : vector<16xf32>
        %swap3A_554 = arith.index_cast %add3A_534 : i32 to index
        %swap3A_555 = arith.constant 16 : index
        %swap3A_556 = tpu.vector_load %arg9[%swap3A_554, %swap3A_555] {strides = array<i32>} : memref<200x64xf32, #tpu.memory_space<vmem>>, vector<1x16xf32>,
        %swap3A_557 = vector.shape_cast %swap3A_556 : vector<1x16xf32> to vector<16xf32>
        %swap3A_558 = vector.shape_cast %mul3A_553 : vector<16xf32> to vector<1x16xf32>
        tpu.vector_store %arg9[%swap3A_554, %swap3A_555], %swap3A_558 {strides = array<i32>} : memref<200x64xf32, #tpu.memory_space<vmem>>, vector<1x16xf32>,
        %get3A_559 = arith.index_cast %add3A_534 : i32 to index
        %get3A_560 = arith.constant 32 : index
        %get3A_561 = tpu.vector_load %arg7[%get3A_559, %get3A_560] {strides = array<i32>} : memref<200x64xf32, #tpu.memory_space<vmem>>, vector<1x16xf32>,
        %get3A_562 = vector.shape_cast %get3A_561 : vector<1x16xf32> to vector<16xf32>
        %mul3A_563 = arith.constant 8.000000e+00 : f32
        %mul3A_564 = vector.broadcast %mul3A_563 : f32 to vector<16xf32>
        %mul3A_565 = arith.mulf %get3A_562, %mul3A_564 : vector<16xf32>
        %swap3A_566 = arith.index_cast %add3A_534 : i32 to index
        %swap3A_567 = arith.constant 32 : index
        %swap3A_568 = tpu.vector_load %arg9[%swap3A_566, %swap3A_567] {strides = array<i32>} : memref<200x64xf32, #tpu.memory_space<vmem>>, vector<1x16xf32>,
        %swap3A_569 = vector.shape_cast %swap3A_568 : vector<1x16xf32> to vector<16xf32>
        %swap3A_570 = vector.shape_cast %mul3A_565 : vector<16xf32> to vector<1x16xf32>
        tpu.vector_store %arg9[%swap3A_566, %swap3A_567], %swap3A_570 {strides = array<i32>} : memref<200x64xf32, #tpu.memory_space<vmem>>, vector<1x16xf32>,
        %get3A_571 = arith.index_cast %add3A_534 : i32 to index
        %get3A_572 = arith.constant 48 : index
        %get3A_573 = tpu.vector_load %arg7[%get3A_571, %get3A_572] {strides = array<i32>} : memref<200x64xf32, #tpu.memory_space<vmem>>, vector<1x16xf32>,
        %get3A_574 = vector.shape_cast %get3A_573 : vector<1x16xf32> to vector<16xf32>
        %mul3A_575 = arith.constant 8.000000e+00 : f32
        %mul3A_576 = vector.broadcast %mul3A_575 : f32 to vector<16xf32>
        %mul3A_577 = arith.mulf %get3A_574, %mul3A_576 : vector<16xf32>
        %swap3A_578 = arith.index_cast %add3A_534 : i32 to index
        %swap3A_579 = arith.constant 48 : index
        %swap3A_580 = tpu.vector_load %arg9[%swap3A_578, %swap3A_579] {strides = array<i32>} : memref<200x64xf32, #tpu.memory_space<vmem>>, vector<1x16xf32>,
        %swap3A_581 = vector.shape_cast %swap3A_580 : vector<1x16xf32> to vector<16xf32>
        %swap3A_582 = vector.shape_cast %mul3A_577 : vector<16xf32> to vector<1x16xf32>
        tpu.vector_store %arg9[%swap3A_578, %swap3A_579], %swap3A_582 {strides = array<i32>} : memref<200x64xf32, #tpu.memory_space<vmem>>, vector<1x16xf32>,
        %add3A_583 = arith.constant 7 : i32
        %add3A_584 = arith.addi %add3A_234, %add3A_583 : i32
        %get3A_585 = arith.index_cast %add3A_584 : i32 to index
        %get3A_586 = arith.constant 0 : index
        %get3A_587 = tpu.vector_load %arg7[%get3A_585, %get3A_586] {strides = array<i32>} : memref<200x64xf32, #tpu.memory_space<vmem>>, vector<1x16xf32>,
        %get3A_588 = vector.shape_cast %get3A_587 : vector<1x16xf32> to vector<16xf32>
        %mul3A_589 = arith.constant 8.000000e+00 : f32
        %mul3A_590 = vector.broadcast %mul3A_589 : f32 to vector<16xf32>
        %mul3A_591 = arith.mulf %get3A_588, %mul3A_590 : vector<16xf32>
        %swap3A_592 = arith.index_cast %add3A_584 : i32 to index
        %swap3A_593 = arith.constant 0 : index
        %swap3A_594 = tpu.vector_load %arg9[%swap3A_592, %swap3A_593] {strides = array<i32>} : memref<200x64xf32, #tpu.memory_space<vmem>>, vector<1x16xf32>,
        %swap3A_595 = vector.shape_cast %swap3A_594 : vector<1x16xf32> to vector<16xf32>
        %swap3A_596 = vector.shape_cast %mul3A_591 : vector<16xf32> to vector<1x16xf32>
        tpu.vector_store %arg9[%swap3A_592, %swap3A_593], %swap3A_596 {strides = array<i32>} : memref<200x64xf32, #tpu.memory_space<vmem>>, vector<1x16xf32>,
        %get3A_597 = arith.index_cast %add3A_584 : i32 to index
        %get3A_598 = arith.constant 16 : index
        %get3A_599 = tpu.vector_load %arg7[%get3A_597, %get3A_598] {strides = array<i32>} : memref<200x64xf32, #tpu.memory_space<vmem>>, vector<1x16xf32>,
        %get3A_600 = vector.shape_cast %get3A_599 : vector<1x16xf32> to vector<16xf32>
        %mul3A_601 = arith.constant 8.000000e+00 : f32
        %mul3A_602 = vector.broadcast %mul3A_601 : f32 to vector<16xf32>
        %mul3A_603 = arith.mulf %get3A_600, %mul3A_602 : vector<16xf32>
        %swap3A_604 = arith.index_cast %add3A_584 : i32 to index
        %swap3A_605 = arith.constant 16 : index
        %swap3A_606 = tpu.vector_load %arg9[%swap3A_604, %swap3A_605] {strides = array<i32>} : memref<200x64xf32, #tpu.memory_space<vmem>>, vector<1x16xf32>,
        %swap3A_607 = vector.shape_cast %swap3A_606 : vector<1x16xf32> to vector<16xf32>
        %swap3A_608 = vector.shape_cast %mul3A_603 : vector<16xf32> to vector<1x16xf32>
        tpu.vector_store %arg9[%swap3A_604, %swap3A_605], %swap3A_608 {strides = array<i32>} : memref<200x64xf32, #tpu.memory_space<vmem>>, vector<1x16xf32>,
        %get3A_609 = arith.index_cast %add3A_584 : i32 to index
        %get3A_610 = arith.constant 32 : index
        %get3A_611 = tpu.vector_load %arg7[%get3A_609, %get3A_610] {strides = array<i32>} : memref<200x64xf32, #tpu.memory_space<vmem>>, vector<1x16xf32>,
        %get3A_612 = vector.shape_cast %get3A_611 : vector<1x16xf32> to vector<16xf32>
        %mul3A_613 = arith.constant 8.000000e+00 : f32
        %mul3A_614 = vector.broadcast %mul3A_613 : f32 to vector<16xf32>
        %mul3A_615 = arith.mulf %get3A_612, %mul3A_614 : vector<16xf32>
        %swap3A_616 = arith.index_cast %add3A_584 : i32 to index
        %swap3A_617 = arith.constant 32 : index
        %swap3A_618 = tpu.vector_load %arg9[%swap3A_616, %swap3A_617] {strides = array<i32>} : memref<200x64xf32, #tpu.memory_space<vmem>>, vector<1x16xf32>,
        %swap3A_619 = vector.shape_cast %swap3A_618 : vector<1x16xf32> to vector<16xf32>
        %swap3A_620 = vector.shape_cast %mul3A_615 : vector<16xf32> to vector<1x16xf32>
        tpu.vector_store %arg9[%swap3A_616, %swap3A_617], %swap3A_620 {strides = array<i32>} : memref<200x64xf32, #tpu.memory_space<vmem>>, vector<1x16xf32>,
        %get3A_621 = arith.index_cast %add3A_584 : i32 to index
        %get3A_622 = arith.constant 48 : index
        %get3A_623 = tpu.vector_load %arg7[%get3A_621, %get3A_622] {strides = array<i32>} : memref<200x64xf32, #tpu.memory_space<vmem>>, vector<1x16xf32>,
        %get3A_624 = vector.shape_cast %get3A_623 : vector<1x16xf32> to vector<16xf32>
        %mul3A_625 = arith.constant 8.000000e+00 : f32
        %mul3A_626 = vector.broadcast %mul3A_625 : f32 to vector<16xf32>
        %mul3A_627 = arith.mulf %get3A_624, %mul3A_626 : vector<16xf32>
        %swap3A_628 = arith.index_cast %add3A_584 : i32 to index
        %swap3A_629 = arith.constant 48 : index
        %swap3A_630 = tpu.vector_load %arg9[%swap3A_628, %swap3A_629] {strides = array<i32>} : memref<200x64xf32, #tpu.memory_space<vmem>>, vector<1x16xf32>,
        %swap3A_631 = vector.shape_cast %swap3A_630 : vector<1x16xf32> to vector<16xf32>
        %swap3A_632 = vector.shape_cast %mul3A_627 : vector<16xf32> to vector<1x16xf32>
        tpu.vector_store %arg9[%swap3A_628, %swap3A_629], %swap3A_632 {strides = array<i32>} : memref<200x64xf32, #tpu.memory_space<vmem>>, vector<1x16xf32>,
      }
      %scan3A_212 = arith.constant 25 : i32
      %add3A_213 = arith.addi %mul3A_2, %add3A_193 : i32
      %dma_start3A_214 = arith.constant 0 : i32
      %dma_start3A_215 = arith.constant 0 : i32
      %dma_start3A_216 = tpu.memref_slice %arg4[%add3A_213, %dma_start3A_214, %dma_start3A_215] : memref<4096x200x64xf32, #tpu.memory_space<hbm>> -> memref<1x200x64xf32, #tpu.memory_space<hbm>>
      %dma_start3A_217 = tpu.memref_squeeze %dma_start3A_216 : memref<1x200x64xf32, #tpu.memory_space<hbm>> -> memref<200x64xf32, #tpu.memory_space<hbm>>
      %dma_start3A_218 = arith.constant 0 : i32
      %dma_start3A_219 = arith.constant 0 : i32
      %dma_start3A_220 = tpu.memref_slice %arg4[%add3A_213, %dma_start3A_218, %dma_start3A_219] : memref<4096x200x64xf32, #tpu.memory_space<hbm>> -> memref<1x200x64xf32, #tpu.memory_space<hbm>>
      %dma_start3A_221 = tpu.memref_squeeze %dma_start3A_220 : memref<1x200x64xf32, #tpu.memory_space<hbm>> -> memref<200x64xf32, #tpu.memory_space<hbm>>
      tpu.enqueue_dma source(%arg9 : memref<200x64xf32, #tpu.memory_space<vmem>>) target(%dma_start3A_221 : memref<200x64xf32, #tpu.memory_space<hbm>>) target_semaphore(%arg13 : memref<!tpu.dma_semaphore, #tpu.memory_space<semaphore_mem>>)
      %add3A_222 = arith.constant 2 : i32
      %add3A_223 = arith.addi %add3A_193, %add3A_222 : i32
      %dma_start3A_224 = arith.constant 0 : i32
      %dma_start3A_225 = tpu.memref_slice %arg5[%add3A_223, %dma_start3A_224] : memref<128x200xi32, #tpu.memory_space<vmem>> -> memref<1x200xi32, #tpu.memory_space<vmem>>
      %dma_start3A_226 = tpu.memref_squeeze %dma_start3A_225 : memref<1x200xi32, #tpu.memory_space<vmem>> -> memref<200xi32, #tpu.memory_space<vmem>>
      %dma_start3A_227 = arith.constant 0 : i32
      %dma_start3A_228 = arith.constant 0 : i32
      %dma_start3A_229 = tpu.memref_slice %arg2[%dma_start3A_227, %dma_start3A_228] : memref<1000000x64xf32, #tpu.memory_space<hbm>> -> memref<1000000x64xf32, #tpu.memory_space<hbm>>
      tpu.enqueue_indirect_dma source(%dma_start3A_229 : memref<1000000x64xf32, #tpu.memory_space<hbm>>) target(%arg7 : memref<200x64xf32, #tpu.memory_space<vmem>>) offsets(%dma_start3A_226 : memref<200xi32, #tpu.memory_space<vmem>>) semaphore(%arg11 : memref<!tpu.dma_semaphore, #tpu.memory_space<semaphore_mem>>)
    }
    %scan3A_74 = arith.constant 62 : i32
    %dma_wait3A_75 = arith.constant 0 : i32
    %dma_wait3A_76 = arith.constant 0 : i32
    %dma_wait3A_77 = tpu.memref_slice %arg2[%dma_wait3A_75, %dma_wait3A_76] : memref<1000000x64xf32, #tpu.memory_space<hbm>> -> memref<200x64xf32, #tpu.memory_space<hbm>>
    %dma_wait3A_78 = arith.constant 0 : i32
    %dma_wait3A_79 = arith.constant 0 : i32
    %dma_wait3A_80 = tpu.memref_slice %arg2[%dma_wait3A_78, %dma_wait3A_79] : memref<1000000x64xf32, #tpu.memory_space<hbm>> -> memref<200x64xf32, #tpu.memory_space<hbm>>
    tpu.wait_dma2 semaphore(%arg10 : memref<!tpu.dma_semaphore, #tpu.memory_space<semaphore_mem>>) src(%dma_wait3A_80 : memref<200x64xf32, #tpu.memory_space<hbm>>) dst(%arg6 : memref<200x64xf32, #tpu.memory_space<vmem>>)
    %dma_wait3A_81 = arith.constant 0 : i32
    %dma_wait3A_82 = arith.constant 0 : i32
    %dma_wait3A_83 = tpu.memref_slice %arg4[%mul3A_2, %dma_wait3A_81, %dma_wait3A_82] : memref<4096x200x64xf32, #tpu.memory_space<hbm>> -> memref<1x200x64xf32, #tpu.memory_space<hbm>>
    %dma_wait3A_84 = tpu.memref_squeeze %dma_wait3A_83 : memref<1x200x64xf32, #tpu.memory_space<hbm>> -> memref<200x64xf32, #tpu.memory_space<hbm>>
    %dma_wait3A_85 = arith.constant 0 : i32
    %dma_wait3A_86 = arith.constant 0 : i32
    %dma_wait3A_87 = tpu.memref_slice %arg4[%mul3A_2, %dma_wait3A_85, %dma_wait3A_86] : memref<4096x200x64xf32, #tpu.memory_space<hbm>> -> memref<1x200x64xf32, #tpu.memory_space<hbm>>
    %dma_wait3A_88 = tpu.memref_squeeze %dma_wait3A_87 : memref<1x200x64xf32, #tpu.memory_space<hbm>> -> memref<200x64xf32, #tpu.memory_space<hbm>>
    tpu.wait_dma2 semaphore(%arg12 : memref<!tpu.dma_semaphore, #tpu.memory_space<semaphore_mem>>) src(%arg8 : memref<200x64xf32, #tpu.memory_space<vmem>>) dst(%dma_wait3A_88 : memref<200x64xf32, #tpu.memory_space<hbm>>)
    %scan3A_89 = arith.constant 0 : i32
    %scan3A_90 = arith.constant 25 : i32
    %scan3A_91 = arith.addi %scan3A_89, %scan3A_90 : i32
    %scan3A_92 = arith.constant 1 : i32
    scf.for %scan3A_149 = %scan3A_89 to %scan3A_91 step %scan3A_92  : i32 {
      %mul3A_150 = arith.constant 8 : i32
      %mul3A_151 = arith.muli %scan3A_149, %mul3A_150 : i32
      %add3A_152 = arith.constant 0 : i32
      %add3A_153 = arith.addi %add3A_152, %mul3A_151 : i32
      %add3A_154 = arith.constant 0 : i32
      %add3A_155 = arith.addi %add3A_153, %add3A_154 : i32
      %get3A = arith.index_cast %add3A_155 : i32 to index
      %get3A_156 = arith.constant 0 : index
      %get3A_157 = tpu.vector_load %arg6[%get3A, %get3A_156] {strides = array<i32>} : memref<200x64xf32, #tpu.memory_space<vmem>>, vector<1x16xf32>,
      %get3A_158 = vector.shape_cast %get3A_157 : vector<1x16xf32> to vector<16xf32>
      %mul3A_159 = arith.constant 8.000000e+00 : f32
      %mul3A_160 = vector.broadcast %mul3A_159 : f32 to vector<16xf32>
      %mul3A_161 = arith.mulf %get3A_158, %mul3A_160 : vector<16xf32>
      %swap3A = arith.index_cast %add3A_155 : i32 to index
      %swap3A_162 = arith.constant 0 : index
      %swap3A_163 = tpu.vector_load %arg8[%swap3A, %swap3A_162] {strides = array<i32>} : memref<200x64xf32, #tpu.memory_space<vmem>>, vector<1x16xf32>,
      %swap3A_164 = vector.shape_cast %swap3A_163 : vector<1x16xf32> to vector<16xf32>
      %swap3A_165 = vector.shape_cast %mul3A_161 : vector<16xf32> to vector<1x16xf32>
      tpu.vector_store %arg8[%swap3A, %swap3A_162], %swap3A_165 {strides = array<i32>} : memref<200x64xf32, #tpu.memory_space<vmem>>, vector<1x16xf32>,
      %get3A_166 = arith.index_cast %add3A_155 : i32 to index
      %get3A_167 = arith.constant 16 : index
      %get3A_168 = tpu.vector_load %arg6[%get3A_166, %get3A_167] {strides = array<i32>} : memref<200x64xf32, #tpu.memory_space<vmem>>, vector<1x16xf32>,
      %get3A_169 = vector.shape_cast %get3A_168 : vector<1x16xf32> to vector<16xf32>
      %mul3A_170 = arith.constant 8.000000e+00 : f32
      %mul3A_171 = vector.broadcast %mul3A_170 : f32 to vector<16xf32>
      %mul3A_172 = arith.mulf %get3A_169, %mul3A_171 : vector<16xf32>
      %swap3A_173 = arith.index_cast %add3A_155 : i32 to index
      %swap3A_174 = arith.constant 16 : index
      %swap3A_175 = tpu.vector_load %arg8[%swap3A_173, %swap3A_174] {strides = array<i32>} : memref<200x64xf32, #tpu.memory_space<vmem>>, vector<1x16xf32>,
      %swap3A_176 = vector.shape_cast %swap3A_175 : vector<1x16xf32> to vector<16xf32>
      %swap3A_177 = vector.shape_cast %mul3A_172 : vector<16xf32> to vector<1x16xf32>
      tpu.vector_store %arg8[%swap3A_173, %swap3A_174], %swap3A_177 {strides = array<i32>} : memref<200x64xf32, #tpu.memory_space<vmem>>, vector<1x16xf32>,
      %get3A_178 = arith.index_cast %add3A_155 : i32 to index
      %get3A_179 = arith.constant 32 : index
      %get3A_180 = tpu.vector_load %arg6[%get3A_178, %get3A_179] {strides = array<i32>} : memref<200x64xf32, #tpu.memory_space<vmem>>, vector<1x16xf32>,
      %get3A_181 = vector.shape_cast %get3A_180 : vector<1x16xf32> to vector<16xf32>
      %mul3A_182 = arith.constant 8.000000e+00 : f32
      %mul3A_183 = vector.broadcast %mul3A_182 : f32 to vector<16xf32>
      %mul3A_184 = arith.mulf %get3A_181, %mul3A_183 : vector<16xf32>
      %swap3A_185 = arith.index_cast %add3A_155 : i32 to index
      %swap3A_186 = arith.constant 32 : index
      %swap3A_187 = tpu.vector_load %arg8[%swap3A_185, %swap3A_186] {strides = array<i32>} : memref<200x64xf32, #tpu.memory_space<vmem>>, vector<1x16xf32>,
      %swap3A_188 = vector.shape_cast %swap3A_187 : vector<1x16xf32> to vector<16xf32>
      %swap3A_189 = vector.shape_cast %mul3A_184 : vector<16xf32> to vector<1x16xf32>
      tpu.vector_store %arg8[%swap3A_185, %swap3A_186], %swap3A_189 {strides = array<i32>} : memref<200x64xf32, #tpu.memory_space<vmem>>, vector<1x16xf32>,
      %get3A_190 = arith.index_cast %add3A_155 : i32 to index
      %get3A_191 = arith.constant 48 : index
      %get3A_192 = tpu.vector_load %arg6[%get3A_190, %get3A_191] {strides = array<i32>} : memref<200x64xf32, #tpu.memory_space<vmem>>, vector<1x16xf32>,
      %get3A_193 = vector.shape_cast %get3A_192 : vector<1x16xf32> to vector<16xf32>
      %mul3A_194 = arith.constant 8.000000e+00 : f32
      %mul3A_195 = vector.broadcast %mul3A_194 : f32 to vector<16xf32>
      %mul3A_196 = arith.mulf %get3A_193, %mul3A_195 : vector<16xf32>
      %swap3A_197 = arith.index_cast %add3A_155 : i32 to index
      %swap3A_198 = arith.constant 48 : index
      %swap3A_199 = tpu.vector_load %arg8[%swap3A_197, %swap3A_198] {strides = array<i32>} : memref<200x64xf32, #tpu.memory_space<vmem>>, vector<1x16xf32>,
      %swap3A_200 = vector.shape_cast %swap3A_199 : vector<1x16xf32> to vector<16xf32>
      %swap3A_201 = vector.shape_cast %mul3A_196 : vector<16xf32> to vector<1x16xf32>
      tpu.vector_store %arg8[%swap3A_197, %swap3A_198], %swap3A_201 {strides = array<i32>} : memref<200x64xf32, #tpu.memory_space<vmem>>, vector<1x16xf32>,
      %add3A_202 = arith.constant 1 : i32
      %add3A_203 = arith.addi %add3A_153, %add3A_202 : i32
      %get3A_204 = arith.index_cast %add3A_203 : i32 to index
      %get3A_205 = arith.constant 0 : index
      %get3A_206 = tpu.vector_load %arg6[%get3A_204, %get3A_205] {strides = array<i32>} : memref<200x64xf32, #tpu.memory_space<vmem>>, vector<1x16xf32>,
      %get3A_207 = vector.shape_cast %get3A_206 : vector<1x16xf32> to vector<16xf32>
      %mul3A_208 = arith.constant 8.000000e+00 : f32
      %mul3A_209 = vector.broadcast %mul3A_208 : f32 to vector<16xf32>
      %mul3A_210 = arith.mulf %get3A_207, %mul3A_209 : vector<16xf32>
      %swap3A_211 = arith.index_cast %add3A_203 : i32 to index
      %swap3A_212 = arith.constant 0 : index
      %swap3A_213 = tpu.vector_load %arg8[%swap3A_211, %swap3A_212] {strides = array<i32>} : memref<200x64xf32, #tpu.memory_space<vmem>>, vector<1x16xf32>,
      %swap3A_214 = vector.shape_cast %swap3A_213 : vector<1x16xf32> to vector<16xf32>
      %swap3A_215 = vector.shape_cast %mul3A_210 : vector<16xf32> to vector<1x16xf32>
      tpu.vector_store %arg8[%swap3A_211, %swap3A_212], %swap3A_215 {strides = array<i32>} : memref<200x64xf32, #tpu.memory_space<vmem>>, vector<1x16xf32>,
      %get3A_216 = arith.index_cast %add3A_203 : i32 to index
      %get3A_217 = arith.constant 16 : index
      %get3A_218 = tpu.vector_load %arg6[%get3A_216, %get3A_217] {strides = array<i32>} : memref<200x64xf32, #tpu.memory_space<vmem>>, vector<1x16xf32>,
      %get3A_219 = vector.shape_cast %get3A_218 : vector<1x16xf32> to vector<16xf32>
      %mul3A_220 = arith.constant 8.000000e+00 : f32
      %mul3A_221 = vector.broadcast %mul3A_220 : f32 to vector<16xf32>
      %mul3A_222 = arith.mulf %get3A_219, %mul3A_221 : vector<16xf32>
      %swap3A_223 = arith.index_cast %add3A_203 : i32 to index
      %swap3A_224 = arith.constant 16 : index
      %swap3A_225 = tpu.vector_load %arg8[%swap3A_223, %swap3A_224] {strides = array<i32>} : memref<200x64xf32, #tpu.memory_space<vmem>>, vector<1x16xf32>,
      %swap3A_226 = vector.shape_cast %swap3A_225 : vector<1x16xf32> to vector<16xf32>
      %swap3A_227 = vector.shape_cast %mul3A_222 : vector<16xf32> to vector<1x16xf32>
      tpu.vector_store %arg8[%swap3A_223, %swap3A_224], %swap3A_227 {strides = array<i32>} : memref<200x64xf32, #tpu.memory_space<vmem>>, vector<1x16xf32>,
      %get3A_228 = arith.index_cast %add3A_203 : i32 to index
      %get3A_229 = arith.constant 32 : index
      %get3A_230 = tpu.vector_load %arg6[%get3A_228, %get3A_229] {strides = array<i32>} : memref<200x64xf32, #tpu.memory_space<vmem>>, vector<1x16xf32>,
      %get3A_231 = vector.shape_cast %get3A_230 : vector<1x16xf32> to vector<16xf32>
      %mul3A_232 = arith.constant 8.000000e+00 : f32
      %mul3A_233 = vector.broadcast %mul3A_232 : f32 to vector<16xf32>
      %mul3A_234 = arith.mulf %get3A_231, %mul3A_233 : vector<16xf32>
      %swap3A_235 = arith.index_cast %add3A_203 : i32 to index
      %swap3A_236 = arith.constant 32 : index
      %swap3A_237 = tpu.vector_load %arg8[%swap3A_235, %swap3A_236] {strides = array<i32>} : memref<200x64xf32, #tpu.memory_space<vmem>>, vector<1x16xf32>,
      %swap3A_238 = vector.shape_cast %swap3A_237 : vector<1x16xf32> to vector<16xf32>
      %swap3A_239 = vector.shape_cast %mul3A_234 : vector<16xf32> to vector<1x16xf32>
      tpu.vector_store %arg8[%swap3A_235, %swap3A_236], %swap3A_239 {strides = array<i32>} : memref<200x64xf32, #tpu.memory_space<vmem>>, vector<1x16xf32>,
      %get3A_240 = arith.index_cast %add3A_203 : i32 to index
      %get3A_241 = arith.constant 48 : index
      %get3A_242 = tpu.vector_load %arg6[%get3A_240, %get3A_241] {strides = array<i32>} : memref<200x64xf32, #tpu.memory_space<vmem>>, vector<1x16xf32>,
      %get3A_243 = vector.shape_cast %get3A_242 : vector<1x16xf32> to vector<16xf32>
      %mul3A_244 = arith.constant 8.000000e+00 : f32
      %mul3A_245 = vector.broadcast %mul3A_244 : f32 to vector<16xf32>
      %mul3A_246 = arith.mulf %get3A_243, %mul3A_245 : vector<16xf32>
      %swap3A_247 = arith.index_cast %add3A_203 : i32 to index
      %swap3A_248 = arith.constant 48 : index
      %swap3A_249 = tpu.vector_load %arg8[%swap3A_247, %swap3A_248] {strides = array<i32>} : memref<200x64xf32, #tpu.memory_space<vmem>>, vector<1x16xf32>,
      %swap3A_250 = vector.shape_cast %swap3A_249 : vector<1x16xf32> to vector<16xf32>
      %swap3A_251 = vector.shape_cast %mul3A_246 : vector<16xf32> to vector<1x16xf32>
      tpu.vector_store %arg8[%swap3A_247, %swap3A_248], %swap3A_251 {strides = array<i32>} : memref<200x64xf32, #tpu.memory_space<vmem>>, vector<1x16xf32>,
      %add3A_252 = arith.constant 2 : i32
      %add3A_253 = arith.addi %add3A_153, %add3A_252 : i32
      %get3A_254 = arith.index_cast %add3A_253 : i32 to index
      %get3A_255 = arith.constant 0 : index
      %get3A_256 = tpu.vector_load %arg6[%get3A_254, %get3A_255] {strides = array<i32>} : memref<200x64xf32, #tpu.memory_space<vmem>>, vector<1x16xf32>,
      %get3A_257 = vector.shape_cast %get3A_256 : vector<1x16xf32> to vector<16xf32>
      %mul3A_258 = arith.constant 8.000000e+00 : f32
      %mul3A_259 = vector.broadcast %mul3A_258 : f32 to vector<16xf32>
      %mul3A_260 = arith.mulf %get3A_257, %mul3A_259 : vector<16xf32>
      %swap3A_261 = arith.index_cast %add3A_253 : i32 to index
      %swap3A_262 = arith.constant 0 : index
      %swap3A_263 = tpu.vector_load %arg8[%swap3A_261, %swap3A_262] {strides = array<i32>} : memref<200x64xf32, #tpu.memory_space<vmem>>, vector<1x16xf32>,
      %swap3A_264 = vector.shape_cast %swap3A_263 : vector<1x16xf32> to vector<16xf32>
      %swap3A_265 = vector.shape_cast %mul3A_260 : vector<16xf32> to vector<1x16xf32>
      tpu.vector_store %arg8[%swap3A_261, %swap3A_262], %swap3A_265 {strides = array<i32>} : memref<200x64xf32, #tpu.memory_space<vmem>>, vector<1x16xf32>,
      %get3A_266 = arith.index_cast %add3A_253 : i32 to index
      %get3A_267 = arith.constant 16 : index
      %get3A_268 = tpu.vector_load %arg6[%get3A_266, %get3A_267] {strides = array<i32>} : memref<200x64xf32, #tpu.memory_space<vmem>>, vector<1x16xf32>,
      %get3A_269 = vector.shape_cast %get3A_268 : vector<1x16xf32> to vector<16xf32>
      %mul3A_270 = arith.constant 8.000000e+00 : f32
      %mul3A_271 = vector.broadcast %mul3A_270 : f32 to vector<16xf32>
      %mul3A_272 = arith.mulf %get3A_269, %mul3A_271 : vector<16xf32>
      %swap3A_273 = arith.index_cast %add3A_253 : i32 to index
      %swap3A_274 = arith.constant 16 : index
      %swap3A_275 = tpu.vector_load %arg8[%swap3A_273, %swap3A_274] {strides = array<i32>} : memref<200x64xf32, #tpu.memory_space<vmem>>, vector<1x16xf32>,
      %swap3A_276 = vector.shape_cast %swap3A_275 : vector<1x16xf32> to vector<16xf32>
      %swap3A_277 = vector.shape_cast %mul3A_272 : vector<16xf32> to vector<1x16xf32>
      tpu.vector_store %arg8[%swap3A_273, %swap3A_274], %swap3A_277 {strides = array<i32>} : memref<200x64xf32, #tpu.memory_space<vmem>>, vector<1x16xf32>,
      %get3A_278 = arith.index_cast %add3A_253 : i32 to index
      %get3A_279 = arith.constant 32 : index
      %get3A_280 = tpu.vector_load %arg6[%get3A_278, %get3A_279] {strides = array<i32>} : memref<200x64xf32, #tpu.memory_space<vmem>>, vector<1x16xf32>,
      %get3A_281 = vector.shape_cast %get3A_280 : vector<1x16xf32> to vector<16xf32>
      %mul3A_282 = arith.constant 8.000000e+00 : f32
      %mul3A_283 = vector.broadcast %mul3A_282 : f32 to vector<16xf32>
      %mul3A_284 = arith.mulf %get3A_281, %mul3A_283 : vector<16xf32>
      %swap3A_285 = arith.index_cast %add3A_253 : i32 to index
      %swap3A_286 = arith.constant 32 : index
      %swap3A_287 = tpu.vector_load %arg8[%swap3A_285, %swap3A_286] {strides = array<i32>} : memref<200x64xf32, #tpu.memory_space<vmem>>, vector<1x16xf32>,
      %swap3A_288 = vector.shape_cast %swap3A_287 : vector<1x16xf32> to vector<16xf32>
      %swap3A_289 = vector.shape_cast %mul3A_284 : vector<16xf32> to vector<1x16xf32>
      tpu.vector_store %arg8[%swap3A_285, %swap3A_286], %swap3A_289 {strides = array<i32>} : memref<200x64xf32, #tpu.memory_space<vmem>>, vector<1x16xf32>,
      %get3A_290 = arith.index_cast %add3A_253 : i32 to index
      %get3A_291 = arith.constant 48 : index
      %get3A_292 = tpu.vector_load %arg6[%get3A_290, %get3A_291] {strides = array<i32>} : memref<200x64xf32, #tpu.memory_space<vmem>>, vector<1x16xf32>,
      %get3A_293 = vector.shape_cast %get3A_292 : vector<1x16xf32> to vector<16xf32>
      %mul3A_294 = arith.constant 8.000000e+00 : f32
      %mul3A_295 = vector.broadcast %mul3A_294 : f32 to vector<16xf32>
      %mul3A_296 = arith.mulf %get3A_293, %mul3A_295 : vector<16xf32>
      %swap3A_297 = arith.index_cast %add3A_253 : i32 to index
      %swap3A_298 = arith.constant 48 : index
      %swap3A_299 = tpu.vector_load %arg8[%swap3A_297, %swap3A_298] {strides = array<i32>} : memref<200x64xf32, #tpu.memory_space<vmem>>, vector<1x16xf32>,
      %swap3A_300 = vector.shape_cast %swap3A_299 : vector<1x16xf32> to vector<16xf32>
      %swap3A_301 = vector.shape_cast %mul3A_296 : vector<16xf32> to vector<1x16xf32>
      tpu.vector_store %arg8[%swap3A_297, %swap3A_298], %swap3A_301 {strides = array<i32>} : memref<200x64xf32, #tpu.memory_space<vmem>>, vector<1x16xf32>,
      %add3A_302 = arith.constant 3 : i32
      %add3A_303 = arith.addi %add3A_153, %add3A_302 : i32
      %get3A_304 = arith.index_cast %add3A_303 : i32 to index
      %get3A_305 = arith.constant 0 : index
      %get3A_306 = tpu.vector_load %arg6[%get3A_304, %get3A_305] {strides = array<i32>} : memref<200x64xf32, #tpu.memory_space<vmem>>, vector<1x16xf32>,
      %get3A_307 = vector.shape_cast %get3A_306 : vector<1x16xf32> to vector<16xf32>
      %mul3A_308 = arith.constant 8.000000e+00 : f32
      %mul3A_309 = vector.broadcast %mul3A_308 : f32 to vector<16xf32>
      %mul3A_310 = arith.mulf %get3A_307, %mul3A_309 : vector<16xf32>
      %swap3A_311 = arith.index_cast %add3A_303 : i32 to index
      %swap3A_312 = arith.constant 0 : index
      %swap3A_313 = tpu.vector_load %arg8[%swap3A_311, %swap3A_312] {strides = array<i32>} : memref<200x64xf32, #tpu.memory_space<vmem>>, vector<1x16xf32>,
      %swap3A_314 = vector.shape_cast %swap3A_313 : vector<1x16xf32> to vector<16xf32>
      %swap3A_315 = vector.shape_cast %mul3A_310 : vector<16xf32> to vector<1x16xf32>
      tpu.vector_store %arg8[%swap3A_311, %swap3A_312], %swap3A_315 {strides = array<i32>} : memref<200x64xf32, #tpu.memory_space<vmem>>, vector<1x16xf32>,
      %get3A_316 = arith.index_cast %add3A_303 : i32 to index
      %get3A_317 = arith.constant 16 : index
      %get3A_318 = tpu.vector_load %arg6[%get3A_316, %get3A_317] {strides = array<i32>} : memref<200x64xf32, #tpu.memory_space<vmem>>, vector<1x16xf32>,
      %get3A_319 = vector.shape_cast %get3A_318 : vector<1x16xf32> to vector<16xf32>
      %mul3A_320 = arith.constant 8.000000e+00 : f32
      %mul3A_321 = vector.broadcast %mul3A_320 : f32 to vector<16xf32>
      %mul3A_322 = arith.mulf %get3A_319, %mul3A_321 : vector<16xf32>
      %swap3A_323 = arith.index_cast %add3A_303 : i32 to index
      %swap3A_324 = arith.constant 16 : index
      %swap3A_325 = tpu.vector_load %arg8[%swap3A_323, %swap3A_324] {strides = array<i32>} : memref<200x64xf32, #tpu.memory_space<vmem>>, vector<1x16xf32>,
      %swap3A_326 = vector.shape_cast %swap3A_325 : vector<1x16xf32> to vector<16xf32>
      %swap3A_327 = vector.shape_cast %mul3A_322 : vector<16xf32> to vector<1x16xf32>
      tpu.vector_store %arg8[%swap3A_323, %swap3A_324], %swap3A_327 {strides = array<i32>} : memref<200x64xf32, #tpu.memory_space<vmem>>, vector<1x16xf32>,
      %get3A_328 = arith.index_cast %add3A_303 : i32 to index
      %get3A_329 = arith.constant 32 : index
      %get3A_330 = tpu.vector_load %arg6[%get3A_328, %get3A_329] {strides = array<i32>} : memref<200x64xf32, #tpu.memory_space<vmem>>, vector<1x16xf32>,
      %get3A_331 = vector.shape_cast %get3A_330 : vector<1x16xf32> to vector<16xf32>
      %mul3A_332 = arith.constant 8.000000e+00 : f32
      %mul3A_333 = vector.broadcast %mul3A_332 : f32 to vector<16xf32>
      %mul3A_334 = arith.mulf %get3A_331, %mul3A_333 : vector<16xf32>
      %swap3A_335 = arith.index_cast %add3A_303 : i32 to index
      %swap3A_336 = arith.constant 32 : index
      %swap3A_337 = tpu.vector_load %arg8[%swap3A_335, %swap3A_336] {strides = array<i32>} : memref<200x64xf32, #tpu.memory_space<vmem>>, vector<1x16xf32>,
      %swap3A_338 = vector.shape_cast %swap3A_337 : vector<1x16xf32> to vector<16xf32>
      %swap3A_339 = vector.shape_cast %mul3A_334 : vector<16xf32> to vector<1x16xf32>
      tpu.vector_store %arg8[%swap3A_335, %swap3A_336], %swap3A_339 {strides = array<i32>} : memref<200x64xf32, #tpu.memory_space<vmem>>, vector<1x16xf32>,
      %get3A_340 = arith.index_cast %add3A_303 : i32 to index
      %get3A_341 = arith.constant 48 : index
      %get3A_342 = tpu.vector_load %arg6[%get3A_340, %get3A_341] {strides = array<i32>} : memref<200x64xf32, #tpu.memory_space<vmem>>, vector<1x16xf32>,
      %get3A_343 = vector.shape_cast %get3A_342 : vector<1x16xf32> to vector<16xf32>
      %mul3A_344 = arith.constant 8.000000e+00 : f32
      %mul3A_345 = vector.broadcast %mul3A_344 : f32 to vector<16xf32>
      %mul3A_346 = arith.mulf %get3A_343, %mul3A_345 : vector<16xf32>
      %swap3A_347 = arith.index_cast %add3A_303 : i32 to index
      %swap3A_348 = arith.constant 48 : index
      %swap3A_349 = tpu.vector_load %arg8[%swap3A_347, %swap3A_348] {strides = array<i32>} : memref<200x64xf32, #tpu.memory_space<vmem>>, vector<1x16xf32>,
      %swap3A_350 = vector.shape_cast %swap3A_349 : vector<1x16xf32> to vector<16xf32>
      %swap3A_351 = vector.shape_cast %mul3A_346 : vector<16xf32> to vector<1x16xf32>
      tpu.vector_store %arg8[%swap3A_347, %swap3A_348], %swap3A_351 {strides = array<i32>} : memref<200x64xf32, #tpu.memory_space<vmem>>, vector<1x16xf32>,
      %add3A_352 = arith.constant 4 : i32
      %add3A_353 = arith.addi %add3A_153, %add3A_352 : i32
      %get3A_354 = arith.index_cast %add3A_353 : i32 to index
      %get3A_355 = arith.constant 0 : index
      %get3A_356 = tpu.vector_load %arg6[%get3A_354, %get3A_355] {strides = array<i32>} : memref<200x64xf32, #tpu.memory_space<vmem>>, vector<1x16xf32>,
      %get3A_357 = vector.shape_cast %get3A_356 : vector<1x16xf32> to vector<16xf32>
      %mul3A_358 = arith.constant 8.000000e+00 : f32
      %mul3A_359 = vector.broadcast %mul3A_358 : f32 to vector<16xf32>
      %mul3A_360 = arith.mulf %get3A_357, %mul3A_359 : vector<16xf32>
      %swap3A_361 = arith.index_cast %add3A_353 : i32 to index
      %swap3A_362 = arith.constant 0 : index
      %swap3A_363 = tpu.vector_load %arg8[%swap3A_361, %swap3A_362] {strides = array<i32>} : memref<200x64xf32, #tpu.memory_space<vmem>>, vector<1x16xf32>,
      %swap3A_364 = vector.shape_cast %swap3A_363 : vector<1x16xf32> to vector<16xf32>
      %swap3A_365 = vector.shape_cast %mul3A_360 : vector<16xf32> to vector<1x16xf32>
      tpu.vector_store %arg8[%swap3A_361, %swap3A_362], %swap3A_365 {strides = array<i32>} : memref<200x64xf32, #tpu.memory_space<vmem>>, vector<1x16xf32>,
      %get3A_366 = arith.index_cast %add3A_353 : i32 to index
      %get3A_367 = arith.constant 16 : index
      %get3A_368 = tpu.vector_load %arg6[%get3A_366, %get3A_367] {strides = array<i32>} : memref<200x64xf32, #tpu.memory_space<vmem>>, vector<1x16xf32>,
      %get3A_369 = vector.shape_cast %get3A_368 : vector<1x16xf32> to vector<16xf32>
      %mul3A_370 = arith.constant 8.000000e+00 : f32
      %mul3A_371 = vector.broadcast %mul3A_370 : f32 to vector<16xf32>
      %mul3A_372 = arith.mulf %get3A_369, %mul3A_371 : vector<16xf32>
      %swap3A_373 = arith.index_cast %add3A_353 : i32 to index
      %swap3A_374 = arith.constant 16 : index
      %swap3A_375 = tpu.vector_load %arg8[%swap3A_373, %swap3A_374] {strides = array<i32>} : memref<200x64xf32, #tpu.memory_space<vmem>>, vector<1x16xf32>,
      %swap3A_376 = vector.shape_cast %swap3A_375 : vector<1x16xf32> to vector<16xf32>
      %swap3A_377 = vector.shape_cast %mul3A_372 : vector<16xf32> to vector<1x16xf32>
      tpu.vector_store %arg8[%swap3A_373, %swap3A_374], %swap3A_377 {strides = array<i32>} : memref<200x64xf32, #tpu.memory_space<vmem>>, vector<1x16xf32>,
      %get3A_378 = arith.index_cast %add3A_353 : i32 to index
      %get3A_379 = arith.constant 32 : index
      %get3A_380 = tpu.vector_load %arg6[%get3A_378, %get3A_379] {strides = array<i32>} : memref<200x64xf32, #tpu.memory_space<vmem>>, vector<1x16xf32>,
      %get3A_381 = vector.shape_cast %get3A_380 : vector<1x16xf32> to vector<16xf32>
      %mul3A_382 = arith.constant 8.000000e+00 : f32
      %mul3A_383 = vector.broadcast %mul3A_382 : f32 to vector<16xf32>
      %mul3A_384 = arith.mulf %get3A_381, %mul3A_383 : vector<16xf32>
      %swap3A_385 = arith.index_cast %add3A_353 : i32 to index
      %swap3A_386 = arith.constant 32 : index
      %swap3A_387 = tpu.vector_load %arg8[%swap3A_385, %swap3A_386] {strides = array<i32>} : memref<200x64xf32, #tpu.memory_space<vmem>>, vector<1x16xf32>,
      %swap3A_388 = vector.shape_cast %swap3A_387 : vector<1x16xf32> to vector<16xf32>
      %swap3A_389 = vector.shape_cast %mul3A_384 : vector<16xf32> to vector<1x16xf32>
      tpu.vector_store %arg8[%swap3A_385, %swap3A_386], %swap3A_389 {strides = array<i32>} : memref<200x64xf32, #tpu.memory_space<vmem>>, vector<1x16xf32>,
      %get3A_390 = arith.index_cast %add3A_353 : i32 to index
      %get3A_391 = arith.constant 48 : index
      %get3A_392 = tpu.vector_load %arg6[%get3A_390, %get3A_391] {strides = array<i32>} : memref<200x64xf32, #tpu.memory_space<vmem>>, vector<1x16xf32>,
      %get3A_393 = vector.shape_cast %get3A_392 : vector<1x16xf32> to vector<16xf32>
      %mul3A_394 = arith.constant 8.000000e+00 : f32
      %mul3A_395 = vector.broadcast %mul3A_394 : f32 to vector<16xf32>
      %mul3A_396 = arith.mulf %get3A_393, %mul3A_395 : vector<16xf32>
      %swap3A_397 = arith.index_cast %add3A_353 : i32 to index
      %swap3A_398 = arith.constant 48 : index
      %swap3A_399 = tpu.vector_load %arg8[%swap3A_397, %swap3A_398] {strides = array<i32>} : memref<200x64xf32, #tpu.memory_space<vmem>>, vector<1x16xf32>,
      %swap3A_400 = vector.shape_cast %swap3A_399 : vector<1x16xf32> to vector<16xf32>
      %swap3A_401 = vector.shape_cast %mul3A_396 : vector<16xf32> to vector<1x16xf32>
      tpu.vector_store %arg8[%swap3A_397, %swap3A_398], %swap3A_401 {strides = array<i32>} : memref<200x64xf32, #tpu.memory_space<vmem>>, vector<1x16xf32>,
      %add3A_402 = arith.constant 5 : i32
      %add3A_403 = arith.addi %add3A_153, %add3A_402 : i32
      %get3A_404 = arith.index_cast %add3A_403 : i32 to index
      %get3A_405 = arith.constant 0 : index
      %get3A_406 = tpu.vector_load %arg6[%get3A_404, %get3A_405] {strides = array<i32>} : memref<200x64xf32, #tpu.memory_space<vmem>>, vector<1x16xf32>,
      %get3A_407 = vector.shape_cast %get3A_406 : vector<1x16xf32> to vector<16xf32>
      %mul3A_408 = arith.constant 8.000000e+00 : f32
      %mul3A_409 = vector.broadcast %mul3A_408 : f32 to vector<16xf32>
      %mul3A_410 = arith.mulf %get3A_407, %mul3A_409 : vector<16xf32>
      %swap3A_411 = arith.index_cast %add3A_403 : i32 to index
      %swap3A_412 = arith.constant 0 : index
      %swap3A_413 = tpu.vector_load %arg8[%swap3A_411, %swap3A_412] {strides = array<i32>} : memref<200x64xf32, #tpu.memory_space<vmem>>, vector<1x16xf32>,
      %swap3A_414 = vector.shape_cast %swap3A_413 : vector<1x16xf32> to vector<16xf32>
      %swap3A_415 = vector.shape_cast %mul3A_410 : vector<16xf32> to vector<1x16xf32>
      tpu.vector_store %arg8[%swap3A_411, %swap3A_412], %swap3A_415 {strides = array<i32>} : memref<200x64xf32, #tpu.memory_space<vmem>>, vector<1x16xf32>,
      %get3A_416 = arith.index_cast %add3A_403 : i32 to index
      %get3A_417 = arith.constant 16 : index
      %get3A_418 = tpu.vector_load %arg6[%get3A_416, %get3A_417] {strides = array<i32>} : memref<200x64xf32, #tpu.memory_space<vmem>>, vector<1x16xf32>,
      %get3A_419 = vector.shape_cast %get3A_418 : vector<1x16xf32> to vector<16xf32>
      %mul3A_420 = arith.constant 8.000000e+00 : f32
      %mul3A_421 = vector.broadcast %mul3A_420 : f32 to vector<16xf32>
      %mul3A_422 = arith.mulf %get3A_419, %mul3A_421 : vector<16xf32>
      %swap3A_423 = arith.index_cast %add3A_403 : i32 to index
      %swap3A_424 = arith.constant 16 : index
      %swap3A_425 = tpu.vector_load %arg8[%swap3A_423, %swap3A_424] {strides = array<i32>} : memref<200x64xf32, #tpu.memory_space<vmem>>, vector<1x16xf32>,
      %swap3A_426 = vector.shape_cast %swap3A_425 : vector<1x16xf32> to vector<16xf32>
      %swap3A_427 = vector.shape_cast %mul3A_422 : vector<16xf32> to vector<1x16xf32>
      tpu.vector_store %arg8[%swap3A_423, %swap3A_424], %swap3A_427 {strides = array<i32>} : memref<200x64xf32, #tpu.memory_space<vmem>>, vector<1x16xf32>,
      %get3A_428 = arith.index_cast %add3A_403 : i32 to index
      %get3A_429 = arith.constant 32 : index
      %get3A_430 = tpu.vector_load %arg6[%get3A_428, %get3A_429] {strides = array<i32>} : memref<200x64xf32, #tpu.memory_space<vmem>>, vector<1x16xf32>,
      %get3A_431 = vector.shape_cast %get3A_430 : vector<1x16xf32> to vector<16xf32>
      %mul3A_432 = arith.constant 8.000000e+00 : f32
      %mul3A_433 = vector.broadcast %mul3A_432 : f32 to vector<16xf32>
      %mul3A_434 = arith.mulf %get3A_431, %mul3A_433 : vector<16xf32>
      %swap3A_435 = arith.index_cast %add3A_403 : i32 to index
      %swap3A_436 = arith.constant 32 : index
      %swap3A_437 = tpu.vector_load %arg8[%swap3A_435, %swap3A_436] {strides = array<i32>} : memref<200x64xf32, #tpu.memory_space<vmem>>, vector<1x16xf32>,
      %swap3A_438 = vector.shape_cast %swap3A_437 : vector<1x16xf32> to vector<16xf32>
      %swap3A_439 = vector.shape_cast %mul3A_434 : vector<16xf32> to vector<1x16xf32>
      tpu.vector_store %arg8[%swap3A_435, %swap3A_436], %swap3A_439 {strides = array<i32>} : memref<200x64xf32, #tpu.memory_space<vmem>>, vector<1x16xf32>,
      %get3A_440 = arith.index_cast %add3A_403 : i32 to index
      %get3A_441 = arith.constant 48 : index
      %get3A_442 = tpu.vector_load %arg6[%get3A_440, %get3A_441] {strides = array<i32>} : memref<200x64xf32, #tpu.memory_space<vmem>>, vector<1x16xf32>,
      %get3A_443 = vector.shape_cast %get3A_442 : vector<1x16xf32> to vector<16xf32>
      %mul3A_444 = arith.constant 8.000000e+00 : f32
      %mul3A_445 = vector.broadcast %mul3A_444 : f32 to vector<16xf32>
      %mul3A_446 = arith.mulf %get3A_443, %mul3A_445 : vector<16xf32>
      %swap3A_447 = arith.index_cast %add3A_403 : i32 to index
      %swap3A_448 = arith.constant 48 : index
      %swap3A_449 = tpu.vector_load %arg8[%swap3A_447, %swap3A_448] {strides = array<i32>} : memref<200x64xf32, #tpu.memory_space<vmem>>, vector<1x16xf32>,
      %swap3A_450 = vector.shape_cast %swap3A_449 : vector<1x16xf32> to vector<16xf32>
      %swap3A_451 = vector.shape_cast %mul3A_446 : vector<16xf32> to vector<1x16xf32>
      tpu.vector_store %arg8[%swap3A_447, %swap3A_448], %swap3A_451 {strides = array<i32>} : memref<200x64xf32, #tpu.memory_space<vmem>>, vector<1x16xf32>,
      %add3A_452 = arith.constant 6 : i32
      %add3A_453 = arith.addi %add3A_153, %add3A_452 : i32
      %get3A_454 = arith.index_cast %add3A_453 : i32 to index
      %get3A_455 = arith.constant 0 : index
      %get3A_456 = tpu.vector_load %arg6[%get3A_454, %get3A_455] {strides = array<i32>} : memref<200x64xf32, #tpu.memory_space<vmem>>, vector<1x16xf32>,
      %get3A_457 = vector.shape_cast %get3A_456 : vector<1x16xf32> to vector<16xf32>
      %mul3A_458 = arith.constant 8.000000e+00 : f32
      %mul3A_459 = vector.broadcast %mul3A_458 : f32 to vector<16xf32>
      %mul3A_460 = arith.mulf %get3A_457, %mul3A_459 : vector<16xf32>
      %swap3A_461 = arith.index_cast %add3A_453 : i32 to index
      %swap3A_462 = arith.constant 0 : index
      %swap3A_463 = tpu.vector_load %arg8[%swap3A_461, %swap3A_462] {strides = array<i32>} : memref<200x64xf32, #tpu.memory_space<vmem>>, vector<1x16xf32>,
      %swap3A_464 = vector.shape_cast %swap3A_463 : vector<1x16xf32> to vector<16xf32>
      %swap3A_465 = vector.shape_cast %mul3A_460 : vector<16xf32> to vector<1x16xf32>
      tpu.vector_store %arg8[%swap3A_461, %swap3A_462], %swap3A_465 {strides = array<i32>} : memref<200x64xf32, #tpu.memory_space<vmem>>, vector<1x16xf32>,
      %get3A_466 = arith.index_cast %add3A_453 : i32 to index
      %get3A_467 = arith.constant 16 : index
      %get3A_468 = tpu.vector_load %arg6[%get3A_466, %get3A_467] {strides = array<i32>} : memref<200x64xf32, #tpu.memory_space<vmem>>, vector<1x16xf32>,
      %get3A_469 = vector.shape_cast %get3A_468 : vector<1x16xf32> to vector<16xf32>
      %mul3A_470 = arith.constant 8.000000e+00 : f32
      %mul3A_471 = vector.broadcast %mul3A_470 : f32 to vector<16xf32>
      %mul3A_472 = arith.mulf %get3A_469, %mul3A_471 : vector<16xf32>
      %swap3A_473 = arith.index_cast %add3A_453 : i32 to index
      %swap3A_474 = arith.constant 16 : index
      %swap3A_475 = tpu.vector_load %arg8[%swap3A_473, %swap3A_474] {strides = array<i32>} : memref<200x64xf32, #tpu.memory_space<vmem>>, vector<1x16xf32>,
      %swap3A_476 = vector.shape_cast %swap3A_475 : vector<1x16xf32> to vector<16xf32>
      %swap3A_477 = vector.shape_cast %mul3A_472 : vector<16xf32> to vector<1x16xf32>
      tpu.vector_store %arg8[%swap3A_473, %swap3A_474], %swap3A_477 {strides = array<i32>} : memref<200x64xf32, #tpu.memory_space<vmem>>, vector<1x16xf32>,
      %get3A_478 = arith.index_cast %add3A_453 : i32 to index
      %get3A_479 = arith.constant 32 : index
      %get3A_480 = tpu.vector_load %arg6[%get3A_478, %get3A_479] {strides = array<i32>} : memref<200x64xf32, #tpu.memory_space<vmem>>, vector<1x16xf32>,
      %get3A_481 = vector.shape_cast %get3A_480 : vector<1x16xf32> to vector<16xf32>
      %mul3A_482 = arith.constant 8.000000e+00 : f32
      %mul3A_483 = vector.broadcast %mul3A_482 : f32 to vector<16xf32>
      %mul3A_484 = arith.mulf %get3A_481, %mul3A_483 : vector<16xf32>
      %swap3A_485 = arith.index_cast %add3A_453 : i32 to index
      %swap3A_486 = arith.constant 32 : index
      %swap3A_487 = tpu.vector_load %arg8[%swap3A_485, %swap3A_486] {strides = array<i32>} : memref<200x64xf32, #tpu.memory_space<vmem>>, vector<1x16xf32>,
      %swap3A_488 = vector.shape_cast %swap3A_487 : vector<1x16xf32> to vector<16xf32>
      %swap3A_489 = vector.shape_cast %mul3A_484 : vector<16xf32> to vector<1x16xf32>
      tpu.vector_store %arg8[%swap3A_485, %swap3A_486], %swap3A_489 {strides = array<i32>} : memref<200x64xf32, #tpu.memory_space<vmem>>, vector<1x16xf32>,
      %get3A_490 = arith.index_cast %add3A_453 : i32 to index
      %get3A_491 = arith.constant 48 : index
      %get3A_492 = tpu.vector_load %arg6[%get3A_490, %get3A_491] {strides = array<i32>} : memref<200x64xf32, #tpu.memory_space<vmem>>, vector<1x16xf32>,
      %get3A_493 = vector.shape_cast %get3A_492 : vector<1x16xf32> to vector<16xf32>
      %mul3A_494 = arith.constant 8.000000e+00 : f32
      %mul3A_495 = vector.broadcast %mul3A_494 : f32 to vector<16xf32>
      %mul3A_496 = arith.mulf %get3A_493, %mul3A_495 : vector<16xf32>
      %swap3A_497 = arith.index_cast %add3A_453 : i32 to index
      %swap3A_498 = arith.constant 48 : index
      %swap3A_499 = tpu.vector_load %arg8[%swap3A_497, %swap3A_498] {strides = array<i32>} : memref<200x64xf32, #tpu.memory_space<vmem>>, vector<1x16xf32>,
      %swap3A_500 = vector.shape_cast %swap3A_499 : vector<1x16xf32> to vector<16xf32>
      %swap3A_501 = vector.shape_cast %mul3A_496 : vector<16xf32> to vector<1x16xf32>
      tpu.vector_store %arg8[%swap3A_497, %swap3A_498], %swap3A_501 {strides = array<i32>} : memref<200x64xf32, #tpu.memory_space<vmem>>, vector<1x16xf32>,
      %add3A_502 = arith.constant 7 : i32
      %add3A_503 = arith.addi %add3A_153, %add3A_502 : i32
      %get3A_504 = arith.index_cast %add3A_503 : i32 to index
      %get3A_505 = arith.constant 0 : index
      %get3A_506 = tpu.vector_load %arg6[%get3A_504, %get3A_505] {strides = array<i32>} : memref<200x64xf32, #tpu.memory_space<vmem>>, vector<1x16xf32>,
      %get3A_507 = vector.shape_cast %get3A_506 : vector<1x16xf32> to vector<16xf32>
      %mul3A_508 = arith.constant 8.000000e+00 : f32
      %mul3A_509 = vector.broadcast %mul3A_508 : f32 to vector<16xf32>
      %mul3A_510 = arith.mulf %get3A_507, %mul3A_509 : vector<16xf32>
      %swap3A_511 = arith.index_cast %add3A_503 : i32 to index
      %swap3A_512 = arith.constant 0 : index
      %swap3A_513 = tpu.vector_load %arg8[%swap3A_511, %swap3A_512] {strides = array<i32>} : memref<200x64xf32, #tpu.memory_space<vmem>>, vector<1x16xf32>,
      %swap3A_514 = vector.shape_cast %swap3A_513 : vector<1x16xf32> to vector<16xf32>
      %swap3A_515 = vector.shape_cast %mul3A_510 : vector<16xf32> to vector<1x16xf32>
      tpu.vector_store %arg8[%swap3A_511, %swap3A_512], %swap3A_515 {strides = array<i32>} : memref<200x64xf32, #tpu.memory_space<vmem>>, vector<1x16xf32>,
      %get3A_516 = arith.index_cast %add3A_503 : i32 to index
      %get3A_517 = arith.constant 16 : index
      %get3A_518 = tpu.vector_load %arg6[%get3A_516, %get3A_517] {strides = array<i32>} : memref<200x64xf32, #tpu.memory_space<vmem>>, vector<1x16xf32>,
      %get3A_519 = vector.shape_cast %get3A_518 : vector<1x16xf32> to vector<16xf32>
      %mul3A_520 = arith.constant 8.000000e+00 : f32
      %mul3A_521 = vector.broadcast %mul3A_520 : f32 to vector<16xf32>
      %mul3A_522 = arith.mulf %get3A_519, %mul3A_521 : vector<16xf32>
      %swap3A_523 = arith.index_cast %add3A_503 : i32 to index
      %swap3A_524 = arith.constant 16 : index
      %swap3A_525 = tpu.vector_load %arg8[%swap3A_523, %swap3A_524] {strides = array<i32>} : memref<200x64xf32, #tpu.memory_space<vmem>>, vector<1x16xf32>,
      %swap3A_526 = vector.shape_cast %swap3A_525 : vector<1x16xf32> to vector<16xf32>
      %swap3A_527 = vector.shape_cast %mul3A_522 : vector<16xf32> to vector<1x16xf32>
      tpu.vector_store %arg8[%swap3A_523, %swap3A_524], %swap3A_527 {strides = array<i32>} : memref<200x64xf32, #tpu.memory_space<vmem>>, vector<1x16xf32>,
      %get3A_528 = arith.index_cast %add3A_503 : i32 to index
      %get3A_529 = arith.constant 32 : index
      %get3A_530 = tpu.vector_load %arg6[%get3A_528, %get3A_529] {strides = array<i32>} : memref<200x64xf32, #tpu.memory_space<vmem>>, vector<1x16xf32>,
      %get3A_531 = vector.shape_cast %get3A_530 : vector<1x16xf32> to vector<16xf32>
      %mul3A_532 = arith.constant 8.000000e+00 : f32
      %mul3A_533 = vector.broadcast %mul3A_532 : f32 to vector<16xf32>
      %mul3A_534 = arith.mulf %get3A_531, %mul3A_533 : vector<16xf32>
      %swap3A_535 = arith.index_cast %add3A_503 : i32 to index
      %swap3A_536 = arith.constant 32 : index
      %swap3A_537 = tpu.vector_load %arg8[%swap3A_535, %swap3A_536] {strides = array<i32>} : memref<200x64xf32, #tpu.memory_space<vmem>>, vector<1x16xf32>,
      %swap3A_538 = vector.shape_cast %swap3A_537 : vector<1x16xf32> to vector<16xf32>
      %swap3A_539 = vector.shape_cast %mul3A_534 : vector<16xf32> to vector<1x16xf32>
      tpu.vector_store %arg8[%swap3A_535, %swap3A_536], %swap3A_539 {strides = array<i32>} : memref<200x64xf32, #tpu.memory_space<vmem>>, vector<1x16xf32>,
      %get3A_540 = arith.index_cast %add3A_503 : i32 to index
      %get3A_541 = arith.constant 48 : index
      %get3A_542 = tpu.vector_load %arg6[%get3A_540, %get3A_541] {strides = array<i32>} : memref<200x64xf32, #tpu.memory_space<vmem>>, vector<1x16xf32>,
      %get3A_543 = vector.shape_cast %get3A_542 : vector<1x16xf32> to vector<16xf32>
      %mul3A_544 = arith.constant 8.000000e+00 : f32
      %mul3A_545 = vector.broadcast %mul3A_544 : f32 to vector<16xf32>
      %mul3A_546 = arith.mulf %get3A_543, %mul3A_545 : vector<16xf32>
      %swap3A_547 = arith.index_cast %add3A_503 : i32 to index
      %swap3A_548 = arith.constant 48 : index
      %swap3A_549 = tpu.vector_load %arg8[%swap3A_547, %swap3A_548] {strides = array<i32>} : memref<200x64xf32, #tpu.memory_space<vmem>>, vector<1x16xf32>,
      %swap3A_550 = vector.shape_cast %swap3A_549 : vector<1x16xf32> to vector<16xf32>
      %swap3A_551 = vector.shape_cast %mul3A_546 : vector<16xf32> to vector<1x16xf32>
      tpu.vector_store %arg8[%swap3A_547, %swap3A_548], %swap3A_551 {strides = array<i32>} : memref<200x64xf32, #tpu.memory_space<vmem>>, vector<1x16xf32>,
    }
    %scan3A_93 = arith.constant 25 : i32
    %add3A_94 = arith.constant 126 : i32
    %add3A_95 = arith.addi %mul3A_2, %add3A_94 : i32
    %dma_start3A_96 = arith.constant 0 : i32
    %dma_start3A_97 = arith.constant 0 : i32
    %dma_start3A_98 = tpu.memref_slice %arg4[%add3A_95, %dma_start3A_96, %dma_start3A_97] : memref<4096x200x64xf32, #tpu.memory_space<hbm>> -> memref<1x200x64xf32, #tpu.memory_space<hbm>>
    %dma_start3A_99 = tpu.memref_squeeze %dma_start3A_98 : memref<1x200x64xf32, #tpu.memory_space<hbm>> -> memref<200x64xf32, #tpu.memory_space<hbm>>
    %dma_start3A_100 = arith.constant 0 : i32
    %dma_start3A_101 = arith.constant 0 : i32
    %dma_start3A_102 = tpu.memref_slice %arg4[%add3A_95, %dma_start3A_100, %dma_start3A_101] : memref<4096x200x64xf32, #tpu.memory_space<hbm>> -> memref<1x200x64xf32, #tpu.memory_space<hbm>>
    %dma_start3A_103 = tpu.memref_squeeze %dma_start3A_102 : memref<1x200x64xf32, #tpu.memory_space<hbm>> -> memref<200x64xf32, #tpu.memory_space<hbm>>
    tpu.enqueue_dma source(%arg8 : memref<200x64xf32, #tpu.memory_space<vmem>>) target(%dma_start3A_103 : memref<200x64xf32, #tpu.memory_space<hbm>>) target_semaphore(%arg12 : memref<!tpu.dma_semaphore, #tpu.memory_space<semaphore_mem>>)
    %dma_wait3A_104 = arith.constant 0 : i32
    %dma_wait3A_105 = arith.constant 0 : i32
    %dma_wait3A_106 = tpu.memref_slice %arg2[%dma_wait3A_104, %dma_wait3A_105] : memref<1000000x64xf32, #tpu.memory_space<hbm>> -> memref<200x64xf32, #tpu.memory_space<hbm>>
    %dma_wait3A_107 = arith.constant 0 : i32
    %dma_wait3A_108 = arith.constant 0 : i32
    %dma_wait3A_109 = tpu.memref_slice %arg2[%dma_wait3A_107, %dma_wait3A_108] : memref<1000000x64xf32, #tpu.memory_space<hbm>> -> memref<200x64xf32, #tpu.memory_space<hbm>>
    tpu.wait_dma2 semaphore(%arg11 : memref<!tpu.dma_semaphore, #tpu.memory_space<semaphore_mem>>) src(%dma_wait3A_109 : memref<200x64xf32, #tpu.memory_space<hbm>>) dst(%arg7 : memref<200x64xf32, #tpu.memory_space<vmem>>)
    %dma_wait3A_110 = arith.constant 0 : i32
    %dma_wait3A_111 = arith.constant 0 : i32
    %dma_wait3A_112 = tpu.memref_slice %arg4[%mul3A_2, %dma_wait3A_110, %dma_wait3A_111] : memref<4096x200x64xf32, #tpu.memory_space<hbm>> -> memref<1x200x64xf32, #tpu.memory_space<hbm>>
    %dma_wait3A_113 = tpu.memref_squeeze %dma_wait3A_112 : memref<1x200x64xf32, #tpu.memory_space<hbm>> -> memref<200x64xf32, #tpu.memory_space<hbm>>
    %dma_wait3A_114 = arith.constant 0 : i32
    %dma_wait3A_115 = arith.constant 0 : i32
    %dma_wait3A_116 = tpu.memref_slice %arg4[%mul3A_2, %dma_wait3A_114, %dma_wait3A_115] : memref<4096x200x64xf32, #tpu.memory_space<hbm>> -> memref<1x200x64xf32, #tpu.memory_space<hbm>>
    %dma_wait3A_117 = tpu.memref_squeeze %dma_wait3A_116 : memref<1x200x64xf32, #tpu.memory_space<hbm>> -> memref<200x64xf32, #tpu.memory_space<hbm>>
    tpu.wait_dma2 semaphore(%arg13 : memref<!tpu.dma_semaphore, #tpu.memory_space<semaphore_mem>>) src(%arg9 : memref<200x64xf32, #tpu.memory_space<vmem>>) dst(%dma_wait3A_117 : memref<200x64xf32, #tpu.memory_space<hbm>>)
    %scan3A_118 = arith.constant 0 : i32
    %scan3A_119 = arith.constant 25 : i32
    %scan3A_120 = arith.addi %scan3A_118, %scan3A_119 : i32
    %scan3A_121 = arith.constant 1 : i32
    scf.for %scan3A_149 = %scan3A_118 to %scan3A_120 step %scan3A_121  : i32 {
      %mul3A_150 = arith.constant 8 : i32
      %mul3A_151 = arith.muli %scan3A_149, %mul3A_150 : i32
      %add3A_152 = arith.constant 0 : i32
      %add3A_153 = arith.addi %add3A_152, %mul3A_151 : i32
      %add3A_154 = arith.constant 0 : i32
      %add3A_155 = arith.addi %add3A_153, %add3A_154 : i32
      %get3A = arith.index_cast %add3A_155 : i32 to index
      %get3A_156 = arith.constant 0 : index
      %get3A_157 = tpu.vector_load %arg7[%get3A, %get3A_156] {strides = array<i32>} : memref<200x64xf32, #tpu.memory_space<vmem>>, vector<1x16xf32>,
      %get3A_158 = vector.shape_cast %get3A_157 : vector<1x16xf32> to vector<16xf32>
      %mul3A_159 = arith.constant 8.000000e+00 : f32
      %mul3A_160 = vector.broadcast %mul3A_159 : f32 to vector<16xf32>
      %mul3A_161 = arith.mulf %get3A_158, %mul3A_160 : vector<16xf32>
      %swap3A = arith.index_cast %add3A_155 : i32 to index
      %swap3A_162 = arith.constant 0 : index
      %swap3A_163 = tpu.vector_load %arg9[%swap3A, %swap3A_162] {strides = array<i32>} : memref<200x64xf32, #tpu.memory_space<vmem>>, vector<1x16xf32>,
      %swap3A_164 = vector.shape_cast %swap3A_163 : vector<1x16xf32> to vector<16xf32>
      %swap3A_165 = vector.shape_cast %mul3A_161 : vector<16xf32> to vector<1x16xf32>
      tpu.vector_store %arg9[%swap3A, %swap3A_162], %swap3A_165 {strides = array<i32>} : memref<200x64xf32, #tpu.memory_space<vmem>>, vector<1x16xf32>,
      %get3A_166 = arith.index_cast %add3A_155 : i32 to index
      %get3A_167 = arith.constant 16 : index
      %get3A_168 = tpu.vector_load %arg7[%get3A_166, %get3A_167] {strides = array<i32>} : memref<200x64xf32, #tpu.memory_space<vmem>>, vector<1x16xf32>,
      %get3A_169 = vector.shape_cast %get3A_168 : vector<1x16xf32> to vector<16xf32>
      %mul3A_170 = arith.constant 8.000000e+00 : f32
      %mul3A_171 = vector.broadcast %mul3A_170 : f32 to vector<16xf32>
      %mul3A_172 = arith.mulf %get3A_169, %mul3A_171 : vector<16xf32>
      %swap3A_173 = arith.index_cast %add3A_155 : i32 to index
      %swap3A_174 = arith.constant 16 : index
      %swap3A_175 = tpu.vector_load %arg9[%swap3A_173, %swap3A_174] {strides = array<i32>} : memref<200x64xf32, #tpu.memory_space<vmem>>, vector<1x16xf32>,
      %swap3A_176 = vector.shape_cast %swap3A_175 : vector<1x16xf32> to vector<16xf32>
      %swap3A_177 = vector.shape_cast %mul3A_172 : vector<16xf32> to vector<1x16xf32>
      tpu.vector_store %arg9[%swap3A_173, %swap3A_174], %swap3A_177 {strides = array<i32>} : memref<200x64xf32, #tpu.memory_space<vmem>>, vector<1x16xf32>,
      %get3A_178 = arith.index_cast %add3A_155 : i32 to index
      %get3A_179 = arith.constant 32 : index
      %get3A_180 = tpu.vector_load %arg7[%get3A_178, %get3A_179] {strides = array<i32>} : memref<200x64xf32, #tpu.memory_space<vmem>>, vector<1x16xf32>,
      %get3A_181 = vector.shape_cast %get3A_180 : vector<1x16xf32> to vector<16xf32>
      %mul3A_182 = arith.constant 8.000000e+00 : f32
      %mul3A_183 = vector.broadcast %mul3A_182 : f32 to vector<16xf32>
      %mul3A_184 = arith.mulf %get3A_181, %mul3A_183 : vector<16xf32>
      %swap3A_185 = arith.index_cast %add3A_155 : i32 to index
      %swap3A_186 = arith.constant 32 : index
      %swap3A_187 = tpu.vector_load %arg9[%swap3A_185, %swap3A_186] {strides = array<i32>} : memref<200x64xf32, #tpu.memory_space<vmem>>, vector<1x16xf32>,
      %swap3A_188 = vector.shape_cast %swap3A_187 : vector<1x16xf32> to vector<16xf32>
      %swap3A_189 = vector.shape_cast %mul3A_184 : vector<16xf32> to vector<1x16xf32>
      tpu.vector_store %arg9[%swap3A_185, %swap3A_186], %swap3A_189 {strides = array<i32>} : memref<200x64xf32, #tpu.memory_space<vmem>>, vector<1x16xf32>,
      %get3A_190 = arith.index_cast %add3A_155 : i32 to index
      %get3A_191 = arith.constant 48 : index
      %get3A_192 = tpu.vector_load %arg7[%get3A_190, %get3A_191] {strides = array<i32>} : memref<200x64xf32, #tpu.memory_space<vmem>>, vector<1x16xf32>,
      %get3A_193 = vector.shape_cast %get3A_192 : vector<1x16xf32> to vector<16xf32>
      %mul3A_194 = arith.constant 8.000000e+00 : f32
      %mul3A_195 = vector.broadcast %mul3A_194 : f32 to vector<16xf32>
      %mul3A_196 = arith.mulf %get3A_193, %mul3A_195 : vector<16xf32>
      %swap3A_197 = arith.index_cast %add3A_155 : i32 to index
      %swap3A_198 = arith.constant 48 : index
      %swap3A_199 = tpu.vector_load %arg9[%swap3A_197, %swap3A_198] {strides = array<i32>} : memref<200x64xf32, #tpu.memory_space<vmem>>, vector<1x16xf32>,
      %swap3A_200 = vector.shape_cast %swap3A_199 : vector<1x16xf32> to vector<16xf32>
      %swap3A_201 = vector.shape_cast %mul3A_196 : vector<16xf32> to vector<1x16xf32>
      tpu.vector_store %arg9[%swap3A_197, %swap3A_198], %swap3A_201 {strides = array<i32>} : memref<200x64xf32, #tpu.memory_space<vmem>>, vector<1x16xf32>,
      %add3A_202 = arith.constant 1 : i32
      %add3A_203 = arith.addi %add3A_153, %add3A_202 : i32
      %get3A_204 = arith.index_cast %add3A_203 : i32 to index
      %get3A_205 = arith.constant 0 : index
      %get3A_206 = tpu.vector_load %arg7[%get3A_204, %get3A_205] {strides = array<i32>} : memref<200x64xf32, #tpu.memory_space<vmem>>, vector<1x16xf32>,
      %get3A_207 = vector.shape_cast %get3A_206 : vector<1x16xf32> to vector<16xf32>
      %mul3A_208 = arith.constant 8.000000e+00 : f32
      %mul3A_209 = vector.broadcast %mul3A_208 : f32 to vector<16xf32>
      %mul3A_210 = arith.mulf %get3A_207, %mul3A_209 : vector<16xf32>
      %swap3A_211 = arith.index_cast %add3A_203 : i32 to index
      %swap3A_212 = arith.constant 0 : index
      %swap3A_213 = tpu.vector_load %arg9[%swap3A_211, %swap3A_212] {strides = array<i32>} : memref<200x64xf32, #tpu.memory_space<vmem>>, vector<1x16xf32>,
      %swap3A_214 = vector.shape_cast %swap3A_213 : vector<1x16xf32> to vector<16xf32>
      %swap3A_215 = vector.shape_cast %mul3A_210 : vector<16xf32> to vector<1x16xf32>
      tpu.vector_store %arg9[%swap3A_211, %swap3A_212], %swap3A_215 {strides = array<i32>} : memref<200x64xf32, #tpu.memory_space<vmem>>, vector<1x16xf32>,
      %get3A_216 = arith.index_cast %add3A_203 : i32 to index
      %get3A_217 = arith.constant 16 : index
      %get3A_218 = tpu.vector_load %arg7[%get3A_216, %get3A_217] {strides = array<i32>} : memref<200x64xf32, #tpu.memory_space<vmem>>, vector<1x16xf32>,
      %get3A_219 = vector.shape_cast %get3A_218 : vector<1x16xf32> to vector<16xf32>
      %mul3A_220 = arith.constant 8.000000e+00 : f32
      %mul3A_221 = vector.broadcast %mul3A_220 : f32 to vector<16xf32>
      %mul3A_222 = arith.mulf %get3A_219, %mul3A_221 : vector<16xf32>
      %swap3A_223 = arith.index_cast %add3A_203 : i32 to index
      %swap3A_224 = arith.constant 16 : index
      %swap3A_225 = tpu.vector_load %arg9[%swap3A_223, %swap3A_224] {strides = array<i32>} : memref<200x64xf32, #tpu.memory_space<vmem>>, vector<1x16xf32>,
      %swap3A_226 = vector.shape_cast %swap3A_225 : vector<1x16xf32> to vector<16xf32>
      %swap3A_227 = vector.shape_cast %mul3A_222 : vector<16xf32> to vector<1x16xf32>
      tpu.vector_store %arg9[%swap3A_223, %swap3A_224], %swap3A_227 {strides = array<i32>} : memref<200x64xf32, #tpu.memory_space<vmem>>, vector<1x16xf32>,
      %get3A_228 = arith.index_cast %add3A_203 : i32 to index
      %get3A_229 = arith.constant 32 : index
      %get3A_230 = tpu.vector_load %arg7[%get3A_228, %get3A_229] {strides = array<i32>} : memref<200x64xf32, #tpu.memory_space<vmem>>, vector<1x16xf32>,
      %get3A_231 = vector.shape_cast %get3A_230 : vector<1x16xf32> to vector<16xf32>
      %mul3A_232 = arith.constant 8.000000e+00 : f32
      %mul3A_233 = vector.broadcast %mul3A_232 : f32 to vector<16xf32>
      %mul3A_234 = arith.mulf %get3A_231, %mul3A_233 : vector<16xf32>
      %swap3A_235 = arith.index_cast %add3A_203 : i32 to index
      %swap3A_236 = arith.constant 32 : index
      %swap3A_237 = tpu.vector_load %arg9[%swap3A_235, %swap3A_236] {strides = array<i32>} : memref<200x64xf32, #tpu.memory_space<vmem>>, vector<1x16xf32>,
      %swap3A_238 = vector.shape_cast %swap3A_237 : vector<1x16xf32> to vector<16xf32>
      %swap3A_239 = vector.shape_cast %mul3A_234 : vector<16xf32> to vector<1x16xf32>
      tpu.vector_store %arg9[%swap3A_235, %swap3A_236], %swap3A_239 {strides = array<i32>} : memref<200x64xf32, #tpu.memory_space<vmem>>, vector<1x16xf32>,
      %get3A_240 = arith.index_cast %add3A_203 : i32 to index
      %get3A_241 = arith.constant 48 : index
      %get3A_242 = tpu.vector_load %arg7[%get3A_240, %get3A_241] {strides = array<i32>} : memref<200x64xf32, #tpu.memory_space<vmem>>, vector<1x16xf32>,
      %get3A_243 = vector.shape_cast %get3A_242 : vector<1x16xf32> to vector<16xf32>
      %mul3A_244 = arith.constant 8.000000e+00 : f32
      %mul3A_245 = vector.broadcast %mul3A_244 : f32 to vector<16xf32>
      %mul3A_246 = arith.mulf %get3A_243, %mul3A_245 : vector<16xf32>
      %swap3A_247 = arith.index_cast %add3A_203 : i32 to index
      %swap3A_248 = arith.constant 48 : index
      %swap3A_249 = tpu.vector_load %arg9[%swap3A_247, %swap3A_248] {strides = array<i32>} : memref<200x64xf32, #tpu.memory_space<vmem>>, vector<1x16xf32>,
      %swap3A_250 = vector.shape_cast %swap3A_249 : vector<1x16xf32> to vector<16xf32>
      %swap3A_251 = vector.shape_cast %mul3A_246 : vector<16xf32> to vector<1x16xf32>
      tpu.vector_store %arg9[%swap3A_247, %swap3A_248], %swap3A_251 {strides = array<i32>} : memref<200x64xf32, #tpu.memory_space<vmem>>, vector<1x16xf32>,
      %add3A_252 = arith.constant 2 : i32
      %add3A_253 = arith.addi %add3A_153, %add3A_252 : i32
      %get3A_254 = arith.index_cast %add3A_253 : i32 to index
      %get3A_255 = arith.constant 0 : index
      %get3A_256 = tpu.vector_load %arg7[%get3A_254, %get3A_255] {strides = array<i32>} : memref<200x64xf32, #tpu.memory_space<vmem>>, vector<1x16xf32>,
      %get3A_257 = vector.shape_cast %get3A_256 : vector<1x16xf32> to vector<16xf32>
      %mul3A_258 = arith.constant 8.000000e+00 : f32
      %mul3A_259 = vector.broadcast %mul3A_258 : f32 to vector<16xf32>
      %mul3A_260 = arith.mulf %get3A_257, %mul3A_259 : vector<16xf32>
      %swap3A_261 = arith.index_cast %add3A_253 : i32 to index
      %swap3A_262 = arith.constant 0 : index
      %swap3A_263 = tpu.vector_load %arg9[%swap3A_261, %swap3A_262] {strides = array<i32>} : memref<200x64xf32, #tpu.memory_space<vmem>>, vector<1x16xf32>,
      %swap3A_264 = vector.shape_cast %swap3A_263 : vector<1x16xf32> to vector<16xf32>
      %swap3A_265 = vector.shape_cast %mul3A_260 : vector<16xf32> to vector<1x16xf32>
      tpu.vector_store %arg9[%swap3A_261, %swap3A_262], %swap3A_265 {strides = array<i32>} : memref<200x64xf32, #tpu.memory_space<vmem>>, vector<1x16xf32>,
      %get3A_266 = arith.index_cast %add3A_253 : i32 to index
      %get3A_267 = arith.constant 16 : index
      %get3A_268 = tpu.vector_load %arg7[%get3A_266, %get3A_267] {strides = array<i32>} : memref<200x64xf32, #tpu.memory_space<vmem>>, vector<1x16xf32>,
      %get3A_269 = vector.shape_cast %get3A_268 : vector<1x16xf32> to vector<16xf32>
      %mul3A_270 = arith.constant 8.000000e+00 : f32
      %mul3A_271 = vector.broadcast %mul3A_270 : f32 to vector<16xf32>
      %mul3A_272 = arith.mulf %get3A_269, %mul3A_271 : vector<16xf32>
      %swap3A_273 = arith.index_cast %add3A_253 : i32 to index
      %swap3A_274 = arith.constant 16 : index
      %swap3A_275 = tpu.vector_load %arg9[%swap3A_273, %swap3A_274] {strides = array<i32>} : memref<200x64xf32, #tpu.memory_space<vmem>>, vector<1x16xf32>,
      %swap3A_276 = vector.shape_cast %swap3A_275 : vector<1x16xf32> to vector<16xf32>
      %swap3A_277 = vector.shape_cast %mul3A_272 : vector<16xf32> to vector<1x16xf32>
      tpu.vector_store %arg9[%swap3A_273, %swap3A_274], %swap3A_277 {strides = array<i32>} : memref<200x64xf32, #tpu.memory_space<vmem>>, vector<1x16xf32>,
      %get3A_278 = arith.index_cast %add3A_253 : i32 to index
      %get3A_279 = arith.constant 32 : index
      %get3A_280 = tpu.vector_load %arg7[%get3A_278, %get3A_279] {strides = array<i32>} : memref<200x64xf32, #tpu.memory_space<vmem>>, vector<1x16xf32>,
      %get3A_281 = vector.shape_cast %get3A_280 : vector<1x16xf32> to vector<16xf32>
      %mul3A_282 = arith.constant 8.000000e+00 : f32
      %mul3A_283 = vector.broadcast %mul3A_282 : f32 to vector<16xf32>
      %mul3A_284 = arith.mulf %get3A_281, %mul3A_283 : vector<16xf32>
      %swap3A_285 = arith.index_cast %add3A_253 : i32 to index
      %swap3A_286 = arith.constant 32 : index
      %swap3A_287 = tpu.vector_load %arg9[%swap3A_285, %swap3A_286] {strides = array<i32>} : memref<200x64xf32, #tpu.memory_space<vmem>>, vector<1x16xf32>,
      %swap3A_288 = vector.shape_cast %swap3A_287 : vector<1x16xf32> to vector<16xf32>
      %swap3A_289 = vector.shape_cast %mul3A_284 : vector<16xf32> to vector<1x16xf32>
      tpu.vector_store %arg9[%swap3A_285, %swap3A_286], %swap3A_289 {strides = array<i32>} : memref<200x64xf32, #tpu.memory_space<vmem>>, vector<1x16xf32>,
      %get3A_290 = arith.index_cast %add3A_253 : i32 to index
      %get3A_291 = arith.constant 48 : index
      %get3A_292 = tpu.vector_load %arg7[%get3A_290, %get3A_291] {strides = array<i32>} : memref<200x64xf32, #tpu.memory_space<vmem>>, vector<1x16xf32>,
      %get3A_293 = vector.shape_cast %get3A_292 : vector<1x16xf32> to vector<16xf32>
      %mul3A_294 = arith.constant 8.000000e+00 : f32
      %mul3A_295 = vector.broadcast %mul3A_294 : f32 to vector<16xf32>
      %mul3A_296 = arith.mulf %get3A_293, %mul3A_295 : vector<16xf32>
      %swap3A_297 = arith.index_cast %add3A_253 : i32 to index
      %swap3A_298 = arith.constant 48 : index
      %swap3A_299 = tpu.vector_load %arg9[%swap3A_297, %swap3A_298] {strides = array<i32>} : memref<200x64xf32, #tpu.memory_space<vmem>>, vector<1x16xf32>,
      %swap3A_300 = vector.shape_cast %swap3A_299 : vector<1x16xf32> to vector<16xf32>
      %swap3A_301 = vector.shape_cast %mul3A_296 : vector<16xf32> to vector<1x16xf32>
      tpu.vector_store %arg9[%swap3A_297, %swap3A_298], %swap3A_301 {strides = array<i32>} : memref<200x64xf32, #tpu.memory_space<vmem>>, vector<1x16xf32>,
      %add3A_302 = arith.constant 3 : i32
      %add3A_303 = arith.addi %add3A_153, %add3A_302 : i32
      %get3A_304 = arith.index_cast %add3A_303 : i32 to index
      %get3A_305 = arith.constant 0 : index
      %get3A_306 = tpu.vector_load %arg7[%get3A_304, %get3A_305] {strides = array<i32>} : memref<200x64xf32, #tpu.memory_space<vmem>>, vector<1x16xf32>,
      %get3A_307 = vector.shape_cast %get3A_306 : vector<1x16xf32> to vector<16xf32>
      %mul3A_308 = arith.constant 8.000000e+00 : f32
      %mul3A_309 = vector.broadcast %mul3A_308 : f32 to vector<16xf32>
      %mul3A_310 = arith.mulf %get3A_307, %mul3A_309 : vector<16xf32>
      %swap3A_311 = arith.index_cast %add3A_303 : i32 to index
      %swap3A_312 = arith.constant 0 : index
      %swap3A_313 = tpu.vector_load %arg9[%swap3A_311, %swap3A_312] {strides = array<i32>} : memref<200x64xf32, #tpu.memory_space<vmem>>, vector<1x16xf32>,
      %swap3A_314 = vector.shape_cast %swap3A_313 : vector<1x16xf32> to vector<16xf32>
      %swap3A_315 = vector.shape_cast %mul3A_310 : vector<16xf32> to vector<1x16xf32>
      tpu.vector_store %arg9[%swap3A_311, %swap3A_312], %swap3A_315 {strides = array<i32>} : memref<200x64xf32, #tpu.memory_space<vmem>>, vector<1x16xf32>,
      %get3A_316 = arith.index_cast %add3A_303 : i32 to index
      %get3A_317 = arith.constant 16 : index
      %get3A_318 = tpu.vector_load %arg7[%get3A_316, %get3A_317] {strides = array<i32>} : memref<200x64xf32, #tpu.memory_space<vmem>>, vector<1x16xf32>,
      %get3A_319 = vector.shape_cast %get3A_318 : vector<1x16xf32> to vector<16xf32>
      %mul3A_320 = arith.constant 8.000000e+00 : f32
      %mul3A_321 = vector.broadcast %mul3A_320 : f32 to vector<16xf32>
      %mul3A_322 = arith.mulf %get3A_319, %mul3A_321 : vector<16xf32>
      %swap3A_323 = arith.index_cast %add3A_303 : i32 to index
      %swap3A_324 = arith.constant 16 : index
      %swap3A_325 = tpu.vector_load %arg9[%swap3A_323, %swap3A_324] {strides = array<i32>} : memref<200x64xf32, #tpu.memory_space<vmem>>, vector<1x16xf32>,
      %swap3A_326 = vector.shape_cast %swap3A_325 : vector<1x16xf32> to vector<16xf32>
      %swap3A_327 = vector.shape_cast %mul3A_322 : vector<16xf32> to vector<1x16xf32>
      tpu.vector_store %arg9[%swap3A_323, %swap3A_324], %swap3A_327 {strides = array<i32>} : memref<200x64xf32, #tpu.memory_space<vmem>>, vector<1x16xf32>,
      %get3A_328 = arith.index_cast %add3A_303 : i32 to index
      %get3A_329 = arith.constant 32 : index
      %get3A_330 = tpu.vector_load %arg7[%get3A_328, %get3A_329] {strides = array<i32>} : memref<200x64xf32, #tpu.memory_space<vmem>>, vector<1x16xf32>,
      %get3A_331 = vector.shape_cast %get3A_330 : vector<1x16xf32> to vector<16xf32>
      %mul3A_332 = arith.constant 8.000000e+00 : f32
      %mul3A_333 = vector.broadcast %mul3A_332 : f32 to vector<16xf32>
      %mul3A_334 = arith.mulf %get3A_331, %mul3A_333 : vector<16xf32>
      %swap3A_335 = arith.index_cast %add3A_303 : i32 to index
      %swap3A_336 = arith.constant 32 : index
      %swap3A_337 = tpu.vector_load %arg9[%swap3A_335, %swap3A_336] {strides = array<i32>} : memref<200x64xf32, #tpu.memory_space<vmem>>, vector<1x16xf32>,
      %swap3A_338 = vector.shape_cast %swap3A_337 : vector<1x16xf32> to vector<16xf32>
      %swap3A_339 = vector.shape_cast %mul3A_334 : vector<16xf32> to vector<1x16xf32>
      tpu.vector_store %arg9[%swap3A_335, %swap3A_336], %swap3A_339 {strides = array<i32>} : memref<200x64xf32, #tpu.memory_space<vmem>>, vector<1x16xf32>,
      %get3A_340 = arith.index_cast %add3A_303 : i32 to index
      %get3A_341 = arith.constant 48 : index
      %get3A_342 = tpu.vector_load %arg7[%get3A_340, %get3A_341] {strides = array<i32>} : memref<200x64xf32, #tpu.memory_space<vmem>>, vector<1x16xf32>,
      %get3A_343 = vector.shape_cast %get3A_342 : vector<1x16xf32> to vector<16xf32>
      %mul3A_344 = arith.constant 8.000000e+00 : f32
      %mul3A_345 = vector.broadcast %mul3A_344 : f32 to vector<16xf32>
      %mul3A_346 = arith.mulf %get3A_343, %mul3A_345 : vector<16xf32>
      %swap3A_347 = arith.index_cast %add3A_303 : i32 to index
      %swap3A_348 = arith.constant 48 : index
      %swap3A_349 = tpu.vector_load %arg9[%swap3A_347, %swap3A_348] {strides = array<i32>} : memref<200x64xf32, #tpu.memory_space<vmem>>, vector<1x16xf32>,
      %swap3A_350 = vector.shape_cast %swap3A_349 : vector<1x16xf32> to vector<16xf32>
      %swap3A_351 = vector.shape_cast %mul3A_346 : vector<16xf32> to vector<1x16xf32>
      tpu.vector_store %arg9[%swap3A_347, %swap3A_348], %swap3A_351 {strides = array<i32>} : memref<200x64xf32, #tpu.memory_space<vmem>>, vector<1x16xf32>,
      %add3A_352 = arith.constant 4 : i32
      %add3A_353 = arith.addi %add3A_153, %add3A_352 : i32
      %get3A_354 = arith.index_cast %add3A_353 : i32 to index
      %get3A_355 = arith.constant 0 : index
      %get3A_356 = tpu.vector_load %arg7[%get3A_354, %get3A_355] {strides = array<i32>} : memref<200x64xf32, #tpu.memory_space<vmem>>, vector<1x16xf32>,
      %get3A_357 = vector.shape_cast %get3A_356 : vector<1x16xf32> to vector<16xf32>
      %mul3A_358 = arith.constant 8.000000e+00 : f32
      %mul3A_359 = vector.broadcast %mul3A_358 : f32 to vector<16xf32>
      %mul3A_360 = arith.mulf %get3A_357, %mul3A_359 : vector<16xf32>
      %swap3A_361 = arith.index_cast %add3A_353 : i32 to index
      %swap3A_362 = arith.constant 0 : index
      %swap3A_363 = tpu.vector_load %arg9[%swap3A_361, %swap3A_362] {strides = array<i32>} : memref<200x64xf32, #tpu.memory_space<vmem>>, vector<1x16xf32>,
      %swap3A_364 = vector.shape_cast %swap3A_363 : vector<1x16xf32> to vector<16xf32>
      %swap3A_365 = vector.shape_cast %mul3A_360 : vector<16xf32> to vector<1x16xf32>
      tpu.vector_store %arg9[%swap3A_361, %swap3A_362], %swap3A_365 {strides = array<i32>} : memref<200x64xf32, #tpu.memory_space<vmem>>, vector<1x16xf32>,
      %get3A_366 = arith.index_cast %add3A_353 : i32 to index
      %get3A_367 = arith.constant 16 : index
      %get3A_368 = tpu.vector_load %arg7[%get3A_366, %get3A_367] {strides = array<i32>} : memref<200x64xf32, #tpu.memory_space<vmem>>, vector<1x16xf32>,
      %get3A_369 = vector.shape_cast %get3A_368 : vector<1x16xf32> to vector<16xf32>
      %mul3A_370 = arith.constant 8.000000e+00 : f32
      %mul3A_371 = vector.broadcast %mul3A_370 : f32 to vector<16xf32>
      %mul3A_372 = arith.mulf %get3A_369, %mul3A_371 : vector<16xf32>
      %swap3A_373 = arith.index_cast %add3A_353 : i32 to index
      %swap3A_374 = arith.constant 16 : index
      %swap3A_375 = tpu.vector_load %arg9[%swap3A_373, %swap3A_374] {strides = array<i32>} : memref<200x64xf32, #tpu.memory_space<vmem>>, vector<1x16xf32>,
      %swap3A_376 = vector.shape_cast %swap3A_375 : vector<1x16xf32> to vector<16xf32>
      %swap3A_377 = vector.shape_cast %mul3A_372 : vector<16xf32> to vector<1x16xf32>
      tpu.vector_store %arg9[%swap3A_373, %swap3A_374], %swap3A_377 {strides = array<i32>} : memref<200x64xf32, #tpu.memory_space<vmem>>, vector<1x16xf32>,
      %get3A_378 = arith.index_cast %add3A_353 : i32 to index
      %get3A_379 = arith.constant 32 : index
      %get3A_380 = tpu.vector_load %arg7[%get3A_378, %get3A_379] {strides = array<i32>} : memref<200x64xf32, #tpu.memory_space<vmem>>, vector<1x16xf32>,
      %get3A_381 = vector.shape_cast %get3A_380 : vector<1x16xf32> to vector<16xf32>
      %mul3A_382 = arith.constant 8.000000e+00 : f32
      %mul3A_383 = vector.broadcast %mul3A_382 : f32 to vector<16xf32>
      %mul3A_384 = arith.mulf %get3A_381, %mul3A_383 : vector<16xf32>
      %swap3A_385 = arith.index_cast %add3A_353 : i32 to index
      %swap3A_386 = arith.constant 32 : index
      %swap3A_387 = tpu.vector_load %arg9[%swap3A_385, %swap3A_386] {strides = array<i32>} : memref<200x64xf32, #tpu.memory_space<vmem>>, vector<1x16xf32>,
      %swap3A_388 = vector.shape_cast %swap3A_387 : vector<1x16xf32> to vector<16xf32>
      %swap3A_389 = vector.shape_cast %mul3A_384 : vector<16xf32> to vector<1x16xf32>
      tpu.vector_store %arg9[%swap3A_385, %swap3A_386], %swap3A_389 {strides = array<i32>} : memref<200x64xf32, #tpu.memory_space<vmem>>, vector<1x16xf32>,
      %get3A_390 = arith.index_cast %add3A_353 : i32 to index
      %get3A_391 = arith.constant 48 : index
      %get3A_392 = tpu.vector_load %arg7[%get3A_390, %get3A_391] {strides = array<i32>} : memref<200x64xf32, #tpu.memory_space<vmem>>, vector<1x16xf32>,
      %get3A_393 = vector.shape_cast %get3A_392 : vector<1x16xf32> to vector<16xf32>
      %mul3A_394 = arith.constant 8.000000e+00 : f32
      %mul3A_395 = vector.broadcast %mul3A_394 : f32 to vector<16xf32>
      %mul3A_396 = arith.mulf %get3A_393, %mul3A_395 : vector<16xf32>
      %swap3A_397 = arith.index_cast %add3A_353 : i32 to index
      %swap3A_398 = arith.constant 48 : index
      %swap3A_399 = tpu.vector_load %arg9[%swap3A_397, %swap3A_398] {strides = array<i32>} : memref<200x64xf32, #tpu.memory_space<vmem>>, vector<1x16xf32>,
      %swap3A_400 = vector.shape_cast %swap3A_399 : vector<1x16xf32> to vector<16xf32>
      %swap3A_401 = vector.shape_cast %mul3A_396 : vector<16xf32> to vector<1x16xf32>
      tpu.vector_store %arg9[%swap3A_397, %swap3A_398], %swap3A_401 {strides = array<i32>} : memref<200x64xf32, #tpu.memory_space<vmem>>, vector<1x16xf32>,
      %add3A_402 = arith.constant 5 : i32
      %add3A_403 = arith.addi %add3A_153, %add3A_402 : i32
      %get3A_404 = arith.index_cast %add3A_403 : i32 to index
      %get3A_405 = arith.constant 0 : index
      %get3A_406 = tpu.vector_load %arg7[%get3A_404, %get3A_405] {strides = array<i32>} : memref<200x64xf32, #tpu.memory_space<vmem>>, vector<1x16xf32>,
      %get3A_407 = vector.shape_cast %get3A_406 : vector<1x16xf32> to vector<16xf32>
      %mul3A_408 = arith.constant 8.000000e+00 : f32
      %mul3A_409 = vector.broadcast %mul3A_408 : f32 to vector<16xf32>
      %mul3A_410 = arith.mulf %get3A_407, %mul3A_409 : vector<16xf32>
      %swap3A_411 = arith.index_cast %add3A_403 : i32 to index
      %swap3A_412 = arith.constant 0 : index
      %swap3A_413 = tpu.vector_load %arg9[%swap3A_411, %swap3A_412] {strides = array<i32>} : memref<200x64xf32, #tpu.memory_space<vmem>>, vector<1x16xf32>,
      %swap3A_414 = vector.shape_cast %swap3A_413 : vector<1x16xf32> to vector<16xf32>
      %swap3A_415 = vector.shape_cast %mul3A_410 : vector<16xf32> to vector<1x16xf32>
      tpu.vector_store %arg9[%swap3A_411, %swap3A_412], %swap3A_415 {strides = array<i32>} : memref<200x64xf32, #tpu.memory_space<vmem>>, vector<1x16xf32>,
      %get3A_416 = arith.index_cast %add3A_403 : i32 to index
      %get3A_417 = arith.constant 16 : index
      %get3A_418 = tpu.vector_load %arg7[%get3A_416, %get3A_417] {strides = array<i32>} : memref<200x64xf32, #tpu.memory_space<vmem>>, vector<1x16xf32>,
      %get3A_419 = vector.shape_cast %get3A_418 : vector<1x16xf32> to vector<16xf32>
      %mul3A_420 = arith.constant 8.000000e+00 : f32
      %mul3A_421 = vector.broadcast %mul3A_420 : f32 to vector<16xf32>
      %mul3A_422 = arith.mulf %get3A_419, %mul3A_421 : vector<16xf32>
      %swap3A_423 = arith.index_cast %add3A_403 : i32 to index
      %swap3A_424 = arith.constant 16 : index
      %swap3A_425 = tpu.vector_load %arg9[%swap3A_423, %swap3A_424] {strides = array<i32>} : memref<200x64xf32, #tpu.memory_space<vmem>>, vector<1x16xf32>,
      %swap3A_426 = vector.shape_cast %swap3A_425 : vector<1x16xf32> to vector<16xf32>
      %swap3A_427 = vector.shape_cast %mul3A_422 : vector<16xf32> to vector<1x16xf32>
      tpu.vector_store %arg9[%swap3A_423, %swap3A_424], %swap3A_427 {strides = array<i32>} : memref<200x64xf32, #tpu.memory_space<vmem>>, vector<1x16xf32>,
      %get3A_428 = arith.index_cast %add3A_403 : i32 to index
      %get3A_429 = arith.constant 32 : index
      %get3A_430 = tpu.vector_load %arg7[%get3A_428, %get3A_429] {strides = array<i32>} : memref<200x64xf32, #tpu.memory_space<vmem>>, vector<1x16xf32>,
      %get3A_431 = vector.shape_cast %get3A_430 : vector<1x16xf32> to vector<16xf32>
      %mul3A_432 = arith.constant 8.000000e+00 : f32
      %mul3A_433 = vector.broadcast %mul3A_432 : f32 to vector<16xf32>
      %mul3A_434 = arith.mulf %get3A_431, %mul3A_433 : vector<16xf32>
      %swap3A_435 = arith.index_cast %add3A_403 : i32 to index
      %swap3A_436 = arith.constant 32 : index
      %swap3A_437 = tpu.vector_load %arg9[%swap3A_435, %swap3A_436] {strides = array<i32>} : memref<200x64xf32, #tpu.memory_space<vmem>>, vector<1x16xf32>,
      %swap3A_438 = vector.shape_cast %swap3A_437 : vector<1x16xf32> to vector<16xf32>
      %swap3A_439 = vector.shape_cast %mul3A_434 : vector<16xf32> to vector<1x16xf32>
      tpu.vector_store %arg9[%swap3A_435, %swap3A_436], %swap3A_439 {strides = array<i32>} : memref<200x64xf32, #tpu.memory_space<vmem>>, vector<1x16xf32>,
      %get3A_440 = arith.index_cast %add3A_403 : i32 to index
      %get3A_441 = arith.constant 48 : index
      %get3A_442 = tpu.vector_load %arg7[%get3A_440, %get3A_441] {strides = array<i32>} : memref<200x64xf32, #tpu.memory_space<vmem>>, vector<1x16xf32>,
      %get3A_443 = vector.shape_cast %get3A_442 : vector<1x16xf32> to vector<16xf32>
      %mul3A_444 = arith.constant 8.000000e+00 : f32
      %mul3A_445 = vector.broadcast %mul3A_444 : f32 to vector<16xf32>
      %mul3A_446 = arith.mulf %get3A_443, %mul3A_445 : vector<16xf32>
      %swap3A_447 = arith.index_cast %add3A_403 : i32 to index
      %swap3A_448 = arith.constant 48 : index
      %swap3A_449 = tpu.vector_load %arg9[%swap3A_447, %swap3A_448] {strides = array<i32>} : memref<200x64xf32, #tpu.memory_space<vmem>>, vector<1x16xf32>,
      %swap3A_450 = vector.shape_cast %swap3A_449 : vector<1x16xf32> to vector<16xf32>
      %swap3A_451 = vector.shape_cast %mul3A_446 : vector<16xf32> to vector<1x16xf32>
      tpu.vector_store %arg9[%swap3A_447, %swap3A_448], %swap3A_451 {strides = array<i32>} : memref<200x64xf32, #tpu.memory_space<vmem>>, vector<1x16xf32>,
      %add3A_452 = arith.constant 6 : i32
      %add3A_453 = arith.addi %add3A_153, %add3A_452 : i32
      %get3A_454 = arith.index_cast %add3A_453 : i32 to index
      %get3A_455 = arith.constant 0 : index
      %get3A_456 = tpu.vector_load %arg7[%get3A_454, %get3A_455] {strides = array<i32>} : memref<200x64xf32, #tpu.memory_space<vmem>>, vector<1x16xf32>,
      %get3A_457 = vector.shape_cast %get3A_456 : vector<1x16xf32> to vector<16xf32>
      %mul3A_458 = arith.constant 8.000000e+00 : f32
      %mul3A_459 = vector.broadcast %mul3A_458 : f32 to vector<16xf32>
      %mul3A_460 = arith.mulf %get3A_457, %mul3A_459 : vector<16xf32>
      %swap3A_461 = arith.index_cast %add3A_453 : i32 to index
      %swap3A_462 = arith.constant 0 : index
      %swap3A_463 = tpu.vector_load %arg9[%swap3A_461, %swap3A_462] {strides = array<i32>} : memref<200x64xf32, #tpu.memory_space<vmem>>, vector<1x16xf32>,
      %swap3A_464 = vector.shape_cast %swap3A_463 : vector<1x16xf32> to vector<16xf32>
      %swap3A_465 = vector.shape_cast %mul3A_460 : vector<16xf32> to vector<1x16xf32>
      tpu.vector_store %arg9[%swap3A_461, %swap3A_462], %swap3A_465 {strides = array<i32>} : memref<200x64xf32, #tpu.memory_space<vmem>>, vector<1x16xf32>,
      %get3A_466 = arith.index_cast %add3A_453 : i32 to index
      %get3A_467 = arith.constant 16 : index
      %get3A_468 = tpu.vector_load %arg7[%get3A_466, %get3A_467] {strides = array<i32>} : memref<200x64xf32, #tpu.memory_space<vmem>>, vector<1x16xf32>,
      %get3A_469 = vector.shape_cast %get3A_468 : vector<1x16xf32> to vector<16xf32>
      %mul3A_470 = arith.constant 8.000000e+00 : f32
      %mul3A_471 = vector.broadcast %mul3A_470 : f32 to vector<16xf32>
      %mul3A_472 = arith.mulf %get3A_469, %mul3A_471 : vector<16xf32>
      %swap3A_473 = arith.index_cast %add3A_453 : i32 to index
      %swap3A_474 = arith.constant 16 : index
      %swap3A_475 = tpu.vector_load %arg9[%swap3A_473, %swap3A_474] {strides = array<i32>} : memref<200x64xf32, #tpu.memory_space<vmem>>, vector<1x16xf32>,
      %swap3A_476 = vector.shape_cast %swap3A_475 : vector<1x16xf32> to vector<16xf32>
      %swap3A_477 = vector.shape_cast %mul3A_472 : vector<16xf32> to vector<1x16xf32>
      tpu.vector_store %arg9[%swap3A_473, %swap3A_474], %swap3A_477 {strides = array<i32>} : memref<200x64xf32, #tpu.memory_space<vmem>>, vector<1x16xf32>,
      %get3A_478 = arith.index_cast %add3A_453 : i32 to index
      %get3A_479 = arith.constant 32 : index
      %get3A_480 = tpu.vector_load %arg7[%get3A_478, %get3A_479] {strides = array<i32>} : memref<200x64xf32, #tpu.memory_space<vmem>>, vector<1x16xf32>,
      %get3A_481 = vector.shape_cast %get3A_480 : vector<1x16xf32> to vector<16xf32>
      %mul3A_482 = arith.constant 8.000000e+00 : f32
      %mul3A_483 = vector.broadcast %mul3A_482 : f32 to vector<16xf32>
      %mul3A_484 = arith.mulf %get3A_481, %mul3A_483 : vector<16xf32>
      %swap3A_485 = arith.index_cast %add3A_453 : i32 to index
      %swap3A_486 = arith.constant 32 : index
      %swap3A_487 = tpu.vector_load %arg9[%swap3A_485, %swap3A_486] {strides = array<i32>} : memref<200x64xf32, #tpu.memory_space<vmem>>, vector<1x16xf32>,
      %swap3A_488 = vector.shape_cast %swap3A_487 : vector<1x16xf32> to vector<16xf32>
      %swap3A_489 = vector.shape_cast %mul3A_484 : vector<16xf32> to vector<1x16xf32>
      tpu.vector_store %arg9[%swap3A_485, %swap3A_486], %swap3A_489 {strides = array<i32>} : memref<200x64xf32, #tpu.memory_space<vmem>>, vector<1x16xf32>,
      %get3A_490 = arith.index_cast %add3A_453 : i32 to index
      %get3A_491 = arith.constant 48 : index
      %get3A_492 = tpu.vector_load %arg7[%get3A_490, %get3A_491] {strides = array<i32>} : memref<200x64xf32, #tpu.memory_space<vmem>>, vector<1x16xf32>,
      %get3A_493 = vector.shape_cast %get3A_492 : vector<1x16xf32> to vector<16xf32>
      %mul3A_494 = arith.constant 8.000000e+00 : f32
      %mul3A_495 = vector.broadcast %mul3A_494 : f32 to vector<16xf32>
      %mul3A_496 = arith.mulf %get3A_493, %mul3A_495 : vector<16xf32>
      %swap3A_497 = arith.index_cast %add3A_453 : i32 to index
      %swap3A_498 = arith.constant 48 : index
      %swap3A_499 = tpu.vector_load %arg9[%swap3A_497, %swap3A_498] {strides = array<i32>} : memref<200x64xf32, #tpu.memory_space<vmem>>, vector<1x16xf32>,
      %swap3A_500 = vector.shape_cast %swap3A_499 : vector<1x16xf32> to vector<16xf32>
      %swap3A_501 = vector.shape_cast %mul3A_496 : vector<16xf32> to vector<1x16xf32>
      tpu.vector_store %arg9[%swap3A_497, %swap3A_498], %swap3A_501 {strides = array<i32>} : memref<200x64xf32, #tpu.memory_space<vmem>>, vector<1x16xf32>,
      %add3A_502 = arith.constant 7 : i32
      %add3A_503 = arith.addi %add3A_153, %add3A_502 : i32
      %get3A_504 = arith.index_cast %add3A_503 : i32 to index
      %get3A_505 = arith.constant 0 : index
      %get3A_506 = tpu.vector_load %arg7[%get3A_504, %get3A_505] {strides = array<i32>} : memref<200x64xf32, #tpu.memory_space<vmem>>, vector<1x16xf32>,
      %get3A_507 = vector.shape_cast %get3A_506 : vector<1x16xf32> to vector<16xf32>
      %mul3A_508 = arith.constant 8.000000e+00 : f32
      %mul3A_509 = vector.broadcast %mul3A_508 : f32 to vector<16xf32>
      %mul3A_510 = arith.mulf %get3A_507, %mul3A_509 : vector<16xf32>
      %swap3A_511 = arith.index_cast %add3A_503 : i32 to index
      %swap3A_512 = arith.constant 0 : index
      %swap3A_513 = tpu.vector_load %arg9[%swap3A_511, %swap3A_512] {strides = array<i32>} : memref<200x64xf32, #tpu.memory_space<vmem>>, vector<1x16xf32>,
      %swap3A_514 = vector.shape_cast %swap3A_513 : vector<1x16xf32> to vector<16xf32>
      %swap3A_515 = vector.shape_cast %mul3A_510 : vector<16xf32> to vector<1x16xf32>
      tpu.vector_store %arg9[%swap3A_511, %swap3A_512], %swap3A_515 {strides = array<i32>} : memref<200x64xf32, #tpu.memory_space<vmem>>, vector<1x16xf32>,
      %get3A_516 = arith.index_cast %add3A_503 : i32 to index
      %get3A_517 = arith.constant 16 : index
      %get3A_518 = tpu.vector_load %arg7[%get3A_516, %get3A_517] {strides = array<i32>} : memref<200x64xf32, #tpu.memory_space<vmem>>, vector<1x16xf32>,
      %get3A_519 = vector.shape_cast %get3A_518 : vector<1x16xf32> to vector<16xf32>
      %mul3A_520 = arith.constant 8.000000e+00 : f32
      %mul3A_521 = vector.broadcast %mul3A_520 : f32 to vector<16xf32>
      %mul3A_522 = arith.mulf %get3A_519, %mul3A_521 : vector<16xf32>
      %swap3A_523 = arith.index_cast %add3A_503 : i32 to index
      %swap3A_524 = arith.constant 16 : index
      %swap3A_525 = tpu.vector_load %arg9[%swap3A_523, %swap3A_524] {strides = array<i32>} : memref<200x64xf32, #tpu.memory_space<vmem>>, vector<1x16xf32>,
      %swap3A_526 = vector.shape_cast %swap3A_525 : vector<1x16xf32> to vector<16xf32>
      %swap3A_527 = vector.shape_cast %mul3A_522 : vector<16xf32> to vector<1x16xf32>
      tpu.vector_store %arg9[%swap3A_523, %swap3A_524], %swap3A_527 {strides = array<i32>} : memref<200x64xf32, #tpu.memory_space<vmem>>, vector<1x16xf32>,
      %get3A_528 = arith.index_cast %add3A_503 : i32 to index
      %get3A_529 = arith.constant 32 : index
      %get3A_530 = tpu.vector_load %arg7[%get3A_528, %get3A_529] {strides = array<i32>} : memref<200x64xf32, #tpu.memory_space<vmem>>, vector<1x16xf32>,
      %get3A_531 = vector.shape_cast %get3A_530 : vector<1x16xf32> to vector<16xf32>
      %mul3A_532 = arith.constant 8.000000e+00 : f32
      %mul3A_533 = vector.broadcast %mul3A_532 : f32 to vector<16xf32>
      %mul3A_534 = arith.mulf %get3A_531, %mul3A_533 : vector<16xf32>
      %swap3A_535 = arith.index_cast %add3A_503 : i32 to index
      %swap3A_536 = arith.constant 32 : index
      %swap3A_537 = tpu.vector_load %arg9[%swap3A_535, %swap3A_536] {strides = array<i32>} : memref<200x64xf32, #tpu.memory_space<vmem>>, vector<1x16xf32>,
      %swap3A_538 = vector.shape_cast %swap3A_537 : vector<1x16xf32> to vector<16xf32>
      %swap3A_539 = vector.shape_cast %mul3A_534 : vector<16xf32> to vector<1x16xf32>
      tpu.vector_store %arg9[%swap3A_535, %swap3A_536], %swap3A_539 {strides = array<i32>} : memref<200x64xf32, #tpu.memory_space<vmem>>, vector<1x16xf32>,
      %get3A_540 = arith.index_cast %add3A_503 : i32 to index
      %get3A_541 = arith.constant 48 : index
      %get3A_542 = tpu.vector_load %arg7[%get3A_540, %get3A_541] {strides = array<i32>} : memref<200x64xf32, #tpu.memory_space<vmem>>, vector<1x16xf32>,
      %get3A_543 = vector.shape_cast %get3A_542 : vector<1x16xf32> to vector<16xf32>
      %mul3A_544 = arith.constant 8.000000e+00 : f32
      %mul3A_545 = vector.broadcast %mul3A_544 : f32 to vector<16xf32>
      %mul3A_546 = arith.mulf %get3A_543, %mul3A_545 : vector<16xf32>
      %swap3A_547 = arith.index_cast %add3A_503 : i32 to index
      %swap3A_548 = arith.constant 48 : index
      %swap3A_549 = tpu.vector_load %arg9[%swap3A_547, %swap3A_548] {strides = array<i32>} : memref<200x64xf32, #tpu.memory_space<vmem>>, vector<1x16xf32>,
      %swap3A_550 = vector.shape_cast %swap3A_549 : vector<1x16xf32> to vector<16xf32>
      %swap3A_551 = vector.shape_cast %mul3A_546 : vector<16xf32> to vector<1x16xf32>
      tpu.vector_store %arg9[%swap3A_547, %swap3A_548], %swap3A_551 {strides = array<i32>} : memref<200x64xf32, #tpu.memory_space<vmem>>, vector<1x16xf32>,
    }
    %scan3A_122 = arith.constant 25 : i32
    %add3A_123 = arith.constant 127 : i32
    %add3A_124 = arith.addi %mul3A_2, %add3A_123 : i32
    %dma_start3A_125 = arith.constant 0 : i32
    %dma_start3A_126 = arith.constant 0 : i32
    %dma_start3A_127 = tpu.memref_slice %arg4[%add3A_124, %dma_start3A_125, %dma_start3A_126] : memref<4096x200x64xf32, #tpu.memory_space<hbm>> -> memref<1x200x64xf32, #tpu.memory_space<hbm>>
    %dma_start3A_128 = tpu.memref_squeeze %dma_start3A_127 : memref<1x200x64xf32, #tpu.memory_space<hbm>> -> memref<200x64xf32, #tpu.memory_space<hbm>>
    %dma_start3A_129 = arith.constant 0 : i32
    %dma_start3A_130 = arith.constant 0 : i32
    %dma_start3A_131 = tpu.memref_slice %arg4[%add3A_124, %dma_start3A_129, %dma_start3A_130] : memref<4096x200x64xf32, #tpu.memory_space<hbm>> -> memref<1x200x64xf32, #tpu.memory_space<hbm>>
    %dma_start3A_132 = tpu.memref_squeeze %dma_start3A_131 : memref<1x200x64xf32, #tpu.memory_space<hbm>> -> memref<200x64xf32, #tpu.memory_space<hbm>>
    tpu.enqueue_dma source(%arg9 : memref<200x64xf32, #tpu.memory_space<vmem>>) target(%dma_start3A_132 : memref<200x64xf32, #tpu.memory_space<hbm>>) target_semaphore(%arg13 : memref<!tpu.dma_semaphore, #tpu.memory_space<semaphore_mem>>)
    %dma_wait3A_133 = arith.constant 0 : i32
    %dma_wait3A_134 = arith.constant 0 : i32
    %dma_wait3A_135 = tpu.memref_slice %arg4[%mul3A_2, %dma_wait3A_133, %dma_wait3A_134] : memref<4096x200x64xf32, #tpu.memory_space<hbm>> -> memref<1x200x64xf32, #tpu.memory_space<hbm>>
    %dma_wait3A_136 = tpu.memref_squeeze %dma_wait3A_135 : memref<1x200x64xf32, #tpu.memory_space<hbm>> -> memref<200x64xf32, #tpu.memory_space<hbm>>
    %dma_wait3A_137 = arith.constant 0 : i32
    %dma_wait3A_138 = arith.constant 0 : i32
    %dma_wait3A_139 = tpu.memref_slice %arg4[%mul3A_2, %dma_wait3A_137, %dma_wait3A_138] : memref<4096x200x64xf32, #tpu.memory_space<hbm>> -> memref<1x200x64xf32, #tpu.memory_space<hbm>>
    %dma_wait3A_140 = tpu.memref_squeeze %dma_wait3A_139 : memref<1x200x64xf32, #tpu.memory_space<hbm>> -> memref<200x64xf32, #tpu.memory_space<hbm>>
    tpu.wait_dma2 semaphore(%arg12 : memref<!tpu.dma_semaphore, #tpu.memory_space<semaphore_mem>>) src(%arg8 : memref<200x64xf32, #tpu.memory_space<vmem>>) dst(%dma_wait3A_140 : memref<200x64xf32, #tpu.memory_space<hbm>>)
    %dma_wait3A_141 = arith.constant 0 : i32
    %dma_wait3A_142 = arith.constant 0 : i32
    %dma_wait3A_143 = tpu.memref_slice %arg4[%mul3A_2, %dma_wait3A_141, %dma_wait3A_142] : memref<4096x200x64xf32, #tpu.memory_space<hbm>> -> memref<1x200x64xf32, #tpu.memory_space<hbm>>
    %dma_wait3A_144 = tpu.memref_squeeze %dma_wait3A_143 : memref<1x200x64xf32, #tpu.memory_space<hbm>> -> memref<200x64xf32, #tpu.memory_space<hbm>>
    %dma_wait3A_145 = arith.constant 0 : i32
    %dma_wait3A_146 = arith.constant 0 : i32
    %dma_wait3A_147 = tpu.memref_slice %arg4[%mul3A_2, %dma_wait3A_145, %dma_wait3A_146] : memref<4096x200x64xf32, #tpu.memory_space<hbm>> -> memref<1x200x64xf32, #tpu.memory_space<hbm>>
    %dma_wait3A_148 = tpu.memref_squeeze %dma_wait3A_147 : memref<1x200x64xf32, #tpu.memory_space<hbm>> -> memref<200x64xf32, #tpu.memory_space<hbm>>
    tpu.wait_dma2 semaphore(%arg13 : memref<!tpu.dma_semaphore, #tpu.memory_space<semaphore_mem>>) src(%arg9 : memref<200x64xf32, #tpu.memory_space<vmem>>) dst(%dma_wait3A_148 : memref<200x64xf32, #tpu.memory_space<hbm>>)
    return
  }
}

</mosaic_0001>

<sc_bundles>
// kernel: kernel.3.cloned.1.call-start
scs
__scs_entry_jumppad:
0x0: {  	(pc) =	sbr.rel $0x88, $3  }
0x1: {  	(tag) =	ssettag $0x0;
	lr =	simm.s32 $0x1  }
0x2: {  	[smem:$0x3F9F] =	sst lr;
	_ =	strace $0xD0000000  }
0x3: {  	_ = 	snop  }
0x4: {  	_ = 	snop  }
0x5: {  	_ = 	snop  }
0x6: {  	_ = 	snop  }
0x7: {  	_ = 	snop  }
__scs_overlays_trampoline_lowered:
0x8: {  	[smem:$0x3FAE] =	sst s0  }
0x9: {  	[smem:$0x3FAF] =	sst s1  }
0xa: {  	[smem:$0x3FB0] =	sst s2  }
0xb: {  	[smem:$0x3FB1] =	sst s3  }
0xc: {  	[smem:$0x3FB2] =	sst s4  }
0xd: {  	[smem:$0x3FB3] =	sst s5  }
0xe: {  	[smem:$0x3FB4] =	sst s6  }
0xf: {  	[smem:$0x3FB5] =	sst s7  }
0x10: {  	[smem:$0x3FB6] =	sst s8  }
0x11: {  	[smem:$0x3FB7] =	sst s9;
	s0 =	simm.s32 @!p0 $0x0  }
0x12: {  	s1 =	sld [smem:$0x3F9D];
	s0 =	simm.s32 @p0 $0x1  }
0x13: {  	[smem:$0x3FB8] =	sst s0;
	s0 =	simm.s32 @!p1 $0x0  }
0x14: {  	s2 =	sld [smem:$0x3F9C];
	s0 =	simm.s32 @p1 $0x1  }
0x15: {  	[smem:$0x3FB9] =	sst s0;
	s0 =	simm.s32 @!p2 $0x0  }
0x16: {  	s3 =	sld [smem:$0x3FDB];
	s0 =	simm.s32 @p2 $0x1  }
0x17: {  	s4 =	simm.s32 $0x1BF5;
	[smem:$0x3FBB] =	sst s0  }
0x18: {  	s0 =	sld [smem:$0x3F9E];
	_ =	swait.ge [sflag:s4], $0x0  }
0x19: {  	s7 =	sld [smem:$0x3F9F]  }
0x1a: {  	s8 =	sadd.s32 $0xFFFFE003, lr  }
0x1b: {  	s9 =	sadd.s32 $0xFFFFFEF7, lr;
	s5 =	simm.s32 $0xFFFFFFFF;
	p2 =	slt.u32 s8, $0xFFFFF086  }
0x1c: {  	p1 =	slt.u32 s9, $0xF7A;
	s5 =	simm.s32 @!p2 $0x0  }
0x1d: {  	s5 =	simm.s32 @p1 $0x1;
	p0 =	seq.s32 s7, s2  }
0x1e: {  	s7 =	smul.u32 @!p0 $0xF7A, s2;
	p2 =	seq.s32 @!p0 s5, $0x0  }
0x1f: {  	s9 =	smul.u32 $0xF7A, s1;
	s8 =	simm.s32 @!p0 $0x1BF5;
	p2 =	por !p2, p0  }
0x20: {  	[sflag:s8] =	ssyncset.s32 @!p0 $0xFFFFF086;
	s6 =	sadd.s32 @!p0 s3, s7;
	s7 =	simm.s32 @!p0 $0x108  }
0x21: {  	s3 =	sadd.s32 s3, s9;
	s6 =	sadd.s32 @!p0 $0x88, s6;
	s7 =	simm.s32 @p2 $0x1082  }
0x22: {  	[simem:s7], [sflag:s8] =	dma.local @!p0 [hbm:s6], $0xF7A  }
0x23: {  	s9 =	sor.u32 $0xD0000000, s2;
	s6 =	simm.s32 $0x108;
	_ =	swait.ge @!p0 [sflag:s8], $0x0  }
0x24: {  	s3 =	sadd.s32 $0x88, s3;
	s6 =	simm.s32 @!p1 $0x1082;
	[sflag:s4] =	ssyncset.s32 $0xFFFFF086  }
0x25: {  	[simem:s6], [sflag:s4] =	dma.local [hbm:s3], $0xF7A  }
0x26: {  	[smem:$0x3F9F] =	sst s1;
	(tag) =	ssettag s2;
	_ =	strace s9  }
0x27: {  	s1 =	sld [smem:$0x3FAF]  }
0x28: {  	s2 =	sld [smem:$0x3FB0]  }
0x29: {  	s4 =	sld [smem:$0x3FB2]  }
0x2a: {  	p0 =	seq.s32 s5, $0x0;
	s5 =	sld [smem:$0x3FB3]  }
0x2b: {  	s6 =	sld [smem:$0x3FB4]  }
0x2c: {  	s7 =	sld [smem:$0x3FB5]  }
0x2d: {  	s3 =	simm.s32 $0x108;
	s8 =	sld [smem:$0x3FB6]  }
0x2e: {  	s3 =	simm.s32 @!p0 $0x1082;
	s9 =	sld [smem:$0x3FB7]  }
0x2f: {  	lr =	sadd.s32 s0, s3;
	s0 =	sld [smem:$0x3FAE]  }
0x30: {  	s3 =	sld [smem:$0x3FB1]  }
0x31: {  	[smem:$0x3FBA] =	sst s10  }
0x32: {  	s10 =	sld [smem:$0x3FB8];
	_ =	sdelay $0x3  }
0x33: {  	p0 =	seq.s32 s10, $0x1;
	s10 =	sld [smem:$0x3FBA];
	_ =	sdelay $0x3  }
0x34: {  	[smem:$0x3FBA] =	sst s10  }
0x35: {  	s10 =	sld [smem:$0x3FB9];
	_ =	sdelay $0x3  }
0x36: {  	p1 =	seq.s32 s10, $0x1;
	s10 =	sld [smem:$0x3FBA];
	_ =	sdelay $0x3  }
0x37: {  	[smem:$0x3FBA] =	sst s10  }
0x38: {  	s10 =	sld [smem:$0x3FBB]  }
0x39: {  	_ = 	snop;
	(pc) =	sbr.ind lr, $3  }
0x3a: {  	_ = 	snop  }
0x3b: {  	_ = 	snop  }
0x3c: {  	p2 =	seq.s32 s10, $0x1;
	s10 =	sld [smem:$0x3FBA]  }
0x3d: {  	_ =	shalt  }
0x3e: {  	_ =	shalt  }
0x3f: {  	_ =	shalt  }
0x40: {  	_ =	shalt  }
0x41: {  	_ =	shalt  }
0x42: {  	_ =	shalt  }
0x43: {  	_ =	shalt  }
0x44: {  	_ =	shalt  }
0x45: {  	_ =	shalt  }
0x46: {  	_ =	shalt  }
0x47: {  	_ =	shalt  }
0x48: {  	_ =	shalt  }
0x49: {  	_ =	shalt  }
0x4a: {  	_ =	shalt  }
0x4b: {  	_ =	shalt  }
0x4c: {  	_ =	shalt  }
0x4d: {  	_ =	shalt  }
0x4e: {  	_ =	shalt  }
0x4f: {  	_ =	shalt  }
0x50: {  	_ =	shalt  }
0x51: {  	_ =	shalt  }
0x52: {  	_ =	shalt  }
0x53: {  	_ =	shalt  }
0x54: {  	_ =	shalt  }
0x55: {  	_ =	shalt  }
0x56: {  	_ =	shalt  }
0x57: {  	_ =	shalt  }
0x58: {  	_ =	shalt  }
0x59: {  	_ =	shalt  }
0x5a: {  	_ =	shalt  }
0x5b: {  	_ =	shalt  }
0x5c: {  	_ =	shalt  }
0x5d: {  	_ =	shalt  }
0x5e: {  	_ =	shalt  }
0x5f: {  	_ =	shalt  }
0x60: {  	_ =	shalt  }
0x61: {  	_ =	shalt  }
0x62: {  	_ =	shalt  }
0x63: {  	_ =	shalt  }
0x64: {  	_ =	shalt  }
0x65: {  	_ =	shalt  }
0x66: {  	_ =	shalt  }
0x67: {  	_ =	shalt  }
0x68: {  	_ =	shalt  }
0x69: {  	_ =	shalt  }
0x6a: {  	_ =	shalt  }
0x6b: {  	_ =	shalt  }
0x6c: {  	_ =	shalt  }
0x6d: {  	_ =	shalt  }
0x6e: {  	_ =	shalt  }
0x6f: {  	_ =	shalt  }
0x70: {  	_ =	shalt  }
0x71: {  	_ =	shalt  }
0x72: {  	_ =	shalt  }
0x73: {  	_ =	shalt  }
0x74: {  	_ =	shalt  }
0x75: {  	_ =	shalt  }
0x76: {  	_ =	shalt  }
0x77: {  	_ =	shalt  }
0x78: {  	_ =	shalt  }
0x79: {  	_ =	shalt  }
0x7a: {  	_ =	shalt  }
0x7b: {  	_ =	shalt  }
0x7c: {  	_ =	shalt  }
0x7d: {  	_ =	shalt  }
0x7e: {  	_ =	shalt  }
0x7f: {  	_ =	shalt  }
0x80: {  	_ =	shalt  }
0x81: {  	_ =	shalt  }
0x82: {  	_ =	shalt  }
0x83: {  	_ =	shalt  }
0x84: {  	_ =	shalt  }
0x85: {  	_ =	shalt  }
0x86: {  	_ =	shalt  }
0x87: {  	_ =	shalt  }
.Lfunc_end0:
.L_simem_size_0:
called_computation.1_lowered:
.L_overlay_start_0:
0x88: {  	s2 =	sld [smem:$0x3FD9]  }
0x89: {  	s3 =	sld [smem:$0x3FFE];
	_ =	sdelay $0x1  }
0x8a: {  	s1 =	srdreg.scid  }
0x8b: {  	s0 =	sand.u32 $0x1, s1  }
0x8c: {  	s17 =	sshll.u32 s0, $0xA;
	s2 =	sadd.s32 s3, s2  }
0x8d: {  	s2 =	sadd.s32 s2, s17  }
0x8e: {  	[smem:$0x3FC6] =	sst s2  }
0x8f: {  	_ = 	snop  }
0x90: {  	s2 =	sld [smem:$0x3FD0];
	(tm) =	ssettm $0x1  }
0x91: {  	s18 =	sld [smem:$0x3FFB];
	_ =	sdelay $0x3  }
0x92: {  	_ =	strace s18  }
0x93: {  	s3 =	sld [smem:$0x3FFC];
	_ =	sdelay $0x3  }
0x94: {  	_ =	strace s3  }
0x95: {  	s3 =	sld [smem:$0x3FFD];
	_ =	sdelay $0x3  }
0x96: {  	_ =	strace s3  }
0x97: {  	_ =	strace $0x8FFFFFFF  }
0x98: {  	s19 =	sld [smem:$0x3FDB];
	_ =	sdelay $0x1  }
0x99: {  	s4 =	simm.s32 $_scs_section_size  }
0x9a: {  	s5 =	simm.s32 $_size__tile_overlayer_lowered;
	s6 =	simm.s32 $_tile_overlayer_lowered  }
0x9b: {  	s22 =	simm.s32 $0x1BFF;
	s21 =	sshll.u32 s6, $0x1;
	s3 =	sadd.s32 s4, s19  }
0x9c: {  	s7 =	simm.s32 $0x0;
	s20 =	sshll.u32 s5, $0x1;
	s5 =	sadd.s32 s21, s3  }
0x9d: {  	[timem:s7], [sflag:s22] =	dma.local [hbm:s5], s20  }
0x9e: {  	_ =	swait.ge [sflag:s22], s20  }
0x9f: {  	s4 =	ssub.s32 $0x0, s20;
	[sflag:s22] =	ssyncset.done $0x0  }
0xa0: {  	[sflag:s22] =	ssyncadd.s32 s4;
	_ =	sdelay $0x1  }
0xa1: {  	s23 =	simm.s32 $0x1B8B  }
0xa2: {  	_ =	swait.ge [sflag:s23], $0x1  }
0xa3: {  	[sflag:s23] =	ssyncset.done $0x0  }
0xa4: {  	s25 =	simm.s32 $0x1B8E;
	s24 =	sld [smem:$0x3FFE];
	[sflag:s23] =	ssyncadd.s32 $0xFFFFFFFF  }
0xa5: {  	s26 =	simm.s32 $execute0_lowered;
	[smem:$0x3FD2] =	sst s25  }
0xa6: {  	s5 =	sshll.u32 s26, $0x1;
	_ =	strace $0x80000046;
	[dreg:$0x1] =	wrdreg $0xFFFFFFFF  }
0xa7: {  	s28 =	simm.s32 $_size_execute0_lowered;
	s3 =	sadd.s32 s3, s5;
	[dreg:$0x0] =	wrdreg $0x0  }
0xa8: {  	s5 =	sshll.u32 s28, $0x1;
	[dreg:$0x2] =	wrdreg s3  }
0xa9: {  	[dreg:$0x3] =	wrdreg s5  }
0xaa: {  	[dreg:$0x4] =	wrdreg $0xC0  }
0xab: {  	_ =	task [dreg:s7], $0x5FFFF  }
0xac: {  	[dreg:$0x1] =	wrdreg $0xFFFFFFFF  }
0xad: {  	[dreg:$0x0] =	wrdreg $0x60  }
0xae: {  	[dreg:$0x2] =	wrdreg s24  }
0xaf: {  	[dreg:$0x3] =	wrdreg s2  }
0xb0: {  	[dreg:$0x4] =	wrdreg $0x9  }
0xb1: {  	_ =	task.clear_ibuf [dreg:s7], $0x5FFFF;
	_ =	strace $0x90000046  }
0xb2: {  	s29 =	simm.s32 $0x9;
	_ =	strace $0x80000048  }
0xb3: {  	_ =	swait.ge [sflag:s29], $0x1  }
0xb4: {  	[sflag:s29] =	ssyncadd.s32 $0xFFFFFFFF  }
0xb5: {  	_ =	strace $0x90000048  }
0xb6: {  	_ =	sfence  }
0xb7: {  	s30 =	sld [smem:$0x0];
	_ =	sdelay $0x2  }
0xb8: {  	s31 =	sshll.u32 s1, $0xD;
	s1 =	sshrl.u32 s1, $0x2  }
0xb9: {  	s3 =	sand.u32 $0x4000, s31;
	s1 =	sadd.s32 s1, s30  }
0xba: {  	s0 =	sor.u32 s3, s0;
	s1 =	sshll.u32 s1, $0x11  }
0xbb: {  	s0 =	sor.u32 s1, s0  }
0xbc: {  	s0 =	sadd.s32 $0x8F2B, s0  }
0xbd: {  	[sflag:s0] =	ssyncadd.remote.s32 $0x1  }
0xbe: {  	_ =	sfence.sel $0xFFFF  }
0xbf: {  	[dreg:$0x0] =	wrdreg $0xFFFFFFFF;
	(pc) =	sbr.abs _section_cstart, $3  }
0xc0: {  	[dreg:$0x1] =	wrdreg $0xFFFFFFFF  }
0xc1: {  	_ =	task.clear_ibuf [dreg:s7], $0x2FFFF;
	_ =	strace $0x9FFFFFFF  }
0xc2: {  	(tm) =	ssettm $0x7FFFFFFF  }
0xc3: {  	_ =	shalt  }
tec
execute0_lowered:
.L_overlay_start_1:
0x0: {  	(tag) =	ssettag $0x1  }
0x1: {  	s1 =	srdreg.scid  }
0x2: {  	s0 =	stileid.u32;
	s5 =	rddreg [dreg:$0x0]  }
0x3: {  	s2 =	rddreg [dreg:$0x1];
	s13 =	simm.s32 $0x5;
	s14 =	simm.s32 $0xC8  }
0x4: {  	s15 =	simm.s32 $0x6400;
	s16 =	simm.s32 $0x9600;
	s17 =	simm.s32 $0x1  }
0x5: {  	s18 =	simm.s32 $0xC800;
	s19 =	simm.s32 $0x190;
	s20 =	simm.s32 $0x2  }
0x6: {  	s21 =	simm.s32 $0xFA00;
	s22 =	simm.s32 $0x258;
	s1 =	sand.u32 $0x1, s1  }
0x7: {  	s23 =	simm.s32 $0x3;
	s3 =	sshll.u32 s0, $0x8;
	s4 =	sshll.u32 s1, $0x7  }
0x8: {  	s24 =	simm.s32 $0x4;
	s25 =	simm.s32 $0x0;
	s9 =	sor.u32 s4, s3  }
0x9: {  	s1 =	ssub.s32 $0x2, s1;
	s3 =	simm.s32 $0x0;
	s6 =	smul.u32 $0x19, s9  }
0xa: {  	s4 =	sadd.s32 $0xF42E00, s5;
	s31 =	sshrl.u32 s1, $0x1;
	s7 =	smul.u32 $0x640, s9  }
0xb: {  	[smem:$0x7FF] =	sst s3;
	s8 =	smul.u32 $0x3200, s9;
	s1 =	ssub.s32 s1, s31  }
0xc: {  	_ =	strace $0x80000047;
	s12 =	smax.u32 s1, $0x1;
	s6 =	sadd.s32 s6, s5  }
0xd: {  	s5 =	sadd.s32 s2, s7;
	s8 =	sshrl.u32 s8, $0x3;
	s6 =	sadd.s32 $0xA00, s6  }
0xe: {  	s7 =	sadd.s32 $0x640, s5;
	s11 =	sadd.s32 s2, s8;
	s8 =	sor.u32 $0x2, s9  }
0xf: {  	s9 =	sor.u32 $0x3, s9;
	s10 =	sadd.s32 $0x31380, s11;
	s11 =	sadd.s32 $0x319C0, s11  }
.LBB2_1:
0x10: {  	[tilespmem:s3], [sflag:$0x5] =	stream.linear.gather [hbm4b:s6+s3], $0x6400, $0x38;
	[tilespmem:$0x12C00] =	vst v63  }
0x11: {  	_ =	swait.ge [sflag:s13], $0x6400  }
0x12: {  	[sflag:s13] =	ssyncset.done $0x0  }
0x13: {  	[sflag:s13] =	ssyncadd.s32 $0xFFFF9C00  }
0x14: {  	[tilespmem:s15], [sflag:$0x1] =	stream.indirect.gather [hbm4b:s4+s14], $0x40, s3, s14, $0xb8;
	[tilespmem:$0x12C00] =	vst v63  }
0x15: {  	_ = 	snop  }
0x16: {  	[tilespmem:s16], [sflag:$0x2] =	stream.indirect.gather [hbm4b:s4+s14], $0x40, s14, s14, $0xb8;
	[tilespmem:$0x12C00] =	vst v63  }
0x17: {  	_ =	swait.ge [sflag:s17], $0x3200  }
0x18: {  	[sflag:s17] =	ssyncset.done $0x0  }
0x19: {  	s26 =	simm.s32 $0x0;
	[sflag:s17] =	ssyncadd.s32 $0xFFFFCE00  }
0x1a: {  	v0 =	vld [tilespmem:s26+$0x65F0]  }
0x1b: {  	v1 =	vld [tilespmem:s26+$0x6400];
	_ =	sdelay $0x1  }
0x1c: {  	v2 =	vld [tilespmem:s26+$0x6410]  }
0x1d: {  	v3 =	vld [tilespmem:s26+$0x6420]  }
0x1e: {  	v4 =	vld [tilespmem:s26+$0x6430];
	v0 =	vmul.f32 $8.000000000e+00, v0  }
0x1f: {  	v5 =	vld [tilespmem:s26+$0x6440];
	v1 =	vmul.f32 $8.000000000e+00, v1  }
0x20: {  	v6 =	vld [tilespmem:s26+$0x6450];
	[tilespmem:s26+$0xC9F0] =	vst v0  }
0x21: {  	v0 =	vmul.f32 $8.000000000e+00, v2;
	[tilespmem:s26+$0xC800] =	vst v1;
	v1 =	vld [tilespmem:s26+$0x6470]  }
0x22: {  	v7 =	vld [tilespmem:s26+$0x6460];
	v2 =	vmul.f32 $8.000000000e+00, v3  }
0x23: {  	v3 =	vmul.f32 $8.000000000e+00, v4;
	[tilespmem:s26+$0xC810] =	vst v0;
	v0 =	vld [tilespmem:s26+$0x6480]  }
0x24: {  	v4 =	vmul.f32 $8.000000000e+00, v5;
	[tilespmem:s26+$0xC820] =	vst v2;
	v2 =	vld [tilespmem:s26+$0x6490]  }
0x25: {  	v5 =	vmul.f32 $8.000000000e+00, v6;
	[tilespmem:s26+$0xC830] =	vst v3;
	v3 =	vld [tilespmem:s26+$0x64A0]  }
0x26: {  	[tilespmem:s26+$0xC840] =	vst v4;
	v4 =	vld [tilespmem:s26+$0x64B0];
	v1 =	vmul.f32 $8.000000000e+00, v1  }
0x27: {  	v6 =	vmul.f32 $8.000000000e+00, v7;
	[tilespmem:s26+$0xC850] =	vst v5;
	v5 =	vld [tilespmem:s26+$0x64C0]  }
0x28: {  	v0 =	vmul.f32 $8.000000000e+00, v0;
	[tilespmem:s26+$0xC870] =	vst v1;
	v1 =	vld [tilespmem:s26+$0x64E0]  }
0x29: {  	[tilespmem:s26+$0xC860] =	vst v6;
	v6 =	vld [tilespmem:s26+$0x64D0];
	v2 =	vmul.f32 $8.000000000e+00, v2  }
0x2a: {  	v3 =	vmul.f32 $8.000000000e+00, v3;
	[tilespmem:s26+$0xC880] =	vst v0;
	v0 =	vld [tilespmem:s26+$0x64F0]  }
0x2b: {  	v4 =	vmul.f32 $8.000000000e+00, v4;
	[tilespmem:s26+$0xC890] =	vst v2;
	v2 =	vld [tilespmem:s26+$0x6500]  }
0x2c: {  	v5 =	vmul.f32 $8.000000000e+00, v5;
	[tilespmem:s26+$0xC8A0] =	vst v3;
	v3 =	vld [tilespmem:s26+$0x6510]  }
0x2d: {  	[tilespmem:s26+$0xC8B0] =	vst v4;
	v4 =	vld [tilespmem:s26+$0x6520];
	v1 =	vmul.f32 $8.000000000e+00, v1  }
0x2e: {  	v6 =	vmul.f32 $8.000000000e+00, v6;
	[tilespmem:s26+$0xC8C0] =	vst v5;
	v5 =	vld [tilespmem:s26+$0x6530]  }
0x2f: {  	v0 =	vmul.f32 $8.000000000e+00, v0;
	[tilespmem:s26+$0xC8E0] =	vst v1;
	v1 =	vld [tilespmem:s26+$0x6550]  }
0x30: {  	[tilespmem:s26+$0xC8D0] =	vst v6;
	v6 =	vld [tilespmem:s26+$0x6540];
	v2 =	vmul.f32 $8.000000000e+00, v2  }
0x31: {  	[tilespmem:s26+$0xC8F0] =	vst v0;
	v0 =	vmul.f32 $8.000000000e+00, v3;
	v3 =	vld [tilespmem:s26+$0x6570]  }
0x32: {  	v7 =	vld [tilespmem:s26+$0x6560];
	[tilespmem:s26+$0xC900] =	vst v2;
	v2 =	vmul.f32 $8.000000000e+00, v4  }
0x33: {  	v4 =	vld [tilespmem:s26+$0x6580];
	[tilespmem:s26+$0xC910] =	vst v0;
	v0 =	vmul.f32 $8.000000000e+00, v5  }
0x34: {  	v8 =	vld [tilespmem:s26+$0x6590];
	[tilespmem:s26+$0xC920] =	vst v2;
	v5 =	vmul.f32 $8.000000000e+00, v1  }
0x35: {  	v2 =	vmul.f32 $8.000000000e+00, v6;
	[tilespmem:s26+$0xC930] =	vst v0;
	v0 =	vld [tilespmem:s26+$0x65A0]  }
0x36: {  	v1 =	vld [tilespmem:s26+$0x65B0];
	[tilespmem:s26+$0xC950] =	vst v5;
	v5 =	vmul.f32 $8.000000000e+00, v3  }
0x37: {  	v6 =	vmul.f32 $8.000000000e+00, v7;
	[tilespmem:s26+$0xC940] =	vst v2;
	v2 =	vld [tilespmem:s26+$0x65C0]  }
0x38: {  	v3 =	vld [tilespmem:s26+$0x65D0];
	[tilespmem:s26+$0xC970] =	vst v5;
	v5 =	vmul.f32 $8.000000000e+00, v4  }
0x39: {  	s28 =	simm.s32 $0x200;
	s29 =	simm.s32 $0x1000;
	[tilespmem:s26+$0xC960] =	vst v6;
	v6 =	vmul.f32 $8.000000000e+00, v8;
	v4 =	vld [tilespmem:s26+$0x65E0]  }
.LBB2_2:
0x3a: {  	p0 =	sne.s32 s29, $0xC000;
	v7 =	vld [tilespmem:s28+$0x65F0];
	[tilespmem:s26+$0xC980] =	vst v5;
	v0 =	vmul.f32 $8.000000000e+00, v0  }
0x3b: {  	v5 =	vld [tilespmem:s28+$0x6400];
	[tilespmem:s26+$0xC990] =	vst v6;
	v1 =	vmul.f32 $8.000000000e+00, v1  }
0x3c: {  	v6 =	vld [tilespmem:s28+$0x6410];
	[tilespmem:s26+$0xC9A0] =	vst v0;
	v0 =	vmul.f32 $8.000000000e+00, v2  }
0x3d: {  	v2 =	vld [tilespmem:s28+$0x6420];
	[tilespmem:s26+$0xC9B0] =	vst v1;
	v1 =	vmul.f32 $8.000000000e+00, v3  }
0x3e: {  	v3 =	vld [tilespmem:s28+$0x6430];
	[tilespmem:s26+$0xC9C0] =	vst v0;
	v0 =	vmul.f32 $8.000000000e+00, v4  }
0x3f: {  	v4 =	vld [tilespmem:s28+$0x6440];
	v7 =	vmul.f32 $8.000000000e+00, v7;
	[tilespmem:s26+$0xC9D0] =	vst v1  }
0x40: {  	v1 =	vmul.f32 $8.000000000e+00, v5;
	v5 =	vld [tilespmem:s28+$0x6450];
	[tilespmem:s26+$0xC9E0] =	vst v0;
	s26 =	smov.u32 s28  }
0x41: {  	v0 =	vmul.f32 $8.000000000e+00, v6;
	v6 =	vld [tilespmem:s26+$0x6460];
	[tilespmem:s26+$0xC9F0] =	vst v7  }
0x42: {  	[tilespmem:s26+$0xC800] =	vst v1;
	v1 =	vmul.f32 $8.000000000e+00, v2;
	v2 =	vld [tilespmem:s26+$0x6470]  }
0x43: {  	[tilespmem:s26+$0xC810] =	vst v0;
	v0 =	vmul.f32 $8.000000000e+00, v3;
	v3 =	vld [tilespmem:s26+$0x6480]  }
0x44: {  	[tilespmem:s26+$0xC820] =	vst v1;
	v1 =	vmul.f32 $8.000000000e+00, v4;
	v4 =	vld [tilespmem:s26+$0x6490]  }
0x45: {  	[tilespmem:s26+$0xC830] =	vst v0;
	v0 =	vmul.f32 $8.000000000e+00, v5;
	v5 =	vld [tilespmem:s26+$0x64A0]  }
0x46: {  	[tilespmem:s26+$0xC840] =	vst v1;
	v1 =	vmul.f32 $8.000000000e+00, v6;
	v6 =	vld [tilespmem:s26+$0x64B0]  }
0x47: {  	[tilespmem:s26+$0xC850] =	vst v0;
	v0 =	vmul.f32 $8.000000000e+00, v2;
	v2 =	vld [tilespmem:s26+$0x64C0]  }
0x48: {  	[tilespmem:s26+$0xC860] =	vst v1;
	v1 =	vmul.f32 $8.000000000e+00, v3;
	v3 =	vld [tilespmem:s26+$0x64D0]  }
0x49: {  	[tilespmem:s26+$0xC870] =	vst v0;
	v0 =	vmul.f32 $8.000000000e+00, v4;
	v4 =	vld [tilespmem:s26+$0x64E0]  }
0x4a: {  	[tilespmem:s26+$0xC880] =	vst v1;
	v1 =	vmul.f32 $8.000000000e+00, v5;
	v5 =	vld [tilespmem:s26+$0x64F0]  }
0x4b: {  	[tilespmem:s26+$0xC890] =	vst v0;
	v0 =	vmul.f32 $8.000000000e+00, v6;
	v6 =	vld [tilespmem:s26+$0x6500]  }
0x4c: {  	[tilespmem:s26+$0xC8A0] =	vst v1;
	v1 =	vmul.f32 $8.000000000e+00, v2;
	v2 =	vld [tilespmem:s26+$0x6510]  }
0x4d: {  	[tilespmem:s26+$0xC8B0] =	vst v0;
	v0 =	vmul.f32 $8.000000000e+00, v3;
	v3 =	vld [tilespmem:s26+$0x6520]  }
0x4e: {  	[tilespmem:s26+$0xC8C0] =	vst v1;
	v1 =	vmul.f32 $8.000000000e+00, v4;
	v4 =	vld [tilespmem:s26+$0x6530]  }
0x4f: {  	[tilespmem:s26+$0xC8D0] =	vst v0;
	v0 =	vmul.f32 $8.000000000e+00, v5;
	v5 =	vld [tilespmem:s26+$0x6540]  }
0x50: {  	[tilespmem:s26+$0xC8E0] =	vst v1;
	v1 =	vmul.f32 $8.000000000e+00, v6;
	v6 =	vld [tilespmem:s26+$0x6550]  }
0x51: {  	[tilespmem:s26+$0xC8F0] =	vst v0;
	v0 =	vmul.f32 $8.000000000e+00, v2;
	v2 =	vld [tilespmem:s26+$0x6560]  }
0x52: {  	[tilespmem:s26+$0xC900] =	vst v1;
	v1 =	vmul.f32 $8.000000000e+00, v3;
	v3 =	vld [tilespmem:s26+$0x6570]  }
0x53: {  	[tilespmem:s26+$0xC910] =	vst v0;
	v0 =	vmul.f32 $8.000000000e+00, v4;
	v4 =	vld [tilespmem:s26+$0x6580]  }
0x54: {  	[tilespmem:s26+$0xC920] =	vst v1;
	v1 =	vmul.f32 $8.000000000e+00, v5;
	v7 =	vld [tilespmem:s26+$0x6590]  }
.Ltmp0:
0x55: {  	[tilespmem:s26+$0xC930] =	vst v0;
	v5 =	vmul.f32 $8.000000000e+00, v6;
	v0 =	vld [tilespmem:s26+$0x65A0];
	(pc) =	sbr.rel @p0 .LBB2_2-.Ltmp0, $4  }
0x56: {  	[tilespmem:s26+$0xC940] =	vst v1;
	v6 =	vmul.f32 $8.000000000e+00, v2;
	v1 =	vld [tilespmem:s26+$0x65B0]  }
0x57: {  	[tilespmem:s26+$0xC950] =	vst v5;
	v8 =	vmul.f32 $8.000000000e+00, v3;
	v2 =	vld [tilespmem:s26+$0x65C0]  }
0x58: {  	[tilespmem:s26+$0xC960] =	vst v6;
	v5 =	vmul.f32 $8.000000000e+00, v4;
	v3 =	vld [tilespmem:s26+$0x65D0]  }
0x59: {  	s28 =	sshra.s32 s29, $0x2;
	s29 =	sadd.s32 $0x800, s29;
	[tilespmem:s26+$0xC970] =	vst v8;
	v6 =	vmul.f32 $8.000000000e+00, v7;
	v4 =	vld [tilespmem:s26+$0x65E0]  }
0x5a: {  	v7 =	vld [tilespmem:s28+$0x65F0];
	[tilespmem:s26+$0xC980] =	vst v5;
	v0 =	vmul.f32 $8.000000000e+00, v0  }
0x5b: {  	v5 =	vld [tilespmem:s28+$0x6400];
	[tilespmem:s26+$0xC990] =	vst v6;
	v1 =	vmul.f32 $8.000000000e+00, v1  }
0x5c: {  	v6 =	vld [tilespmem:s28+$0x6410];
	[tilespmem:s26+$0xC9A0] =	vst v0;
	v2 =	vmul.f32 $8.000000000e+00, v2  }
0x5d: {  	v0 =	vld [tilespmem:s28+$0x6420];
	[tilespmem:s26+$0xC9B0] =	vst v1;
	v3 =	vmul.f32 $8.000000000e+00, v3  }
0x5e: {  	v1 =	vld [tilespmem:s28+$0x6430];
	[tilespmem:s26+$0xC9C0] =	vst v2;
	v4 =	vmul.f32 $8.000000000e+00, v4  }
0x5f: {  	v2 =	vld [tilespmem:s28+$0x6440];
	[tilespmem:s26+$0xC9D0] =	vst v3;
	v7 =	vmul.f32 $8.000000000e+00, v7  }
0x60: {  	v3 =	vld [tilespmem:s28+$0x6450];
	[tilespmem:s26+$0xC9E0] =	vst v4;
	v4 =	vmul.f32 $8.000000000e+00, v5  }
0x61: {  	v5 =	vld [tilespmem:s28+$0x6460];
	[tilespmem:s28+$0xC9F0] =	vst v7;
	v6 =	vmul.f32 $8.000000000e+00, v6  }
0x62: {  	[tilespmem:s28+$0xC800] =	vst v4;
	v4 =	vld [tilespmem:s28+$0x6470];
	v0 =	vmul.f32 $8.000000000e+00, v0  }
0x63: {  	[tilespmem:s28+$0xC810] =	vst v6;
	v6 =	vld [tilespmem:s28+$0x6480];
	v1 =	vmul.f32 $8.000000000e+00, v1  }
0x64: {  	[tilespmem:s28+$0xC820] =	vst v0;
	v0 =	vld [tilespmem:s28+$0x6490];
	v2 =	vmul.f32 $8.000000000e+00, v2  }
0x65: {  	[tilespmem:s28+$0xC830] =	vst v1;
	v1 =	vld [tilespmem:s28+$0x64A0];
	v3 =	vmul.f32 $8.000000000e+00, v3  }
0x66: {  	[tilespmem:s28+$0xC840] =	vst v2;
	v2 =	vld [tilespmem:s28+$0x64B0];
	v5 =	vmul.f32 $8.000000000e+00, v5  }
0x67: {  	[tilespmem:s28+$0xC850] =	vst v3;
	v3 =	vld [tilespmem:s28+$0x64C0];
	v4 =	vmul.f32 $8.000000000e+00, v4  }
0x68: {  	[tilespmem:s28+$0xC860] =	vst v5;
	v5 =	vld [tilespmem:s28+$0x64D0];
	v6 =	vmul.f32 $8.000000000e+00, v6  }
0x69: {  	[tilespmem:s28+$0xC870] =	vst v4;
	v4 =	vld [tilespmem:s28+$0x64E0];
	v0 =	vmul.f32 $8.000000000e+00, v0  }
0x6a: {  	[tilespmem:s28+$0xC880] =	vst v6;
	v6 =	vld [tilespmem:s28+$0x64F0];
	v1 =	vmul.f32 $8.000000000e+00, v1  }
0x6b: {  	[tilespmem:s28+$0xC890] =	vst v0;
	v0 =	vld [tilespmem:s28+$0x6500];
	v2 =	vmul.f32 $8.000000000e+00, v2  }
0x6c: {  	[tilespmem:s28+$0xC8A0] =	vst v1;
	v1 =	vld [tilespmem:s28+$0x6510];
	v3 =	vmul.f32 $8.000000000e+00, v3  }
0x6d: {  	[tilespmem:s28+$0xC8B0] =	vst v2;
	v2 =	vld [tilespmem:s28+$0x6520];
	v5 =	vmul.f32 $8.000000000e+00, v5  }
0x6e: {  	[tilespmem:s28+$0xC8C0] =	vst v3;
	v3 =	vld [tilespmem:s28+$0x6530];
	v4 =	vmul.f32 $8.000000000e+00, v4  }
0x6f: {  	[tilespmem:s28+$0xC8D0] =	vst v5;
	v5 =	vld [tilespmem:s28+$0x6540];
	v6 =	vmul.f32 $8.000000000e+00, v6  }
0x70: {  	[tilespmem:s28+$0xC8E0] =	vst v4;
	v4 =	vld [tilespmem:s28+$0x6550];
	v0 =	vmul.f32 $8.000000000e+00, v0  }
0x71: {  	[tilespmem:s28+$0xC8F0] =	vst v6;
	v6 =	vld [tilespmem:s28+$0x6560];
	v1 =	vmul.f32 $8.000000000e+00, v1  }
0x72: {  	[tilespmem:s28+$0xC900] =	vst v0;
	v0 =	vld [tilespmem:s28+$0x6570];
	v2 =	vmul.f32 $8.000000000e+00, v2  }
0x73: {  	[tilespmem:s28+$0xC910] =	vst v1;
	v1 =	vld [tilespmem:s28+$0x6580];
	v3 =	vmul.f32 $8.000000000e+00, v3  }
0x74: {  	[tilespmem:s28+$0xC920] =	vst v2;
	v2 =	vld [tilespmem:s28+$0x6590];
	v5 =	vmul.f32 $8.000000000e+00, v5  }
0x75: {  	[tilespmem:s28+$0xC930] =	vst v3;
	v3 =	vld [tilespmem:s28+$0x65A0];
	v4 =	vmul.f32 $8.000000000e+00, v4  }
0x76: {  	[tilespmem:s28+$0xC940] =	vst v5;
	v5 =	vld [tilespmem:s28+$0x65B0];
	v6 =	vmul.f32 $8.000000000e+00, v6  }
0x77: {  	[tilespmem:s28+$0xC950] =	vst v4;
	v4 =	vld [tilespmem:s28+$0x65C0];
	v0 =	vmul.f32 $8.000000000e+00, v0  }
0x78: {  	[tilespmem:s28+$0xC960] =	vst v6;
	v6 =	vld [tilespmem:s28+$0x65D0];
	v1 =	vmul.f32 $8.000000000e+00, v1  }
0x79: {  	[tilespmem:s28+$0xC970] =	vst v0;
	v0 =	vmul.f32 $8.000000000e+00, v2;
	v2 =	vld [tilespmem:s28+$0x65E0]  }
0x7a: {  	[tilespmem:s28+$0xC980] =	vst v1;
	v1 =	vmul.f32 $8.000000000e+00, v3  }
0x7b: {  	[tilespmem:s28+$0xC990] =	vst v0;
	v0 =	vmul.f32 $8.000000000e+00, v5  }
0x7c: {  	[tilespmem:s28+$0xC9A0] =	vst v1;
	v1 =	vmul.f32 $8.000000000e+00, v4  }
0x7d: {  	[tilespmem:s28+$0xC9B0] =	vst v0;
	v0 =	vmul.f32 $8.000000000e+00, v6  }
0x7e: {  	[tilespmem:s28+$0xC9C0] =	vst v1;
	v1 =	vmul.f32 $8.000000000e+00, v2  }
0x7f: {  	[tilespmem:s28+$0xC9D0] =	vst v0  }
0x80: {  	s1 =	simm.s32 $0x0;
	[tilespmem:s28+$0xC9E0] =	vst v1  }
0x81: {  	[hbm4b:s5+s1] =	stream.linear.scatter [tilespmem:s18], [sflag:$0x3], $0x3200, $0x38;
	[tilespmem:$0x12C00] =	vst v63  }
0x82: {  	_ = 	snop  }
0x83: {  	[tilespmem:s15], [sflag:$0x1] =	stream.indirect.gather [hbm4b:s4+s14], $0x40, s19, s14, $0xb8;
	[tilespmem:$0x12C00] =	vst v63  }
0x84: {  	_ =	swait.ge [sflag:s20], $0x3200  }
0x85: {  	[sflag:s20] =	ssyncset.done $0x0  }
0x86: {  	s26 =	simm.s32 $0x0;
	[sflag:s20] =	ssyncadd.s32 $0xFFFFCE00  }
0x87: {  	v0 =	vld [tilespmem:s26+$0x97F0]  }
0x88: {  	v1 =	vld [tilespmem:s26+$0x9600];
	_ =	sdelay $0x1  }
0x89: {  	v2 =	vld [tilespmem:s26+$0x9610]  }
0x8a: {  	v3 =	vld [tilespmem:s26+$0x9620]  }
0x8b: {  	v4 =	vld [tilespmem:s26+$0x9630];
	v0 =	vmul.f32 $8.000000000e+00, v0  }
0x8c: {  	v5 =	vld [tilespmem:s26+$0x9640];
	v1 =	vmul.f32 $8.000000000e+00, v1  }
0x8d: {  	v6 =	vld [tilespmem:s26+$0x9650];
	[tilespmem:s26+$0xFBF0] =	vst v0  }
0x8e: {  	v0 =	vmul.f32 $8.000000000e+00, v2;
	[tilespmem:s26+$0xFA00] =	vst v1;
	v1 =	vld [tilespmem:s26+$0x9670]  }
0x8f: {  	v7 =	vld [tilespmem:s26+$0x9660];
	v2 =	vmul.f32 $8.000000000e+00, v3  }
0x90: {  	v3 =	vmul.f32 $8.000000000e+00, v4;
	[tilespmem:s26+$0xFA10] =	vst v0;
	v0 =	vld [tilespmem:s26+$0x9680]  }
0x91: {  	v4 =	vmul.f32 $8.000000000e+00, v5;
	[tilespmem:s26+$0xFA20] =	vst v2;
	v2 =	vld [tilespmem:s26+$0x9690]  }
0x92: {  	v5 =	vmul.f32 $8.000000000e+00, v6;
	[tilespmem:s26+$0xFA30] =	vst v3;
	v3 =	vld [tilespmem:s26+$0x96A0]  }
0x93: {  	[tilespmem:s26+$0xFA40] =	vst v4;
	v4 =	vld [tilespmem:s26+$0x96B0];
	v1 =	vmul.f32 $8.000000000e+00, v1  }
0x94: {  	v6 =	vmul.f32 $8.000000000e+00, v7;
	[tilespmem:s26+$0xFA50] =	vst v5;
	v5 =	vld [tilespmem:s26+$0x96C0]  }
0x95: {  	v0 =	vmul.f32 $8.000000000e+00, v0;
	[tilespmem:s26+$0xFA70] =	vst v1;
	v1 =	vld [tilespmem:s26+$0x96E0]  }
0x96: {  	[tilespmem:s26+$0xFA60] =	vst v6;
	v6 =	vld [tilespmem:s26+$0x96D0];
	v2 =	vmul.f32 $8.000000000e+00, v2  }
0x97: {  	v3 =	vmul.f32 $8.000000000e+00, v3;
	[tilespmem:s26+$0xFA80] =	vst v0;
	v0 =	vld [tilespmem:s26+$0x96F0]  }
0x98: {  	v4 =	vmul.f32 $8.000000000e+00, v4;
	[tilespmem:s26+$0xFA90] =	vst v2;
	v2 =	vld [tilespmem:s26+$0x9700]  }
0x99: {  	v5 =	vmul.f32 $8.000000000e+00, v5;
	[tilespmem:s26+$0xFAA0] =	vst v3;
	v3 =	vld [tilespmem:s26+$0x9710]  }
0x9a: {  	[tilespmem:s26+$0xFAB0] =	vst v4;
	v4 =	vld [tilespmem:s26+$0x9720];
	v1 =	vmul.f32 $8.000000000e+00, v1  }
0x9b: {  	v6 =	vmul.f32 $8.000000000e+00, v6;
	[tilespmem:s26+$0xFAC0] =	vst v5;
	v5 =	vld [tilespmem:s26+$0x9730]  }
0x9c: {  	v0 =	vmul.f32 $8.000000000e+00, v0;
	[tilespmem:s26+$0xFAE0] =	vst v1;
	v1 =	vld [tilespmem:s26+$0x9750]  }
0x9d: {  	[tilespmem:s26+$0xFAD0] =	vst v6;
	v6 =	vld [tilespmem:s26+$0x9740];
	v2 =	vmul.f32 $8.000000000e+00, v2  }
0x9e: {  	[tilespmem:s26+$0xFAF0] =	vst v0;
	v0 =	vmul.f32 $8.000000000e+00, v3;
	v3 =	vld [tilespmem:s26+$0x9770]  }
0x9f: {  	v7 =	vld [tilespmem:s26+$0x9760];
	[tilespmem:s26+$0xFB00] =	vst v2;
	v2 =	vmul.f32 $8.000000000e+00, v4  }
0xa0: {  	v4 =	vld [tilespmem:s26+$0x9780];
	[tilespmem:s26+$0xFB10] =	vst v0;
	v0 =	vmul.f32 $8.000000000e+00, v5  }
0xa1: {  	v8 =	vld [tilespmem:s26+$0x9790];
	[tilespmem:s26+$0xFB20] =	vst v2;
	v5 =	vmul.f32 $8.000000000e+00, v1  }
0xa2: {  	v2 =	vmul.f32 $8.000000000e+00, v6;
	[tilespmem:s26+$0xFB30] =	vst v0;
	v0 =	vld [tilespmem:s26+$0x97A0]  }
0xa3: {  	v1 =	vld [tilespmem:s26+$0x97B0];
	[tilespmem:s26+$0xFB50] =	vst v5;
	v5 =	vmul.f32 $8.000000000e+00, v3  }
0xa4: {  	v6 =	vmul.f32 $8.000000000e+00, v7;
	[tilespmem:s26+$0xFB40] =	vst v2;
	v2 =	vld [tilespmem:s26+$0x97C0]  }
0xa5: {  	v3 =	vld [tilespmem:s26+$0x97D0];
	[tilespmem:s26+$0xFB70] =	vst v5;
	v5 =	vmul.f32 $8.000000000e+00, v4  }
0xa6: {  	s29 =	simm.s32 $0x1000;
	s28 =	simm.s32 $0x200;
	[tilespmem:s26+$0xFB60] =	vst v6;
	v6 =	vmul.f32 $8.000000000e+00, v8;
	v4 =	vld [tilespmem:s26+$0x97E0]  }
.LBB2_4:
0xa7: {  	p0 =	sne.s32 s29, $0xC000;
	v7 =	vld [tilespmem:s28+$0x97F0];
	[tilespmem:s26+$0xFB80] =	vst v5;
	v0 =	vmul.f32 $8.000000000e+00, v0  }
0xa8: {  	v5 =	vld [tilespmem:s28+$0x9600];
	[tilespmem:s26+$0xFB90] =	vst v6;
	v1 =	vmul.f32 $8.000000000e+00, v1  }
0xa9: {  	v6 =	vld [tilespmem:s28+$0x9610];
	[tilespmem:s26+$0xFBA0] =	vst v0;
	v0 =	vmul.f32 $8.000000000e+00, v2  }
0xaa: {  	v2 =	vld [tilespmem:s28+$0x9620];
	[tilespmem:s26+$0xFBB0] =	vst v1;
	v1 =	vmul.f32 $8.000000000e+00, v3  }
0xab: {  	v3 =	vld [tilespmem:s28+$0x9630];
	[tilespmem:s26+$0xFBC0] =	vst v0;
	v0 =	vmul.f32 $8.000000000e+00, v4  }
0xac: {  	v4 =	vld [tilespmem:s28+$0x9640];
	v7 =	vmul.f32 $8.000000000e+00, v7;
	[tilespmem:s26+$0xFBD0] =	vst v1  }
0xad: {  	v1 =	vmul.f32 $8.000000000e+00, v5;
	v5 =	vld [tilespmem:s28+$0x9650];
	[tilespmem:s26+$0xFBE0] =	vst v0;
	s26 =	smov.u32 s28  }
0xae: {  	v0 =	vmul.f32 $8.000000000e+00, v6;
	v6 =	vld [tilespmem:s26+$0x9660];
	[tilespmem:s26+$0xFBF0] =	vst v7  }
0xaf: {  	[tilespmem:s26+$0xFA00] =	vst v1;
	v1 =	vmul.f32 $8.000000000e+00, v2;
	v2 =	vld [tilespmem:s26+$0x9670]  }
0xb0: {  	[tilespmem:s26+$0xFA10] =	vst v0;
	v0 =	vmul.f32 $8.000000000e+00, v3;
	v3 =	vld [tilespmem:s26+$0x9680]  }
0xb1: {  	[tilespmem:s26+$0xFA20] =	vst v1;
	v1 =	vmul.f32 $8.000000000e+00, v4;
	v4 =	vld [tilespmem:s26+$0x9690]  }
0xb2: {  	[tilespmem:s26+$0xFA30] =	vst v0;
	v0 =	vmul.f32 $8.000000000e+00, v5;
	v5 =	vld [tilespmem:s26+$0x96A0]  }
0xb3: {  	[tilespmem:s26+$0xFA40] =	vst v1;
	v1 =	vmul.f32 $8.000000000e+00, v6;
	v6 =	vld [tilespmem:s26+$0x96B0]  }
0xb4: {  	[tilespmem:s26+$0xFA50] =	vst v0;
	v0 =	vmul.f32 $8.000000000e+00, v2;
	v2 =	vld [tilespmem:s26+$0x96C0]  }
0xb5: {  	[tilespmem:s26+$0xFA60] =	vst v1;
	v1 =	vmul.f32 $8.000000000e+00, v3;
	v3 =	vld [tilespmem:s26+$0x96D0]  }
0xb6: {  	[tilespmem:s26+$0xFA70] =	vst v0;
	v0 =	vmul.f32 $8.000000000e+00, v4;
	v4 =	vld [tilespmem:s26+$0x96E0]  }
0xb7: {  	[tilespmem:s26+$0xFA80] =	vst v1;
	v1 =	vmul.f32 $8.000000000e+00, v5;
	v5 =	vld [tilespmem:s26+$0x96F0]  }
0xb8: {  	[tilespmem:s26+$0xFA90] =	vst v0;
	v0 =	vmul.f32 $8.000000000e+00, v6;
	v6 =	vld [tilespmem:s26+$0x9700]  }
0xb9: {  	[tilespmem:s26+$0xFAA0] =	vst v1;
	v1 =	vmul.f32 $8.000000000e+00, v2;
	v2 =	vld [tilespmem:s26+$0x9710]  }
0xba: {  	[tilespmem:s26+$0xFAB0] =	vst v0;
	v0 =	vmul.f32 $8.000000000e+00, v3;
	v3 =	vld [tilespmem:s26+$0x9720]  }
0xbb: {  	[tilespmem:s26+$0xFAC0] =	vst v1;
	v1 =	vmul.f32 $8.000000000e+00, v4;
	v4 =	vld [tilespmem:s26+$0x9730]  }
0xbc: {  	[tilespmem:s26+$0xFAD0] =	vst v0;
	v0 =	vmul.f32 $8.000000000e+00, v5;
	v5 =	vld [tilespmem:s26+$0x9740]  }
0xbd: {  	[tilespmem:s26+$0xFAE0] =	vst v1;
	v1 =	vmul.f32 $8.000000000e+00, v6;
	v6 =	vld [tilespmem:s26+$0x9750]  }
0xbe: {  	[tilespmem:s26+$0xFAF0] =	vst v0;
	v0 =	vmul.f32 $8.000000000e+00, v2;
	v2 =	vld [tilespmem:s26+$0x9760]  }
0xbf: {  	[tilespmem:s26+$0xFB00] =	vst v1;
	v1 =	vmul.f32 $8.000000000e+00, v3;
	v3 =	vld [tilespmem:s26+$0x9770]  }
0xc0: {  	[tilespmem:s26+$0xFB10] =	vst v0;
	v0 =	vmul.f32 $8.000000000e+00, v4;
	v4 =	vld [tilespmem:s26+$0x9780]  }
0xc1: {  	[tilespmem:s26+$0xFB20] =	vst v1;
	v1 =	vmul.f32 $8.000000000e+00, v5;
	v7 =	vld [tilespmem:s26+$0x9790]  }
.Ltmp1:
0xc2: {  	[tilespmem:s26+$0xFB30] =	vst v0;
	v5 =	vmul.f32 $8.000000000e+00, v6;
	v0 =	vld [tilespmem:s26+$0x97A0];
	(pc) =	sbr.rel @p0 .LBB2_4-.Ltmp1, $4  }
0xc3: {  	[tilespmem:s26+$0xFB40] =	vst v1;
	v6 =	vmul.f32 $8.000000000e+00, v2;
	v1 =	vld [tilespmem:s26+$0x97B0]  }
0xc4: {  	[tilespmem:s26+$0xFB50] =	vst v5;
	v8 =	vmul.f32 $8.000000000e+00, v3;
	v2 =	vld [tilespmem:s26+$0x97C0]  }
0xc5: {  	[tilespmem:s26+$0xFB60] =	vst v6;
	v5 =	vmul.f32 $8.000000000e+00, v4;
	v3 =	vld [tilespmem:s26+$0x97D0]  }
0xc6: {  	s28 =	sshra.s32 s29, $0x2;
	s29 =	sadd.s32 $0x800, s29;
	[tilespmem:s26+$0xFB70] =	vst v8;
	v6 =	vmul.f32 $8.000000000e+00, v7;
	v4 =	vld [tilespmem:s26+$0x97E0]  }
0xc7: {  	v7 =	vld [tilespmem:s28+$0x97F0];
	[tilespmem:s26+$0xFB80] =	vst v5;
	v0 =	vmul.f32 $8.000000000e+00, v0  }
0xc8: {  	v5 =	vld [tilespmem:s28+$0x9600];
	[tilespmem:s26+$0xFB90] =	vst v6;
	v1 =	vmul.f32 $8.000000000e+00, v1  }
0xc9: {  	v6 =	vld [tilespmem:s28+$0x9610];
	[tilespmem:s26+$0xFBA0] =	vst v0;
	v2 =	vmul.f32 $8.000000000e+00, v2  }
0xca: {  	v0 =	vld [tilespmem:s28+$0x9620];
	[tilespmem:s26+$0xFBB0] =	vst v1;
	v3 =	vmul.f32 $8.000000000e+00, v3  }
0xcb: {  	v1 =	vld [tilespmem:s28+$0x9630];
	[tilespmem:s26+$0xFBC0] =	vst v2;
	v4 =	vmul.f32 $8.000000000e+00, v4  }
0xcc: {  	v2 =	vld [tilespmem:s28+$0x9640];
	[tilespmem:s26+$0xFBD0] =	vst v3;
	v7 =	vmul.f32 $8.000000000e+00, v7  }
0xcd: {  	v3 =	vld [tilespmem:s28+$0x9650];
	[tilespmem:s26+$0xFBE0] =	vst v4;
	v32 =	vmul.f32 $8.000000000e+00, v5  }
0xce: {  	v33 =	vld [tilespmem:s28+$0x9660];
	[tilespmem:s28+$0xFBF0] =	vst v7;
	v6 =	vmul.f32 $8.000000000e+00, v6  }
0xcf: {  	v34 =	vld [tilespmem:s28+$0x9670];
	[tilespmem:s28+$0xFA00] =	vst v32;
	v0 =	vmul.f32 $8.000000000e+00, v0  }
0xd0: {  	v35 =	vld [tilespmem:s28+$0x9680];
	[tilespmem:s28+$0xFA10] =	vst v6;
	v1 =	vmul.f32 $8.000000000e+00, v1  }
0xd1: {  	v36 =	vld [tilespmem:s28+$0x9690];
	[tilespmem:s28+$0xFA20] =	vst v0;
	v2 =	vmul.f32 $8.000000000e+00, v2  }
0xd2: {  	v37 =	vld [tilespmem:s28+$0x96A0];
	[tilespmem:s28+$0xFA30] =	vst v1;
	v3 =	vmul.f32 $8.000000000e+00, v3  }
0xd3: {  	v38 =	vld [tilespmem:s28+$0x96B0];
	[tilespmem:s28+$0xFA40] =	vst v2;
	v5 =	vmul.f32 $8.000000000e+00, v33  }
0xd4: {  	v52 =	vld [tilespmem:s28+$0x9790];
	v4 =	vmul.f32 $8.000000000e+00, v34;
	[tilespmem:s28+$0xFA50] =	vst v3  }
0xd5: {  	v53 =	vld [tilespmem:s28+$0x97A0];
	v6 =	vmul.f32 $8.000000000e+00, v35;
	[tilespmem:s28+$0xFA60] =	vst v5  }
0xd6: {  	v54 =	vld [tilespmem:s28+$0x97B0];
	v0 =	vmul.f32 $8.000000000e+00, v36;
	[tilespmem:s28+$0xFA70] =	vst v4  }
0xd7: {  	v55 =	vld [tilespmem:s28+$0x97C0];
	v1 =	vmul.f32 $8.000000000e+00, v37;
	[tilespmem:s28+$0xFA80] =	vst v6  }
0xd8: {  	v56 =	vld [tilespmem:s28+$0x97D0];
	v2 =	vmul.f32 $8.000000000e+00, v38;
	[tilespmem:s28+$0xFA90] =	vst v0  }
0xd9: {  	v58 =	vld [tilespmem:s28+$0x97E0];
	v57 =	vmul.f32 $8.000000000e+00, v52;
	[tilespmem:s28+$0xFAA0] =	vst v1  }
0xda: {  	v39 =	vld [tilespmem:s28+$0x96C0];
	v59 =	vmul.f32 $8.000000000e+00, v53;
	[tilespmem:s28+$0xFAB0] =	vst v2  }
0xdb: {  	v40 =	vld [tilespmem:s28+$0x96D0];
	v60 =	vmul.f32 $8.000000000e+00, v54;
	[tilespmem:s28+$0xFB90] =	vst v57  }
0xdc: {  	v41 =	vld [tilespmem:s28+$0x96E0];
	v61 =	vmul.f32 $8.000000000e+00, v55;
	[tilespmem:s28+$0xFBA0] =	vst v59  }
0xdd: {  	v42 =	vld [tilespmem:s28+$0x96F0];
	v62 =	vmul.f32 $8.000000000e+00, v56;
	[tilespmem:s28+$0xFBB0] =	vst v60  }
0xde: {  	v43 =	vld [tilespmem:s28+$0x9700];
	v63 =	vmul.f32 $8.000000000e+00, v58;
	[tilespmem:s28+$0xFBC0] =	vst v61  }
0xdf: {  	v44 =	vld [tilespmem:s28+$0x9710];
	v3 =	vmul.f32 $8.000000000e+00, v39;
	[tilespmem:s28+$0xFBD0] =	vst v62  }
0xe0: {  	v45 =	vld [tilespmem:s28+$0x9720];
	v5 =	vmul.f32 $8.000000000e+00, v40;
	[tilespmem:s28+$0xFBE0] =	vst v63  }
0xe1: {  	v46 =	vld [tilespmem:s28+$0x9730];
	v4 =	vmul.f32 $8.000000000e+00, v41;
	[tilespmem:s28+$0xFAC0] =	vst v3  }
0xe2: {  	v47 =	vld [tilespmem:s28+$0x9740];
	v6 =	vmul.f32 $8.000000000e+00, v42;
	[tilespmem:s28+$0xFAD0] =	vst v5  }
0xe3: {  	v48 =	vld [tilespmem:s28+$0x9750];
	v0 =	vmul.f32 $8.000000000e+00, v43;
	[tilespmem:s28+$0xFAE0] =	vst v4  }
0xe4: {  	v49 =	vld [tilespmem:s28+$0x9760];
	v1 =	vmul.f32 $8.000000000e+00, v44;
	[tilespmem:s28+$0xFAF0] =	vst v6  }
0xe5: {  	v50 =	vld [tilespmem:s28+$0x9770];
	v2 =	vmul.f32 $8.000000000e+00, v45;
	[tilespmem:s28+$0xFB00] =	vst v0  }
0xe6: {  	v51 =	vld [tilespmem:s28+$0x9780];
	v3 =	vmul.f32 $8.000000000e+00, v46;
	[tilespmem:s28+$0xFB10] =	vst v1  }
0xe7: {  	[tilespmem:s28+$0xFB20] =	vst v2;
	v5 =	vmul.f32 $8.000000000e+00, v47  }
0xe8: {  	v4 =	vmul.f32 $8.000000000e+00, v48;
	[tilespmem:s28+$0xFB30] =	vst v3  }
0xe9: {  	v6 =	vmul.f32 $8.000000000e+00, v49;
	[tilespmem:s28+$0xFB40] =	vst v5  }
0xea: {  	v0 =	vmul.f32 $8.000000000e+00, v50;
	[tilespmem:s28+$0xFB50] =	vst v4  }
0xeb: {  	v1 =	vmul.f32 $8.000000000e+00, v51;
	[tilespmem:s28+$0xFB60] =	vst v6  }
0xec: {  	[tilespmem:s28+$0xFB70] =	vst v0  }
0xed: {  	s26 =	simm.s32 $0x0;
	[tilespmem:s28+$0xFB80] =	vst v1  }
0xee: {  	[hbm4b:s7+s26] =	stream.linear.scatter [tilespmem:s21], [sflag:$0x4], $0x3200, $0x38;
	[tilespmem:$0x12C00] =	vst v63  }
0xef: {  	_ = 	snop  }
0xf0: {  	[tilespmem:s16], [sflag:$0x2] =	stream.indirect.gather [hbm4b:s4+s14], $0x40, s22, s14, $0xb8;
	[tilespmem:$0x12C00] =	vst v63  }
.LBB2_6:
0xf1: {  	_ =	swait.ge [sflag:s17], $0x3200  }
0xf2: {  	[sflag:s17] =	ssyncset.done $0x0  }
0xf3: {  	[sflag:s17] =	ssyncadd.s32 $0xFFFFCE00  }
0xf4: {  	_ =	swait.ge [sflag:s23], $0x3200  }
0xf5: {  	[sflag:s23] =	ssyncset.done $0x0  }
0xf6: {  	s28 =	simm.s32 $0x0;
	[sflag:s23] =	ssyncadd.s32 $0xFFFFCE00  }
0xf7: {  	v0 =	vld [tilespmem:s28+$0x65F0]  }
0xf8: {  	v1 =	vld [tilespmem:s28+$0x6400];
	_ =	sdelay $0x1  }
0xf9: {  	v2 =	vld [tilespmem:s28+$0x6410]  }
0xfa: {  	v3 =	vld [tilespmem:s28+$0x6420]  }
0xfb: {  	v4 =	vld [tilespmem:s28+$0x6430];
	v0 =	vmul.f32 $8.000000000e+00, v0  }
0xfc: {  	v5 =	vld [tilespmem:s28+$0x6440];
	v1 =	vmul.f32 $8.000000000e+00, v1  }
0xfd: {  	v6 =	vld [tilespmem:s28+$0x6450];
	[tilespmem:s28+$0xC9F0] =	vst v0  }
0xfe: {  	v0 =	vmul.f32 $8.000000000e+00, v2;
	[tilespmem:s28+$0xC800] =	vst v1;
	v1 =	vld [tilespmem:s28+$0x6470]  }
0xff: {  	v7 =	vld [tilespmem:s28+$0x6460];
	v2 =	vmul.f32 $8.000000000e+00, v3  }
0x100: {  	v3 =	vmul.f32 $8.000000000e+00, v4;
	[tilespmem:s28+$0xC810] =	vst v0;
	v0 =	vld [tilespmem:s28+$0x6480]  }
0x101: {  	v4 =	vmul.f32 $8.000000000e+00, v5;
	[tilespmem:s28+$0xC820] =	vst v2;
	v2 =	vld [tilespmem:s28+$0x6490]  }
0x102: {  	v5 =	vmul.f32 $8.000000000e+00, v6;
	[tilespmem:s28+$0xC830] =	vst v3;
	v3 =	vld [tilespmem:s28+$0x64A0]  }
0x103: {  	[tilespmem:s28+$0xC840] =	vst v4;
	v4 =	vld [tilespmem:s28+$0x64B0];
	v1 =	vmul.f32 $8.000000000e+00, v1  }
0x104: {  	v6 =	vmul.f32 $8.000000000e+00, v7;
	[tilespmem:s28+$0xC850] =	vst v5;
	v5 =	vld [tilespmem:s28+$0x64C0]  }
0x105: {  	v0 =	vmul.f32 $8.000000000e+00, v0;
	[tilespmem:s28+$0xC870] =	vst v1;
	v1 =	vld [tilespmem:s28+$0x64E0]  }
0x106: {  	[tilespmem:s28+$0xC860] =	vst v6;
	v6 =	vld [tilespmem:s28+$0x64D0];
	v2 =	vmul.f32 $8.000000000e+00, v2  }
0x107: {  	v3 =	vmul.f32 $8.000000000e+00, v3;
	[tilespmem:s28+$0xC880] =	vst v0;
	v0 =	vld [tilespmem:s28+$0x64F0]  }
0x108: {  	v4 =	vmul.f32 $8.000000000e+00, v4;
	[tilespmem:s28+$0xC890] =	vst v2;
	v2 =	vld [tilespmem:s28+$0x6500]  }
0x109: {  	v5 =	vmul.f32 $8.000000000e+00, v5;
	[tilespmem:s28+$0xC8A0] =	vst v3;
	v3 =	vld [tilespmem:s28+$0x6510]  }
0x10a: {  	[tilespmem:s28+$0xC8B0] =	vst v4;
	v4 =	vld [tilespmem:s28+$0x6520];
	v1 =	vmul.f32 $8.000000000e+00, v1  }
0x10b: {  	v6 =	vmul.f32 $8.000000000e+00, v6;
	[tilespmem:s28+$0xC8C0] =	vst v5;
	v5 =	vld [tilespmem:s28+$0x6530]  }
0x10c: {  	v0 =	vmul.f32 $8.000000000e+00, v0;
	[tilespmem:s28+$0xC8E0] =	vst v1;
	v1 =	vld [tilespmem:s28+$0x6550]  }
0x10d: {  	[tilespmem:s28+$0xC8D0] =	vst v6;
	v6 =	vld [tilespmem:s28+$0x6540];
	v2 =	vmul.f32 $8.000000000e+00, v2  }
0x10e: {  	[tilespmem:s28+$0xC8F0] =	vst v0;
	v0 =	vmul.f32 $8.000000000e+00, v3;
	v3 =	vld [tilespmem:s28+$0x6570]  }
0x10f: {  	v7 =	vld [tilespmem:s28+$0x6560];
	[tilespmem:s28+$0xC900] =	vst v2;
	v2 =	vmul.f32 $8.000000000e+00, v4  }
0x110: {  	v4 =	vld [tilespmem:s28+$0x6580];
	[tilespmem:s28+$0xC910] =	vst v0;
	v0 =	vmul.f32 $8.000000000e+00, v5  }
0x111: {  	v8 =	vld [tilespmem:s28+$0x6590];
	[tilespmem:s28+$0xC920] =	vst v2;
	v5 =	vmul.f32 $8.000000000e+00, v1  }
0x112: {  	v2 =	vmul.f32 $8.000000000e+00, v6;
	[tilespmem:s28+$0xC930] =	vst v0;
	v0 =	vld [tilespmem:s28+$0x65A0]  }
0x113: {  	v1 =	vld [tilespmem:s28+$0x65B0];
	[tilespmem:s28+$0xC950] =	vst v5;
	v5 =	vmul.f32 $8.000000000e+00, v3  }
0x114: {  	v6 =	vmul.f32 $8.000000000e+00, v7;
	[tilespmem:s28+$0xC940] =	vst v2;
	v2 =	vld [tilespmem:s28+$0x65C0]  }
0x115: {  	v3 =	vld [tilespmem:s28+$0x65D0];
	[tilespmem:s28+$0xC970] =	vst v5;
	v5 =	vmul.f32 $8.000000000e+00, v4  }
0x116: {  	s29 =	simm.s32 $0x200;
	s30 =	simm.s32 $0x1000;
	[tilespmem:s28+$0xC960] =	vst v6;
	v6 =	vmul.f32 $8.000000000e+00, v8;
	v4 =	vld [tilespmem:s28+$0x65E0]  }
.LBB2_7:
0x117: {  	p0 =	sne.s32 s30, $0xC000;
	v7 =	vld [tilespmem:s29+$0x65F0];
	[tilespmem:s28+$0xC980] =	vst v5;
	v0 =	vmul.f32 $8.000000000e+00, v0  }
0x118: {  	v5 =	vld [tilespmem:s29+$0x6400];
	[tilespmem:s28+$0xC990] =	vst v6;
	v1 =	vmul.f32 $8.000000000e+00, v1  }
0x119: {  	v6 =	vld [tilespmem:s29+$0x6410];
	[tilespmem:s28+$0xC9A0] =	vst v0;
	v0 =	vmul.f32 $8.000000000e+00, v2  }
0x11a: {  	v2 =	vld [tilespmem:s29+$0x6420];
	[tilespmem:s28+$0xC9B0] =	vst v1;
	v1 =	vmul.f32 $8.000000000e+00, v3  }
0x11b: {  	v3 =	vld [tilespmem:s29+$0x6430];
	[tilespmem:s28+$0xC9C0] =	vst v0;
	v0 =	vmul.f32 $8.000000000e+00, v4  }
0x11c: {  	v4 =	vld [tilespmem:s29+$0x6440];
	v7 =	vmul.f32 $8.000000000e+00, v7;
	[tilespmem:s28+$0xC9D0] =	vst v1  }
0x11d: {  	v1 =	vmul.f32 $8.000000000e+00, v5;
	v5 =	vld [tilespmem:s29+$0x6450];
	[tilespmem:s28+$0xC9E0] =	vst v0;
	s28 =	smov.u32 s29  }
0x11e: {  	v0 =	vmul.f32 $8.000000000e+00, v6;
	v6 =	vld [tilespmem:s28+$0x6460];
	[tilespmem:s28+$0xC9F0] =	vst v7  }
0x11f: {  	[tilespmem:s28+$0xC800] =	vst v1;
	v1 =	vmul.f32 $8.000000000e+00, v2;
	v2 =	vld [tilespmem:s28+$0x6470]  }
0x120: {  	[tilespmem:s28+$0xC810] =	vst v0;
	v0 =	vmul.f32 $8.000000000e+00, v3;
	v3 =	vld [tilespmem:s28+$0x6480]  }
0x121: {  	[tilespmem:s28+$0xC820] =	vst v1;
	v1 =	vmul.f32 $8.000000000e+00, v4;
	v4 =	vld [tilespmem:s28+$0x6490]  }
0x122: {  	[tilespmem:s28+$0xC830] =	vst v0;
	v0 =	vmul.f32 $8.000000000e+00, v5;
	v5 =	vld [tilespmem:s28+$0x64A0]  }
0x123: {  	[tilespmem:s28+$0xC840] =	vst v1;
	v1 =	vmul.f32 $8.000000000e+00, v6;
	v6 =	vld [tilespmem:s28+$0x64B0]  }
0x124: {  	[tilespmem:s28+$0xC850] =	vst v0;
	v0 =	vmul.f32 $8.000000000e+00, v2;
	v2 =	vld [tilespmem:s28+$0x64C0]  }
0x125: {  	[tilespmem:s28+$0xC860] =	vst v1;
	v1 =	vmul.f32 $8.000000000e+00, v3;
	v3 =	vld [tilespmem:s28+$0x64D0]  }
0x126: {  	[tilespmem:s28+$0xC870] =	vst v0;
	v0 =	vmul.f32 $8.000000000e+00, v4;
	v4 =	vld [tilespmem:s28+$0x64E0]  }
0x127: {  	[tilespmem:s28+$0xC880] =	vst v1;
	v1 =	vmul.f32 $8.000000000e+00, v5;
	v5 =	vld [tilespmem:s28+$0x64F0]  }
0x128: {  	[tilespmem:s28+$0xC890] =	vst v0;
	v0 =	vmul.f32 $8.000000000e+00, v6;
	v6 =	vld [tilespmem:s28+$0x6500]  }
0x129: {  	[tilespmem:s28+$0xC8A0] =	vst v1;
	v1 =	vmul.f32 $8.000000000e+00, v2;
	v2 =	vld [tilespmem:s28+$0x6510]  }
0x12a: {  	[tilespmem:s28+$0xC8B0] =	vst v0;
	v0 =	vmul.f32 $8.000000000e+00, v3;
	v3 =	vld [tilespmem:s28+$0x6520]  }
0x12b: {  	[tilespmem:s28+$0xC8C0] =	vst v1;
	v1 =	vmul.f32 $8.000000000e+00, v4;
	v4 =	vld [tilespmem:s28+$0x6530]  }
0x12c: {  	[tilespmem:s28+$0xC8D0] =	vst v0;
	v0 =	vmul.f32 $8.000000000e+00, v5;
	v5 =	vld [tilespmem:s28+$0x6540]  }
0x12d: {  	[tilespmem:s28+$0xC8E0] =	vst v1;
	v1 =	vmul.f32 $8.000000000e+00, v6;
	v6 =	vld [tilespmem:s28+$0x6550]  }
0x12e: {  	[tilespmem:s28+$0xC8F0] =	vst v0;
	v0 =	vmul.f32 $8.000000000e+00, v2;
	v2 =	vld [tilespmem:s28+$0x6560]  }
0x12f: {  	[tilespmem:s28+$0xC900] =	vst v1;
	v1 =	vmul.f32 $8.000000000e+00, v3;
	v3 =	vld [tilespmem:s28+$0x6570]  }
0x130: {  	[tilespmem:s28+$0xC910] =	vst v0;
	v0 =	vmul.f32 $8.000000000e+00, v4;
	v4 =	vld [tilespmem:s28+$0x6580]  }
0x131: {  	[tilespmem:s28+$0xC920] =	vst v1;
	v1 =	vmul.f32 $8.000000000e+00, v5;
	v7 =	vld [tilespmem:s28+$0x6590]  }
.Ltmp2:
0x132: {  	[tilespmem:s28+$0xC930] =	vst v0;
	v5 =	vmul.f32 $8.000000000e+00, v6;
	v0 =	vld [tilespmem:s28+$0x65A0];
	(pc) =	sbr.rel @p0 .LBB2_7-.Ltmp2, $4  }
0x133: {  	[tilespmem:s28+$0xC940] =	vst v1;
	v6 =	vmul.f32 $8.000000000e+00, v2;
	v1 =	vld [tilespmem:s28+$0x65B0]  }
0x134: {  	[tilespmem:s28+$0xC950] =	vst v5;
	v8 =	vmul.f32 $8.000000000e+00, v3;
	v2 =	vld [tilespmem:s28+$0x65C0]  }
0x135: {  	[tilespmem:s28+$0xC960] =	vst v6;
	v5 =	vmul.f32 $8.000000000e+00, v4;
	v3 =	vld [tilespmem:s28+$0x65D0]  }
0x136: {  	s29 =	sshra.s32 s30, $0x2;
	s30 =	sadd.s32 $0x800, s30;
	[tilespmem:s28+$0xC970] =	vst v8;
	v6 =	vmul.f32 $8.000000000e+00, v7;
	v4 =	vld [tilespmem:s28+$0x65E0]  }
0x137: {  	v7 =	vld [tilespmem:s29+$0x65F0];
	[tilespmem:s28+$0xC980] =	vst v5;
	v0 =	vmul.f32 $8.000000000e+00, v0  }
0x138: {  	v5 =	vld [tilespmem:s29+$0x6400];
	[tilespmem:s28+$0xC990] =	vst v6;
	v1 =	vmul.f32 $8.000000000e+00, v1  }
0x139: {  	v6 =	vld [tilespmem:s29+$0x6410];
	[tilespmem:s28+$0xC9A0] =	vst v0;
	v2 =	vmul.f32 $8.000000000e+00, v2  }
0x13a: {  	v0 =	vld [tilespmem:s29+$0x6420];
	[tilespmem:s28+$0xC9B0] =	vst v1;
	v3 =	vmul.f32 $8.000000000e+00, v3  }
0x13b: {  	v1 =	vld [tilespmem:s29+$0x6430];
	[tilespmem:s28+$0xC9C0] =	vst v2;
	v4 =	vmul.f32 $8.000000000e+00, v4  }
0x13c: {  	v2 =	vld [tilespmem:s29+$0x6440];
	[tilespmem:s28+$0xC9D0] =	vst v3;
	v7 =	vmul.f32 $8.000000000e+00, v7  }
0x13d: {  	v3 =	vld [tilespmem:s29+$0x6450];
	[tilespmem:s28+$0xC9E0] =	vst v4;
	v4 =	vmul.f32 $8.000000000e+00, v5  }
0x13e: {  	v5 =	vld [tilespmem:s29+$0x6460];
	[tilespmem:s29+$0xC9F0] =	vst v7;
	v6 =	vmul.f32 $8.000000000e+00, v6  }
0x13f: {  	[tilespmem:s29+$0xC800] =	vst v4;
	v4 =	vld [tilespmem:s29+$0x6470];
	v0 =	vmul.f32 $8.000000000e+00, v0  }
0x140: {  	[tilespmem:s29+$0xC810] =	vst v6;
	v6 =	vld [tilespmem:s29+$0x6480];
	v1 =	vmul.f32 $8.000000000e+00, v1  }
0x141: {  	[tilespmem:s29+$0xC820] =	vst v0;
	v0 =	vld [tilespmem:s29+$0x6490];
	v2 =	vmul.f32 $8.000000000e+00, v2  }
0x142: {  	[tilespmem:s29+$0xC830] =	vst v1;
	v1 =	vld [tilespmem:s29+$0x64A0];
	v3 =	vmul.f32 $8.000000000e+00, v3  }
0x143: {  	[tilespmem:s29+$0xC840] =	vst v2;
	v2 =	vld [tilespmem:s29+$0x64B0];
	v5 =	vmul.f32 $8.000000000e+00, v5  }
0x144: {  	[tilespmem:s29+$0xC850] =	vst v3;
	v3 =	vld [tilespmem:s29+$0x64C0];
	v4 =	vmul.f32 $8.000000000e+00, v4  }
0x145: {  	[tilespmem:s29+$0xC860] =	vst v5;
	v5 =	vld [tilespmem:s29+$0x64D0];
	v6 =	vmul.f32 $8.000000000e+00, v6  }
0x146: {  	[tilespmem:s29+$0xC870] =	vst v4;
	v4 =	vld [tilespmem:s29+$0x64E0];
	v0 =	vmul.f32 $8.000000000e+00, v0  }
0x147: {  	[tilespmem:s29+$0xC880] =	vst v6;
	v6 =	vld [tilespmem:s29+$0x64F0];
	v1 =	vmul.f32 $8.000000000e+00, v1  }
0x148: {  	[tilespmem:s29+$0xC890] =	vst v0;
	v0 =	vld [tilespmem:s29+$0x6500];
	v2 =	vmul.f32 $8.000000000e+00, v2  }
0x149: {  	[tilespmem:s29+$0xC8A0] =	vst v1;
	v1 =	vld [tilespmem:s29+$0x6510];
	v3 =	vmul.f32 $8.000000000e+00, v3  }
0x14a: {  	[tilespmem:s29+$0xC8B0] =	vst v2;
	v2 =	vld [tilespmem:s29+$0x6520];
	v5 =	vmul.f32 $8.000000000e+00, v5  }
0x14b: {  	[tilespmem:s29+$0xC8C0] =	vst v3;
	v3 =	vld [tilespmem:s29+$0x6530];
	v4 =	vmul.f32 $8.000000000e+00, v4  }
0x14c: {  	[tilespmem:s29+$0xC8D0] =	vst v5;
	v5 =	vld [tilespmem:s29+$0x6540];
	v6 =	vmul.f32 $8.000000000e+00, v6  }
0x14d: {  	[tilespmem:s29+$0xC8E0] =	vst v4;
	v4 =	vld [tilespmem:s29+$0x6550];
	v0 =	vmul.f32 $8.000000000e+00, v0  }
0x14e: {  	[tilespmem:s29+$0xC8F0] =	vst v6;
	v6 =	vld [tilespmem:s29+$0x6560];
	v1 =	vmul.f32 $8.000000000e+00, v1  }
0x14f: {  	[tilespmem:s29+$0xC900] =	vst v0;
	v0 =	vld [tilespmem:s29+$0x6570];
	v2 =	vmul.f32 $8.000000000e+00, v2  }
0x150: {  	[tilespmem:s29+$0xC910] =	vst v1;
	v1 =	vld [tilespmem:s29+$0x6580];
	v3 =	vmul.f32 $8.000000000e+00, v3  }
0x151: {  	[tilespmem:s29+$0xC920] =	vst v2;
	v2 =	vld [tilespmem:s29+$0x6590];
	v5 =	vmul.f32 $8.000000000e+00, v5  }
0x152: {  	[tilespmem:s29+$0xC930] =	vst v3;
	v3 =	vld [tilespmem:s29+$0x65A0];
	v4 =	vmul.f32 $8.000000000e+00, v4  }
0x153: {  	[tilespmem:s29+$0xC940] =	vst v5;
	v5 =	vld [tilespmem:s29+$0x65B0];
	v6 =	vmul.f32 $8.000000000e+00, v6  }
0x154: {  	[tilespmem:s29+$0xC950] =	vst v4;
	v4 =	vld [tilespmem:s29+$0x65C0];
	v0 =	vmul.f32 $8.000000000e+00, v0  }
0x155: {  	[tilespmem:s29+$0xC960] =	vst v6;
	v6 =	vld [tilespmem:s29+$0x65D0];
	v1 =	vmul.f32 $8.000000000e+00, v1  }
0x156: {  	[tilespmem:s29+$0xC970] =	vst v0;
	v0 =	vmul.f32 $8.000000000e+00, v2;
	v2 =	vld [tilespmem:s29+$0x65E0]  }
0x157: {  	[tilespmem:s29+$0xC980] =	vst v1;
	v1 =	vmul.f32 $8.000000000e+00, v3  }
0x158: {  	[tilespmem:s29+$0xC990] =	vst v0;
	v0 =	vmul.f32 $8.000000000e+00, v5  }
0x159: {  	s28 =	sshll.u32 s26, $0x1;
	[tilespmem:s29+$0xC9A0] =	vst v1;
	v1 =	vmul.f32 $8.000000000e+00, v4  }
0x15a: {  	s1 =	sadd.s32 s28, s8;
	[tilespmem:s29+$0xC9B0] =	vst v0;
	v0 =	vmul.f32 $8.000000000e+00, v6  }
0x15b: {  	s1 =	smul.u32 $0x640, s1;
	[tilespmem:s29+$0xC9C0] =	vst v1;
	v1 =	vmul.f32 $8.000000000e+00, v2  }
0x15c: {  	[tilespmem:s29+$0xC9D0] =	vst v0  }
0x15d: {  	s30 =	smul.u32 $0x640, s26;
	s1 =	sadd.s32 s2, s1;
	[tilespmem:s29+$0xC9E0] =	vst v1;
	s29 =	simm.s32 $0x0  }
0x15e: {  	[hbm4b:s1+s29] =	stream.linear.scatter [tilespmem:s18], [sflag:$0x3], $0x3200, $0x38;
	[tilespmem:$0x12C00] =	vst v63  }
0x15f: {  	s29 =	sshra.s32 s30, $0x2  }
0x160: {  	s1 =	sadd.s32 $0x320, s29  }
0x161: {  	[tilespmem:s15], [sflag:$0x1] =	stream.indirect.gather [hbm4b:s4+s14], $0x40, s1, s14, $0xb8;
	[tilespmem:$0x12C00] =	vst v63  }
0x162: {  	_ =	swait.ge [sflag:s20], $0x3200  }
0x163: {  	[sflag:s20] =	ssyncset.done $0x0  }
0x164: {  	[sflag:s20] =	ssyncadd.s32 $0xFFFFCE00  }
0x165: {  	_ =	swait.ge [sflag:s24], $0x3200  }
0x166: {  	[sflag:s24] =	ssyncset.done $0x0  }
0x167: {  	s30 =	simm.s32 $0x0;
	[sflag:s24] =	ssyncadd.s32 $0xFFFFCE00  }
0x168: {  	v0 =	vld [tilespmem:s30+$0x97F0]  }
0x169: {  	v1 =	vld [tilespmem:s30+$0x9600];
	_ =	sdelay $0x1  }
0x16a: {  	v2 =	vld [tilespmem:s30+$0x9610]  }
0x16b: {  	v3 =	vld [tilespmem:s30+$0x9620]  }
0x16c: {  	v4 =	vld [tilespmem:s30+$0x9630];
	v0 =	vmul.f32 $8.000000000e+00, v0  }
0x16d: {  	v5 =	vld [tilespmem:s30+$0x9640];
	v1 =	vmul.f32 $8.000000000e+00, v1  }
0x16e: {  	v6 =	vld [tilespmem:s30+$0x9650];
	[tilespmem:s30+$0xFBF0] =	vst v0  }
0x16f: {  	v0 =	vmul.f32 $8.000000000e+00, v2;
	[tilespmem:s30+$0xFA00] =	vst v1;
	v1 =	vld [tilespmem:s30+$0x9670]  }
0x170: {  	v7 =	vld [tilespmem:s30+$0x9660];
	v2 =	vmul.f32 $8.000000000e+00, v3  }
0x171: {  	v3 =	vmul.f32 $8.000000000e+00, v4;
	[tilespmem:s30+$0xFA10] =	vst v0;
	v0 =	vld [tilespmem:s30+$0x9680]  }
0x172: {  	v4 =	vmul.f32 $8.000000000e+00, v5;
	[tilespmem:s30+$0xFA20] =	vst v2;
	v2 =	vld [tilespmem:s30+$0x9690]  }
0x173: {  	v5 =	vmul.f32 $8.000000000e+00, v6;
	[tilespmem:s30+$0xFA30] =	vst v3;
	v3 =	vld [tilespmem:s30+$0x96A0]  }
0x174: {  	[tilespmem:s30+$0xFA40] =	vst v4;
	v4 =	vld [tilespmem:s30+$0x96B0];
	v1 =	vmul.f32 $8.000000000e+00, v1  }
0x175: {  	v6 =	vmul.f32 $8.000000000e+00, v7;
	[tilespmem:s30+$0xFA50] =	vst v5;
	v5 =	vld [tilespmem:s30+$0x96C0]  }
0x176: {  	v0 =	vmul.f32 $8.000000000e+00, v0;
	[tilespmem:s30+$0xFA70] =	vst v1;
	v1 =	vld [tilespmem:s30+$0x96E0]  }
0x177: {  	[tilespmem:s30+$0xFA60] =	vst v6;
	v6 =	vld [tilespmem:s30+$0x96D0];
	v2 =	vmul.f32 $8.000000000e+00, v2  }
0x178: {  	v3 =	vmul.f32 $8.000000000e+00, v3;
	[tilespmem:s30+$0xFA80] =	vst v0;
	v0 =	vld [tilespmem:s30+$0x96F0]  }
0x179: {  	v4 =	vmul.f32 $8.000000000e+00, v4;
	[tilespmem:s30+$0xFA90] =	vst v2;
	v2 =	vld [tilespmem:s30+$0x9700]  }
0x17a: {  	v5 =	vmul.f32 $8.000000000e+00, v5;
	[tilespmem:s30+$0xFAA0] =	vst v3;
	v3 =	vld [tilespmem:s30+$0x9710]  }
0x17b: {  	[tilespmem:s30+$0xFAB0] =	vst v4;
	v4 =	vld [tilespmem:s30+$0x9720];
	v1 =	vmul.f32 $8.000000000e+00, v1  }
0x17c: {  	v6 =	vmul.f32 $8.000000000e+00, v6;
	[tilespmem:s30+$0xFAC0] =	vst v5;
	v5 =	vld [tilespmem:s30+$0x9730]  }
0x17d: {  	v0 =	vmul.f32 $8.000000000e+00, v0;
	[tilespmem:s30+$0xFAE0] =	vst v1;
	v1 =	vld [tilespmem:s30+$0x9750]  }
0x17e: {  	[tilespmem:s30+$0xFAD0] =	vst v6;
	v6 =	vld [tilespmem:s30+$0x9740];
	v2 =	vmul.f32 $8.000000000e+00, v2  }
0x17f: {  	[tilespmem:s30+$0xFAF0] =	vst v0;
	v0 =	vmul.f32 $8.000000000e+00, v3;
	v3 =	vld [tilespmem:s30+$0x9770]  }
0x180: {  	v7 =	vld [tilespmem:s30+$0x9760];
	[tilespmem:s30+$0xFB00] =	vst v2;
	v2 =	vmul.f32 $8.000000000e+00, v4  }
0x181: {  	v4 =	vld [tilespmem:s30+$0x9780];
	[tilespmem:s30+$0xFB10] =	vst v0;
	v0 =	vmul.f32 $8.000000000e+00, v5  }
0x182: {  	v8 =	vld [tilespmem:s30+$0x9790];
	[tilespmem:s30+$0xFB20] =	vst v2;
	v5 =	vmul.f32 $8.000000000e+00, v1  }
0x183: {  	v2 =	vmul.f32 $8.000000000e+00, v6;
	[tilespmem:s30+$0xFB30] =	vst v0;
	v0 =	vld [tilespmem:s30+$0x97A0]  }
0x184: {  	v1 =	vld [tilespmem:s30+$0x97B0];
	[tilespmem:s30+$0xFB50] =	vst v5;
	v5 =	vmul.f32 $8.000000000e+00, v3  }
0x185: {  	v6 =	vmul.f32 $8.000000000e+00, v7;
	[tilespmem:s30+$0xFB40] =	vst v2;
	v2 =	vld [tilespmem:s30+$0x97C0]  }
0x186: {  	v3 =	vld [tilespmem:s30+$0x97D0];
	[tilespmem:s30+$0xFB70] =	vst v5;
	v5 =	vmul.f32 $8.000000000e+00, v4  }
0x187: {  	s31 =	simm.s32 $0x200;
	s1 =	simm.s32 $0x1000;
	[tilespmem:s30+$0xFB60] =	vst v6;
	v6 =	vmul.f32 $8.000000000e+00, v8;
	v4 =	vld [tilespmem:s30+$0x97E0]  }
.LBB2_9:
0x188: {  	p0 =	sne.s32 s1, $0xC000;
	v7 =	vld [tilespmem:s31+$0x97F0];
	[tilespmem:s30+$0xFB80] =	vst v5;
	v0 =	vmul.f32 $8.000000000e+00, v0  }
0x189: {  	v5 =	vld [tilespmem:s31+$0x9600];
	[tilespmem:s30+$0xFB90] =	vst v6;
	v1 =	vmul.f32 $8.000000000e+00, v1  }
0x18a: {  	v6 =	vld [tilespmem:s31+$0x9610];
	[tilespmem:s30+$0xFBA0] =	vst v0;
	v0 =	vmul.f32 $8.000000000e+00, v2  }
0x18b: {  	v2 =	vld [tilespmem:s31+$0x9620];
	[tilespmem:s30+$0xFBB0] =	vst v1;
	v1 =	vmul.f32 $8.000000000e+00, v3  }
0x18c: {  	v3 =	vld [tilespmem:s31+$0x9630];
	[tilespmem:s30+$0xFBC0] =	vst v0;
	v0 =	vmul.f32 $8.000000000e+00, v4  }
0x18d: {  	v4 =	vld [tilespmem:s31+$0x9640];
	v7 =	vmul.f32 $8.000000000e+00, v7;
	[tilespmem:s30+$0xFBD0] =	vst v1  }
0x18e: {  	v1 =	vmul.f32 $8.000000000e+00, v5;
	v5 =	vld [tilespmem:s31+$0x9650];
	[tilespmem:s30+$0xFBE0] =	vst v0;
	s30 =	smov.u32 s31  }
0x18f: {  	v0 =	vmul.f32 $8.000000000e+00, v6;
	v6 =	vld [tilespmem:s30+$0x9660];
	[tilespmem:s30+$0xFBF0] =	vst v7  }
0x190: {  	[tilespmem:s30+$0xFA00] =	vst v1;
	v1 =	vmul.f32 $8.000000000e+00, v2;
	v2 =	vld [tilespmem:s30+$0x9670]  }
0x191: {  	[tilespmem:s30+$0xFA10] =	vst v0;
	v0 =	vmul.f32 $8.000000000e+00, v3;
	v3 =	vld [tilespmem:s30+$0x9680]  }
0x192: {  	[tilespmem:s30+$0xFA20] =	vst v1;
	v1 =	vmul.f32 $8.000000000e+00, v4;
	v4 =	vld [tilespmem:s30+$0x9690]  }
0x193: {  	[tilespmem:s30+$0xFA30] =	vst v0;
	v0 =	vmul.f32 $8.000000000e+00, v5;
	v5 =	vld [tilespmem:s30+$0x96A0]  }
0x194: {  	[tilespmem:s30+$0xFA40] =	vst v1;
	v1 =	vmul.f32 $8.000000000e+00, v6;
	v6 =	vld [tilespmem:s30+$0x96B0]  }
0x195: {  	[tilespmem:s30+$0xFA50] =	vst v0;
	v0 =	vmul.f32 $8.000000000e+00, v2;
	v2 =	vld [tilespmem:s30+$0x96C0]  }
0x196: {  	[tilespmem:s30+$0xFA60] =	vst v1;
	v1 =	vmul.f32 $8.000000000e+00, v3;
	v3 =	vld [tilespmem:s30+$0x96D0]  }
0x197: {  	[tilespmem:s30+$0xFA70] =	vst v0;
	v0 =	vmul.f32 $8.000000000e+00, v4;
	v4 =	vld [tilespmem:s30+$0x96E0]  }
0x198: {  	[tilespmem:s30+$0xFA80] =	vst v1;
	v1 =	vmul.f32 $8.000000000e+00, v5;
	v5 =	vld [tilespmem:s30+$0x96F0]  }
0x199: {  	[tilespmem:s30+$0xFA90] =	vst v0;
	v0 =	vmul.f32 $8.000000000e+00, v6;
	v6 =	vld [tilespmem:s30+$0x9700]  }
0x19a: {  	[tilespmem:s30+$0xFAA0] =	vst v1;
	v1 =	vmul.f32 $8.000000000e+00, v2;
	v2 =	vld [tilespmem:s30+$0x9710]  }
0x19b: {  	[tilespmem:s30+$0xFAB0] =	vst v0;
	v0 =	vmul.f32 $8.000000000e+00, v3;
	v3 =	vld [tilespmem:s30+$0x9720]  }
0x19c: {  	[tilespmem:s30+$0xFAC0] =	vst v1;
	v1 =	vmul.f32 $8.000000000e+00, v4;
	v4 =	vld [tilespmem:s30+$0x9730]  }
0x19d: {  	[tilespmem:s30+$0xFAD0] =	vst v0;
	v0 =	vmul.f32 $8.000000000e+00, v5;
	v5 =	vld [tilespmem:s30+$0x9740]  }
0x19e: {  	[tilespmem:s30+$0xFAE0] =	vst v1;
	v1 =	vmul.f32 $8.000000000e+00, v6;
	v6 =	vld [tilespmem:s30+$0x9750]  }
0x19f: {  	[tilespmem:s30+$0xFAF0] =	vst v0;
	v0 =	vmul.f32 $8.000000000e+00, v2;
	v2 =	vld [tilespmem:s30+$0x9760]  }
0x1a0: {  	[tilespmem:s30+$0xFB00] =	vst v1;
	v1 =	vmul.f32 $8.000000000e+00, v3;
	v3 =	vld [tilespmem:s30+$0x9770]  }
0x1a1: {  	[tilespmem:s30+$0xFB10] =	vst v0;
	v0 =	vmul.f32 $8.000000000e+00, v4;
	v4 =	vld [tilespmem:s30+$0x9780]  }
0x1a2: {  	[tilespmem:s30+$0xFB20] =	vst v1;
	v1 =	vmul.f32 $8.000000000e+00, v5;
	v7 =	vld [tilespmem:s30+$0x9790]  }
.Ltmp3:
0x1a3: {  	[tilespmem:s30+$0xFB30] =	vst v0;
	v5 =	vmul.f32 $8.000000000e+00, v6;
	v0 =	vld [tilespmem:s30+$0x97A0];
	(pc) =	sbr.rel @p0 .LBB2_9-.Ltmp3, $4  }
0x1a4: {  	[tilespmem:s30+$0xFB40] =	vst v1;
	v6 =	vmul.f32 $8.000000000e+00, v2;
	v1 =	vld [tilespmem:s30+$0x97B0]  }
0x1a5: {  	[tilespmem:s30+$0xFB50] =	vst v5;
	v8 =	vmul.f32 $8.000000000e+00, v3;
	v2 =	vld [tilespmem:s30+$0x97C0]  }
0x1a6: {  	[tilespmem:s30+$0xFB60] =	vst v6;
	v5 =	vmul.f32 $8.000000000e+00, v4;
	v3 =	vld [tilespmem:s30+$0x97D0]  }
0x1a7: {  	s31 =	sshra.s32 s1, $0x2;
	s1 =	sadd.s32 $0x800, s1;
	[tilespmem:s30+$0xFB70] =	vst v8;
	v6 =	vmul.f32 $8.000000000e+00, v7;
	v4 =	vld [tilespmem:s30+$0x97E0]  }
0x1a8: {  	v7 =	vld [tilespmem:s31+$0x97F0];
	[tilespmem:s30+$0xFB80] =	vst v5;
	v0 =	vmul.f32 $8.000000000e+00, v0  }
0x1a9: {  	v5 =	vld [tilespmem:s31+$0x9600];
	[tilespmem:s30+$0xFB90] =	vst v6;
	v1 =	vmul.f32 $8.000000000e+00, v1  }
0x1aa: {  	v6 =	vld [tilespmem:s31+$0x9610];
	[tilespmem:s30+$0xFBA0] =	vst v0;
	v2 =	vmul.f32 $8.000000000e+00, v2  }
0x1ab: {  	v0 =	vld [tilespmem:s31+$0x9620];
	[tilespmem:s30+$0xFBB0] =	vst v1;
	v3 =	vmul.f32 $8.000000000e+00, v3  }
0x1ac: {  	v1 =	vld [tilespmem:s31+$0x9630];
	[tilespmem:s30+$0xFBC0] =	vst v2;
	v4 =	vmul.f32 $8.000000000e+00, v4  }
0x1ad: {  	v2 =	vld [tilespmem:s31+$0x9640];
	[tilespmem:s30+$0xFBD0] =	vst v3;
	v7 =	vmul.f32 $8.000000000e+00, v7  }
0x1ae: {  	v3 =	vld [tilespmem:s31+$0x9650];
	[tilespmem:s30+$0xFBE0] =	vst v4;
	v32 =	vmul.f32 $8.000000000e+00, v5  }
0x1af: {  	v33 =	vld [tilespmem:s31+$0x9660];
	[tilespmem:s31+$0xFBF0] =	vst v7;
	v6 =	vmul.f32 $8.000000000e+00, v6  }
0x1b0: {  	v34 =	vld [tilespmem:s31+$0x9670];
	[tilespmem:s31+$0xFA00] =	vst v32;
	v0 =	vmul.f32 $8.000000000e+00, v0  }
0x1b1: {  	v35 =	vld [tilespmem:s31+$0x9680];
	[tilespmem:s31+$0xFA10] =	vst v6;
	v1 =	vmul.f32 $8.000000000e+00, v1  }
0x1b2: {  	v36 =	vld [tilespmem:s31+$0x9690];
	[tilespmem:s31+$0xFA20] =	vst v0;
	v2 =	vmul.f32 $8.000000000e+00, v2  }
0x1b3: {  	v37 =	vld [tilespmem:s31+$0x96A0];
	[tilespmem:s31+$0xFA30] =	vst v1;
	v3 =	vmul.f32 $8.000000000e+00, v3  }
0x1b4: {  	v38 =	vld [tilespmem:s31+$0x96B0];
	[tilespmem:s31+$0xFA40] =	vst v2;
	v5 =	vmul.f32 $8.000000000e+00, v33  }
0x1b5: {  	v52 =	vld [tilespmem:s31+$0x9790];
	v4 =	vmul.f32 $8.000000000e+00, v34;
	[tilespmem:s31+$0xFA50] =	vst v3  }
0x1b6: {  	v53 =	vld [tilespmem:s31+$0x97A0];
	v6 =	vmul.f32 $8.000000000e+00, v35;
	[tilespmem:s31+$0xFA60] =	vst v5  }
0x1b7: {  	v54 =	vld [tilespmem:s31+$0x97B0];
	v0 =	vmul.f32 $8.000000000e+00, v36;
	[tilespmem:s31+$0xFA70] =	vst v4  }
0x1b8: {  	v55 =	vld [tilespmem:s31+$0x97C0];
	v1 =	vmul.f32 $8.000000000e+00, v37;
	[tilespmem:s31+$0xFA80] =	vst v6  }
0x1b9: {  	v56 =	vld [tilespmem:s31+$0x97D0];
	v2 =	vmul.f32 $8.000000000e+00, v38;
	[tilespmem:s31+$0xFA90] =	vst v0  }
0x1ba: {  	v58 =	vld [tilespmem:s31+$0x97E0];
	v57 =	vmul.f32 $8.000000000e+00, v52;
	[tilespmem:s31+$0xFAA0] =	vst v1  }
0x1bb: {  	v39 =	vld [tilespmem:s31+$0x96C0];
	v59 =	vmul.f32 $8.000000000e+00, v53;
	[tilespmem:s31+$0xFAB0] =	vst v2  }
0x1bc: {  	v40 =	vld [tilespmem:s31+$0x96D0];
	v60 =	vmul.f32 $8.000000000e+00, v54;
	[tilespmem:s31+$0xFB90] =	vst v57  }
0x1bd: {  	v41 =	vld [tilespmem:s31+$0x96E0];
	v61 =	vmul.f32 $8.000000000e+00, v55;
	[tilespmem:s31+$0xFBA0] =	vst v59  }
0x1be: {  	v42 =	vld [tilespmem:s31+$0x96F0];
	v62 =	vmul.f32 $8.000000000e+00, v56;
	[tilespmem:s31+$0xFBB0] =	vst v60  }
0x1bf: {  	v43 =	vld [tilespmem:s31+$0x9700];
	v63 =	vmul.f32 $8.000000000e+00, v58;
	[tilespmem:s31+$0xFBC0] =	vst v61  }
0x1c0: {  	v44 =	vld [tilespmem:s31+$0x9710];
	v3 =	vmul.f32 $8.000000000e+00, v39;
	[tilespmem:s31+$0xFBD0] =	vst v62  }
0x1c1: {  	v45 =	vld [tilespmem:s31+$0x9720];
	v5 =	vmul.f32 $8.000000000e+00, v40;
	[tilespmem:s31+$0xFBE0] =	vst v63  }
0x1c2: {  	v46 =	vld [tilespmem:s31+$0x9730];
	v4 =	vmul.f32 $8.000000000e+00, v41;
	[tilespmem:s31+$0xFAC0] =	vst v3  }
0x1c3: {  	v47 =	vld [tilespmem:s31+$0x9740];
	v6 =	vmul.f32 $8.000000000e+00, v42;
	[tilespmem:s31+$0xFAD0] =	vst v5  }
0x1c4: {  	v48 =	vld [tilespmem:s31+$0x9750];
	v0 =	vmul.f32 $8.000000000e+00, v43;
	[tilespmem:s31+$0xFAE0] =	vst v4  }
0x1c5: {  	v49 =	vld [tilespmem:s31+$0x9760];
	v1 =	vmul.f32 $8.000000000e+00, v44;
	[tilespmem:s31+$0xFAF0] =	vst v6  }
0x1c6: {  	v50 =	vld [tilespmem:s31+$0x9770];
	v2 =	vmul.f32 $8.000000000e+00, v45;
	[tilespmem:s31+$0xFB00] =	vst v0  }
0x1c7: {  	v51 =	vld [tilespmem:s31+$0x9780];
	v3 =	vmul.f32 $8.000000000e+00, v46;
	[tilespmem:s31+$0xFB10] =	vst v1  }
0x1c8: {  	[tilespmem:s31+$0xFB20] =	vst v2;
	v5 =	vmul.f32 $8.000000000e+00, v47  }
0x1c9: {  	v4 =	vmul.f32 $8.000000000e+00, v48;
	[tilespmem:s31+$0xFB30] =	vst v3  }
0x1ca: {  	v6 =	vmul.f32 $8.000000000e+00, v49;
	[tilespmem:s31+$0xFB40] =	vst v5  }
0x1cb: {  	s1 =	sadd.s32 s28, s9;
	s26 =	sadd.s32 $0x1, s26;
	v0 =	vmul.f32 $8.000000000e+00, v50;
	[tilespmem:s31+$0xFB50] =	vst v4  }
0x1cc: {  	s1 =	smul.u32 $0x640, s1;
	p0 =	sne.s32 s26, $0x3E;
	v1 =	vmul.f32 $8.000000000e+00, v51;
	[tilespmem:s31+$0xFB60] =	vst v6  }
.Ltmp4:
0x1cd: {  	[tilespmem:s31+$0xFB70] =	vst v0;
	(pc) =	sbr.rel @p0 .LBB2_6-.Ltmp4, $4  }
0x1ce: {  	s1 =	sadd.s32 s2, s1;
	[tilespmem:s31+$0xFB80] =	vst v1  }
0x1cf: {  	[hbm4b:s1+s3] =	stream.linear.scatter [tilespmem:s21], [sflag:$0x4], $0x3200, $0x38;
	[tilespmem:$0x12C00] =	vst v63  }
0x1d0: {  	s31 =	sadd.s32 $0x3E8, s29  }
0x1d1: {  	[tilespmem:s16], [sflag:$0x2] =	stream.indirect.gather [hbm4b:s4+s14], $0x40, s31, s14, $0xb8;
	[tilespmem:$0x12C00] =	vst v63  }
0x1d2: {  	_ =	swait.ge [sflag:s17], $0x3200  }
0x1d3: {  	[sflag:s17] =	ssyncset.done $0x0  }
0x1d4: {  	[sflag:s17] =	ssyncadd.s32 $0xFFFFCE00  }
0x1d5: {  	_ =	swait.ge [sflag:s23], $0x3200  }
0x1d6: {  	[sflag:s23] =	ssyncset.done $0x0  }
0x1d7: {  	s26 =	simm.s32 $0x0;
	[sflag:s23] =	ssyncadd.s32 $0xFFFFCE00  }
0x1d8: {  	v0 =	vld [tilespmem:s26+$0x65F0]  }
0x1d9: {  	v1 =	vld [tilespmem:s26+$0x6400];
	_ =	sdelay $0x1  }
0x1da: {  	v2 =	vld [tilespmem:s26+$0x6410]  }
0x1db: {  	v3 =	vld [tilespmem:s26+$0x6420]  }
0x1dc: {  	v4 =	vld [tilespmem:s26+$0x6430];
	v0 =	vmul.f32 $8.000000000e+00, v0  }
0x1dd: {  	v5 =	vld [tilespmem:s26+$0x6440];
	v1 =	vmul.f32 $8.000000000e+00, v1  }
0x1de: {  	v6 =	vld [tilespmem:s26+$0x6450];
	[tilespmem:s26+$0xC9F0] =	vst v0  }
0x1df: {  	v0 =	vmul.f32 $8.000000000e+00, v2;
	[tilespmem:s26+$0xC800] =	vst v1;
	v1 =	vld [tilespmem:s26+$0x6470]  }
0x1e0: {  	v7 =	vld [tilespmem:s26+$0x6460];
	v2 =	vmul.f32 $8.000000000e+00, v3  }
0x1e1: {  	v3 =	vmul.f32 $8.000000000e+00, v4;
	[tilespmem:s26+$0xC810] =	vst v0;
	v0 =	vld [tilespmem:s26+$0x6480]  }
0x1e2: {  	v4 =	vmul.f32 $8.000000000e+00, v5;
	[tilespmem:s26+$0xC820] =	vst v2;
	v2 =	vld [tilespmem:s26+$0x6490]  }
0x1e3: {  	v5 =	vmul.f32 $8.000000000e+00, v6;
	[tilespmem:s26+$0xC830] =	vst v3;
	v3 =	vld [tilespmem:s26+$0x64A0]  }
0x1e4: {  	[tilespmem:s26+$0xC840] =	vst v4;
	v4 =	vld [tilespmem:s26+$0x64B0];
	v1 =	vmul.f32 $8.000000000e+00, v1  }
0x1e5: {  	v6 =	vmul.f32 $8.000000000e+00, v7;
	[tilespmem:s26+$0xC850] =	vst v5;
	v5 =	vld [tilespmem:s26+$0x64C0]  }
0x1e6: {  	v0 =	vmul.f32 $8.000000000e+00, v0;
	[tilespmem:s26+$0xC870] =	vst v1;
	v1 =	vld [tilespmem:s26+$0x64E0]  }
0x1e7: {  	[tilespmem:s26+$0xC860] =	vst v6;
	v6 =	vld [tilespmem:s26+$0x64D0];
	v2 =	vmul.f32 $8.000000000e+00, v2  }
0x1e8: {  	v3 =	vmul.f32 $8.000000000e+00, v3;
	[tilespmem:s26+$0xC880] =	vst v0;
	v0 =	vld [tilespmem:s26+$0x64F0]  }
0x1e9: {  	v4 =	vmul.f32 $8.000000000e+00, v4;
	[tilespmem:s26+$0xC890] =	vst v2;
	v2 =	vld [tilespmem:s26+$0x6500]  }
0x1ea: {  	v5 =	vmul.f32 $8.000000000e+00, v5;
	[tilespmem:s26+$0xC8A0] =	vst v3;
	v3 =	vld [tilespmem:s26+$0x6510]  }
0x1eb: {  	[tilespmem:s26+$0xC8B0] =	vst v4;
	v4 =	vld [tilespmem:s26+$0x6520];
	v1 =	vmul.f32 $8.000000000e+00, v1  }
0x1ec: {  	v6 =	vmul.f32 $8.000000000e+00, v6;
	[tilespmem:s26+$0xC8C0] =	vst v5;
	v5 =	vld [tilespmem:s26+$0x6530]  }
0x1ed: {  	v0 =	vmul.f32 $8.000000000e+00, v0;
	[tilespmem:s26+$0xC8E0] =	vst v1;
	v1 =	vld [tilespmem:s26+$0x6550]  }
0x1ee: {  	[tilespmem:s26+$0xC8D0] =	vst v6;
	v6 =	vld [tilespmem:s26+$0x6540];
	v2 =	vmul.f32 $8.000000000e+00, v2  }
0x1ef: {  	[tilespmem:s26+$0xC8F0] =	vst v0;
	v0 =	vmul.f32 $8.000000000e+00, v3;
	v3 =	vld [tilespmem:s26+$0x6570]  }
0x1f0: {  	v7 =	vld [tilespmem:s26+$0x6560];
	[tilespmem:s26+$0xC900] =	vst v2;
	v2 =	vmul.f32 $8.000000000e+00, v4  }
0x1f1: {  	v4 =	vld [tilespmem:s26+$0x6580];
	[tilespmem:s26+$0xC910] =	vst v0;
	v0 =	vmul.f32 $8.000000000e+00, v5  }
0x1f2: {  	v8 =	vld [tilespmem:s26+$0x6590];
	[tilespmem:s26+$0xC920] =	vst v2;
	v5 =	vmul.f32 $8.000000000e+00, v1  }
0x1f3: {  	v2 =	vmul.f32 $8.000000000e+00, v6;
	[tilespmem:s26+$0xC930] =	vst v0;
	v0 =	vld [tilespmem:s26+$0x65A0]  }
0x1f4: {  	v1 =	vld [tilespmem:s26+$0x65B0];
	[tilespmem:s26+$0xC950] =	vst v5;
	v5 =	vmul.f32 $8.000000000e+00, v3  }
0x1f5: {  	v6 =	vmul.f32 $8.000000000e+00, v7;
	[tilespmem:s26+$0xC940] =	vst v2;
	v2 =	vld [tilespmem:s26+$0x65C0]  }
0x1f6: {  	v3 =	vld [tilespmem:s26+$0x65D0];
	[tilespmem:s26+$0xC970] =	vst v5;
	v5 =	vmul.f32 $8.000000000e+00, v4  }
0x1f7: {  	s28 =	simm.s32 $0x200;
	s1 =	simm.s32 $0x1000;
	[tilespmem:s26+$0xC960] =	vst v6;
	v6 =	vmul.f32 $8.000000000e+00, v8;
	v4 =	vld [tilespmem:s26+$0x65E0]  }
.LBB2_12:
0x1f8: {  	p0 =	sne.s32 s1, $0xC000;
	v7 =	vld [tilespmem:s28+$0x65F0];
	[tilespmem:s26+$0xC980] =	vst v5;
	v0 =	vmul.f32 $8.000000000e+00, v0  }
0x1f9: {  	v5 =	vld [tilespmem:s28+$0x6400];
	[tilespmem:s26+$0xC990] =	vst v6;
	v1 =	vmul.f32 $8.000000000e+00, v1  }
0x1fa: {  	v6 =	vld [tilespmem:s28+$0x6410];
	[tilespmem:s26+$0xC9A0] =	vst v0;
	v0 =	vmul.f32 $8.000000000e+00, v2  }
0x1fb: {  	v2 =	vld [tilespmem:s28+$0x6420];
	[tilespmem:s26+$0xC9B0] =	vst v1;
	v1 =	vmul.f32 $8.000000000e+00, v3  }
0x1fc: {  	v3 =	vld [tilespmem:s28+$0x6430];
	[tilespmem:s26+$0xC9C0] =	vst v0;
	v0 =	vmul.f32 $8.000000000e+00, v4  }
0x1fd: {  	v4 =	vld [tilespmem:s28+$0x6440];
	v7 =	vmul.f32 $8.000000000e+00, v7;
	[tilespmem:s26+$0xC9D0] =	vst v1  }
0x1fe: {  	v1 =	vmul.f32 $8.000000000e+00, v5;
	v5 =	vld [tilespmem:s28+$0x6450];
	[tilespmem:s26+$0xC9E0] =	vst v0;
	s26 =	smov.u32 s28  }
0x1ff: {  	v0 =	vmul.f32 $8.000000000e+00, v6;
	v6 =	vld [tilespmem:s26+$0x6460];
	[tilespmem:s26+$0xC9F0] =	vst v7  }
0x200: {  	[tilespmem:s26+$0xC800] =	vst v1;
	v1 =	vmul.f32 $8.000000000e+00, v2;
	v2 =	vld [tilespmem:s26+$0x6470]  }
0x201: {  	[tilespmem:s26+$0xC810] =	vst v0;
	v0 =	vmul.f32 $8.000000000e+00, v3;
	v3 =	vld [tilespmem:s26+$0x6480]  }
0x202: {  	[tilespmem:s26+$0xC820] =	vst v1;
	v1 =	vmul.f32 $8.000000000e+00, v4;
	v4 =	vld [tilespmem:s26+$0x6490]  }
0x203: {  	[tilespmem:s26+$0xC830] =	vst v0;
	v0 =	vmul.f32 $8.000000000e+00, v5;
	v5 =	vld [tilespmem:s26+$0x64A0]  }
0x204: {  	[tilespmem:s26+$0xC840] =	vst v1;
	v1 =	vmul.f32 $8.000000000e+00, v6;
	v6 =	vld [tilespmem:s26+$0x64B0]  }
0x205: {  	[tilespmem:s26+$0xC850] =	vst v0;
	v0 =	vmul.f32 $8.000000000e+00, v2;
	v2 =	vld [tilespmem:s26+$0x64C0]  }
0x206: {  	[tilespmem:s26+$0xC860] =	vst v1;
	v1 =	vmul.f32 $8.000000000e+00, v3;
	v3 =	vld [tilespmem:s26+$0x64D0]  }
0x207: {  	[tilespmem:s26+$0xC870] =	vst v0;
	v0 =	vmul.f32 $8.000000000e+00, v4;
	v4 =	vld [tilespmem:s26+$0x64E0]  }
0x208: {  	[tilespmem:s26+$0xC880] =	vst v1;
	v1 =	vmul.f32 $8.000000000e+00, v5;
	v5 =	vld [tilespmem:s26+$0x64F0]  }
0x209: {  	[tilespmem:s26+$0xC890] =	vst v0;
	v0 =	vmul.f32 $8.000000000e+00, v6;
	v6 =	vld [tilespmem:s26+$0x6500]  }
0x20a: {  	[tilespmem:s26+$0xC8A0] =	vst v1;
	v1 =	vmul.f32 $8.000000000e+00, v2;
	v2 =	vld [tilespmem:s26+$0x6510]  }
0x20b: {  	[tilespmem:s26+$0xC8B0] =	vst v0;
	v0 =	vmul.f32 $8.000000000e+00, v3;
	v3 =	vld [tilespmem:s26+$0x6520]  }
0x20c: {  	[tilespmem:s26+$0xC8C0] =	vst v1;
	v1 =	vmul.f32 $8.000000000e+00, v4;
	v4 =	vld [tilespmem:s26+$0x6530]  }
0x20d: {  	[tilespmem:s26+$0xC8D0] =	vst v0;
	v0 =	vmul.f32 $8.000000000e+00, v5;
	v5 =	vld [tilespmem:s26+$0x6540]  }
0x20e: {  	[tilespmem:s26+$0xC8E0] =	vst v1;
	v1 =	vmul.f32 $8.000000000e+00, v6;
	v6 =	vld [tilespmem:s26+$0x6550]  }
0x20f: {  	[tilespmem:s26+$0xC8F0] =	vst v0;
	v0 =	vmul.f32 $8.000000000e+00, v2;
	v2 =	vld [tilespmem:s26+$0x6560]  }
0x210: {  	[tilespmem:s26+$0xC900] =	vst v1;
	v1 =	vmul.f32 $8.000000000e+00, v3;
	v3 =	vld [tilespmem:s26+$0x6570]  }
0x211: {  	[tilespmem:s26+$0xC910] =	vst v0;
	v0 =	vmul.f32 $8.000000000e+00, v4;
	v4 =	vld [tilespmem:s26+$0x6580]  }
0x212: {  	[tilespmem:s26+$0xC920] =	vst v1;
	v1 =	vmul.f32 $8.000000000e+00, v5;
	v7 =	vld [tilespmem:s26+$0x6590]  }
.Ltmp5:
0x213: {  	[tilespmem:s26+$0xC930] =	vst v0;
	v5 =	vmul.f32 $8.000000000e+00, v6;
	v0 =	vld [tilespmem:s26+$0x65A0];
	(pc) =	sbr.rel @p0 .LBB2_12-.Ltmp5, $4  }
0x214: {  	[tilespmem:s26+$0xC940] =	vst v1;
	v6 =	vmul.f32 $8.000000000e+00, v2;
	v1 =	vld [tilespmem:s26+$0x65B0]  }
0x215: {  	[tilespmem:s26+$0xC950] =	vst v5;
	v8 =	vmul.f32 $8.000000000e+00, v3;
	v2 =	vld [tilespmem:s26+$0x65C0]  }
0x216: {  	[tilespmem:s26+$0xC960] =	vst v6;
	v5 =	vmul.f32 $8.000000000e+00, v4;
	v3 =	vld [tilespmem:s26+$0x65D0]  }
0x217: {  	s28 =	sshra.s32 s1, $0x2;
	s1 =	sadd.s32 $0x800, s1;
	[tilespmem:s26+$0xC970] =	vst v8;
	v6 =	vmul.f32 $8.000000000e+00, v7;
	v4 =	vld [tilespmem:s26+$0x65E0]  }
0x218: {  	v7 =	vld [tilespmem:s28+$0x65F0];
	[tilespmem:s26+$0xC980] =	vst v5;
	v0 =	vmul.f32 $8.000000000e+00, v0  }
0x219: {  	v5 =	vld [tilespmem:s28+$0x6400];
	[tilespmem:s26+$0xC990] =	vst v6;
	v1 =	vmul.f32 $8.000000000e+00, v1  }
0x21a: {  	v6 =	vld [tilespmem:s28+$0x6410];
	[tilespmem:s26+$0xC9A0] =	vst v0;
	v2 =	vmul.f32 $8.000000000e+00, v2  }
0x21b: {  	v0 =	vld [tilespmem:s28+$0x6420];
	[tilespmem:s26+$0xC9B0] =	vst v1;
	v3 =	vmul.f32 $8.000000000e+00, v3  }
0x21c: {  	v1 =	vld [tilespmem:s28+$0x6430];
	[tilespmem:s26+$0xC9C0] =	vst v2;
	v4 =	vmul.f32 $8.000000000e+00, v4  }
0x21d: {  	v2 =	vld [tilespmem:s28+$0x6440];
	[tilespmem:s26+$0xC9D0] =	vst v3;
	v7 =	vmul.f32 $8.000000000e+00, v7  }
0x21e: {  	v3 =	vld [tilespmem:s28+$0x6450];
	[tilespmem:s26+$0xC9E0] =	vst v4;
	v4 =	vmul.f32 $8.000000000e+00, v5  }
0x21f: {  	v5 =	vld [tilespmem:s28+$0x6460];
	[tilespmem:s28+$0xC9F0] =	vst v7;
	v6 =	vmul.f32 $8.000000000e+00, v6  }
0x220: {  	[tilespmem:s28+$0xC800] =	vst v4;
	v4 =	vld [tilespmem:s28+$0x6470];
	v0 =	vmul.f32 $8.000000000e+00, v0  }
0x221: {  	[tilespmem:s28+$0xC810] =	vst v6;
	v6 =	vld [tilespmem:s28+$0x6480];
	v1 =	vmul.f32 $8.000000000e+00, v1  }
0x222: {  	[tilespmem:s28+$0xC820] =	vst v0;
	v0 =	vld [tilespmem:s28+$0x6490];
	v2 =	vmul.f32 $8.000000000e+00, v2  }
0x223: {  	[tilespmem:s28+$0xC830] =	vst v1;
	v1 =	vld [tilespmem:s28+$0x64A0];
	v3 =	vmul.f32 $8.000000000e+00, v3  }
0x224: {  	[tilespmem:s28+$0xC840] =	vst v2;
	v2 =	vld [tilespmem:s28+$0x64B0];
	v5 =	vmul.f32 $8.000000000e+00, v5  }
0x225: {  	[tilespmem:s28+$0xC850] =	vst v3;
	v3 =	vld [tilespmem:s28+$0x64C0];
	v4 =	vmul.f32 $8.000000000e+00, v4  }
0x226: {  	[tilespmem:s28+$0xC860] =	vst v5;
	v5 =	vld [tilespmem:s28+$0x64D0];
	v6 =	vmul.f32 $8.000000000e+00, v6  }
0x227: {  	[tilespmem:s28+$0xC870] =	vst v4;
	v4 =	vld [tilespmem:s28+$0x64E0];
	v0 =	vmul.f32 $8.000000000e+00, v0  }
0x228: {  	[tilespmem:s28+$0xC880] =	vst v6;
	v6 =	vld [tilespmem:s28+$0x64F0];
	v1 =	vmul.f32 $8.000000000e+00, v1  }
0x229: {  	[tilespmem:s28+$0xC890] =	vst v0;
	v0 =	vld [tilespmem:s28+$0x6500];
	v2 =	vmul.f32 $8.000000000e+00, v2  }
0x22a: {  	[tilespmem:s28+$0xC8A0] =	vst v1;
	v1 =	vld [tilespmem:s28+$0x6510];
	v3 =	vmul.f32 $8.000000000e+00, v3  }
0x22b: {  	[tilespmem:s28+$0xC8B0] =	vst v2;
	v2 =	vld [tilespmem:s28+$0x6520];
	v5 =	vmul.f32 $8.000000000e+00, v5  }
0x22c: {  	[tilespmem:s28+$0xC8C0] =	vst v3;
	v3 =	vld [tilespmem:s28+$0x6530];
	v4 =	vmul.f32 $8.000000000e+00, v4  }
0x22d: {  	[tilespmem:s28+$0xC8D0] =	vst v5;
	v5 =	vld [tilespmem:s28+$0x6540];
	v6 =	vmul.f32 $8.000000000e+00, v6  }
0x22e: {  	[tilespmem:s28+$0xC8E0] =	vst v4;
	v4 =	vld [tilespmem:s28+$0x6550];
	v0 =	vmul.f32 $8.000000000e+00, v0  }
0x22f: {  	[tilespmem:s28+$0xC8F0] =	vst v6;
	v6 =	vld [tilespmem:s28+$0x6560];
	v1 =	vmul.f32 $8.000000000e+00, v1  }
0x230: {  	[tilespmem:s28+$0xC900] =	vst v0;
	v0 =	vld [tilespmem:s28+$0x6570];
	v2 =	vmul.f32 $8.000000000e+00, v2  }
0x231: {  	[tilespmem:s28+$0xC910] =	vst v1;
	v1 =	vld [tilespmem:s28+$0x6580];
	v3 =	vmul.f32 $8.000000000e+00, v3  }
0x232: {  	[tilespmem:s28+$0xC920] =	vst v2;
	v2 =	vld [tilespmem:s28+$0x6590];
	v5 =	vmul.f32 $8.000000000e+00, v5  }
0x233: {  	[tilespmem:s28+$0xC930] =	vst v3;
	v3 =	vld [tilespmem:s28+$0x65A0];
	v4 =	vmul.f32 $8.000000000e+00, v4  }
0x234: {  	[tilespmem:s28+$0xC940] =	vst v5;
	v5 =	vld [tilespmem:s28+$0x65B0];
	v6 =	vmul.f32 $8.000000000e+00, v6  }
0x235: {  	[tilespmem:s28+$0xC950] =	vst v4;
	v4 =	vld [tilespmem:s28+$0x65C0];
	v0 =	vmul.f32 $8.000000000e+00, v0  }
0x236: {  	[tilespmem:s28+$0xC960] =	vst v6;
	v6 =	vld [tilespmem:s28+$0x65D0];
	v1 =	vmul.f32 $8.000000000e+00, v1  }
0x237: {  	[tilespmem:s28+$0xC970] =	vst v0;
	v0 =	vmul.f32 $8.000000000e+00, v2;
	v2 =	vld [tilespmem:s28+$0x65E0]  }
0x238: {  	[tilespmem:s28+$0xC980] =	vst v1;
	v1 =	vmul.f32 $8.000000000e+00, v3  }
0x239: {  	[tilespmem:s28+$0xC990] =	vst v0;
	v0 =	vmul.f32 $8.000000000e+00, v5  }
0x23a: {  	[tilespmem:s28+$0xC9A0] =	vst v1;
	v1 =	vmul.f32 $8.000000000e+00, v4  }
0x23b: {  	[tilespmem:s28+$0xC9B0] =	vst v0;
	v0 =	vmul.f32 $8.000000000e+00, v6  }
0x23c: {  	[tilespmem:s28+$0xC9C0] =	vst v1;
	v1 =	vmul.f32 $8.000000000e+00, v2  }
0x23d: {  	[tilespmem:s28+$0xC9D0] =	vst v0  }
0x23e: {  	s1 =	simm.s32 $0x0;
	[tilespmem:s28+$0xC9E0] =	vst v1  }
0x23f: {  	[hbm4b:s10+s1] =	stream.linear.scatter [tilespmem:s18], [sflag:$0x3], $0x3200, $0x38;
	[tilespmem:$0x12C00] =	vst v63  }
0x240: {  	_ =	swait.ge [sflag:s20], $0x3200  }
0x241: {  	[sflag:s20] =	ssyncset.done $0x0  }
0x242: {  	[sflag:s20] =	ssyncadd.s32 $0xFFFFCE00  }
0x243: {  	_ =	swait.ge [sflag:s24], $0x3200  }
0x244: {  	[sflag:s24] =	ssyncset.done $0x0  }
0x245: {  	s26 =	simm.s32 $0x0;
	[sflag:s24] =	ssyncadd.s32 $0xFFFFCE00  }
0x246: {  	v0 =	vld [tilespmem:s26+$0x97F0]  }
0x247: {  	v1 =	vld [tilespmem:s26+$0x9600];
	_ =	sdelay $0x1  }
0x248: {  	v2 =	vld [tilespmem:s26+$0x9610]  }
0x249: {  	v3 =	vld [tilespmem:s26+$0x9620]  }
0x24a: {  	v4 =	vld [tilespmem:s26+$0x9630];
	v0 =	vmul.f32 $8.000000000e+00, v0  }
0x24b: {  	v5 =	vld [tilespmem:s26+$0x9640];
	v1 =	vmul.f32 $8.000000000e+00, v1  }
0x24c: {  	v6 =	vld [tilespmem:s26+$0x9650];
	[tilespmem:s26+$0xFBF0] =	vst v0  }
0x24d: {  	v0 =	vmul.f32 $8.000000000e+00, v2;
	[tilespmem:s26+$0xFA00] =	vst v1;
	v1 =	vld [tilespmem:s26+$0x9670]  }
0x24e: {  	v7 =	vld [tilespmem:s26+$0x9660];
	v2 =	vmul.f32 $8.000000000e+00, v3  }
0x24f: {  	v3 =	vmul.f32 $8.000000000e+00, v4;
	[tilespmem:s26+$0xFA10] =	vst v0;
	v0 =	vld [tilespmem:s26+$0x9680]  }
0x250: {  	v4 =	vmul.f32 $8.000000000e+00, v5;
	[tilespmem:s26+$0xFA20] =	vst v2;
	v2 =	vld [tilespmem:s26+$0x9690]  }
0x251: {  	v5 =	vmul.f32 $8.000000000e+00, v6;
	[tilespmem:s26+$0xFA30] =	vst v3;
	v3 =	vld [tilespmem:s26+$0x96A0]  }
0x252: {  	[tilespmem:s26+$0xFA40] =	vst v4;
	v4 =	vld [tilespmem:s26+$0x96B0];
	v1 =	vmul.f32 $8.000000000e+00, v1  }
0x253: {  	v6 =	vmul.f32 $8.000000000e+00, v7;
	[tilespmem:s26+$0xFA50] =	vst v5;
	v5 =	vld [tilespmem:s26+$0x96C0]  }
0x254: {  	v0 =	vmul.f32 $8.000000000e+00, v0;
	[tilespmem:s26+$0xFA70] =	vst v1;
	v1 =	vld [tilespmem:s26+$0x96E0]  }
0x255: {  	[tilespmem:s26+$0xFA60] =	vst v6;
	v6 =	vld [tilespmem:s26+$0x96D0];
	v2 =	vmul.f32 $8.000000000e+00, v2  }
0x256: {  	v3 =	vmul.f32 $8.000000000e+00, v3;
	[tilespmem:s26+$0xFA80] =	vst v0;
	v0 =	vld [tilespmem:s26+$0x96F0]  }
0x257: {  	v4 =	vmul.f32 $8.000000000e+00, v4;
	[tilespmem:s26+$0xFA90] =	vst v2;
	v2 =	vld [tilespmem:s26+$0x9700]  }
0x258: {  	v5 =	vmul.f32 $8.000000000e+00, v5;
	[tilespmem:s26+$0xFAA0] =	vst v3;
	v3 =	vld [tilespmem:s26+$0x9710]  }
0x259: {  	[tilespmem:s26+$0xFAB0] =	vst v4;
	v4 =	vld [tilespmem:s26+$0x9720];
	v1 =	vmul.f32 $8.000000000e+00, v1  }
0x25a: {  	v6 =	vmul.f32 $8.000000000e+00, v6;
	[tilespmem:s26+$0xFAC0] =	vst v5;
	v5 =	vld [tilespmem:s26+$0x9730]  }
0x25b: {  	v0 =	vmul.f32 $8.000000000e+00, v0;
	[tilespmem:s26+$0xFAE0] =	vst v1;
	v1 =	vld [tilespmem:s26+$0x9750]  }
0x25c: {  	[tilespmem:s26+$0xFAD0] =	vst v6;
	v6 =	vld [tilespmem:s26+$0x9740];
	v2 =	vmul.f32 $8.000000000e+00, v2  }
0x25d: {  	[tilespmem:s26+$0xFAF0] =	vst v0;
	v0 =	vmul.f32 $8.000000000e+00, v3;
	v3 =	vld [tilespmem:s26+$0x9770]  }
0x25e: {  	v7 =	vld [tilespmem:s26+$0x9760];
	[tilespmem:s26+$0xFB00] =	vst v2;
	v2 =	vmul.f32 $8.000000000e+00, v4  }
0x25f: {  	v4 =	vld [tilespmem:s26+$0x9780];
	[tilespmem:s26+$0xFB10] =	vst v0;
	v0 =	vmul.f32 $8.000000000e+00, v5  }
0x260: {  	v8 =	vld [tilespmem:s26+$0x9790];
	[tilespmem:s26+$0xFB20] =	vst v2;
	v5 =	vmul.f32 $8.000000000e+00, v1  }
0x261: {  	v2 =	vmul.f32 $8.000000000e+00, v6;
	[tilespmem:s26+$0xFB30] =	vst v0;
	v0 =	vld [tilespmem:s26+$0x97A0]  }
0x262: {  	v1 =	vld [tilespmem:s26+$0x97B0];
	[tilespmem:s26+$0xFB50] =	vst v5;
	v5 =	vmul.f32 $8.000000000e+00, v3  }
0x263: {  	v6 =	vmul.f32 $8.000000000e+00, v7;
	[tilespmem:s26+$0xFB40] =	vst v2;
	v2 =	vld [tilespmem:s26+$0x97C0]  }
0x264: {  	v3 =	vld [tilespmem:s26+$0x97D0];
	[tilespmem:s26+$0xFB70] =	vst v5;
	v5 =	vmul.f32 $8.000000000e+00, v4  }
0x265: {  	s28 =	simm.s32 $0x200;
	s1 =	simm.s32 $0x1000;
	[tilespmem:s26+$0xFB60] =	vst v6;
	v6 =	vmul.f32 $8.000000000e+00, v8;
	v4 =	vld [tilespmem:s26+$0x97E0]  }
.LBB2_14:
0x266: {  	p0 =	sne.s32 s1, $0xC000;
	v7 =	vld [tilespmem:s28+$0x97F0];
	[tilespmem:s26+$0xFB80] =	vst v5;
	v0 =	vmul.f32 $8.000000000e+00, v0  }
0x267: {  	v5 =	vld [tilespmem:s28+$0x9600];
	[tilespmem:s26+$0xFB90] =	vst v6;
	v1 =	vmul.f32 $8.000000000e+00, v1  }
0x268: {  	v6 =	vld [tilespmem:s28+$0x9610];
	[tilespmem:s26+$0xFBA0] =	vst v0;
	v0 =	vmul.f32 $8.000000000e+00, v2  }
0x269: {  	v2 =	vld [tilespmem:s28+$0x9620];
	[tilespmem:s26+$0xFBB0] =	vst v1;
	v1 =	vmul.f32 $8.000000000e+00, v3  }
0x26a: {  	v3 =	vld [tilespmem:s28+$0x9630];
	[tilespmem:s26+$0xFBC0] =	vst v0;
	v0 =	vmul.f32 $8.000000000e+00, v4  }
0x26b: {  	v4 =	vld [tilespmem:s28+$0x9640];
	v7 =	vmul.f32 $8.000000000e+00, v7;
	[tilespmem:s26+$0xFBD0] =	vst v1  }
0x26c: {  	v1 =	vmul.f32 $8.000000000e+00, v5;
	v5 =	vld [tilespmem:s28+$0x9650];
	[tilespmem:s26+$0xFBE0] =	vst v0;
	s26 =	smov.u32 s28  }
0x26d: {  	v0 =	vmul.f32 $8.000000000e+00, v6;
	v6 =	vld [tilespmem:s26+$0x9660];
	[tilespmem:s26+$0xFBF0] =	vst v7  }
0x26e: {  	[tilespmem:s26+$0xFA00] =	vst v1;
	v1 =	vmul.f32 $8.000000000e+00, v2;
	v2 =	vld [tilespmem:s26+$0x9670]  }
0x26f: {  	[tilespmem:s26+$0xFA10] =	vst v0;
	v0 =	vmul.f32 $8.000000000e+00, v3;
	v3 =	vld [tilespmem:s26+$0x9680]  }
0x270: {  	[tilespmem:s26+$0xFA20] =	vst v1;
	v1 =	vmul.f32 $8.000000000e+00, v4;
	v4 =	vld [tilespmem:s26+$0x9690]  }
0x271: {  	[tilespmem:s26+$0xFA30] =	vst v0;
	v0 =	vmul.f32 $8.000000000e+00, v5;
	v5 =	vld [tilespmem:s26+$0x96A0]  }
0x272: {  	[tilespmem:s26+$0xFA40] =	vst v1;
	v1 =	vmul.f32 $8.000000000e+00, v6;
	v6 =	vld [tilespmem:s26+$0x96B0]  }
0x273: {  	[tilespmem:s26+$0xFA50] =	vst v0;
	v0 =	vmul.f32 $8.000000000e+00, v2;
	v2 =	vld [tilespmem:s26+$0x96C0]  }
0x274: {  	[tilespmem:s26+$0xFA60] =	vst v1;
	v1 =	vmul.f32 $8.000000000e+00, v3;
	v3 =	vld [tilespmem:s26+$0x96D0]  }
0x275: {  	[tilespmem:s26+$0xFA70] =	vst v0;
	v0 =	vmul.f32 $8.000000000e+00, v4;
	v4 =	vld [tilespmem:s26+$0x96E0]  }
0x276: {  	[tilespmem:s26+$0xFA80] =	vst v1;
	v1 =	vmul.f32 $8.000000000e+00, v5;
	v5 =	vld [tilespmem:s26+$0x96F0]  }
0x277: {  	[tilespmem:s26+$0xFA90] =	vst v0;
	v0 =	vmul.f32 $8.000000000e+00, v6;
	v6 =	vld [tilespmem:s26+$0x9700]  }
0x278: {  	[tilespmem:s26+$0xFAA0] =	vst v1;
	v1 =	vmul.f32 $8.000000000e+00, v2;
	v2 =	vld [tilespmem:s26+$0x9710]  }
0x279: {  	[tilespmem:s26+$0xFAB0] =	vst v0;
	v0 =	vmul.f32 $8.000000000e+00, v3;
	v3 =	vld [tilespmem:s26+$0x9720]  }
0x27a: {  	[tilespmem:s26+$0xFAC0] =	vst v1;
	v1 =	vmul.f32 $8.000000000e+00, v4;
	v4 =	vld [tilespmem:s26+$0x9730]  }
0x27b: {  	[tilespmem:s26+$0xFAD0] =	vst v0;
	v0 =	vmul.f32 $8.000000000e+00, v5;
	v5 =	vld [tilespmem:s26+$0x9740]  }
0x27c: {  	[tilespmem:s26+$0xFAE0] =	vst v1;
	v1 =	vmul.f32 $8.000000000e+00, v6;
	v6 =	vld [tilespmem:s26+$0x9750]  }
0x27d: {  	[tilespmem:s26+$0xFAF0] =	vst v0;
	v0 =	vmul.f32 $8.000000000e+00, v2;
	v2 =	vld [tilespmem:s26+$0x9760]  }
0x27e: {  	[tilespmem:s26+$0xFB00] =	vst v1;
	v1 =	vmul.f32 $8.000000000e+00, v3;
	v3 =	vld [tilespmem:s26+$0x9770]  }
0x27f: {  	[tilespmem:s26+$0xFB10] =	vst v0;
	v0 =	vmul.f32 $8.000000000e+00, v4;
	v4 =	vld [tilespmem:s26+$0x9780]  }
0x280: {  	[tilespmem:s26+$0xFB20] =	vst v1;
	v1 =	vmul.f32 $8.000000000e+00, v5;
	v7 =	vld [tilespmem:s26+$0x9790]  }
.Ltmp6:
0x281: {  	[tilespmem:s26+$0xFB30] =	vst v0;
	v5 =	vmul.f32 $8.000000000e+00, v6;
	v0 =	vld [tilespmem:s26+$0x97A0];
	(pc) =	sbr.rel @p0 .LBB2_14-.Ltmp6, $4  }
0x282: {  	[tilespmem:s26+$0xFB40] =	vst v1;
	v6 =	vmul.f32 $8.000000000e+00, v2;
	v1 =	vld [tilespmem:s26+$0x97B0]  }
0x283: {  	[tilespmem:s26+$0xFB50] =	vst v5;
	v8 =	vmul.f32 $8.000000000e+00, v3;
	v2 =	vld [tilespmem:s26+$0x97C0]  }
0x284: {  	[tilespmem:s26+$0xFB60] =	vst v6;
	v5 =	vmul.f32 $8.000000000e+00, v4;
	v3 =	vld [tilespmem:s26+$0x97D0]  }
0x285: {  	s28 =	sshra.s32 s1, $0x2;
	s1 =	sadd.s32 $0x800, s1;
	[tilespmem:s26+$0xFB70] =	vst v8;
	v6 =	vmul.f32 $8.000000000e+00, v7;
	v4 =	vld [tilespmem:s26+$0x97E0]  }
0x286: {  	v7 =	vld [tilespmem:s28+$0x97F0];
	[tilespmem:s26+$0xFB80] =	vst v5;
	v0 =	vmul.f32 $8.000000000e+00, v0  }
0x287: {  	v5 =	vld [tilespmem:s28+$0x9600];
	[tilespmem:s26+$0xFB90] =	vst v6;
	v1 =	vmul.f32 $8.000000000e+00, v1  }
0x288: {  	v6 =	vld [tilespmem:s28+$0x9610];
	[tilespmem:s26+$0xFBA0] =	vst v0;
	v2 =	vmul.f32 $8.000000000e+00, v2  }
0x289: {  	v0 =	vld [tilespmem:s28+$0x9620];
	[tilespmem:s26+$0xFBB0] =	vst v1;
	v3 =	vmul.f32 $8.000000000e+00, v3  }
0x28a: {  	v1 =	vld [tilespmem:s28+$0x9630];
	[tilespmem:s26+$0xFBC0] =	vst v2;
	v4 =	vmul.f32 $8.000000000e+00, v4  }
0x28b: {  	v2 =	vld [tilespmem:s28+$0x9640];
	[tilespmem:s26+$0xFBD0] =	vst v3;
	v7 =	vmul.f32 $8.000000000e+00, v7  }
0x28c: {  	v3 =	vld [tilespmem:s28+$0x9650];
	[tilespmem:s26+$0xFBE0] =	vst v4;
	v32 =	vmul.f32 $8.000000000e+00, v5  }
0x28d: {  	v33 =	vld [tilespmem:s28+$0x9660];
	[tilespmem:s28+$0xFBF0] =	vst v7;
	v6 =	vmul.f32 $8.000000000e+00, v6  }
0x28e: {  	v34 =	vld [tilespmem:s28+$0x9670];
	[tilespmem:s28+$0xFA00] =	vst v32;
	v0 =	vmul.f32 $8.000000000e+00, v0  }
0x28f: {  	v35 =	vld [tilespmem:s28+$0x9680];
	[tilespmem:s28+$0xFA10] =	vst v6;
	v1 =	vmul.f32 $8.000000000e+00, v1  }
0x290: {  	v36 =	vld [tilespmem:s28+$0x9690];
	[tilespmem:s28+$0xFA20] =	vst v0;
	v2 =	vmul.f32 $8.000000000e+00, v2  }
0x291: {  	v37 =	vld [tilespmem:s28+$0x96A0];
	[tilespmem:s28+$0xFA30] =	vst v1;
	v3 =	vmul.f32 $8.000000000e+00, v3  }
0x292: {  	v38 =	vld [tilespmem:s28+$0x96B0];
	[tilespmem:s28+$0xFA40] =	vst v2;
	v5 =	vmul.f32 $8.000000000e+00, v33  }
0x293: {  	v52 =	vld [tilespmem:s28+$0x9790];
	v4 =	vmul.f32 $8.000000000e+00, v34;
	[tilespmem:s28+$0xFA50] =	vst v3  }
0x294: {  	v53 =	vld [tilespmem:s28+$0x97A0];
	v6 =	vmul.f32 $8.000000000e+00, v35;
	[tilespmem:s28+$0xFA60] =	vst v5  }
0x295: {  	v54 =	vld [tilespmem:s28+$0x97B0];
	v0 =	vmul.f32 $8.000000000e+00, v36;
	[tilespmem:s28+$0xFA70] =	vst v4  }
0x296: {  	v55 =	vld [tilespmem:s28+$0x97C0];
	v1 =	vmul.f32 $8.000000000e+00, v37;
	[tilespmem:s28+$0xFA80] =	vst v6  }
0x297: {  	v56 =	vld [tilespmem:s28+$0x97D0];
	v2 =	vmul.f32 $8.000000000e+00, v38;
	[tilespmem:s28+$0xFA90] =	vst v0  }
0x298: {  	v58 =	vld [tilespmem:s28+$0x97E0];
	v57 =	vmul.f32 $8.000000000e+00, v52;
	[tilespmem:s28+$0xFAA0] =	vst v1  }
0x299: {  	v39 =	vld [tilespmem:s28+$0x96C0];
	v59 =	vmul.f32 $8.000000000e+00, v53;
	[tilespmem:s28+$0xFAB0] =	vst v2  }
0x29a: {  	v40 =	vld [tilespmem:s28+$0x96D0];
	v60 =	vmul.f32 $8.000000000e+00, v54;
	[tilespmem:s28+$0xFB90] =	vst v57  }
0x29b: {  	v41 =	vld [tilespmem:s28+$0x96E0];
	v61 =	vmul.f32 $8.000000000e+00, v55;
	[tilespmem:s28+$0xFBA0] =	vst v59  }
0x29c: {  	v42 =	vld [tilespmem:s28+$0x96F0];
	v62 =	vmul.f32 $8.000000000e+00, v56;
	[tilespmem:s28+$0xFBB0] =	vst v60  }
0x29d: {  	v43 =	vld [tilespmem:s28+$0x9700];
	v63 =	vmul.f32 $8.000000000e+00, v58;
	[tilespmem:s28+$0xFBC0] =	vst v61  }
0x29e: {  	v44 =	vld [tilespmem:s28+$0x9710];
	v3 =	vmul.f32 $8.000000000e+00, v39;
	[tilespmem:s28+$0xFBD0] =	vst v62  }
0x29f: {  	v45 =	vld [tilespmem:s28+$0x9720];
	v5 =	vmul.f32 $8.000000000e+00, v40;
	[tilespmem:s28+$0xFBE0] =	vst v63  }
0x2a0: {  	v46 =	vld [tilespmem:s28+$0x9730];
	v4 =	vmul.f32 $8.000000000e+00, v41;
	[tilespmem:s28+$0xFAC0] =	vst v3  }
0x2a1: {  	v47 =	vld [tilespmem:s28+$0x9740];
	v6 =	vmul.f32 $8.000000000e+00, v42;
	[tilespmem:s28+$0xFAD0] =	vst v5  }
0x2a2: {  	v48 =	vld [tilespmem:s28+$0x9750];
	v0 =	vmul.f32 $8.000000000e+00, v43;
	[tilespmem:s28+$0xFAE0] =	vst v4  }
0x2a3: {  	v49 =	vld [tilespmem:s28+$0x9760];
	v1 =	vmul.f32 $8.000000000e+00, v44;
	[tilespmem:s28+$0xFAF0] =	vst v6  }
0x2a4: {  	v50 =	vld [tilespmem:s28+$0x9770];
	v2 =	vmul.f32 $8.000000000e+00, v45;
	[tilespmem:s28+$0xFB00] =	vst v0  }
0x2a5: {  	v51 =	vld [tilespmem:s28+$0x9780];
	v3 =	vmul.f32 $8.000000000e+00, v46;
	[tilespmem:s28+$0xFB10] =	vst v1  }
0x2a6: {  	[tilespmem:s28+$0xFB20] =	vst v2;
	v5 =	vmul.f32 $8.000000000e+00, v47  }
0x2a7: {  	v4 =	vmul.f32 $8.000000000e+00, v48;
	[tilespmem:s28+$0xFB30] =	vst v3  }
0x2a8: {  	v6 =	vmul.f32 $8.000000000e+00, v49;
	[tilespmem:s28+$0xFB40] =	vst v5  }
0x2a9: {  	v0 =	vmul.f32 $8.000000000e+00, v50;
	[tilespmem:s28+$0xFB50] =	vst v4  }
0x2aa: {  	v1 =	vmul.f32 $8.000000000e+00, v51;
	[tilespmem:s28+$0xFB60] =	vst v6  }
0x2ab: {  	[tilespmem:s28+$0xFB70] =	vst v0  }
0x2ac: {  	s25 =	sadd.s32 $0x1, s25;
	[tilespmem:s28+$0xFB80] =	vst v1  }
0x2ad: {  	[hbm4b:s11+s3] =	stream.linear.scatter [tilespmem:s21], [sflag:$0x4], $0x3200, $0x38;
	[tilespmem:$0x12C00] =	vst v63  }
0x2ae: {  	p0 =	sne.s32 s25, s12;
	_ =	swait.ge [sflag:s23], $0x3200  }
.Ltmp7:
0x2af: {  	[sflag:s23] =	ssyncset.done $0x0;
	(pc) =	sbr.rel @p0 .LBB2_1-.Ltmp7, $4  }
0x2b0: {  	[sflag:s23] =	ssyncadd.s32 $0xFFFFCE00  }
0x2b1: {  	_ =	swait.ge [sflag:s24], $0x3200  }
0x2b2: {  	[sflag:s24] =	ssyncset.done $0x0  }
0x2b3: {  	[sflag:s24] =	ssyncadd.s32 $0xFFFFCE00  }
0x2b4: {  	_ =	sfence.sel $0x180000  }
0x2b5: {  	[bflag:$0x0] =	sbarrier.arrive $0xFFFF  }
0x2b6: {  	_ =	strace $0x90000047  }
0x2b7: {  	[bflag:$0x2] =	sbarrier.arrive $0xFFFF  }
0x2b8: {  	p0 =	sne.s32 s0, $0x0;
	s0 =	rddreg [dreg:$0x2]  }
0x2b9: {  	s0 =	sadd.s32 @!p0 $0x100000, s0  }
0x2ba: {  	[sflag:s0] =	ssyncadd.tile.s32 @!p0 $0x1;
	_ =	shalt  }
.Lfunc_end2:
_tile_overlayer_lowered:
.L_overlay_start_2:
0x2bb: {  	(tag) =	ssettag $0x2  }
0x2bc: {  	s0 =	rddreg [dreg:$0x0];
	s2 =	stileid.u32  }
0x2bd: {  	s1 =	rddreg [dreg:$0x1];
	p0 =	sne.s32 s2, $0x0  }
0x2be: {  	s3 =	rddreg [dreg:$0x2];
	[bflag:$0x3] =	sbarrier.arrive $0xFFFF;
	s2 =	simm.s32 @!p0 $0x1C05  }
0x2bf: {  	[timem:s3], [sflag:s2] =	dma.local @!p0 [hbm:s0], s1  }
0x2c0: {  	s0 =	simm.s32 @!p0 $0x5  }
0x2c1: {  	_ =	swait.ge @!p0 [sflag:s0], s1  }
0x2c2: {  	s1 =	ssub.s32 @!p0 $0x0, s1;
	[sflag:s0] =	ssyncset.done @!p0 $0x0  }
0x2c3: {  	[sflag:s0] =	ssyncadd.s32 @!p0 s1  }
0x2c4: {  	[bflag:$0x3] =	sbarrier.arrive $0xFFFF  }
0x2c5: {  	_ =	shalt  }

// kernel: sparse-core-data-format-call.cloned.1.call-start
scs
called_computation_lowered:
.L_overlay_start_0:
0x0: {  	s2 =	sld [smem:$0x3FD9]  }
0x1: {  	s3 =	sld [smem:$0x3FFE];
	_ =	sdelay $0x1  }
0x2: {  	s1 =	srdreg.scid  }
0x3: {  	s0 =	sand.u32 $0x1, s1  }
0x4: {  	s18 =	sshll.u32 s0, $0xA;
	s2 =	sadd.s32 s3, s2  }
0x5: {  	s2 =	sadd.s32 s2, s18  }
0x6: {  	[smem:$0x3FC6] =	sst s2  }
0x7: {  	_ = 	snop  }
0x8: {  	s2 =	sld [smem:$0x3FD0];
	(tm) =	ssettm $0x1  }
0x9: {  	s19 =	sld [smem:$0x3FFB];
	_ =	sdelay $0x3  }
0xa: {  	_ =	strace s19  }
0xb: {  	s3 =	sld [smem:$0x3FFC];
	_ =	sdelay $0x3  }
0xc: {  	_ =	strace s3  }
0xd: {  	s3 =	sld [smem:$0x3FFD];
	_ =	sdelay $0x3  }
0xe: {  	_ =	strace s3  }
0xf: {  	_ =	strace $0x8FFFFFFF  }
0x10: {  	s20 =	sld [smem:$0x3FDB];
	_ =	sdelay $0x1  }
0x11: {  	s4 =	simm.s32 $_scs_section_size  }
0x12: {  	s5 =	simm.s32 $_size__tile_overlayer_lowered;
	s6 =	simm.s32 $_tile_overlayer_lowered  }
0x13: {  	s23 =	simm.s32 $0x1BFF;
	s22 =	sshll.u32 s6, $0x1;
	s3 =	sadd.s32 s4, s20  }
0x14: {  	s7 =	simm.s32 $0x0;
	s21 =	sshll.u32 s5, $0x1;
	s5 =	sadd.s32 s22, s3  }
0x15: {  	[timem:s7], [sflag:s23] =	dma.local [hbm:s5], s21  }
0x16: {  	_ =	swait.ge [sflag:s23], s21  }
0x17: {  	s4 =	ssub.s32 $0x0, s21;
	[sflag:s23] =	ssyncset.done $0x0  }
0x18: {  	[sflag:s23] =	ssyncadd.s32 s4;
	_ =	sdelay $0x1  }
0x19: {  	s24 =	simm.s32 $0x1B8B  }
0x1a: {  	_ =	swait.ge [sflag:s24], $0x1  }
0x1b: {  	[sflag:s24] =	ssyncset.done $0x0  }
0x1c: {  	s26 =	simm.s32 $0x1B8E;
	s25 =	sld [smem:$0x3FFE];
	[sflag:s24] =	ssyncadd.s32 $0xFFFFFFFF  }
0x1d: {  	s27 =	simm.s32 $execute0_lowered;
	[smem:$0x3FD2] =	sst s26  }
0x1e: {  	s5 =	sshll.u32 s27, $0x1;
	_ =	strace $0x80000049;
	[dreg:$0x1] =	wrdreg $0xFFFFFFFF  }
0x1f: {  	s28 =	simm.s32 $_size_execute0_lowered;
	s3 =	sadd.s32 s3, s5;
	[dreg:$0x0] =	wrdreg $0x0  }
0x20: {  	s5 =	sshll.u32 s28, $0x1;
	[dreg:$0x2] =	wrdreg s3  }
0x21: {  	[dreg:$0x3] =	wrdreg s5  }
0x22: {  	[dreg:$0x4] =	wrdreg $0xC0  }
0x23: {  	_ =	task [dreg:s7], $0x5FFFF  }
0x24: {  	[dreg:$0x1] =	wrdreg $0xFFFFFFFF  }
0x25: {  	[dreg:$0x0] =	wrdreg $0x60  }
0x26: {  	[dreg:$0x2] =	wrdreg s25  }
0x27: {  	[dreg:$0x3] =	wrdreg s2  }
0x28: {  	[dreg:$0x4] =	wrdreg $0x9  }
0x29: {  	_ =	task.clear_ibuf [dreg:s7], $0x5FFFF;
	_ =	strace $0x90000049  }
0x2a: {  	s29 =	simm.s32 $0x9;
	_ =	strace $0x8000004B  }
0x2b: {  	_ =	swait.ge [sflag:s29], $0x1  }
0x2c: {  	[sflag:s29] =	ssyncadd.s32 $0xFFFFFFFF  }
0x2d: {  	_ =	strace $0x9000004B  }
0x2e: {  	_ =	sfence  }
0x2f: {  	s30 =	sld [smem:$0x0];
	_ =	sdelay $0x2  }
0x30: {  	s31 =	sshll.u32 s1, $0xD;
	s1 =	sshrl.u32 s1, $0x2  }
0x31: {  	s3 =	sand.u32 $0x4000, s31;
	s1 =	sadd.s32 s1, s30  }
0x32: {  	s0 =	sor.u32 s3, s0;
	s1 =	sshll.u32 s1, $0x11  }
0x33: {  	s0 =	sor.u32 s1, s0  }
0x34: {  	s0 =	sadd.s32 $0x8F2B, s0  }
0x35: {  	[sflag:s0] =	ssyncadd.remote.s32 $0x1  }
0x36: {  	_ =	sfence.sel $0xFFFF  }
0x37: {  	[dreg:$0x0] =	wrdreg $0xFFFFFFFF;
	(pc) =	sbr.abs _section_cstart, $3  }
0x38: {  	[dreg:$0x1] =	wrdreg $0xFFFFFFFF  }
0x39: {  	_ =	task.clear_ibuf [dreg:s7], $0x2FFFF;
	_ =	strace $0x9FFFFFFF  }
0x3a: {  	(tm) =	ssettm $0x7FFFFFFF  }
0x3b: {  	_ =	shalt  }
tec
execute0_lowered:
.L_overlay_start_1:
0x0: {  	(tag) =	ssettag $0x1  }
0x1: {  	s0 =	srdreg.scid  }
0x2: {  	s1 =	sshll.u32 s0, $0x4  }
0x3: {  	s0 =	stileid.u32;
	s1 =	sand.u32 $0x10, s1  }
0x4: {  	s1 =	sor.u32 s0, s1  }
0x5: {  	s6 =	rddreg [dreg:$0x0];
	s4 =	simm.s32 $0x1;
	s2 =	sshll.u32 s1, $0x7  }
0x6: {  	s7 =	simm.s32 $0x2;
	s12 =	simm.s32 $0x0;
	s1 =	ssub.s32 $0x1000, s2  }
0x7: {  	s8 =	simm.s32 $0x8000;
	s13 =	simm.s32 $0x0;
	s3 =	sand.u32 $0xF80, s1  }
0x8: {  	s9 =	simm.s32 $0x0;
	s5 =	sshrl.u32 s1, $0xC;
	p0 =	sne.s32 s3, $0x0  }
.Ltmp0:
0x9: {  	s1 =	rddreg [dreg:$0x2];
	s4 =	simm.s32 @!p0 $0x0;
	(pc) =	sbr.rel .LBB1_1-.Ltmp0, $4  }
0xa: {  	s11 =	simm.s32 $0x0;
	s3 =	rddreg [dreg:$0x1];
	s5 =	sadd.s32 s4, s5  }
0xb: {  	_ =	strace $0x8000004A;
	s4 =	simm.s32 $0x1;
	s5 =	smul.u32 $0xC8, s5  }
0xc: {  	s6 =	sadd.s32 $0xA00, s6;
	s10 =	smov.u32 s2;
	[sflag:s4] =	ssyncpa.u1 $0x0  }
0xd: {  	p0 =	por $0x0, $0x0;
	[sflag:s7] =	ssyncpa.u1 $0x0;
	s7 =	sor.u32 $0x1, s5  }
.LBB1_4:
0xe: {  	s16 =	sshll.u32 s13, $0x3;
	s17 =	sand.u32 $0x78, s13  }
0xf: {  	s30 =	sand.u32 $0x7E00, s13;
	s12 =	sshll.u32 s12, $0xF;
	s16 =	sand.u32 $0xC00, s16  }
0x10: {  	[tilespmem:s15+$0x810 ss:$0x81] =	vst.msk $0xffff, v2;
	s31 =	sand.u32 $0x7, s13;
	s16 =	sor.u32 s17, s16;
	s17 =	sadd.s32 s3, s30  }
0x11: {  	[tilespmem:s15+$0x1020 ss:$0x81] =	vst.msk $0xffff, v0;
	s13 =	sshll.u32 s31, $0x12;
	s12 =	sadd.s32 s12, s17;
	s16 =	sshrl.u32 s16, $0x3  }
0x12: {  	[tilespmem:s15+$0x0 ss:$0x81] =	vst.msk $0xffff, v1;
	s13 =	sor.u32 $0x400, s13;
	s12 =	sadd.s32 s16, s12  }
0x13: {  	[hbm4b:s12+s13] =	stream.strided.scatter [tilespmem:s14], [sflag:$0x2], $0x2000, s8, s13, $0x20;
	[tilespmem:$0x8080] =	vst v63  }
.LBB1_5:
0x14: {  	s14 =	sadd.s32 $0x1, s9  }
0x15: {  	s12 =	sadd.s32 $0x1000, s10;
	s16 =	smov.u32 s10;
	p2 =	sgt.s32 s14, $0xC7  }
0x16: {  	s16 =	smov.u32 @p2 s12  }
0x17: {  	s14 =	simm.s32 @p2 $0x0;
	p2 =	sgt.s32 s16, $0xFFF  }
0x18: {  	s16 =	smov.u32 @p2 s2;
	p2 =	sne.s32 s11, s7  }
.Ltmp1:
0x19: {  	p1 =	slt.u32 s11, $0x2;
	(pc) =	sbr.rel @!p2 .LBB1_6-.Ltmp1, $4  }
0x1a: {  	s15 =	simm.s32 @!p1 $0x2  }
0x1b: {  	s13 =	smov.u32 s10;
	p0 =	por !p0, !p0;
	_ =	swait.ge @!p1 [sflag:s15], $0x2000  }
0x1c: {  	s12 =	smov.u32 s9;
	[sflag:s15] =	ssyncset.done @!p1 $0x0;
	s9 =	smov.u32 s14  }
0x1d: {  	s11 =	sadd.s32 $0x1, s11;
	[sflag:s15] =	ssyncadd.s32 @!p1 $0xFFFFE000;
	s10 =	smov.u32 s16  }
.LBB1_1:
0x1e: {  	p1 =	sge.u32 s11, s5  }
0x1f: {  	s14 =	sand.u32 @!p1 $0x1FFFFFF, s9  }
0x20: {  	s15 =	smulhi.u32 @!p1 $0x147AE15, s14;
	_ =	sdelay $0x1  }
0x21: {  	s15 =	smul.u32 @!p1 $0xC8, s15  }
0x22: {  	s16 =	sxor.u32 @!p1 $0xFFFFFFFF, s11;
	s17 =	smul.u32 @!p1 $0xC80, s10  }
0x23: {  	s31 =	sadd.s32 $0xFFFFFFFF, s11;
	s16 =	sshll.u32 @!p1 s16, $0xD;
	s14 =	ssub.s32 @!p1 s14, s15  }
0x24: {  	s15 =	sand.u32 @!p1 $0x2000, s16;
	s16 =	sadd.s32 @!p1 s6, s17;
	s14 =	sshll.u32 @!p1 s14, $0x4  }
0x25: {  	s17 =	simm.s32 @!p1 $0x6400;
	s14 =	sadd.s32 @!p1 s14, s16;
	s16 =	simm.s32 @!p1 $0x40  }
0x26: {  	[tilespmem:s15], [sflag:$0x1] =	stream.strided.gather @!p1 [hbm4b:s14+s16], $0x2000, s17, s16, $0x38;
	[tilespmem:$0x8080] =	vst v63  }
0x27: {  	p1 =	sge.u32 s31, s5  }
.Ltmp2:
0x28: {  	_ = 	snop;
	(pc) =	sbr.rel @p1 .LBB1_5-.Ltmp2, $1  }
0x29: {  	_ =	sdelay $0x3  }
0x2a: {  	s14 =	simm.s32 $0x1  }
0x2b: {  	_ =	swait.ge [sflag:s4], $0x2000;
	s14 =	simm.s32 @!p0 $0x0  }
0x2c: {  	[sflag:s4] =	ssyncset.done $0x0;
	s15 =	sshll.u32 s14, $0xD  }
0x2d: {  	[sflag:s4] =	ssyncadd.s32 $0xFFFFE000;
	s18 =	sor.u32 $0x20, s15  }
0x2e: {  	s14 =	smul.u32 $0x8100, s14;
	v3 =	vld [tilespmem:s18+$0x10]  }
0x2f: {  	s30 =	sand.u32 $0x1, s11;
	v2 =	vld [tilespmem:s18+$0xFFFFFFF0]  }
0x30: {  	s15 =	smul.u32 $0x8100, s30;
	s14 =	sshrl.u32 s14, $0x2;
	v0 =	vld [tilespmem:s18+$0x0]  }
0x31: {  	v1 =	vld [tilespmem:s18+$0xFFFFFFE0];
	s16 =	sor.u32 $0x4000, s14  }
0x32: {  	s31 =	sshrl.u32 s15, $0x2;
	s15 =	sadd.s32 $0x0, s16  }
0x33: {  	s17 =	simm.s32 $0x4;
	s18 =	sadd.s32 $0x40, s18;
	s14 =	sor.u32 $0x4000, s31;
	[tilespmem:s15+$0x1830 ss:$0x81] =	vst.msk $0xffff, v3  }
.LBB1_3:
0x34: {  	v3 =	vld [tilespmem:s18+$0x10];
	p1 =	sne.s32 s17, $0x1FC;
	[tilespmem:s15+$0x810 ss:$0x81] =	vst.msk $0xffff, v2;
	s19 =	smov.u32 s17;
	s17 =	sadd.s32 $0x4, s17  }
.Ltmp3:
0x35: {  	v2 =	vld [tilespmem:s18+$0xFFFFFFF0];
	[tilespmem:s15+$0x1020 ss:$0x81] =	vst.msk $0xffff, v0;
	(pc) =	sbr.rel @p1 .LBB1_3-.Ltmp3, $4  }
0x36: {  	v0 =	vld [tilespmem:s18+$0x0];
	[tilespmem:s15+$0x0 ss:$0x81] =	vst.msk $0xffff, v1  }
0x37: {  	s15 =	sshra.s32 s19, $0x2;
	v1 =	vld [tilespmem:s18+$0xFFFFFFE0]  }
0x38: {  	s15 =	sadd.s32 s15, s16  }
0x39: {  	s18 =	sadd.s32 $0x40, s18;
	[tilespmem:s15+$0x1830 ss:$0x81] =	vst.msk $0xffff, v3  }
.Ltmp4:
0x3a: {  	_ = 	snop;
	(pc) =	sbr.rel .LBB1_4-.Ltmp4, $1  }
0x3b: {  	_ =	sdelay $0x3  }
.LBB1_6:
0x3c: {  	_ =	sfence.sel $0x180000  }
0x3d: {  	s2 =	simm.s32 $0x1;
	[bflag:$0x0] =	sbarrier.arrive $0xFFFF  }
0x3e: {  	s31 =	simm.s32 $0x2;
	[sflag:s2] =	ssyncpa.u1 $0x1  }
0x3f: {  	[sflag:s31] =	ssyncpa.u1 $0x1  }
0x40: {  	p0 =	sne.s32 s0, $0x0;
	_ =	strace $0x9000004A  }
0x41: {  	s0 =	sadd.s32 @!p0 $0x100000, s1;
	[bflag:$0x2] =	sbarrier.arrive $0xFFFF  }
0x42: {  	[sflag:s0] =	ssyncadd.tile.s32 @!p0 $0x1;
	_ =	shalt  }
.Lfunc_end1:
_tile_overlayer_lowered:
.L_overlay_start_2:
0x43: {  	(tag) =	ssettag $0x2  }
0x44: {  	s0 =	rddreg [dreg:$0x0];
	s2 =	stileid.u32  }
0x45: {  	s1 =	rddreg [dreg:$0x1];
	p0 =	sne.s32 s2, $0x0  }
0x46: {  	s3 =	rddreg [dreg:$0x2];
	[bflag:$0x3] =	sbarrier.arrive $0xFFFF;
	s2 =	simm.s32 @!p0 $0x1C01  }
0x47: {  	[timem:s3], [sflag:s2] =	dma.local @!p0 [hbm:s0], s1  }
0x48: {  	s0 =	simm.s32 @!p0 $0x1  }
0x49: {  	_ =	swait.ge @!p0 [sflag:s0], s1  }
0x4a: {  	s1 =	ssub.s32 @!p0 $0x0, s1;
	[sflag:s0] =	ssyncset.done @!p0 $0x0  }
0x4b: {  	[sflag:s0] =	ssyncadd.s32 @!p0 s1  }
0x4c: {  	[bflag:$0x3] =	sbarrier.arrive $0xFFFF  }
0x4d: {  	_ =	shalt  }

</sc_bundles>
